<compile_context>
chip_gen: v7x
topology: tpu7x:2x2x1
jax: 0.10.2.dev20260603
libtpu: 0.0.44.dev20260713+nightly
codegen_flags: <defaults>
</compile_context>

<pallas_src>
import jax
import jax.numpy as jnp
from jax import lax
from jax.experimental import pallas as pl
from jax.experimental.pallas import tpu as pltpu
from jax.experimental.pallas import tpu_sc as plsc

_SEG_DIMS = [5, 6, 2]
_EMB_DIM = 64
_E = 800000

_NC = 2
_NS = 16
_NW = _NC * _NS
_CHUNK = 128
_NCHUNKS = _E // _CHUNK
_GROUPS = _CHUNK // 16
_NBUF = 3
_NROWS = _SEG_DIMS[0] * _SEG_DIMS[1] * _SEG_DIMS[2]
_REP = _NROWS * _EMB_DIM + 1


def _seg_argmax(cols):
    best = cols[0]
    bidx = jnp.zeros((16,), jnp.int32)
    for j in range(1, len(cols)):
        m = cols[j] > best
        bidx = jnp.where(m, jnp.full((16,), j, jnp.int32), bidx)
        best = jnp.where(m, cols[j], best)
    return bidx


def _body(ea_hbm, t_hbm, out_hbm, t_tmp, t65, *scratch):
    ea_v = scratch[0:_NBUF]
    rows_v = scratch[_NBUF:2 * _NBUF]
    in_sem = scratch[2 * _NBUF:3 * _NBUF]
    o_sem = scratch[3 * _NBUF:4 * _NBUF]

    wid = lax.axis_index("s") * _NC + lax.axis_index("c")
    n_my = (_NCHUNKS - wid + _NW - 1) // _NW

    pltpu.sync_copy(t_hbm, t_tmp)

    def t_row(r, carry):
        for q in range(4):
            vals = t_tmp[r, pl.ds(q * 16, 16)]
            for rep in range(16):
                t65[pl.ds(rep * _REP + r * _EMB_DIM + q * 16, 16)] = vals
        return carry

    lax.fori_loop(0, _NROWS, t_row, jnp.int32(0))

    def chunk_of(j):
        return wid + j * _NW

    def start_in(b, j):
        base = chunk_of(j) * _CHUNK
        pltpu.make_async_copy(
            ea_hbm.at[:, pl.ds(base, _CHUNK)], ea_v[b], in_sem[b]
        ).start()

    lane_rep = lax.iota(jnp.int32, 16) * _REP

    def process(b):
        @plsc.parallel_loop(0, _GROUPS, 1, unroll=2)
        def grp(g):
            cols = [ea_v[b][j, pl.ds(g * 16, 16)] for j in range(13)]
            i0 = _seg_argmax(cols[0:5])
            i1 = _seg_argmax(cols[5:11])
            i2 = _seg_argmax(cols[11:13])
            c65 = (i0 * 12 + i1 * 2 + i2) * _EMB_DIM + lane_rep
            skew = 6
            vals = {}
            for c in range(_EMB_DIM + skew):
                if c < _EMB_DIM:
                    vals[c] = plsc.load_gather(
                        t65, [c65 + jnp.full((16,), c, jnp.int32)]
                    )
                if c >= skew:
                    rows_v[b][c - skew, pl.ds(g * 16, 16)] = vals.pop(c - skew)

    for b in range(_NBUF):
        @pl.when(b < n_my)
        def _(b=b):
            start_in(b, jnp.int32(b))

    n_outer = (_NCHUNKS // _NW + 1 + 2 * _NBUF - 1) // _NBUF

    def outer(o, carry):
        for b in range(_NBUF):
            j = o * _NBUF + b

            @pl.when(jnp.logical_and(j >= _NBUF, j - _NBUF < n_my))
            def _():
                pltpu.make_async_copy(
                    rows_v[b],
                    out_hbm.at[:, pl.ds(0, _CHUNK)],
                    o_sem[b],
                ).wait()

            @pl.when(j < n_my)
            def _():
                pltpu.make_async_copy(
                    ea_hbm.at[:, pl.ds(0, _CHUNK)], ea_v[b], in_sem[b]
                ).wait()
                process(b)
                pltpu.make_async_copy(
                    rows_v[b],
                    out_hbm.at[:, pl.ds(chunk_of(j) * _CHUNK, _CHUNK)],
                    o_sem[b],
                ).start()

                @pl.when(j + _NBUF < n_my)
                def _():
                    start_in(b, j + _NBUF)

        return carry

    lax.fori_loop(0, n_outer, outer, jnp.int32(0), unroll=False)


@jax.jit
def kernel(edge_attr, W0, W1, W2):
    table = (
        W0[:, None, None, :] + W1[None, :, None, :] + W2[None, None, :, :]
    ).reshape(_NROWS, _EMB_DIM)

    scratch = (
        [pltpu.VMEM((13, _CHUNK), jnp.float32) for _ in range(_NBUF)]
        + [pltpu.VMEM((_EMB_DIM, _CHUNK), jnp.float32) for _ in range(_NBUF)]
        + [pltpu.SemaphoreType.DMA for _ in range(2 * _NBUF)]
    )
    run = pl.kernel(
        _body,
        out_type=jax.ShapeDtypeStruct((_EMB_DIM, _E), jnp.float32),
        mesh=plsc.VectorSubcoreMesh(core_axis_name="c", subcore_axis_name="s"),
        scratch_types=[
            pltpu.VMEM((_NROWS, _EMB_DIM), jnp.float32),
            pltpu.VMEM((16 * _REP, ), jnp.float32),
        ] + scratch,
        compiler_params=pltpu.CompilerParams(
            needs_layout_passes=False, use_tc_tiling_on_sc=True
        ),
    )
    out_t = run(edge_attr.T, table)
    return out_t.T

# --- scband reference (transcript-rebuilt; emitter-appended) ---
"""Pipeline reference for scband-bond-encoder-54382875902271 (READ-ONLY COPY).

The authoritative reference and input builder live on the scoring server;
editing this copy changes nothing except your own understanding.
"""

import jax, jax.numpy as jnp
import numpy as np

FULL_BOND_FEATURE_DIMS = [5, 6, 2]
EMB_DIM = 64
E = 800000

def _xavier_uniform(key, shape):
    fan_in, fan_out = shape
    limit = float(np.sqrt(6.0 / (fan_in + fan_out)))
    return jax.random.uniform(key, shape, minval=-limit, maxval=limit, dtype=jnp.float32)

def setup_inputs(seed: int = 0) -> dict:
    key = jax.random.key(seed)
    k0, k1, k2, k3 = jax.random.split(key, 4)
    edge_attr = jax.random.uniform(k0, (E, sum(FULL_BOND_FEATURE_DIMS)), dtype=jnp.float32)
    W0 = _xavier_uniform(k1, (FULL_BOND_FEATURE_DIMS[0], EMB_DIM))
    W1 = _xavier_uniform(k2, (FULL_BOND_FEATURE_DIMS[1], EMB_DIM))
    W2 = _xavier_uniform(k3, (FULL_BOND_FEATURE_DIMS[2], EMB_DIM))
    return {"edge_attr": edge_attr, "W0": W0, "W1": W1, "W2": W2}

def reference(edge_attr, W0, W1, W2):
    tables = [W0, W1, W2]
    edge_embedding = jnp.zeros((edge_attr.shape[0], EMB_DIM), dtype=jnp.float32)
    start_idx = 0
    for i, dim in enumerate(FULL_BOND_FEATURE_DIMS):
        feat = edge_attr[:, start_idx:start_idx + dim]
        feat_idx = jnp.argmax(feat, axis=1)
        edge_embedding = edge_embedding + jnp.take(tables[i], feat_idx, axis=0)
        start_idx += dim
    return edge_embedding

if __name__ == "__main__":
    import jax
    _d = setup_inputs()
    print(jax.jit(kernel)(*tuple(_d.values())))

</pallas_src>

<mosaic_0001>
#map = affine_map<(d0, d1) -> (0, 0)>
module attributes {stable_mosaic.version = 14 : i64} {
  func.func @_body(%arg0: i32, %arg1: i32, %arg2: memref<13x800000xf32, #tpu.memory_space<hbm>>, %arg3: memref<60x64xf32, #tpu.memory_space<hbm>>, %arg4: memref<64x800000xf32, #tpu.memory_space<hbm>>, %arg5: memref<60x64xf32, #tpu.memory_space<vmem>>, %arg6: memref<61456xf32, #tpu.memory_space<vmem>>, %arg7: memref<13x128xf32, #tpu.memory_space<vmem>>, %arg8: memref<13x128xf32, #tpu.memory_space<vmem>>, %arg9: memref<13x128xf32, #tpu.memory_space<vmem>>, %arg10: memref<64x128xf32, #tpu.memory_space<vmem>>, %arg11: memref<64x128xf32, #tpu.memory_space<vmem>>, %arg12: memref<64x128xf32, #tpu.memory_space<vmem>>, %arg13: memref<!tpu.dma_semaphore, #tpu.memory_space<semaphore_mem>>, %arg14: memref<!tpu.dma_semaphore, #tpu.memory_space<semaphore_mem>>, %arg15: memref<!tpu.dma_semaphore, #tpu.memory_space<semaphore_mem>>, %arg16: memref<!tpu.dma_semaphore, #tpu.memory_space<semaphore_mem>>, %arg17: memref<!tpu.dma_semaphore, #tpu.memory_space<semaphore_mem>>, %arg18: memref<!tpu.dma_semaphore, #tpu.memory_space<semaphore_mem>>) attributes {dimension_semantics = [#tpu.dimension_semantics<core_parallel>, #tpu.dimension_semantics<subcore_parallel>], iteration_bounds = array<i64: 2, 16>, scalar_prefetch = 0 : i64, scratch_operands = 14 : i64, tpu.core_type = #tpu.core_type<sc_vector_subcore>, window_params = [{transform_indices = #map}, {transform_indices = #map}, {transform_indices = #map}]} {
    %mul3A = arith.constant 2 : i32
    %mul3A_0 = arith.muli %arg1, %mul3A : i32
    %add3A = arith.addi %mul3A_0, %arg0 : i32
    %sub3A = arith.constant 6250 : i32
    %sub3A_1 = arith.subi %sub3A, %add3A : i32
    %add3A_2 = arith.constant 32 : i32
    %add3A_3 = arith.addi %sub3A_1, %add3A_2 : i32
    %sub3A_4 = arith.constant 1 : i32
    %sub3A_5 = arith.subi %add3A_3, %sub3A_4 : i32
    %jit3A = arith.constant 32 : i32
    %div3A = arith.divsi %sub3A_5, %jit3A : i32
    %sign3A = arith.constant 0 : i32
    %sign3A_6 = arith.cmpi sgt, %sub3A_5, %sign3A : i32
    %sign3A_7 = arith.extui %sign3A_6 : i1 to i32
    %sign3A_8 = arith.constant 0 : i32
    %sign3A_9 = arith.cmpi slt, %sub3A_5, %sign3A_8 : i32
    %sign3A_10 = arith.extui %sign3A_9 : i1 to i32
    %sign3A_11 = arith.subi %sign3A_7, %sign3A_10 : i32
    %sign3A_12 = arith.constant 0 : i32
    %sign3A_13 = arith.cmpi sgt, %jit3A, %sign3A_12 : i32
    %sign3A_14 = arith.extui %sign3A_13 : i1 to i32
    %sign3A_15 = arith.constant 0 : i32
    %sign3A_16 = arith.cmpi slt, %jit3A, %sign3A_15 : i32
    %sign3A_17 = arith.extui %sign3A_16 : i1 to i32
    %sign3A_18 = arith.subi %sign3A_14, %sign3A_17 : i32
    %ne3A = arith.cmpi ne, %sign3A_11, %sign3A_18 : i32
    %rem3A = arith.remsi %sub3A_5, %jit3A : i32
    %ne3A_19 = arith.constant 0 : i32
    %ne3A_20 = arith.cmpi ne, %rem3A, %ne3A_19 : i32
    %and3A = arith.andi %ne3A, %ne3A_20 : i1
    %sub3A_21 = arith.constant 1 : i32
    %sub3A_22 = arith.subi %div3A, %sub3A_21 : i32
    %select_n3A = arith.select %and3A, %sub3A_22, %div3A : i32
    "tpu.region"() ({
      %run_scoped3A = tpu.sem_alloc : memref<!tpu.dma_semaphore, #tpu.memory_space<semaphore_mem>>
      tpu.enqueue_dma source(%arg3 : memref<60x64xf32, #tpu.memory_space<hbm>>) target(%arg5 : memref<60x64xf32, #tpu.memory_space<vmem>>) target_semaphore(%run_scoped3A : memref<!tpu.dma_semaphore, #tpu.memory_space<semaphore_mem>>)
      tpu.wait_dma2 semaphore(%run_scoped3A : memref<!tpu.dma_semaphore, #tpu.memory_space<semaphore_mem>>) src(%arg3 : memref<60x64xf32, #tpu.memory_space<hbm>>) dst(%arg5 : memref<60x64xf32, #tpu.memory_space<vmem>>)
      tpu.yield
    }) : () -> ()
    %scan3A = arith.constant 0 : i32
    %scan3A_23 = arith.constant 0 : i32
    %scan3A_24 = arith.constant 60 : i32
    %scan3A_25 = arith.addi %scan3A_23, %scan3A_24 : i32
    %scan3A_26 = arith.constant 1 : i32
    scf.for %scan3A_49 = %scan3A_23 to %scan3A_25 step %scan3A_26  : i32 {
      %get3A = arith.index_cast %scan3A_49 : i32 to index
      %get3A_50 = arith.constant 0 : index
      %get3A_51 = tpu.vector_load %arg5[%get3A, %get3A_50] {strides = array<i32>} : memref<60x64xf32, #tpu.memory_space<vmem>>, vector<16xf32>,
      %mul3A_52 = arith.constant 64 : i32
      %mul3A_53 = arith.muli %scan3A_49, %mul3A_52 : i32
      %add3A_54 = arith.constant 0 : i32
      %add3A_55 = arith.addi %add3A_54, %mul3A_53 : i32
      %add3A_56 = arith.constant 0 : i32
      %add3A_57 = arith.addi %add3A_55, %add3A_56 : i32
      %swap3A = arith.index_cast %add3A_57 : i32 to index
      %swap3A_58 = tpu.vector_load %arg6[%swap3A] {strides = array<i32>} : memref<61456xf32, #tpu.memory_space<vmem>>, vector<16xf32>,
      tpu.vector_store %arg6[%swap3A], %get3A_51 {strides = array<i32>} : memref<61456xf32, #tpu.memory_space<vmem>>, vector<16xf32>,
      %mul3A_59 = arith.constant 64 : i32
      %mul3A_60 = arith.muli %scan3A_49, %mul3A_59 : i32
      %add3A_61 = arith.constant 3841 : i32
      %add3A_62 = arith.addi %add3A_61, %mul3A_60 : i32
      %add3A_63 = arith.constant 0 : i32
      %add3A_64 = arith.addi %add3A_62, %add3A_63 : i32
      %swap3A_65 = arith.index_cast %add3A_64 : i32 to index
      %swap3A_66 = tpu.vector_load %arg6[%swap3A_65] {strides = array<i32>} : memref<61456xf32, #tpu.memory_space<vmem>>, vector<16xf32>,
      tpu.vector_store %arg6[%swap3A_65], %get3A_51 {strides = array<i32>} : memref<61456xf32, #tpu.memory_space<vmem>>, vector<16xf32>,
      %mul3A_67 = arith.constant 64 : i32
      %mul3A_68 = arith.muli %scan3A_49, %mul3A_67 : i32
      %add3A_69 = arith.constant 7682 : i32
      %add3A_70 = arith.addi %add3A_69, %mul3A_68 : i32
      %add3A_71 = arith.constant 0 : i32
      %add3A_72 = arith.addi %add3A_70, %add3A_71 : i32
      %swap3A_73 = arith.index_cast %add3A_72 : i32 to index
      %swap3A_74 = tpu.vector_load %arg6[%swap3A_73] {strides = array<i32>} : memref<61456xf32, #tpu.memory_space<vmem>>, vector<16xf32>,
      tpu.vector_store %arg6[%swap3A_73], %get3A_51 {strides = array<i32>} : memref<61456xf32, #tpu.memory_space<vmem>>, vector<16xf32>,
      %mul3A_75 = arith.constant 64 : i32
      %mul3A_76 = arith.muli %scan3A_49, %mul3A_75 : i32
      %add3A_77 = arith.constant 11523 : i32
      %add3A_78 = arith.addi %add3A_77, %mul3A_76 : i32
      %add3A_79 = arith.constant 0 : i32
      %add3A_80 = arith.addi %add3A_78, %add3A_79 : i32
      %swap3A_81 = arith.index_cast %add3A_80 : i32 to index
      %swap3A_82 = tpu.vector_load %arg6[%swap3A_81] {strides = array<i32>} : memref<61456xf32, #tpu.memory_space<vmem>>, vector<16xf32>,
      tpu.vector_store %arg6[%swap3A_81], %get3A_51 {strides = array<i32>} : memref<61456xf32, #tpu.memory_space<vmem>>, vector<16xf32>,
      %mul3A_83 = arith.constant 64 : i32
      %mul3A_84 = arith.muli %scan3A_49, %mul3A_83 : i32
      %add3A_85 = arith.constant 15364 : i32
      %add3A_86 = arith.addi %add3A_85, %mul3A_84 : i32
      %add3A_87 = arith.constant 0 : i32
      %add3A_88 = arith.addi %add3A_86, %add3A_87 : i32
      %swap3A_89 = arith.index_cast %add3A_88 : i32 to index
      %swap3A_90 = tpu.vector_load %arg6[%swap3A_89] {strides = array<i32>} : memref<61456xf32, #tpu.memory_space<vmem>>, vector<16xf32>,
      tpu.vector_store %arg6[%swap3A_89], %get3A_51 {strides = array<i32>} : memref<61456xf32, #tpu.memory_space<vmem>>, vector<16xf32>,
      %mul3A_91 = arith.constant 64 : i32
      %mul3A_92 = arith.muli %scan3A_49, %mul3A_91 : i32
      %add3A_93 = arith.constant 19205 : i32
      %add3A_94 = arith.addi %add3A_93, %mul3A_92 : i32
      %add3A_95 = arith.constant 0 : i32
      %add3A_96 = arith.addi %add3A_94, %add3A_95 : i32
      %swap3A_97 = arith.index_cast %add3A_96 : i32 to index
      %swap3A_98 = tpu.vector_load %arg6[%swap3A_97] {strides = array<i32>} : memref<61456xf32, #tpu.memory_space<vmem>>, vector<16xf32>,
      tpu.vector_store %arg6[%swap3A_97], %get3A_51 {strides = array<i32>} : memref<61456xf32, #tpu.memory_space<vmem>>, vector<16xf32>,
      %mul3A_99 = arith.constant 64 : i32
      %mul3A_100 = arith.muli %scan3A_49, %mul3A_99 : i32
      %add3A_101 = arith.constant 23046 : i32
      %add3A_102 = arith.addi %add3A_101, %mul3A_100 : i32
      %add3A_103 = arith.constant 0 : i32
      %add3A_104 = arith.addi %add3A_102, %add3A_103 : i32
      %swap3A_105 = arith.index_cast %add3A_104 : i32 to index
      %swap3A_106 = tpu.vector_load %arg6[%swap3A_105] {strides = array<i32>} : memref<61456xf32, #tpu.memory_space<vmem>>, vector<16xf32>,
      tpu.vector_store %arg6[%swap3A_105], %get3A_51 {strides = array<i32>} : memref<61456xf32, #tpu.memory_space<vmem>>, vector<16xf32>,
      %mul3A_107 = arith.constant 64 : i32
      %mul3A_108 = arith.muli %scan3A_49, %mul3A_107 : i32
      %add3A_109 = arith.constant 26887 : i32
      %add3A_110 = arith.addi %add3A_109, %mul3A_108 : i32
      %add3A_111 = arith.constant 0 : i32
      %add3A_112 = arith.addi %add3A_110, %add3A_111 : i32
      %swap3A_113 = arith.index_cast %add3A_112 : i32 to index
      %swap3A_114 = tpu.vector_load %arg6[%swap3A_113] {strides = array<i32>} : memref<61456xf32, #tpu.memory_space<vmem>>, vector<16xf32>,
      tpu.vector_store %arg6[%swap3A_113], %get3A_51 {strides = array<i32>} : memref<61456xf32, #tpu.memory_space<vmem>>, vector<16xf32>,
      %mul3A_115 = arith.constant 64 : i32
      %mul3A_116 = arith.muli %scan3A_49, %mul3A_115 : i32
      %add3A_117 = arith.constant 30728 : i32
      %add3A_118 = arith.addi %add3A_117, %mul3A_116 : i32
      %add3A_119 = arith.constant 0 : i32
      %add3A_120 = arith.addi %add3A_118, %add3A_119 : i32
      %swap3A_121 = arith.index_cast %add3A_120 : i32 to index
      %swap3A_122 = tpu.vector_load %arg6[%swap3A_121] {strides = array<i32>} : memref<61456xf32, #tpu.memory_space<vmem>>, vector<16xf32>,
      tpu.vector_store %arg6[%swap3A_121], %get3A_51 {strides = array<i32>} : memref<61456xf32, #tpu.memory_space<vmem>>, vector<16xf32>,
      %mul3A_123 = arith.constant 64 : i32
      %mul3A_124 = arith.muli %scan3A_49, %mul3A_123 : i32
      %add3A_125 = arith.constant 34569 : i32
      %add3A_126 = arith.addi %add3A_125, %mul3A_124 : i32
      %add3A_127 = arith.constant 0 : i32
      %add3A_128 = arith.addi %add3A_126, %add3A_127 : i32
      %swap3A_129 = arith.index_cast %add3A_128 : i32 to index
      %swap3A_130 = tpu.vector_load %arg6[%swap3A_129] {strides = array<i32>} : memref<61456xf32, #tpu.memory_space<vmem>>, vector<16xf32>,
      tpu.vector_store %arg6[%swap3A_129], %get3A_51 {strides = array<i32>} : memref<61456xf32, #tpu.memory_space<vmem>>, vector<16xf32>,
      %mul3A_131 = arith.constant 64 : i32
      %mul3A_132 = arith.muli %scan3A_49, %mul3A_131 : i32
      %add3A_133 = arith.constant 38410 : i32
      %add3A_134 = arith.addi %add3A_133, %mul3A_132 : i32
      %add3A_135 = arith.constant 0 : i32
      %add3A_136 = arith.addi %add3A_134, %add3A_135 : i32
      %swap3A_137 = arith.index_cast %add3A_136 : i32 to index
      %swap3A_138 = tpu.vector_load %arg6[%swap3A_137] {strides = array<i32>} : memref<61456xf32, #tpu.memory_space<vmem>>, vector<16xf32>,
      tpu.vector_store %arg6[%swap3A_137], %get3A_51 {strides = array<i32>} : memref<61456xf32, #tpu.memory_space<vmem>>, vector<16xf32>,
      %mul3A_139 = arith.constant 64 : i32
      %mul3A_140 = arith.muli %scan3A_49, %mul3A_139 : i32
      %add3A_141 = arith.constant 42251 : i32
      %add3A_142 = arith.addi %add3A_141, %mul3A_140 : i32
      %add3A_143 = arith.constant 0 : i32
      %add3A_144 = arith.addi %add3A_142, %add3A_143 : i32
      %swap3A_145 = arith.index_cast %add3A_144 : i32 to index
      %swap3A_146 = tpu.vector_load %arg6[%swap3A_145] {strides = array<i32>} : memref<61456xf32, #tpu.memory_space<vmem>>, vector<16xf32>,
      tpu.vector_store %arg6[%swap3A_145], %get3A_51 {strides = array<i32>} : memref<61456xf32, #tpu.memory_space<vmem>>, vector<16xf32>,
      %mul3A_147 = arith.constant 64 : i32
      %mul3A_148 = arith.muli %scan3A_49, %mul3A_147 : i32
      %add3A_149 = arith.constant 46092 : i32
      %add3A_150 = arith.addi %add3A_149, %mul3A_148 : i32
      %add3A_151 = arith.constant 0 : i32
      %add3A_152 = arith.addi %add3A_150, %add3A_151 : i32
      %swap3A_153 = arith.index_cast %add3A_152 : i32 to index
      %swap3A_154 = tpu.vector_load %arg6[%swap3A_153] {strides = array<i32>} : memref<61456xf32, #tpu.memory_space<vmem>>, vector<16xf32>,
      tpu.vector_store %arg6[%swap3A_153], %get3A_51 {strides = array<i32>} : memref<61456xf32, #tpu.memory_space<vmem>>, vector<16xf32>,
      %mul3A_155 = arith.constant 64 : i32
      %mul3A_156 = arith.muli %scan3A_49, %mul3A_155 : i32
      %add3A_157 = arith.constant 49933 : i32
      %add3A_158 = arith.addi %add3A_157, %mul3A_156 : i32
      %add3A_159 = arith.constant 0 : i32
      %add3A_160 = arith.addi %add3A_158, %add3A_159 : i32
      %swap3A_161 = arith.index_cast %add3A_160 : i32 to index
      %swap3A_162 = tpu.vector_load %arg6[%swap3A_161] {strides = array<i32>} : memref<61456xf32, #tpu.memory_space<vmem>>, vector<16xf32>,
      tpu.vector_store %arg6[%swap3A_161], %get3A_51 {strides = array<i32>} : memref<61456xf32, #tpu.memory_space<vmem>>, vector<16xf32>,
      %mul3A_163 = arith.constant 64 : i32
      %mul3A_164 = arith.muli %scan3A_49, %mul3A_163 : i32
      %add3A_165 = arith.constant 53774 : i32
      %add3A_166 = arith.addi %add3A_165, %mul3A_164 : i32
      %add3A_167 = arith.constant 0 : i32
      %add3A_168 = arith.addi %add3A_166, %add3A_167 : i32
      %swap3A_169 = arith.index_cast %add3A_168 : i32 to index
      %swap3A_170 = tpu.vector_load %arg6[%swap3A_169] {strides = array<i32>} : memref<61456xf32, #tpu.memory_space<vmem>>, vector<16xf32>,
      tpu.vector_store %arg6[%swap3A_169], %get3A_51 {strides = array<i32>} : memref<61456xf32, #tpu.memory_space<vmem>>, vector<16xf32>,
      %mul3A_171 = arith.constant 64 : i32
      %mul3A_172 = arith.muli %scan3A_49, %mul3A_171 : i32
      %add3A_173 = arith.constant 57615 : i32
      %add3A_174 = arith.addi %add3A_173, %mul3A_172 : i32
      %add3A_175 = arith.constant 0 : i32
      %add3A_176 = arith.addi %add3A_174, %add3A_175 : i32
      %swap3A_177 = arith.index_cast %add3A_176 : i32 to index
      %swap3A_178 = tpu.vector_load %arg6[%swap3A_177] {strides = array<i32>} : memref<61456xf32, #tpu.memory_space<vmem>>, vector<16xf32>,
      tpu.vector_store %arg6[%swap3A_177], %get3A_51 {strides = array<i32>} : memref<61456xf32, #tpu.memory_space<vmem>>, vector<16xf32>,
      %get3A_179 = arith.index_cast %scan3A_49 : i32 to index
      %get3A_180 = arith.constant 16 : index
      %get3A_181 = tpu.vector_load %arg5[%get3A_179, %get3A_180] {strides = array<i32>} : memref<60x64xf32, #tpu.memory_space<vmem>>, vector<16xf32>,
      %mul3A_182 = arith.constant 64 : i32
      %mul3A_183 = arith.muli %scan3A_49, %mul3A_182 : i32
      %add3A_184 = arith.constant 0 : i32
      %add3A_185 = arith.addi %add3A_184, %mul3A_183 : i32
      %add3A_186 = arith.constant 16 : i32
      %add3A_187 = arith.addi %add3A_185, %add3A_186 : i32
      %swap3A_188 = arith.index_cast %add3A_187 : i32 to index
      %swap3A_189 = tpu.vector_load %arg6[%swap3A_188] {strides = array<i32>} : memref<61456xf32, #tpu.memory_space<vmem>>, vector<16xf32>,
      tpu.vector_store %arg6[%swap3A_188], %get3A_181 {strides = array<i32>} : memref<61456xf32, #tpu.memory_space<vmem>>, vector<16xf32>,
      %mul3A_190 = arith.constant 64 : i32
      %mul3A_191 = arith.muli %scan3A_49, %mul3A_190 : i32
      %add3A_192 = arith.constant 3841 : i32
      %add3A_193 = arith.addi %add3A_192, %mul3A_191 : i32
      %add3A_194 = arith.constant 16 : i32
      %add3A_195 = arith.addi %add3A_193, %add3A_194 : i32
      %swap3A_196 = arith.index_cast %add3A_195 : i32 to index
      %swap3A_197 = tpu.vector_load %arg6[%swap3A_196] {strides = array<i32>} : memref<61456xf32, #tpu.memory_space<vmem>>, vector<16xf32>,
      tpu.vector_store %arg6[%swap3A_196], %get3A_181 {strides = array<i32>} : memref<61456xf32, #tpu.memory_space<vmem>>, vector<16xf32>,
      %mul3A_198 = arith.constant 64 : i32
      %mul3A_199 = arith.muli %scan3A_49, %mul3A_198 : i32
      %add3A_200 = arith.constant 7682 : i32
      %add3A_201 = arith.addi %add3A_200, %mul3A_199 : i32
      %add3A_202 = arith.constant 16 : i32
      %add3A_203 = arith.addi %add3A_201, %add3A_202 : i32
      %swap3A_204 = arith.index_cast %add3A_203 : i32 to index
      %swap3A_205 = tpu.vector_load %arg6[%swap3A_204] {strides = array<i32>} : memref<61456xf32, #tpu.memory_space<vmem>>, vector<16xf32>,
      tpu.vector_store %arg6[%swap3A_204], %get3A_181 {strides = array<i32>} : memref<61456xf32, #tpu.memory_space<vmem>>, vector<16xf32>,
      %mul3A_206 = arith.constant 64 : i32
      %mul3A_207 = arith.muli %scan3A_49, %mul3A_206 : i32
      %add3A_208 = arith.constant 11523 : i32
      %add3A_209 = arith.addi %add3A_208, %mul3A_207 : i32
      %add3A_210 = arith.constant 16 : i32
      %add3A_211 = arith.addi %add3A_209, %add3A_210 : i32
      %swap3A_212 = arith.index_cast %add3A_211 : i32 to index
      %swap3A_213 = tpu.vector_load %arg6[%swap3A_212] {strides = array<i32>} : memref<61456xf32, #tpu.memory_space<vmem>>, vector<16xf32>,
      tpu.vector_store %arg6[%swap3A_212], %get3A_181 {strides = array<i32>} : memref<61456xf32, #tpu.memory_space<vmem>>, vector<16xf32>,
      %mul3A_214 = arith.constant 64 : i32
      %mul3A_215 = arith.muli %scan3A_49, %mul3A_214 : i32
      %add3A_216 = arith.constant 15364 : i32
      %add3A_217 = arith.addi %add3A_216, %mul3A_215 : i32
      %add3A_218 = arith.constant 16 : i32
      %add3A_219 = arith.addi %add3A_217, %add3A_218 : i32
      %swap3A_220 = arith.index_cast %add3A_219 : i32 to index
      %swap3A_221 = tpu.vector_load %arg6[%swap3A_220] {strides = array<i32>} : memref<61456xf32, #tpu.memory_space<vmem>>, vector<16xf32>,
      tpu.vector_store %arg6[%swap3A_220], %get3A_181 {strides = array<i32>} : memref<61456xf32, #tpu.memory_space<vmem>>, vector<16xf32>,
      %mul3A_222 = arith.constant 64 : i32
      %mul3A_223 = arith.muli %scan3A_49, %mul3A_222 : i32
      %add3A_224 = arith.constant 19205 : i32
      %add3A_225 = arith.addi %add3A_224, %mul3A_223 : i32
      %add3A_226 = arith.constant 16 : i32
      %add3A_227 = arith.addi %add3A_225, %add3A_226 : i32
      %swap3A_228 = arith.index_cast %add3A_227 : i32 to index
      %swap3A_229 = tpu.vector_load %arg6[%swap3A_228] {strides = array<i32>} : memref<61456xf32, #tpu.memory_space<vmem>>, vector<16xf32>,
      tpu.vector_store %arg6[%swap3A_228], %get3A_181 {strides = array<i32>} : memref<61456xf32, #tpu.memory_space<vmem>>, vector<16xf32>,
      %mul3A_230 = arith.constant 64 : i32
      %mul3A_231 = arith.muli %scan3A_49, %mul3A_230 : i32
      %add3A_232 = arith.constant 23046 : i32
      %add3A_233 = arith.addi %add3A_232, %mul3A_231 : i32
      %add3A_234 = arith.constant 16 : i32
      %add3A_235 = arith.addi %add3A_233, %add3A_234 : i32
      %swap3A_236 = arith.index_cast %add3A_235 : i32 to index
      %swap3A_237 = tpu.vector_load %arg6[%swap3A_236] {strides = array<i32>} : memref<61456xf32, #tpu.memory_space<vmem>>, vector<16xf32>,
      tpu.vector_store %arg6[%swap3A_236], %get3A_181 {strides = array<i32>} : memref<61456xf32, #tpu.memory_space<vmem>>, vector<16xf32>,
      %mul3A_238 = arith.constant 64 : i32
      %mul3A_239 = arith.muli %scan3A_49, %mul3A_238 : i32
      %add3A_240 = arith.constant 26887 : i32
      %add3A_241 = arith.addi %add3A_240, %mul3A_239 : i32
      %add3A_242 = arith.constant 16 : i32
      %add3A_243 = arith.addi %add3A_241, %add3A_242 : i32
      %swap3A_244 = arith.index_cast %add3A_243 : i32 to index
      %swap3A_245 = tpu.vector_load %arg6[%swap3A_244] {strides = array<i32>} : memref<61456xf32, #tpu.memory_space<vmem>>, vector<16xf32>,
      tpu.vector_store %arg6[%swap3A_244], %get3A_181 {strides = array<i32>} : memref<61456xf32, #tpu.memory_space<vmem>>, vector<16xf32>,
      %mul3A_246 = arith.constant 64 : i32
      %mul3A_247 = arith.muli %scan3A_49, %mul3A_246 : i32
      %add3A_248 = arith.constant 30728 : i32
      %add3A_249 = arith.addi %add3A_248, %mul3A_247 : i32
      %add3A_250 = arith.constant 16 : i32
      %add3A_251 = arith.addi %add3A_249, %add3A_250 : i32
      %swap3A_252 = arith.index_cast %add3A_251 : i32 to index
      %swap3A_253 = tpu.vector_load %arg6[%swap3A_252] {strides = array<i32>} : memref<61456xf32, #tpu.memory_space<vmem>>, vector<16xf32>,
      tpu.vector_store %arg6[%swap3A_252], %get3A_181 {strides = array<i32>} : memref<61456xf32, #tpu.memory_space<vmem>>, vector<16xf32>,
      %mul3A_254 = arith.constant 64 : i32
      %mul3A_255 = arith.muli %scan3A_49, %mul3A_254 : i32
      %add3A_256 = arith.constant 34569 : i32
      %add3A_257 = arith.addi %add3A_256, %mul3A_255 : i32
      %add3A_258 = arith.constant 16 : i32
      %add3A_259 = arith.addi %add3A_257, %add3A_258 : i32
      %swap3A_260 = arith.index_cast %add3A_259 : i32 to index
      %swap3A_261 = tpu.vector_load %arg6[%swap3A_260] {strides = array<i32>} : memref<61456xf32, #tpu.memory_space<vmem>>, vector<16xf32>,
      tpu.vector_store %arg6[%swap3A_260], %get3A_181 {strides = array<i32>} : memref<61456xf32, #tpu.memory_space<vmem>>, vector<16xf32>,
      %mul3A_262 = arith.constant 64 : i32
      %mul3A_263 = arith.muli %scan3A_49, %mul3A_262 : i32
      %add3A_264 = arith.constant 38410 : i32
      %add3A_265 = arith.addi %add3A_264, %mul3A_263 : i32
      %add3A_266 = arith.constant 16 : i32
      %add3A_267 = arith.addi %add3A_265, %add3A_266 : i32
      %swap3A_268 = arith.index_cast %add3A_267 : i32 to index
      %swap3A_269 = tpu.vector_load %arg6[%swap3A_268] {strides = array<i32>} : memref<61456xf32, #tpu.memory_space<vmem>>, vector<16xf32>,
      tpu.vector_store %arg6[%swap3A_268], %get3A_181 {strides = array<i32>} : memref<61456xf32, #tpu.memory_space<vmem>>, vector<16xf32>,
      %mul3A_270 = arith.constant 64 : i32
      %mul3A_271 = arith.muli %scan3A_49, %mul3A_270 : i32
      %add3A_272 = arith.constant 42251 : i32
      %add3A_273 = arith.addi %add3A_272, %mul3A_271 : i32
      %add3A_274 = arith.constant 16 : i32
      %add3A_275 = arith.addi %add3A_273, %add3A_274 : i32
      %swap3A_276 = arith.index_cast %add3A_275 : i32 to index
      %swap3A_277 = tpu.vector_load %arg6[%swap3A_276] {strides = array<i32>} : memref<61456xf32, #tpu.memory_space<vmem>>, vector<16xf32>,
      tpu.vector_store %arg6[%swap3A_276], %get3A_181 {strides = array<i32>} : memref<61456xf32, #tpu.memory_space<vmem>>, vector<16xf32>,
      %mul3A_278 = arith.constant 64 : i32
      %mul3A_279 = arith.muli %scan3A_49, %mul3A_278 : i32
      %add3A_280 = arith.constant 46092 : i32
      %add3A_281 = arith.addi %add3A_280, %mul3A_279 : i32
      %add3A_282 = arith.constant 16 : i32
      %add3A_283 = arith.addi %add3A_281, %add3A_282 : i32
      %swap3A_284 = arith.index_cast %add3A_283 : i32 to index
      %swap3A_285 = tpu.vector_load %arg6[%swap3A_284] {strides = array<i32>} : memref<61456xf32, #tpu.memory_space<vmem>>, vector<16xf32>,
      tpu.vector_store %arg6[%swap3A_284], %get3A_181 {strides = array<i32>} : memref<61456xf32, #tpu.memory_space<vmem>>, vector<16xf32>,
      %mul3A_286 = arith.constant 64 : i32
      %mul3A_287 = arith.muli %scan3A_49, %mul3A_286 : i32
      %add3A_288 = arith.constant 49933 : i32
      %add3A_289 = arith.addi %add3A_288, %mul3A_287 : i32
      %add3A_290 = arith.constant 16 : i32
      %add3A_291 = arith.addi %add3A_289, %add3A_290 : i32
      %swap3A_292 = arith.index_cast %add3A_291 : i32 to index
      %swap3A_293 = tpu.vector_load %arg6[%swap3A_292] {strides = array<i32>} : memref<61456xf32, #tpu.memory_space<vmem>>, vector<16xf32>,
      tpu.vector_store %arg6[%swap3A_292], %get3A_181 {strides = array<i32>} : memref<61456xf32, #tpu.memory_space<vmem>>, vector<16xf32>,
      %mul3A_294 = arith.constant 64 : i32
      %mul3A_295 = arith.muli %scan3A_49, %mul3A_294 : i32
      %add3A_296 = arith.constant 53774 : i32
      %add3A_297 = arith.addi %add3A_296, %mul3A_295 : i32
      %add3A_298 = arith.constant 16 : i32
      %add3A_299 = arith.addi %add3A_297, %add3A_298 : i32
      %swap3A_300 = arith.index_cast %add3A_299 : i32 to index
      %swap3A_301 = tpu.vector_load %arg6[%swap3A_300] {strides = array<i32>} : memref<61456xf32, #tpu.memory_space<vmem>>, vector<16xf32>,
      tpu.vector_store %arg6[%swap3A_300], %get3A_181 {strides = array<i32>} : memref<61456xf32, #tpu.memory_space<vmem>>, vector<16xf32>,
      %mul3A_302 = arith.constant 64 : i32
      %mul3A_303 = arith.muli %scan3A_49, %mul3A_302 : i32
      %add3A_304 = arith.constant 57615 : i32
      %add3A_305 = arith.addi %add3A_304, %mul3A_303 : i32
      %add3A_306 = arith.constant 16 : i32
      %add3A_307 = arith.addi %add3A_305, %add3A_306 : i32
      %swap3A_308 = arith.index_cast %add3A_307 : i32 to index
      %swap3A_309 = tpu.vector_load %arg6[%swap3A_308] {strides = array<i32>} : memref<61456xf32, #tpu.memory_space<vmem>>, vector<16xf32>,
      tpu.vector_store %arg6[%swap3A_308], %get3A_181 {strides = array<i32>} : memref<61456xf32, #tpu.memory_space<vmem>>, vector<16xf32>,
      %get3A_310 = arith.index_cast %scan3A_49 : i32 to index
      %get3A_311 = arith.constant 32 : index
      %get3A_312 = tpu.vector_load %arg5[%get3A_310, %get3A_311] {strides = array<i32>} : memref<60x64xf32, #tpu.memory_space<vmem>>, vector<16xf32>,
      %mul3A_313 = arith.constant 64 : i32
      %mul3A_314 = arith.muli %scan3A_49, %mul3A_313 : i32
      %add3A_315 = arith.constant 0 : i32
      %add3A_316 = arith.addi %add3A_315, %mul3A_314 : i32
      %add3A_317 = arith.constant 32 : i32
      %add3A_318 = arith.addi %add3A_316, %add3A_317 : i32
      %swap3A_319 = arith.index_cast %add3A_318 : i32 to index
      %swap3A_320 = tpu.vector_load %arg6[%swap3A_319] {strides = array<i32>} : memref<61456xf32, #tpu.memory_space<vmem>>, vector<16xf32>,
      tpu.vector_store %arg6[%swap3A_319], %get3A_312 {strides = array<i32>} : memref<61456xf32, #tpu.memory_space<vmem>>, vector<16xf32>,
      %mul3A_321 = arith.constant 64 : i32
      %mul3A_322 = arith.muli %scan3A_49, %mul3A_321 : i32
      %add3A_323 = arith.constant 3841 : i32
      %add3A_324 = arith.addi %add3A_323, %mul3A_322 : i32
      %add3A_325 = arith.constant 32 : i32
      %add3A_326 = arith.addi %add3A_324, %add3A_325 : i32
      %swap3A_327 = arith.index_cast %add3A_326 : i32 to index
      %swap3A_328 = tpu.vector_load %arg6[%swap3A_327] {strides = array<i32>} : memref<61456xf32, #tpu.memory_space<vmem>>, vector<16xf32>,
      tpu.vector_store %arg6[%swap3A_327], %get3A_312 {strides = array<i32>} : memref<61456xf32, #tpu.memory_space<vmem>>, vector<16xf32>,
      %mul3A_329 = arith.constant 64 : i32
      %mul3A_330 = arith.muli %scan3A_49, %mul3A_329 : i32
      %add3A_331 = arith.constant 7682 : i32
      %add3A_332 = arith.addi %add3A_331, %mul3A_330 : i32
      %add3A_333 = arith.constant 32 : i32
      %add3A_334 = arith.addi %add3A_332, %add3A_333 : i32
      %swap3A_335 = arith.index_cast %add3A_334 : i32 to index
      %swap3A_336 = tpu.vector_load %arg6[%swap3A_335] {strides = array<i32>} : memref<61456xf32, #tpu.memory_space<vmem>>, vector<16xf32>,
      tpu.vector_store %arg6[%swap3A_335], %get3A_312 {strides = array<i32>} : memref<61456xf32, #tpu.memory_space<vmem>>, vector<16xf32>,
      %mul3A_337 = arith.constant 64 : i32
      %mul3A_338 = arith.muli %scan3A_49, %mul3A_337 : i32
      %add3A_339 = arith.constant 11523 : i32
      %add3A_340 = arith.addi %add3A_339, %mul3A_338 : i32
      %add3A_341 = arith.constant 32 : i32
      %add3A_342 = arith.addi %add3A_340, %add3A_341 : i32
      %swap3A_343 = arith.index_cast %add3A_342 : i32 to index
      %swap3A_344 = tpu.vector_load %arg6[%swap3A_343] {strides = array<i32>} : memref<61456xf32, #tpu.memory_space<vmem>>, vector<16xf32>,
      tpu.vector_store %arg6[%swap3A_343], %get3A_312 {strides = array<i32>} : memref<61456xf32, #tpu.memory_space<vmem>>, vector<16xf32>,
      %mul3A_345 = arith.constant 64 : i32
      %mul3A_346 = arith.muli %scan3A_49, %mul3A_345 : i32
      %add3A_347 = arith.constant 15364 : i32
      %add3A_348 = arith.addi %add3A_347, %mul3A_346 : i32
      %add3A_349 = arith.constant 32 : i32
      %add3A_350 = arith.addi %add3A_348, %add3A_349 : i32
      %swap3A_351 = arith.index_cast %add3A_350 : i32 to index
      %swap3A_352 = tpu.vector_load %arg6[%swap3A_351] {strides = array<i32>} : memref<61456xf32, #tpu.memory_space<vmem>>, vector<16xf32>,
      tpu.vector_store %arg6[%swap3A_351], %get3A_312 {strides = array<i32>} : memref<61456xf32, #tpu.memory_space<vmem>>, vector<16xf32>,
      %mul3A_353 = arith.constant 64 : i32
      %mul3A_354 = arith.muli %scan3A_49, %mul3A_353 : i32
      %add3A_355 = arith.constant 19205 : i32
      %add3A_356 = arith.addi %add3A_355, %mul3A_354 : i32
      %add3A_357 = arith.constant 32 : i32
      %add3A_358 = arith.addi %add3A_356, %add3A_357 : i32
      %swap3A_359 = arith.index_cast %add3A_358 : i32 to index
      %swap3A_360 = tpu.vector_load %arg6[%swap3A_359] {strides = array<i32>} : memref<61456xf32, #tpu.memory_space<vmem>>, vector<16xf32>,
      tpu.vector_store %arg6[%swap3A_359], %get3A_312 {strides = array<i32>} : memref<61456xf32, #tpu.memory_space<vmem>>, vector<16xf32>,
      %mul3A_361 = arith.constant 64 : i32
      %mul3A_362 = arith.muli %scan3A_49, %mul3A_361 : i32
      %add3A_363 = arith.constant 23046 : i32
      %add3A_364 = arith.addi %add3A_363, %mul3A_362 : i32
      %add3A_365 = arith.constant 32 : i32
      %add3A_366 = arith.addi %add3A_364, %add3A_365 : i32
      %swap3A_367 = arith.index_cast %add3A_366 : i32 to index
      %swap3A_368 = tpu.vector_load %arg6[%swap3A_367] {strides = array<i32>} : memref<61456xf32, #tpu.memory_space<vmem>>, vector<16xf32>,
      tpu.vector_store %arg6[%swap3A_367], %get3A_312 {strides = array<i32>} : memref<61456xf32, #tpu.memory_space<vmem>>, vector<16xf32>,
      %mul3A_369 = arith.constant 64 : i32
      %mul3A_370 = arith.muli %scan3A_49, %mul3A_369 : i32
      %add3A_371 = arith.constant 26887 : i32
      %add3A_372 = arith.addi %add3A_371, %mul3A_370 : i32
      %add3A_373 = arith.constant 32 : i32
      %add3A_374 = arith.addi %add3A_372, %add3A_373 : i32
      %swap3A_375 = arith.index_cast %add3A_374 : i32 to index
      %swap3A_376 = tpu.vector_load %arg6[%swap3A_375] {strides = array<i32>} : memref<61456xf32, #tpu.memory_space<vmem>>, vector<16xf32>,
      tpu.vector_store %arg6[%swap3A_375], %get3A_312 {strides = array<i32>} : memref<61456xf32, #tpu.memory_space<vmem>>, vector<16xf32>,
      %mul3A_377 = arith.constant 64 : i32
      %mul3A_378 = arith.muli %scan3A_49, %mul3A_377 : i32
      %add3A_379 = arith.constant 30728 : i32
      %add3A_380 = arith.addi %add3A_379, %mul3A_378 : i32
      %add3A_381 = arith.constant 32 : i32
      %add3A_382 = arith.addi %add3A_380, %add3A_381 : i32
      %swap3A_383 = arith.index_cast %add3A_382 : i32 to index
      %swap3A_384 = tpu.vector_load %arg6[%swap3A_383] {strides = array<i32>} : memref<61456xf32, #tpu.memory_space<vmem>>, vector<16xf32>,
      tpu.vector_store %arg6[%swap3A_383], %get3A_312 {strides = array<i32>} : memref<61456xf32, #tpu.memory_space<vmem>>, vector<16xf32>,
      %mul3A_385 = arith.constant 64 : i32
      %mul3A_386 = arith.muli %scan3A_49, %mul3A_385 : i32
      %add3A_387 = arith.constant 34569 : i32
      %add3A_388 = arith.addi %add3A_387, %mul3A_386 : i32
      %add3A_389 = arith.constant 32 : i32
      %add3A_390 = arith.addi %add3A_388, %add3A_389 : i32
      %swap3A_391 = arith.index_cast %add3A_390 : i32 to index
      %swap3A_392 = tpu.vector_load %arg6[%swap3A_391] {strides = array<i32>} : memref<61456xf32, #tpu.memory_space<vmem>>, vector<16xf32>,
      tpu.vector_store %arg6[%swap3A_391], %get3A_312 {strides = array<i32>} : memref<61456xf32, #tpu.memory_space<vmem>>, vector<16xf32>,
      %mul3A_393 = arith.constant 64 : i32
      %mul3A_394 = arith.muli %scan3A_49, %mul3A_393 : i32
      %add3A_395 = arith.constant 38410 : i32
      %add3A_396 = arith.addi %add3A_395, %mul3A_394 : i32
      %add3A_397 = arith.constant 32 : i32
      %add3A_398 = arith.addi %add3A_396, %add3A_397 : i32
      %swap3A_399 = arith.index_cast %add3A_398 : i32 to index
      %swap3A_400 = tpu.vector_load %arg6[%swap3A_399] {strides = array<i32>} : memref<61456xf32, #tpu.memory_space<vmem>>, vector<16xf32>,
      tpu.vector_store %arg6[%swap3A_399], %get3A_312 {strides = array<i32>} : memref<61456xf32, #tpu.memory_space<vmem>>, vector<16xf32>,
      %mul3A_401 = arith.constant 64 : i32
      %mul3A_402 = arith.muli %scan3A_49, %mul3A_401 : i32
      %add3A_403 = arith.constant 42251 : i32
      %add3A_404 = arith.addi %add3A_403, %mul3A_402 : i32
      %add3A_405 = arith.constant 32 : i32
      %add3A_406 = arith.addi %add3A_404, %add3A_405 : i32
      %swap3A_407 = arith.index_cast %add3A_406 : i32 to index
      %swap3A_408 = tpu.vector_load %arg6[%swap3A_407] {strides = array<i32>} : memref<61456xf32, #tpu.memory_space<vmem>>, vector<16xf32>,
      tpu.vector_store %arg6[%swap3A_407], %get3A_312 {strides = array<i32>} : memref<61456xf32, #tpu.memory_space<vmem>>, vector<16xf32>,
      %mul3A_409 = arith.constant 64 : i32
      %mul3A_410 = arith.muli %scan3A_49, %mul3A_409 : i32
      %add3A_411 = arith.constant 46092 : i32
      %add3A_412 = arith.addi %add3A_411, %mul3A_410 : i32
      %add3A_413 = arith.constant 32 : i32
      %add3A_414 = arith.addi %add3A_412, %add3A_413 : i32
      %swap3A_415 = arith.index_cast %add3A_414 : i32 to index
      %swap3A_416 = tpu.vector_load %arg6[%swap3A_415] {strides = array<i32>} : memref<61456xf32, #tpu.memory_space<vmem>>, vector<16xf32>,
      tpu.vector_store %arg6[%swap3A_415], %get3A_312 {strides = array<i32>} : memref<61456xf32, #tpu.memory_space<vmem>>, vector<16xf32>,
      %mul3A_417 = arith.constant 64 : i32
      %mul3A_418 = arith.muli %scan3A_49, %mul3A_417 : i32
      %add3A_419 = arith.constant 49933 : i32
      %add3A_420 = arith.addi %add3A_419, %mul3A_418 : i32
      %add3A_421 = arith.constant 32 : i32
      %add3A_422 = arith.addi %add3A_420, %add3A_421 : i32
      %swap3A_423 = arith.index_cast %add3A_422 : i32 to index
      %swap3A_424 = tpu.vector_load %arg6[%swap3A_423] {strides = array<i32>} : memref<61456xf32, #tpu.memory_space<vmem>>, vector<16xf32>,
      tpu.vector_store %arg6[%swap3A_423], %get3A_312 {strides = array<i32>} : memref<61456xf32, #tpu.memory_space<vmem>>, vector<16xf32>,
      %mul3A_425 = arith.constant 64 : i32
      %mul3A_426 = arith.muli %scan3A_49, %mul3A_425 : i32
      %add3A_427 = arith.constant 53774 : i32
      %add3A_428 = arith.addi %add3A_427, %mul3A_426 : i32
      %add3A_429 = arith.constant 32 : i32
      %add3A_430 = arith.addi %add3A_428, %add3A_429 : i32
      %swap3A_431 = arith.index_cast %add3A_430 : i32 to index
      %swap3A_432 = tpu.vector_load %arg6[%swap3A_431] {strides = array<i32>} : memref<61456xf32, #tpu.memory_space<vmem>>, vector<16xf32>,
      tpu.vector_store %arg6[%swap3A_431], %get3A_312 {strides = array<i32>} : memref<61456xf32, #tpu.memory_space<vmem>>, vector<16xf32>,
      %mul3A_433 = arith.constant 64 : i32
      %mul3A_434 = arith.muli %scan3A_49, %mul3A_433 : i32
      %add3A_435 = arith.constant 57615 : i32
      %add3A_436 = arith.addi %add3A_435, %mul3A_434 : i32
      %add3A_437 = arith.constant 32 : i32
      %add3A_438 = arith.addi %add3A_436, %add3A_437 : i32
      %swap3A_439 = arith.index_cast %add3A_438 : i32 to index
      %swap3A_440 = tpu.vector_load %arg6[%swap3A_439] {strides = array<i32>} : memref<61456xf32, #tpu.memory_space<vmem>>, vector<16xf32>,
      tpu.vector_store %arg6[%swap3A_439], %get3A_312 {strides = array<i32>} : memref<61456xf32, #tpu.memory_space<vmem>>, vector<16xf32>,
      %get3A_441 = arith.index_cast %scan3A_49 : i32 to index
      %get3A_442 = arith.constant 48 : index
      %get3A_443 = tpu.vector_load %arg5[%get3A_441, %get3A_442] {strides = array<i32>} : memref<60x64xf32, #tpu.memory_space<vmem>>, vector<16xf32>,
      %mul3A_444 = arith.constant 64 : i32
      %mul3A_445 = arith.muli %scan3A_49, %mul3A_444 : i32
      %add3A_446 = arith.constant 0 : i32
      %add3A_447 = arith.addi %add3A_446, %mul3A_445 : i32
      %add3A_448 = arith.constant 48 : i32
      %add3A_449 = arith.addi %add3A_447, %add3A_448 : i32
      %swap3A_450 = arith.index_cast %add3A_449 : i32 to index
      %swap3A_451 = tpu.vector_load %arg6[%swap3A_450] {strides = array<i32>} : memref<61456xf32, #tpu.memory_space<vmem>>, vector<16xf32>,
      tpu.vector_store %arg6[%swap3A_450], %get3A_443 {strides = array<i32>} : memref<61456xf32, #tpu.memory_space<vmem>>, vector<16xf32>,
      %mul3A_452 = arith.constant 64 : i32
      %mul3A_453 = arith.muli %scan3A_49, %mul3A_452 : i32
      %add3A_454 = arith.constant 3841 : i32
      %add3A_455 = arith.addi %add3A_454, %mul3A_453 : i32
      %add3A_456 = arith.constant 48 : i32
      %add3A_457 = arith.addi %add3A_455, %add3A_456 : i32
      %swap3A_458 = arith.index_cast %add3A_457 : i32 to index
      %swap3A_459 = tpu.vector_load %arg6[%swap3A_458] {strides = array<i32>} : memref<61456xf32, #tpu.memory_space<vmem>>, vector<16xf32>,
      tpu.vector_store %arg6[%swap3A_458], %get3A_443 {strides = array<i32>} : memref<61456xf32, #tpu.memory_space<vmem>>, vector<16xf32>,
      %mul3A_460 = arith.constant 64 : i32
      %mul3A_461 = arith.muli %scan3A_49, %mul3A_460 : i32
      %add3A_462 = arith.constant 7682 : i32
      %add3A_463 = arith.addi %add3A_462, %mul3A_461 : i32
      %add3A_464 = arith.constant 48 : i32
      %add3A_465 = arith.addi %add3A_463, %add3A_464 : i32
      %swap3A_466 = arith.index_cast %add3A_465 : i32 to index
      %swap3A_467 = tpu.vector_load %arg6[%swap3A_466] {strides = array<i32>} : memref<61456xf32, #tpu.memory_space<vmem>>, vector<16xf32>,
      tpu.vector_store %arg6[%swap3A_466], %get3A_443 {strides = array<i32>} : memref<61456xf32, #tpu.memory_space<vmem>>, vector<16xf32>,
      %mul3A_468 = arith.constant 64 : i32
      %mul3A_469 = arith.muli %scan3A_49, %mul3A_468 : i32
      %add3A_470 = arith.constant 11523 : i32
      %add3A_471 = arith.addi %add3A_470, %mul3A_469 : i32
      %add3A_472 = arith.constant 48 : i32
      %add3A_473 = arith.addi %add3A_471, %add3A_472 : i32
      %swap3A_474 = arith.index_cast %add3A_473 : i32 to index
      %swap3A_475 = tpu.vector_load %arg6[%swap3A_474] {strides = array<i32>} : memref<61456xf32, #tpu.memory_space<vmem>>, vector<16xf32>,
      tpu.vector_store %arg6[%swap3A_474], %get3A_443 {strides = array<i32>} : memref<61456xf32, #tpu.memory_space<vmem>>, vector<16xf32>,
      %mul3A_476 = arith.constant 64 : i32
      %mul3A_477 = arith.muli %scan3A_49, %mul3A_476 : i32
      %add3A_478 = arith.constant 15364 : i32
      %add3A_479 = arith.addi %add3A_478, %mul3A_477 : i32
      %add3A_480 = arith.constant 48 : i32
      %add3A_481 = arith.addi %add3A_479, %add3A_480 : i32
      %swap3A_482 = arith.index_cast %add3A_481 : i32 to index
      %swap3A_483 = tpu.vector_load %arg6[%swap3A_482] {strides = array<i32>} : memref<61456xf32, #tpu.memory_space<vmem>>, vector<16xf32>,
      tpu.vector_store %arg6[%swap3A_482], %get3A_443 {strides = array<i32>} : memref<61456xf32, #tpu.memory_space<vmem>>, vector<16xf32>,
      %mul3A_484 = arith.constant 64 : i32
      %mul3A_485 = arith.muli %scan3A_49, %mul3A_484 : i32
      %add3A_486 = arith.constant 19205 : i32
      %add3A_487 = arith.addi %add3A_486, %mul3A_485 : i32
      %add3A_488 = arith.constant 48 : i32
      %add3A_489 = arith.addi %add3A_487, %add3A_488 : i32
      %swap3A_490 = arith.index_cast %add3A_489 : i32 to index
      %swap3A_491 = tpu.vector_load %arg6[%swap3A_490] {strides = array<i32>} : memref<61456xf32, #tpu.memory_space<vmem>>, vector<16xf32>,
      tpu.vector_store %arg6[%swap3A_490], %get3A_443 {strides = array<i32>} : memref<61456xf32, #tpu.memory_space<vmem>>, vector<16xf32>,
      %mul3A_492 = arith.constant 64 : i32
      %mul3A_493 = arith.muli %scan3A_49, %mul3A_492 : i32
      %add3A_494 = arith.constant 23046 : i32
      %add3A_495 = arith.addi %add3A_494, %mul3A_493 : i32
      %add3A_496 = arith.constant 48 : i32
      %add3A_497 = arith.addi %add3A_495, %add3A_496 : i32
      %swap3A_498 = arith.index_cast %add3A_497 : i32 to index
      %swap3A_499 = tpu.vector_load %arg6[%swap3A_498] {strides = array<i32>} : memref<61456xf32, #tpu.memory_space<vmem>>, vector<16xf32>,
      tpu.vector_store %arg6[%swap3A_498], %get3A_443 {strides = array<i32>} : memref<61456xf32, #tpu.memory_space<vmem>>, vector<16xf32>,
      %mul3A_500 = arith.constant 64 : i32
      %mul3A_501 = arith.muli %scan3A_49, %mul3A_500 : i32
      %add3A_502 = arith.constant 26887 : i32
      %add3A_503 = arith.addi %add3A_502, %mul3A_501 : i32
      %add3A_504 = arith.constant 48 : i32
      %add3A_505 = arith.addi %add3A_503, %add3A_504 : i32
      %swap3A_506 = arith.index_cast %add3A_505 : i32 to index
      %swap3A_507 = tpu.vector_load %arg6[%swap3A_506] {strides = array<i32>} : memref<61456xf32, #tpu.memory_space<vmem>>, vector<16xf32>,
      tpu.vector_store %arg6[%swap3A_506], %get3A_443 {strides = array<i32>} : memref<61456xf32, #tpu.memory_space<vmem>>, vector<16xf32>,
      %mul3A_508 = arith.constant 64 : i32
      %mul3A_509 = arith.muli %scan3A_49, %mul3A_508 : i32
      %add3A_510 = arith.constant 30728 : i32
      %add3A_511 = arith.addi %add3A_510, %mul3A_509 : i32
      %add3A_512 = arith.constant 48 : i32
      %add3A_513 = arith.addi %add3A_511, %add3A_512 : i32
      %swap3A_514 = arith.index_cast %add3A_513 : i32 to index
      %swap3A_515 = tpu.vector_load %arg6[%swap3A_514] {strides = array<i32>} : memref<61456xf32, #tpu.memory_space<vmem>>, vector<16xf32>,
      tpu.vector_store %arg6[%swap3A_514], %get3A_443 {strides = array<i32>} : memref<61456xf32, #tpu.memory_space<vmem>>, vector<16xf32>,
      %mul3A_516 = arith.constant 64 : i32
      %mul3A_517 = arith.muli %scan3A_49, %mul3A_516 : i32
      %add3A_518 = arith.constant 34569 : i32
      %add3A_519 = arith.addi %add3A_518, %mul3A_517 : i32
      %add3A_520 = arith.constant 48 : i32
      %add3A_521 = arith.addi %add3A_519, %add3A_520 : i32
      %swap3A_522 = arith.index_cast %add3A_521 : i32 to index
      %swap3A_523 = tpu.vector_load %arg6[%swap3A_522] {strides = array<i32>} : memref<61456xf32, #tpu.memory_space<vmem>>, vector<16xf32>,
      tpu.vector_store %arg6[%swap3A_522], %get3A_443 {strides = array<i32>} : memref<61456xf32, #tpu.memory_space<vmem>>, vector<16xf32>,
      %mul3A_524 = arith.constant 64 : i32
      %mul3A_525 = arith.muli %scan3A_49, %mul3A_524 : i32
      %add3A_526 = arith.constant 38410 : i32
      %add3A_527 = arith.addi %add3A_526, %mul3A_525 : i32
      %add3A_528 = arith.constant 48 : i32
      %add3A_529 = arith.addi %add3A_527, %add3A_528 : i32
      %swap3A_530 = arith.index_cast %add3A_529 : i32 to index
      %swap3A_531 = tpu.vector_load %arg6[%swap3A_530] {strides = array<i32>} : memref<61456xf32, #tpu.memory_space<vmem>>, vector<16xf32>,
      tpu.vector_store %arg6[%swap3A_530], %get3A_443 {strides = array<i32>} : memref<61456xf32, #tpu.memory_space<vmem>>, vector<16xf32>,
      %mul3A_532 = arith.constant 64 : i32
      %mul3A_533 = arith.muli %scan3A_49, %mul3A_532 : i32
      %add3A_534 = arith.constant 42251 : i32
      %add3A_535 = arith.addi %add3A_534, %mul3A_533 : i32
      %add3A_536 = arith.constant 48 : i32
      %add3A_537 = arith.addi %add3A_535, %add3A_536 : i32
      %swap3A_538 = arith.index_cast %add3A_537 : i32 to index
      %swap3A_539 = tpu.vector_load %arg6[%swap3A_538] {strides = array<i32>} : memref<61456xf32, #tpu.memory_space<vmem>>, vector<16xf32>,
      tpu.vector_store %arg6[%swap3A_538], %get3A_443 {strides = array<i32>} : memref<61456xf32, #tpu.memory_space<vmem>>, vector<16xf32>,
      %mul3A_540 = arith.constant 64 : i32
      %mul3A_541 = arith.muli %scan3A_49, %mul3A_540 : i32
      %add3A_542 = arith.constant 46092 : i32
      %add3A_543 = arith.addi %add3A_542, %mul3A_541 : i32
      %add3A_544 = arith.constant 48 : i32
      %add3A_545 = arith.addi %add3A_543, %add3A_544 : i32
      %swap3A_546 = arith.index_cast %add3A_545 : i32 to index
      %swap3A_547 = tpu.vector_load %arg6[%swap3A_546] {strides = array<i32>} : memref<61456xf32, #tpu.memory_space<vmem>>, vector<16xf32>,
      tpu.vector_store %arg6[%swap3A_546], %get3A_443 {strides = array<i32>} : memref<61456xf32, #tpu.memory_space<vmem>>, vector<16xf32>,
      %mul3A_548 = arith.constant 64 : i32
      %mul3A_549 = arith.muli %scan3A_49, %mul3A_548 : i32
      %add3A_550 = arith.constant 49933 : i32
      %add3A_551 = arith.addi %add3A_550, %mul3A_549 : i32
      %add3A_552 = arith.constant 48 : i32
      %add3A_553 = arith.addi %add3A_551, %add3A_552 : i32
      %swap3A_554 = arith.index_cast %add3A_553 : i32 to index
      %swap3A_555 = tpu.vector_load %arg6[%swap3A_554] {strides = array<i32>} : memref<61456xf32, #tpu.memory_space<vmem>>, vector<16xf32>,
      tpu.vector_store %arg6[%swap3A_554], %get3A_443 {strides = array<i32>} : memref<61456xf32, #tpu.memory_space<vmem>>, vector<16xf32>,
      %mul3A_556 = arith.constant 64 : i32
      %mul3A_557 = arith.muli %scan3A_49, %mul3A_556 : i32
      %add3A_558 = arith.constant 53774 : i32
      %add3A_559 = arith.addi %add3A_558, %mul3A_557 : i32
      %add3A_560 = arith.constant 48 : i32
      %add3A_561 = arith.addi %add3A_559, %add3A_560 : i32
      %swap3A_562 = arith.index_cast %add3A_561 : i32 to index
      %swap3A_563 = tpu.vector_load %arg6[%swap3A_562] {strides = array<i32>} : memref<61456xf32, #tpu.memory_space<vmem>>, vector<16xf32>,
      tpu.vector_store %arg6[%swap3A_562], %get3A_443 {strides = array<i32>} : memref<61456xf32, #tpu.memory_space<vmem>>, vector<16xf32>,
      %mul3A_564 = arith.constant 64 : i32
      %mul3A_565 = arith.muli %scan3A_49, %mul3A_564 : i32
      %add3A_566 = arith.constant 57615 : i32
      %add3A_567 = arith.addi %add3A_566, %mul3A_565 : i32
      %add3A_568 = arith.constant 48 : i32
      %add3A_569 = arith.addi %add3A_567, %add3A_568 : i32
      %swap3A_570 = arith.index_cast %add3A_569 : i32 to index
      %swap3A_571 = tpu.vector_load %arg6[%swap3A_570] {strides = array<i32>} : memref<61456xf32, #tpu.memory_space<vmem>>, vector<16xf32>,
      tpu.vector_store %arg6[%swap3A_570], %get3A_443 {strides = array<i32>} : memref<61456xf32, #tpu.memory_space<vmem>>, vector<16xf32>,
    }
    %scan3A_27 = arith.constant 60 : i32
    %iota3A = tpu.iota {dimensions = array<i32: 0>} : vector<16xi32>
    %mul3A_28 = arith.constant 3841 : i32
    %mul3A_29 = vector.broadcast %mul3A_28 : i32 to vector<16xi32>
    %mul3A_30 = arith.muli %iota3A, %mul3A_29 : vector<16xi32>
    %gt3A = arith.constant 0 : i32
    %gt3A_31 = arith.cmpi sgt, %select_n3A, %gt3A : i32
    %convert_element_type3A = arith.extui %gt3A_31 : i1 to i32
    %cond3A = arith.constant 0 : i32
    %cond3A_32 = arith.cmpi ne, %convert_element_type3A, %cond3A : i32
    scf.if %cond3A_32 {
      %mul3A_49 = arith.constant 0 : i32
      %mul3A_50 = arith.constant 32 : i32
      %mul3A_51 = arith.muli %mul3A_49, %mul3A_50 : i32
      %add3A_52 = arith.addi %add3A, %mul3A_51 : i32
      %mul3A_53 = arith.constant 128 : i32
      %mul3A_54 = arith.muli %add3A_52, %mul3A_53 : i32
      %dma_start3A = arith.constant 0 : i32
      %dma_start3A_55 = tpu.memref_slice %arg2[%dma_start3A, %mul3A_54] : memref<13x800000xf32, #tpu.memory_space<hbm>> -> memref<13x128xf32, #tpu.memory_space<hbm>>
      %dma_start3A_56 = arith.constant 0 : i32
      %dma_start3A_57 = tpu.memref_slice %arg2[%dma_start3A_56, %mul3A_54] : memref<13x800000xf32, #tpu.memory_space<hbm>> -> memref<13x128xf32, #tpu.memory_space<hbm>>
      tpu.enqueue_dma source(%dma_start3A_57 : memref<13x128xf32, #tpu.memory_space<hbm>>) target(%arg7 : memref<13x128xf32, #tpu.memory_space<vmem>>) target_semaphore(%arg13 : memref<!tpu.dma_semaphore, #tpu.memory_space<semaphore_mem>>)
    } else {
    }
    %gt3A_33 = arith.constant 1 : i32
    %gt3A_34 = arith.cmpi sgt, %select_n3A, %gt3A_33 : i32
    %convert_element_type3A_35 = arith.extui %gt3A_34 : i1 to i32
    %cond3A_36 = arith.constant 0 : i32
    %cond3A_37 = arith.cmpi ne, %convert_element_type3A_35, %cond3A_36 : i32
    scf.if %cond3A_37 {
      %mul3A_49 = arith.constant 1 : i32
      %mul3A_50 = arith.constant 32 : i32
      %mul3A_51 = arith.muli %mul3A_49, %mul3A_50 : i32
      %add3A_52 = arith.addi %add3A, %mul3A_51 : i32
      %mul3A_53 = arith.constant 128 : i32
      %mul3A_54 = arith.muli %add3A_52, %mul3A_53 : i32
      %dma_start3A = arith.constant 0 : i32
      %dma_start3A_55 = tpu.memref_slice %arg2[%dma_start3A, %mul3A_54] : memref<13x800000xf32, #tpu.memory_space<hbm>> -> memref<13x128xf32, #tpu.memory_space<hbm>>
      %dma_start3A_56 = arith.constant 0 : i32
      %dma_start3A_57 = tpu.memref_slice %arg2[%dma_start3A_56, %mul3A_54] : memref<13x800000xf32, #tpu.memory_space<hbm>> -> memref<13x128xf32, #tpu.memory_space<hbm>>
      tpu.enqueue_dma source(%dma_start3A_57 : memref<13x128xf32, #tpu.memory_space<hbm>>) target(%arg8 : memref<13x128xf32, #tpu.memory_space<vmem>>) target_semaphore(%arg14 : memref<!tpu.dma_semaphore, #tpu.memory_space<semaphore_mem>>)
    } else {
    }
    %gt3A_38 = arith.constant 2 : i32
    %gt3A_39 = arith.cmpi sgt, %select_n3A, %gt3A_38 : i32
    %convert_element_type3A_40 = arith.extui %gt3A_39 : i1 to i32
    %cond3A_41 = arith.constant 0 : i32
    %cond3A_42 = arith.cmpi ne, %convert_element_type3A_40, %cond3A_41 : i32
    scf.if %cond3A_42 {
      %mul3A_49 = arith.constant 2 : i32
      %mul3A_50 = arith.constant 32 : i32
      %mul3A_51 = arith.muli %mul3A_49, %mul3A_50 : i32
      %add3A_52 = arith.addi %add3A, %mul3A_51 : i32
      %mul3A_53 = arith.constant 128 : i32
      %mul3A_54 = arith.muli %add3A_52, %mul3A_53 : i32
      %dma_start3A = arith.constant 0 : i32
      %dma_start3A_55 = tpu.memref_slice %arg2[%dma_start3A, %mul3A_54] : memref<13x800000xf32, #tpu.memory_space<hbm>> -> memref<13x128xf32, #tpu.memory_space<hbm>>
      %dma_start3A_56 = arith.constant 0 : i32
      %dma_start3A_57 = tpu.memref_slice %arg2[%dma_start3A_56, %mul3A_54] : memref<13x800000xf32, #tpu.memory_space<hbm>> -> memref<13x128xf32, #tpu.memory_space<hbm>>
      tpu.enqueue_dma source(%dma_start3A_57 : memref<13x128xf32, #tpu.memory_space<hbm>>) target(%arg9 : memref<13x128xf32, #tpu.memory_space<vmem>>) target_semaphore(%arg15 : memref<!tpu.dma_semaphore, #tpu.memory_space<semaphore_mem>>)
    } else {
    }
    %scan3A_43 = arith.constant 0 : i32
    %scan3A_44 = arith.constant 0 : i32
    %scan3A_45 = arith.constant 67 : i32
    %scan3A_46 = arith.addi %scan3A_44, %scan3A_45 : i32
    %scan3A_47 = arith.constant 1 : i32
    scf.for %scan3A_49 = %scan3A_44 to %scan3A_46 step %scan3A_47  : i32 {
      %mul3A_50 = arith.constant 3 : i32
      %mul3A_51 = arith.muli %scan3A_49, %mul3A_50 : i32
      %add3A_52 = arith.constant 0 : i32
      %add3A_53 = arith.addi %mul3A_51, %add3A_52 : i32
      %ge3A = arith.constant 3 : i32
      %ge3A_54 = arith.cmpi sge, %add3A_53, %ge3A : i32
      %sub3A_55 = arith.constant 3 : i32
      %sub3A_56 = arith.subi %add3A_53, %sub3A_55 : i32
      %lt3A = arith.cmpi slt, %sub3A_56, %select_n3A : i32
      %and3A_57 = arith.andi %ge3A_54, %lt3A : i1
      %convert_element_type3A_58 = arith.extui %and3A_57 : i1 to i32
      %cond3A_59 = arith.constant 0 : i32
      %cond3A_60 = arith.cmpi ne, %convert_element_type3A_58, %cond3A_59 : i32
      scf.if %cond3A_60 {
        %dma_wait3A = arith.constant 0 : i32
        %dma_wait3A_99 = arith.constant 0 : i32
        %dma_wait3A_100 = tpu.memref_slice %arg4[%dma_wait3A, %dma_wait3A_99] : memref<64x800000xf32, #tpu.memory_space<hbm>> -> memref<64x128xf32, #tpu.memory_space<hbm>>
        %dma_wait3A_101 = arith.constant 0 : i32
        %dma_wait3A_102 = arith.constant 0 : i32
        %dma_wait3A_103 = tpu.memref_slice %arg4[%dma_wait3A_101, %dma_wait3A_102] : memref<64x800000xf32, #tpu.memory_space<hbm>> -> memref<64x128xf32, #tpu.memory_space<hbm>>
        tpu.wait_dma2 semaphore(%arg16 : memref<!tpu.dma_semaphore, #tpu.memory_space<semaphore_mem>>) src(%arg10 : memref<64x128xf32, #tpu.memory_space<vmem>>) dst(%dma_wait3A_103 : memref<64x128xf32, #tpu.memory_space<hbm>>)
      } else {
      }
      %lt3A_61 = arith.cmpi slt, %add3A_53, %select_n3A : i32
      %convert_element_type3A_62 = arith.extui %lt3A_61 : i1 to i32
      %cond3A_63 = arith.constant 0 : i32
      %cond3A_64 = arith.cmpi ne, %convert_element_type3A_62, %cond3A_63 : i32
      scf.if %cond3A_64 {
        %dma_wait3A = arith.constant 0 : i32
        %dma_wait3A_99 = arith.constant 0 : i32
        %dma_wait3A_100 = tpu.memref_slice %arg2[%dma_wait3A, %dma_wait3A_99] : memref<13x800000xf32, #tpu.memory_space<hbm>> -> memref<13x128xf32, #tpu.memory_space<hbm>>
        %dma_wait3A_101 = arith.constant 0 : i32
        %dma_wait3A_102 = arith.constant 0 : i32
        %dma_wait3A_103 = tpu.memref_slice %arg2[%dma_wait3A_101, %dma_wait3A_102] : memref<13x800000xf32, #tpu.memory_space<hbm>> -> memref<13x128xf32, #tpu.memory_space<hbm>>
        tpu.wait_dma2 semaphore(%arg13 : memref<!tpu.dma_semaphore, #tpu.memory_space<semaphore_mem>>) src(%dma_wait3A_103 : memref<13x128xf32, #tpu.memory_space<hbm>>) dst(%arg7 : memref<13x128xf32, #tpu.memory_space<vmem>>)
        %parallel_loop3A = arith.constant 0 : i32
        %parallel_loop3A_104 = arith.constant 8 : i32
        %parallel_loop3A_105 = arith.constant 1 : i32
        scf.for %parallel_loop3A_120 = %parallel_loop3A to %parallel_loop3A_104 step %parallel_loop3A_105  : i32 {
          %parallel_loop3A_121 = arith.constant 16 : i32
          %parallel_loop3A_122 = arith.muli %parallel_loop3A_120, %parallel_loop3A_121 : i32
          %parallel_loop3A_123 = arith.constant 0 : i32
          %parallel_loop3A_124 = arith.index_cast %parallel_loop3A_123 : i32 to index
          %parallel_loop3A_125 = arith.index_cast %parallel_loop3A_122 : i32 to index
          %parallel_loop3A_126 = tpu.vector_load %arg7[%parallel_loop3A_124, %parallel_loop3A_125] {strides = array<i32>} : memref<13x128xf32, #tpu.memory_space<vmem>>, vector<16xf32>,
          %parallel_loop3A_127 = arith.constant 16 : i32
          %parallel_loop3A_128 = arith.muli %parallel_loop3A_120, %parallel_loop3A_127 : i32
          %parallel_loop3A_129 = arith.constant 1 : i32
          %parallel_loop3A_130 = arith.index_cast %parallel_loop3A_129 : i32 to index
          %parallel_loop3A_131 = arith.index_cast %parallel_loop3A_128 : i32 to index
          %parallel_loop3A_132 = tpu.vector_load %arg7[%parallel_loop3A_130, %parallel_loop3A_131] {strides = array<i32>} : memref<13x128xf32, #tpu.memory_space<vmem>>, vector<16xf32>,
          %parallel_loop3A_133 = arith.constant 16 : i32
          %parallel_loop3A_134 = arith.muli %parallel_loop3A_120, %parallel_loop3A_133 : i32
          %parallel_loop3A_135 = arith.constant 2 : i32
          %parallel_loop3A_136 = arith.index_cast %parallel_loop3A_135 : i32 to index
          %parallel_loop3A_137 = arith.index_cast %parallel_loop3A_134 : i32 to index
          %parallel_loop3A_138 = tpu.vector_load %arg7[%parallel_loop3A_136, %parallel_loop3A_137] {strides = array<i32>} : memref<13x128xf32, #tpu.memory_space<vmem>>, vector<16xf32>,
          %parallel_loop3A_139 = arith.constant 16 : i32
          %parallel_loop3A_140 = arith.muli %parallel_loop3A_120, %parallel_loop3A_139 : i32
          %parallel_loop3A_141 = arith.constant 3 : i32
          %parallel_loop3A_142 = arith.index_cast %parallel_loop3A_141 : i32 to index
          %parallel_loop3A_143 = arith.index_cast %parallel_loop3A_140 : i32 to index
          %parallel_loop3A_144 = tpu.vector_load %arg7[%parallel_loop3A_142, %parallel_loop3A_143] {strides = array<i32>} : memref<13x128xf32, #tpu.memory_space<vmem>>, vector<16xf32>,
          %parallel_loop3A_145 = arith.constant 16 : i32
          %parallel_loop3A_146 = arith.muli %parallel_loop3A_120, %parallel_loop3A_145 : i32
          %parallel_loop3A_147 = arith.constant 4 : i32
          %parallel_loop3A_148 = arith.index_cast %parallel_loop3A_147 : i32 to index
          %parallel_loop3A_149 = arith.index_cast %parallel_loop3A_146 : i32 to index
          %parallel_loop3A_150 = tpu.vector_load %arg7[%parallel_loop3A_148, %parallel_loop3A_149] {strides = array<i32>} : memref<13x128xf32, #tpu.memory_space<vmem>>, vector<16xf32>,
          %parallel_loop3A_151 = arith.constant 16 : i32
          %parallel_loop3A_152 = arith.muli %parallel_loop3A_120, %parallel_loop3A_151 : i32
          %parallel_loop3A_153 = arith.constant 5 : i32
          %parallel_loop3A_154 = arith.index_cast %parallel_loop3A_153 : i32 to index
          %parallel_loop3A_155 = arith.index_cast %parallel_loop3A_152 : i32 to index
          %parallel_loop3A_156 = tpu.vector_load %arg7[%parallel_loop3A_154, %parallel_loop3A_155] {strides = array<i32>} : memref<13x128xf32, #tpu.memory_space<vmem>>, vector<16xf32>,
          %parallel_loop3A_157 = arith.constant 16 : i32
          %parallel_loop3A_158 = arith.muli %parallel_loop3A_120, %parallel_loop3A_157 : i32
          %parallel_loop3A_159 = arith.constant 6 : i32
          %parallel_loop3A_160 = arith.index_cast %parallel_loop3A_159 : i32 to index
          %parallel_loop3A_161 = arith.index_cast %parallel_loop3A_158 : i32 to index
          %parallel_loop3A_162 = tpu.vector_load %arg7[%parallel_loop3A_160, %parallel_loop3A_161] {strides = array<i32>} : memref<13x128xf32, #tpu.memory_space<vmem>>, vector<16xf32>,
          %parallel_loop3A_163 = arith.constant 16 : i32
          %parallel_loop3A_164 = arith.muli %parallel_loop3A_120, %parallel_loop3A_163 : i32
          %parallel_loop3A_165 = arith.constant 7 : i32
          %parallel_loop3A_166 = arith.index_cast %parallel_loop3A_165 : i32 to index
          %parallel_loop3A_167 = arith.index_cast %parallel_loop3A_164 : i32 to index
          %parallel_loop3A_168 = tpu.vector_load %arg7[%parallel_loop3A_166, %parallel_loop3A_167] {strides = array<i32>} : memref<13x128xf32, #tpu.memory_space<vmem>>, vector<16xf32>,
          %parallel_loop3A_169 = arith.constant 16 : i32
          %parallel_loop3A_170 = arith.muli %parallel_loop3A_120, %parallel_loop3A_169 : i32
          %parallel_loop3A_171 = arith.constant 8 : i32
          %parallel_loop3A_172 = arith.index_cast %parallel_loop3A_171 : i32 to index
          %parallel_loop3A_173 = arith.index_cast %parallel_loop3A_170 : i32 to index
          %parallel_loop3A_174 = tpu.vector_load %arg7[%parallel_loop3A_172, %parallel_loop3A_173] {strides = array<i32>} : memref<13x128xf32, #tpu.memory_space<vmem>>, vector<16xf32>,
          %parallel_loop3A_175 = arith.constant 16 : i32
          %parallel_loop3A_176 = arith.muli %parallel_loop3A_120, %parallel_loop3A_175 : i32
          %parallel_loop3A_177 = arith.constant 9 : i32
          %parallel_loop3A_178 = arith.index_cast %parallel_loop3A_177 : i32 to index
          %parallel_loop3A_179 = arith.index_cast %parallel_loop3A_176 : i32 to index
          %parallel_loop3A_180 = tpu.vector_load %arg7[%parallel_loop3A_178, %parallel_loop3A_179] {strides = array<i32>} : memref<13x128xf32, #tpu.memory_space<vmem>>, vector<16xf32>,
          %parallel_loop3A_181 = arith.constant 16 : i32
          %parallel_loop3A_182 = arith.muli %parallel_loop3A_120, %parallel_loop3A_181 : i32
          %parallel_loop3A_183 = arith.constant 10 : i32
          %parallel_loop3A_184 = arith.index_cast %parallel_loop3A_183 : i32 to index
          %parallel_loop3A_185 = arith.index_cast %parallel_loop3A_182 : i32 to index
          %parallel_loop3A_186 = tpu.vector_load %arg7[%parallel_loop3A_184, %parallel_loop3A_185] {strides = array<i32>} : memref<13x128xf32, #tpu.memory_space<vmem>>, vector<16xf32>,
          %parallel_loop3A_187 = arith.constant 16 : i32
          %parallel_loop3A_188 = arith.muli %parallel_loop3A_120, %parallel_loop3A_187 : i32
          %parallel_loop3A_189 = arith.constant 11 : i32
          %parallel_loop3A_190 = arith.index_cast %parallel_loop3A_189 : i32 to index
          %parallel_loop3A_191 = arith.index_cast %parallel_loop3A_188 : i32 to index
          %parallel_loop3A_192 = tpu.vector_load %arg7[%parallel_loop3A_190, %parallel_loop3A_191] {strides = array<i32>} : memref<13x128xf32, #tpu.memory_space<vmem>>, vector<16xf32>,
          %parallel_loop3A_193 = arith.constant 16 : i32
          %parallel_loop3A_194 = arith.muli %parallel_loop3A_120, %parallel_loop3A_193 : i32
          %parallel_loop3A_195 = arith.constant 12 : i32
          %parallel_loop3A_196 = arith.index_cast %parallel_loop3A_195 : i32 to index
          %parallel_loop3A_197 = arith.index_cast %parallel_loop3A_194 : i32 to index
          %parallel_loop3A_198 = tpu.vector_load %arg7[%parallel_loop3A_196, %parallel_loop3A_197] {strides = array<i32>} : memref<13x128xf32, #tpu.memory_space<vmem>>, vector<16xf32>,
          %parallel_loop3A_199 = arith.constant 0 : i32
          %parallel_loop3A_200 = vector.broadcast %parallel_loop3A_199 : i32 to vector<16xi32>
          %parallel_loop3A_201 = arith.cmpf ogt, %parallel_loop3A_132, %parallel_loop3A_126 : vector<16xf32>
          %parallel_loop3A_202 = arith.constant 1 : i32
          %parallel_loop3A_203 = vector.broadcast %parallel_loop3A_202 : i32 to vector<16xi32>
          %parallel_loop3A_204 = arith.select %parallel_loop3A_201, %parallel_loop3A_203, %parallel_loop3A_200 : vector<16xi1>, vector<16xi32>
          %parallel_loop3A_205 = arith.select %parallel_loop3A_201, %parallel_loop3A_132, %parallel_loop3A_126 : vector<16xi1>, vector<16xf32>
          %parallel_loop3A_206 = arith.cmpf ogt, %parallel_loop3A_138, %parallel_loop3A_205 : vector<16xf32>
          %parallel_loop3A_207 = arith.constant 2 : i32
          %parallel_loop3A_208 = vector.broadcast %parallel_loop3A_207 : i32 to vector<16xi32>
          %parallel_loop3A_209 = arith.select %parallel_loop3A_206, %parallel_loop3A_208, %parallel_loop3A_204 : vector<16xi1>, vector<16xi32>
          %parallel_loop3A_210 = arith.select %parallel_loop3A_206, %parallel_loop3A_138, %parallel_loop3A_205 : vector<16xi1>, vector<16xf32>
          %parallel_loop3A_211 = arith.cmpf ogt, %parallel_loop3A_144, %parallel_loop3A_210 : vector<16xf32>
          %parallel_loop3A_212 = arith.constant 3 : i32
          %parallel_loop3A_213 = vector.broadcast %parallel_loop3A_212 : i32 to vector<16xi32>
          %parallel_loop3A_214 = arith.select %parallel_loop3A_211, %parallel_loop3A_213, %parallel_loop3A_209 : vector<16xi1>, vector<16xi32>
          %parallel_loop3A_215 = arith.select %parallel_loop3A_211, %parallel_loop3A_144, %parallel_loop3A_210 : vector<16xi1>, vector<16xf32>
          %parallel_loop3A_216 = arith.cmpf ogt, %parallel_loop3A_150, %parallel_loop3A_215 : vector<16xf32>
          %parallel_loop3A_217 = arith.constant 4 : i32
          %parallel_loop3A_218 = vector.broadcast %parallel_loop3A_217 : i32 to vector<16xi32>
          %parallel_loop3A_219 = arith.select %parallel_loop3A_216, %parallel_loop3A_218, %parallel_loop3A_214 : vector<16xi1>, vector<16xi32>
          %parallel_loop3A_220 = arith.select %parallel_loop3A_216, %parallel_loop3A_150, %parallel_loop3A_215 : vector<16xi1>, vector<16xf32>
          %parallel_loop3A_221 = arith.constant 0 : i32
          %parallel_loop3A_222 = vector.broadcast %parallel_loop3A_221 : i32 to vector<16xi32>
          %parallel_loop3A_223 = arith.cmpf ogt, %parallel_loop3A_162, %parallel_loop3A_156 : vector<16xf32>
          %parallel_loop3A_224 = arith.constant 1 : i32
          %parallel_loop3A_225 = vector.broadcast %parallel_loop3A_224 : i32 to vector<16xi32>
          %parallel_loop3A_226 = arith.select %parallel_loop3A_223, %parallel_loop3A_225, %parallel_loop3A_222 : vector<16xi1>, vector<16xi32>
          %parallel_loop3A_227 = arith.select %parallel_loop3A_223, %parallel_loop3A_162, %parallel_loop3A_156 : vector<16xi1>, vector<16xf32>
          %parallel_loop3A_228 = arith.cmpf ogt, %parallel_loop3A_168, %parallel_loop3A_227 : vector<16xf32>
          %parallel_loop3A_229 = arith.constant 2 : i32
          %parallel_loop3A_230 = vector.broadcast %parallel_loop3A_229 : i32 to vector<16xi32>
          %parallel_loop3A_231 = arith.select %parallel_loop3A_228, %parallel_loop3A_230, %parallel_loop3A_226 : vector<16xi1>, vector<16xi32>
          %parallel_loop3A_232 = arith.select %parallel_loop3A_228, %parallel_loop3A_168, %parallel_loop3A_227 : vector<16xi1>, vector<16xf32>
          %parallel_loop3A_233 = arith.cmpf ogt, %parallel_loop3A_174, %parallel_loop3A_232 : vector<16xf32>
          %parallel_loop3A_234 = arith.constant 3 : i32
          %parallel_loop3A_235 = vector.broadcast %parallel_loop3A_234 : i32 to vector<16xi32>
          %parallel_loop3A_236 = arith.select %parallel_loop3A_233, %parallel_loop3A_235, %parallel_loop3A_231 : vector<16xi1>, vector<16xi32>
          %parallel_loop3A_237 = arith.select %parallel_loop3A_233, %parallel_loop3A_174, %parallel_loop3A_232 : vector<16xi1>, vector<16xf32>
          %parallel_loop3A_238 = arith.cmpf ogt, %parallel_loop3A_180, %parallel_loop3A_237 : vector<16xf32>
          %parallel_loop3A_239 = arith.constant 4 : i32
          %parallel_loop3A_240 = vector.broadcast %parallel_loop3A_239 : i32 to vector<16xi32>
          %parallel_loop3A_241 = arith.select %parallel_loop3A_238, %parallel_loop3A_240, %parallel_loop3A_236 : vector<16xi1>, vector<16xi32>
          %parallel_loop3A_242 = arith.select %parallel_loop3A_238, %parallel_loop3A_180, %parallel_loop3A_237 : vector<16xi1>, vector<16xf32>
          %parallel_loop3A_243 = arith.cmpf ogt, %parallel_loop3A_186, %parallel_loop3A_242 : vector<16xf32>
          %parallel_loop3A_244 = arith.constant 5 : i32
          %parallel_loop3A_245 = vector.broadcast %parallel_loop3A_244 : i32 to vector<16xi32>
          %parallel_loop3A_246 = arith.select %parallel_loop3A_243, %parallel_loop3A_245, %parallel_loop3A_241 : vector<16xi1>, vector<16xi32>
          %parallel_loop3A_247 = arith.select %parallel_loop3A_243, %parallel_loop3A_186, %parallel_loop3A_242 : vector<16xi1>, vector<16xf32>
          %parallel_loop3A_248 = arith.constant 0 : i32
          %parallel_loop3A_249 = vector.broadcast %parallel_loop3A_248 : i32 to vector<16xi32>
          %parallel_loop3A_250 = arith.cmpf ogt, %parallel_loop3A_198, %parallel_loop3A_192 : vector<16xf32>
          %parallel_loop3A_251 = arith.constant 1 : i32
          %parallel_loop3A_252 = vector.broadcast %parallel_loop3A_251 : i32 to vector<16xi32>
          %parallel_loop3A_253 = arith.select %parallel_loop3A_250, %parallel_loop3A_252, %parallel_loop3A_249 : vector<16xi1>, vector<16xi32>
          %parallel_loop3A_254 = arith.select %parallel_loop3A_250, %parallel_loop3A_198, %parallel_loop3A_192 : vector<16xi1>, vector<16xf32>
          %parallel_loop3A_255 = arith.constant 12 : i32
          %parallel_loop3A_256 = vector.broadcast %parallel_loop3A_255 : i32 to vector<16xi32>
          %parallel_loop3A_257 = arith.muli %parallel_loop3A_219, %parallel_loop3A_256 : vector<16xi32>
          %parallel_loop3A_258 = arith.constant 2 : i32
          %parallel_loop3A_259 = vector.broadcast %parallel_loop3A_258 : i32 to vector<16xi32>
          %parallel_loop3A_260 = arith.muli %parallel_loop3A_246, %parallel_loop3A_259 : vector<16xi32>
          %parallel_loop3A_261 = arith.addi %parallel_loop3A_257, %parallel_loop3A_260 : vector<16xi32>
          %parallel_loop3A_262 = arith.addi %parallel_loop3A_261, %parallel_loop3A_253 : vector<16xi32>
          %parallel_loop3A_263 = arith.constant 64 : i32
          %parallel_loop3A_264 = vector.broadcast %parallel_loop3A_263 : i32 to vector<16xi32>
          %parallel_loop3A_265 = arith.muli %parallel_loop3A_262, %parallel_loop3A_264 : vector<16xi32>
          %parallel_loop3A_266 = arith.addi %parallel_loop3A_265, %mul3A_30 : vector<16xi32>
          %parallel_loop3A_267 = arith.constant 0 : i32
          %parallel_loop3A_268 = vector.broadcast %parallel_loop3A_267 : i32 to vector<16xi32>
          %parallel_loop3A_269 = arith.addi %parallel_loop3A_266, %parallel_loop3A_268 : vector<16xi32>
          %parallel_loop3A_270 = tpu.vector_load_idx %arg6[%parallel_loop3A_269] : memref<61456xf32, #tpu.memory_space<vmem>>[vector<16xi32>], vector<16xf32>,
          %parallel_loop3A_271 = arith.constant 1 : i32
          %parallel_loop3A_272 = vector.broadcast %parallel_loop3A_271 : i32 to vector<16xi32>
          %parallel_loop3A_273 = arith.addi %parallel_loop3A_266, %parallel_loop3A_272 : vector<16xi32>
          %parallel_loop3A_274 = tpu.vector_load_idx %arg6[%parallel_loop3A_273] : memref<61456xf32, #tpu.memory_space<vmem>>[vector<16xi32>], vector<16xf32>,
          %parallel_loop3A_275 = arith.constant 2 : i32
          %parallel_loop3A_276 = vector.broadcast %parallel_loop3A_275 : i32 to vector<16xi32>
          %parallel_loop3A_277 = arith.addi %parallel_loop3A_266, %parallel_loop3A_276 : vector<16xi32>
          %parallel_loop3A_278 = tpu.vector_load_idx %arg6[%parallel_loop3A_277] : memref<61456xf32, #tpu.memory_space<vmem>>[vector<16xi32>], vector<16xf32>,
          %parallel_loop3A_279 = arith.constant 3 : i32
          %parallel_loop3A_280 = vector.broadcast %parallel_loop3A_279 : i32 to vector<16xi32>
          %parallel_loop3A_281 = arith.addi %parallel_loop3A_266, %parallel_loop3A_280 : vector<16xi32>
          %parallel_loop3A_282 = tpu.vector_load_idx %arg6[%parallel_loop3A_281] : memref<61456xf32, #tpu.memory_space<vmem>>[vector<16xi32>], vector<16xf32>,
          %parallel_loop3A_283 = arith.constant 4 : i32
          %parallel_loop3A_284 = vector.broadcast %parallel_loop3A_283 : i32 to vector<16xi32>
          %parallel_loop3A_285 = arith.addi %parallel_loop3A_266, %parallel_loop3A_284 : vector<16xi32>
          %parallel_loop3A_286 = tpu.vector_load_idx %arg6[%parallel_loop3A_285] : memref<61456xf32, #tpu.memory_space<vmem>>[vector<16xi32>], vector<16xf32>,
          %parallel_loop3A_287 = arith.constant 5 : i32
          %parallel_loop3A_288 = vector.broadcast %parallel_loop3A_287 : i32 to vector<16xi32>
          %parallel_loop3A_289 = arith.addi %parallel_loop3A_266, %parallel_loop3A_288 : vector<16xi32>
          %parallel_loop3A_290 = tpu.vector_load_idx %arg6[%parallel_loop3A_289] : memref<61456xf32, #tpu.memory_space<vmem>>[vector<16xi32>], vector<16xf32>,
          %parallel_loop3A_291 = arith.constant 6 : i32
          %parallel_loop3A_292 = vector.broadcast %parallel_loop3A_291 : i32 to vector<16xi32>
          %parallel_loop3A_293 = arith.addi %parallel_loop3A_266, %parallel_loop3A_292 : vector<16xi32>
          %parallel_loop3A_294 = tpu.vector_load_idx %arg6[%parallel_loop3A_293] : memref<61456xf32, #tpu.memory_space<vmem>>[vector<16xi32>], vector<16xf32>,
          %parallel_loop3A_295 = arith.constant 16 : i32
          %parallel_loop3A_296 = arith.muli %parallel_loop3A_120, %parallel_loop3A_295 : i32
          %parallel_loop3A_297 = arith.constant 0 : i32
          %parallel_loop3A_298 = arith.index_cast %parallel_loop3A_297 : i32 to index
          %parallel_loop3A_299 = arith.index_cast %parallel_loop3A_296 : i32 to index
          %parallel_loop3A_300 = tpu.vector_load %arg10[%parallel_loop3A_298, %parallel_loop3A_299] {strides = array<i32>} : memref<64x128xf32, #tpu.memory_space<vmem>>, vector<16xf32>,
          tpu.vector_store %arg10[%parallel_loop3A_298, %parallel_loop3A_299], %parallel_loop3A_270 {strides = array<i32>} : memref<64x128xf32, #tpu.memory_space<vmem>>, vector<16xf32>,
          %parallel_loop3A_301 = arith.constant 7 : i32
          %parallel_loop3A_302 = vector.broadcast %parallel_loop3A_301 : i32 to vector<16xi32>
          %parallel_loop3A_303 = arith.addi %parallel_loop3A_266, %parallel_loop3A_302 : vector<16xi32>
          %parallel_loop3A_304 = tpu.vector_load_idx %arg6[%parallel_loop3A_303] : memref<61456xf32, #tpu.memory_space<vmem>>[vector<16xi32>], vector<16xf32>,
          %parallel_loop3A_305 = arith.constant 16 : i32
          %parallel_loop3A_306 = arith.muli %parallel_loop3A_120, %parallel_loop3A_305 : i32
          %parallel_loop3A_307 = arith.constant 1 : i32
          %parallel_loop3A_308 = arith.index_cast %parallel_loop3A_307 : i32 to index
          %parallel_loop3A_309 = arith.index_cast %parallel_loop3A_306 : i32 to index
          %parallel_loop3A_310 = tpu.vector_load %arg10[%parallel_loop3A_308, %parallel_loop3A_309] {strides = array<i32>} : memref<64x128xf32, #tpu.memory_space<vmem>>, vector<16xf32>,
          tpu.vector_store %arg10[%parallel_loop3A_308, %parallel_loop3A_309], %parallel_loop3A_274 {strides = array<i32>} : memref<64x128xf32, #tpu.memory_space<vmem>>, vector<16xf32>,
          %parallel_loop3A_311 = arith.constant 8 : i32
          %parallel_loop3A_312 = vector.broadcast %parallel_loop3A_311 : i32 to vector<16xi32>
          %parallel_loop3A_313 = arith.addi %parallel_loop3A_266, %parallel_loop3A_312 : vector<16xi32>
          %parallel_loop3A_314 = tpu.vector_load_idx %arg6[%parallel_loop3A_313] : memref<61456xf32, #tpu.memory_space<vmem>>[vector<16xi32>], vector<16xf32>,
          %parallel_loop3A_315 = arith.constant 16 : i32
          %parallel_loop3A_316 = arith.muli %parallel_loop3A_120, %parallel_loop3A_315 : i32
          %parallel_loop3A_317 = arith.constant 2 : i32
          %parallel_loop3A_318 = arith.index_cast %parallel_loop3A_317 : i32 to index
          %parallel_loop3A_319 = arith.index_cast %parallel_loop3A_316 : i32 to index
          %parallel_loop3A_320 = tpu.vector_load %arg10[%parallel_loop3A_318, %parallel_loop3A_319] {strides = array<i32>} : memref<64x128xf32, #tpu.memory_space<vmem>>, vector<16xf32>,
          tpu.vector_store %arg10[%parallel_loop3A_318, %parallel_loop3A_319], %parallel_loop3A_278 {strides = array<i32>} : memref<64x128xf32, #tpu.memory_space<vmem>>, vector<16xf32>,
          %parallel_loop3A_321 = arith.constant 9 : i32
          %parallel_loop3A_322 = vector.broadcast %parallel_loop3A_321 : i32 to vector<16xi32>
          %parallel_loop3A_323 = arith.addi %parallel_loop3A_266, %parallel_loop3A_322 : vector<16xi32>
          %parallel_loop3A_324 = tpu.vector_load_idx %arg6[%parallel_loop3A_323] : memref<61456xf32, #tpu.memory_space<vmem>>[vector<16xi32>], vector<16xf32>,
          %parallel_loop3A_325 = arith.constant 16 : i32
          %parallel_loop3A_326 = arith.muli %parallel_loop3A_120, %parallel_loop3A_325 : i32
          %parallel_loop3A_327 = arith.constant 3 : i32
          %parallel_loop3A_328 = arith.index_cast %parallel_loop3A_327 : i32 to index
          %parallel_loop3A_329 = arith.index_cast %parallel_loop3A_326 : i32 to index
          %parallel_loop3A_330 = tpu.vector_load %arg10[%parallel_loop3A_328, %parallel_loop3A_329] {strides = array<i32>} : memref<64x128xf32, #tpu.memory_space<vmem>>, vector<16xf32>,
          tpu.vector_store %arg10[%parallel_loop3A_328, %parallel_loop3A_329], %parallel_loop3A_282 {strides = array<i32>} : memref<64x128xf32, #tpu.memory_space<vmem>>, vector<16xf32>,
          %parallel_loop3A_331 = arith.constant 10 : i32
          %parallel_loop3A_332 = vector.broadcast %parallel_loop3A_331 : i32 to vector<16xi32>
          %parallel_loop3A_333 = arith.addi %parallel_loop3A_266, %parallel_loop3A_332 : vector<16xi32>
          %parallel_loop3A_334 = tpu.vector_load_idx %arg6[%parallel_loop3A_333] : memref<61456xf32, #tpu.memory_space<vmem>>[vector<16xi32>], vector<16xf32>,
          %parallel_loop3A_335 = arith.constant 16 : i32
          %parallel_loop3A_336 = arith.muli %parallel_loop3A_120, %parallel_loop3A_335 : i32
          %parallel_loop3A_337 = arith.constant 4 : i32
          %parallel_loop3A_338 = arith.index_cast %parallel_loop3A_337 : i32 to index
          %parallel_loop3A_339 = arith.index_cast %parallel_loop3A_336 : i32 to index
          %parallel_loop3A_340 = tpu.vector_load %arg10[%parallel_loop3A_338, %parallel_loop3A_339] {strides = array<i32>} : memref<64x128xf32, #tpu.memory_space<vmem>>, vector<16xf32>,
          tpu.vector_store %arg10[%parallel_loop3A_338, %parallel_loop3A_339], %parallel_loop3A_286 {strides = array<i32>} : memref<64x128xf32, #tpu.memory_space<vmem>>, vector<16xf32>,
          %parallel_loop3A_341 = arith.constant 11 : i32
          %parallel_loop3A_342 = vector.broadcast %parallel_loop3A_341 : i32 to vector<16xi32>
          %parallel_loop3A_343 = arith.addi %parallel_loop3A_266, %parallel_loop3A_342 : vector<16xi32>
          %parallel_loop3A_344 = tpu.vector_load_idx %arg6[%parallel_loop3A_343] : memref<61456xf32, #tpu.memory_space<vmem>>[vector<16xi32>], vector<16xf32>,
          %parallel_loop3A_345 = arith.constant 16 : i32
          %parallel_loop3A_346 = arith.muli %parallel_loop3A_120, %parallel_loop3A_345 : i32
          %parallel_loop3A_347 = arith.constant 5 : i32
          %parallel_loop3A_348 = arith.index_cast %parallel_loop3A_347 : i32 to index
          %parallel_loop3A_349 = arith.index_cast %parallel_loop3A_346 : i32 to index
          %parallel_loop3A_350 = tpu.vector_load %arg10[%parallel_loop3A_348, %parallel_loop3A_349] {strides = array<i32>} : memref<64x128xf32, #tpu.memory_space<vmem>>, vector<16xf32>,
          tpu.vector_store %arg10[%parallel_loop3A_348, %parallel_loop3A_349], %parallel_loop3A_290 {strides = array<i32>} : memref<64x128xf32, #tpu.memory_space<vmem>>, vector<16xf32>,
          %parallel_loop3A_351 = arith.constant 12 : i32
          %parallel_loop3A_352 = vector.broadcast %parallel_loop3A_351 : i32 to vector<16xi32>
          %parallel_loop3A_353 = arith.addi %parallel_loop3A_266, %parallel_loop3A_352 : vector<16xi32>
          %parallel_loop3A_354 = tpu.vector_load_idx %arg6[%parallel_loop3A_353] : memref<61456xf32, #tpu.memory_space<vmem>>[vector<16xi32>], vector<16xf32>,
          %parallel_loop3A_355 = arith.constant 16 : i32
          %parallel_loop3A_356 = arith.muli %parallel_loop3A_120, %parallel_loop3A_355 : i32
          %parallel_loop3A_357 = arith.constant 6 : i32
          %parallel_loop3A_358 = arith.index_cast %parallel_loop3A_357 : i32 to index
          %parallel_loop3A_359 = arith.index_cast %parallel_loop3A_356 : i32 to index
          %parallel_loop3A_360 = tpu.vector_load %arg10[%parallel_loop3A_358, %parallel_loop3A_359] {strides = array<i32>} : memref<64x128xf32, #tpu.memory_space<vmem>>, vector<16xf32>,
          tpu.vector_store %arg10[%parallel_loop3A_358, %parallel_loop3A_359], %parallel_loop3A_294 {strides = array<i32>} : memref<64x128xf32, #tpu.memory_space<vmem>>, vector<16xf32>,
          %parallel_loop3A_361 = arith.constant 13 : i32
          %parallel_loop3A_362 = vector.broadcast %parallel_loop3A_361 : i32 to vector<16xi32>
          %parallel_loop3A_363 = arith.addi %parallel_loop3A_266, %parallel_loop3A_362 : vector<16xi32>
          %parallel_loop3A_364 = tpu.vector_load_idx %arg6[%parallel_loop3A_363] : memref<61456xf32, #tpu.memory_space<vmem>>[vector<16xi32>], vector<16xf32>,
          %parallel_loop3A_365 = arith.constant 16 : i32
          %parallel_loop3A_366 = arith.muli %parallel_loop3A_120, %parallel_loop3A_365 : i32
          %parallel_loop3A_367 = arith.constant 7 : i32
          %parallel_loop3A_368 = arith.index_cast %parallel_loop3A_367 : i32 to index
          %parallel_loop3A_369 = arith.index_cast %parallel_loop3A_366 : i32 to index
          %parallel_loop3A_370 = tpu.vector_load %arg10[%parallel_loop3A_368, %parallel_loop3A_369] {strides = array<i32>} : memref<64x128xf32, #tpu.memory_space<vmem>>, vector<16xf32>,
          tpu.vector_store %arg10[%parallel_loop3A_368, %parallel_loop3A_369], %parallel_loop3A_304 {strides = array<i32>} : memref<64x128xf32, #tpu.memory_space<vmem>>, vector<16xf32>,
          %parallel_loop3A_371 = arith.constant 14 : i32
          %parallel_loop3A_372 = vector.broadcast %parallel_loop3A_371 : i32 to vector<16xi32>
          %parallel_loop3A_373 = arith.addi %parallel_loop3A_266, %parallel_loop3A_372 : vector<16xi32>
          %parallel_loop3A_374 = tpu.vector_load_idx %arg6[%parallel_loop3A_373] : memref<61456xf32, #tpu.memory_space<vmem>>[vector<16xi32>], vector<16xf32>,
          %parallel_loop3A_375 = arith.constant 16 : i32
          %parallel_loop3A_376 = arith.muli %parallel_loop3A_120, %parallel_loop3A_375 : i32
          %parallel_loop3A_377 = arith.constant 8 : i32
          %parallel_loop3A_378 = arith.index_cast %parallel_loop3A_377 : i32 to index
          %parallel_loop3A_379 = arith.index_cast %parallel_loop3A_376 : i32 to index
          %parallel_loop3A_380 = tpu.vector_load %arg10[%parallel_loop3A_378, %parallel_loop3A_379] {strides = array<i32>} : memref<64x128xf32, #tpu.memory_space<vmem>>, vector<16xf32>,
          tpu.vector_store %arg10[%parallel_loop3A_378, %parallel_loop3A_379], %parallel_loop3A_314 {strides = array<i32>} : memref<64x128xf32, #tpu.memory_space<vmem>>, vector<16xf32>,
          %parallel_loop3A_381 = arith.constant 15 : i32
          %parallel_loop3A_382 = vector.broadcast %parallel_loop3A_381 : i32 to vector<16xi32>
          %parallel_loop3A_383 = arith.addi %parallel_loop3A_266, %parallel_loop3A_382 : vector<16xi32>
          %parallel_loop3A_384 = tpu.vector_load_idx %arg6[%parallel_loop3A_383] : memref<61456xf32, #tpu.memory_space<vmem>>[vector<16xi32>], vector<16xf32>,
          %parallel_loop3A_385 = arith.constant 16 : i32
          %parallel_loop3A_386 = arith.muli %parallel_loop3A_120, %parallel_loop3A_385 : i32
          %parallel_loop3A_387 = arith.constant 9 : i32
          %parallel_loop3A_388 = arith.index_cast %parallel_loop3A_387 : i32 to index
          %parallel_loop3A_389 = arith.index_cast %parallel_loop3A_386 : i32 to index
          %parallel_loop3A_390 = tpu.vector_load %arg10[%parallel_loop3A_388, %parallel_loop3A_389] {strides = array<i32>} : memref<64x128xf32, #tpu.memory_space<vmem>>, vector<16xf32>,
          tpu.vector_store %arg10[%parallel_loop3A_388, %parallel_loop3A_389], %parallel_loop3A_324 {strides = array<i32>} : memref<64x128xf32, #tpu.memory_space<vmem>>, vector<16xf32>,
          %parallel_loop3A_391 = arith.constant 16 : i32
          %parallel_loop3A_392 = vector.broadcast %parallel_loop3A_391 : i32 to vector<16xi32>
          %parallel_loop3A_393 = arith.addi %parallel_loop3A_266, %parallel_loop3A_392 : vector<16xi32>
          %parallel_loop3A_394 = tpu.vector_load_idx %arg6[%parallel_loop3A_393] : memref<61456xf32, #tpu.memory_space<vmem>>[vector<16xi32>], vector<16xf32>,
          %parallel_loop3A_395 = arith.constant 16 : i32
          %parallel_loop3A_396 = arith.muli %parallel_loop3A_120, %parallel_loop3A_395 : i32
          %parallel_loop3A_397 = arith.constant 10 : i32
          %parallel_loop3A_398 = arith.index_cast %parallel_loop3A_397 : i32 to index
          %parallel_loop3A_399 = arith.index_cast %parallel_loop3A_396 : i32 to index
          %parallel_loop3A_400 = tpu.vector_load %arg10[%parallel_loop3A_398, %parallel_loop3A_399] {strides = array<i32>} : memref<64x128xf32, #tpu.memory_space<vmem>>, vector<16xf32>,
          tpu.vector_store %arg10[%parallel_loop3A_398, %parallel_loop3A_399], %parallel_loop3A_334 {strides = array<i32>} : memref<64x128xf32, #tpu.memory_space<vmem>>, vector<16xf32>,
          %parallel_loop3A_401 = arith.constant 17 : i32
          %parallel_loop3A_402 = vector.broadcast %parallel_loop3A_401 : i32 to vector<16xi32>
          %parallel_loop3A_403 = arith.addi %parallel_loop3A_266, %parallel_loop3A_402 : vector<16xi32>
          %parallel_loop3A_404 = tpu.vector_load_idx %arg6[%parallel_loop3A_403] : memref<61456xf32, #tpu.memory_space<vmem>>[vector<16xi32>], vector<16xf32>,
          %parallel_loop3A_405 = arith.constant 16 : i32
          %parallel_loop3A_406 = arith.muli %parallel_loop3A_120, %parallel_loop3A_405 : i32
          %parallel_loop3A_407 = arith.constant 11 : i32
          %parallel_loop3A_408 = arith.index_cast %parallel_loop3A_407 : i32 to index
          %parallel_loop3A_409 = arith.index_cast %parallel_loop3A_406 : i32 to index
          %parallel_loop3A_410 = tpu.vector_load %arg10[%parallel_loop3A_408, %parallel_loop3A_409] {strides = array<i32>} : memref<64x128xf32, #tpu.memory_space<vmem>>, vector<16xf32>,
          tpu.vector_store %arg10[%parallel_loop3A_408, %parallel_loop3A_409], %parallel_loop3A_344 {strides = array<i32>} : memref<64x128xf32, #tpu.memory_space<vmem>>, vector<16xf32>,
          %parallel_loop3A_411 = arith.constant 18 : i32
          %parallel_loop3A_412 = vector.broadcast %parallel_loop3A_411 : i32 to vector<16xi32>
          %parallel_loop3A_413 = arith.addi %parallel_loop3A_266, %parallel_loop3A_412 : vector<16xi32>
          %parallel_loop3A_414 = tpu.vector_load_idx %arg6[%parallel_loop3A_413] : memref<61456xf32, #tpu.memory_space<vmem>>[vector<16xi32>], vector<16xf32>,
          %parallel_loop3A_415 = arith.constant 16 : i32
          %parallel_loop3A_416 = arith.muli %parallel_loop3A_120, %parallel_loop3A_415 : i32
          %parallel_loop3A_417 = arith.constant 12 : i32
          %parallel_loop3A_418 = arith.index_cast %parallel_loop3A_417 : i32 to index
          %parallel_loop3A_419 = arith.index_cast %parallel_loop3A_416 : i32 to index
          %parallel_loop3A_420 = tpu.vector_load %arg10[%parallel_loop3A_418, %parallel_loop3A_419] {strides = array<i32>} : memref<64x128xf32, #tpu.memory_space<vmem>>, vector<16xf32>,
          tpu.vector_store %arg10[%parallel_loop3A_418, %parallel_loop3A_419], %parallel_loop3A_354 {strides = array<i32>} : memref<64x128xf32, #tpu.memory_space<vmem>>, vector<16xf32>,
          %parallel_loop3A_421 = arith.constant 19 : i32
          %parallel_loop3A_422 = vector.broadcast %parallel_loop3A_421 : i32 to vector<16xi32>
          %parallel_loop3A_423 = arith.addi %parallel_loop3A_266, %parallel_loop3A_422 : vector<16xi32>
          %parallel_loop3A_424 = tpu.vector_load_idx %arg6[%parallel_loop3A_423] : memref<61456xf32, #tpu.memory_space<vmem>>[vector<16xi32>], vector<16xf32>,
          %parallel_loop3A_425 = arith.constant 16 : i32
          %parallel_loop3A_426 = arith.muli %parallel_loop3A_120, %parallel_loop3A_425 : i32
          %parallel_loop3A_427 = arith.constant 13 : i32
          %parallel_loop3A_428 = arith.index_cast %parallel_loop3A_427 : i32 to index
          %parallel_loop3A_429 = arith.index_cast %parallel_loop3A_426 : i32 to index
          %parallel_loop3A_430 = tpu.vector_load %arg10[%parallel_loop3A_428, %parallel_loop3A_429] {strides = array<i32>} : memref<64x128xf32, #tpu.memory_space<vmem>>, vector<16xf32>,
          tpu.vector_store %arg10[%parallel_loop3A_428, %parallel_loop3A_429], %parallel_loop3A_364 {strides = array<i32>} : memref<64x128xf32, #tpu.memory_space<vmem>>, vector<16xf32>,
          %parallel_loop3A_431 = arith.constant 20 : i32
          %parallel_loop3A_432 = vector.broadcast %parallel_loop3A_431 : i32 to vector<16xi32>
          %parallel_loop3A_433 = arith.addi %parallel_loop3A_266, %parallel_loop3A_432 : vector<16xi32>
          %parallel_loop3A_434 = tpu.vector_load_idx %arg6[%parallel_loop3A_433] : memref<61456xf32, #tpu.memory_space<vmem>>[vector<16xi32>], vector<16xf32>,
          %parallel_loop3A_435 = arith.constant 16 : i32
          %parallel_loop3A_436 = arith.muli %parallel_loop3A_120, %parallel_loop3A_435 : i32
          %parallel_loop3A_437 = arith.constant 14 : i32
          %parallel_loop3A_438 = arith.index_cast %parallel_loop3A_437 : i32 to index
          %parallel_loop3A_439 = arith.index_cast %parallel_loop3A_436 : i32 to index
          %parallel_loop3A_440 = tpu.vector_load %arg10[%parallel_loop3A_438, %parallel_loop3A_439] {strides = array<i32>} : memref<64x128xf32, #tpu.memory_space<vmem>>, vector<16xf32>,
          tpu.vector_store %arg10[%parallel_loop3A_438, %parallel_loop3A_439], %parallel_loop3A_374 {strides = array<i32>} : memref<64x128xf32, #tpu.memory_space<vmem>>, vector<16xf32>,
          %parallel_loop3A_441 = arith.constant 21 : i32
          %parallel_loop3A_442 = vector.broadcast %parallel_loop3A_441 : i32 to vector<16xi32>
          %parallel_loop3A_443 = arith.addi %parallel_loop3A_266, %parallel_loop3A_442 : vector<16xi32>
          %parallel_loop3A_444 = tpu.vector_load_idx %arg6[%parallel_loop3A_443] : memref<61456xf32, #tpu.memory_space<vmem>>[vector<16xi32>], vector<16xf32>,
          %parallel_loop3A_445 = arith.constant 16 : i32
          %parallel_loop3A_446 = arith.muli %parallel_loop3A_120, %parallel_loop3A_445 : i32
          %parallel_loop3A_447 = arith.constant 15 : i32
          %parallel_loop3A_448 = arith.index_cast %parallel_loop3A_447 : i32 to index
          %parallel_loop3A_449 = arith.index_cast %parallel_loop3A_446 : i32 to index
          %parallel_loop3A_450 = tpu.vector_load %arg10[%parallel_loop3A_448, %parallel_loop3A_449] {strides = array<i32>} : memref<64x128xf32, #tpu.memory_space<vmem>>, vector<16xf32>,
          tpu.vector_store %arg10[%parallel_loop3A_448, %parallel_loop3A_449], %parallel_loop3A_384 {strides = array<i32>} : memref<64x128xf32, #tpu.memory_space<vmem>>, vector<16xf32>,
          %parallel_loop3A_451 = arith.constant 22 : i32
          %parallel_loop3A_452 = vector.broadcast %parallel_loop3A_451 : i32 to vector<16xi32>
          %parallel_loop3A_453 = arith.addi %parallel_loop3A_266, %parallel_loop3A_452 : vector<16xi32>
          %parallel_loop3A_454 = tpu.vector_load_idx %arg6[%parallel_loop3A_453] : memref<61456xf32, #tpu.memory_space<vmem>>[vector<16xi32>], vector<16xf32>,
          %parallel_loop3A_455 = arith.constant 16 : i32
          %parallel_loop3A_456 = arith.muli %parallel_loop3A_120, %parallel_loop3A_455 : i32
          %parallel_loop3A_457 = arith.constant 16 : i32
          %parallel_loop3A_458 = arith.index_cast %parallel_loop3A_457 : i32 to index
          %parallel_loop3A_459 = arith.index_cast %parallel_loop3A_456 : i32 to index
          %parallel_loop3A_460 = tpu.vector_load %arg10[%parallel_loop3A_458, %parallel_loop3A_459] {strides = array<i32>} : memref<64x128xf32, #tpu.memory_space<vmem>>, vector<16xf32>,
          tpu.vector_store %arg10[%parallel_loop3A_458, %parallel_loop3A_459], %parallel_loop3A_394 {strides = array<i32>} : memref<64x128xf32, #tpu.memory_space<vmem>>, vector<16xf32>,
          %parallel_loop3A_461 = arith.constant 23 : i32
          %parallel_loop3A_462 = vector.broadcast %parallel_loop3A_461 : i32 to vector<16xi32>
          %parallel_loop3A_463 = arith.addi %parallel_loop3A_266, %parallel_loop3A_462 : vector<16xi32>
          %parallel_loop3A_464 = tpu.vector_load_idx %arg6[%parallel_loop3A_463] : memref<61456xf32, #tpu.memory_space<vmem>>[vector<16xi32>], vector<16xf32>,
          %parallel_loop3A_465 = arith.constant 16 : i32
          %parallel_loop3A_466 = arith.muli %parallel_loop3A_120, %parallel_loop3A_465 : i32
          %parallel_loop3A_467 = arith.constant 17 : i32
          %parallel_loop3A_468 = arith.index_cast %parallel_loop3A_467 : i32 to index
          %parallel_loop3A_469 = arith.index_cast %parallel_loop3A_466 : i32 to index
          %parallel_loop3A_470 = tpu.vector_load %arg10[%parallel_loop3A_468, %parallel_loop3A_469] {strides = array<i32>} : memref<64x128xf32, #tpu.memory_space<vmem>>, vector<16xf32>,
          tpu.vector_store %arg10[%parallel_loop3A_468, %parallel_loop3A_469], %parallel_loop3A_404 {strides = array<i32>} : memref<64x128xf32, #tpu.memory_space<vmem>>, vector<16xf32>,
          %parallel_loop3A_471 = arith.constant 24 : i32
          %parallel_loop3A_472 = vector.broadcast %parallel_loop3A_471 : i32 to vector<16xi32>
          %parallel_loop3A_473 = arith.addi %parallel_loop3A_266, %parallel_loop3A_472 : vector<16xi32>
          %parallel_loop3A_474 = tpu.vector_load_idx %arg6[%parallel_loop3A_473] : memref<61456xf32, #tpu.memory_space<vmem>>[vector<16xi32>], vector<16xf32>,
          %parallel_loop3A_475 = arith.constant 16 : i32
          %parallel_loop3A_476 = arith.muli %parallel_loop3A_120, %parallel_loop3A_475 : i32
          %parallel_loop3A_477 = arith.constant 18 : i32
          %parallel_loop3A_478 = arith.index_cast %parallel_loop3A_477 : i32 to index
          %parallel_loop3A_479 = arith.index_cast %parallel_loop3A_476 : i32 to index
          %parallel_loop3A_480 = tpu.vector_load %arg10[%parallel_loop3A_478, %parallel_loop3A_479] {strides = array<i32>} : memref<64x128xf32, #tpu.memory_space<vmem>>, vector<16xf32>,
          tpu.vector_store %arg10[%parallel_loop3A_478, %parallel_loop3A_479], %parallel_loop3A_414 {strides = array<i32>} : memref<64x128xf32, #tpu.memory_space<vmem>>, vector<16xf32>,
          %parallel_loop3A_481 = arith.constant 25 : i32
          %parallel_loop3A_482 = vector.broadcast %parallel_loop3A_481 : i32 to vector<16xi32>
          %parallel_loop3A_483 = arith.addi %parallel_loop3A_266, %parallel_loop3A_482 : vector<16xi32>
          %parallel_loop3A_484 = tpu.vector_load_idx %arg6[%parallel_loop3A_483] : memref<61456xf32, #tpu.memory_space<vmem>>[vector<16xi32>], vector<16xf32>,
          %parallel_loop3A_485 = arith.constant 16 : i32
          %parallel_loop3A_486 = arith.muli %parallel_loop3A_120, %parallel_loop3A_485 : i32
          %parallel_loop3A_487 = arith.constant 19 : i32
          %parallel_loop3A_488 = arith.index_cast %parallel_loop3A_487 : i32 to index
          %parallel_loop3A_489 = arith.index_cast %parallel_loop3A_486 : i32 to index
          %parallel_loop3A_490 = tpu.vector_load %arg10[%parallel_loop3A_488, %parallel_loop3A_489] {strides = array<i32>} : memref<64x128xf32, #tpu.memory_space<vmem>>, vector<16xf32>,
          tpu.vector_store %arg10[%parallel_loop3A_488, %parallel_loop3A_489], %parallel_loop3A_424 {strides = array<i32>} : memref<64x128xf32, #tpu.memory_space<vmem>>, vector<16xf32>,
          %parallel_loop3A_491 = arith.constant 26 : i32
          %parallel_loop3A_492 = vector.broadcast %parallel_loop3A_491 : i32 to vector<16xi32>
          %parallel_loop3A_493 = arith.addi %parallel_loop3A_266, %parallel_loop3A_492 : vector<16xi32>
          %parallel_loop3A_494 = tpu.vector_load_idx %arg6[%parallel_loop3A_493] : memref<61456xf32, #tpu.memory_space<vmem>>[vector<16xi32>], vector<16xf32>,
          %parallel_loop3A_495 = arith.constant 16 : i32
          %parallel_loop3A_496 = arith.muli %parallel_loop3A_120, %parallel_loop3A_495 : i32
          %parallel_loop3A_497 = arith.constant 20 : i32
          %parallel_loop3A_498 = arith.index_cast %parallel_loop3A_497 : i32 to index
          %parallel_loop3A_499 = arith.index_cast %parallel_loop3A_496 : i32 to index
          %parallel_loop3A_500 = tpu.vector_load %arg10[%parallel_loop3A_498, %parallel_loop3A_499] {strides = array<i32>} : memref<64x128xf32, #tpu.memory_space<vmem>>, vector<16xf32>,
          tpu.vector_store %arg10[%parallel_loop3A_498, %parallel_loop3A_499], %parallel_loop3A_434 {strides = array<i32>} : memref<64x128xf32, #tpu.memory_space<vmem>>, vector<16xf32>,
          %parallel_loop3A_501 = arith.constant 27 : i32
          %parallel_loop3A_502 = vector.broadcast %parallel_loop3A_501 : i32 to vector<16xi32>
          %parallel_loop3A_503 = arith.addi %parallel_loop3A_266, %parallel_loop3A_502 : vector<16xi32>
          %parallel_loop3A_504 = tpu.vector_load_idx %arg6[%parallel_loop3A_503] : memref<61456xf32, #tpu.memory_space<vmem>>[vector<16xi32>], vector<16xf32>,
          %parallel_loop3A_505 = arith.constant 16 : i32
          %parallel_loop3A_506 = arith.muli %parallel_loop3A_120, %parallel_loop3A_505 : i32
          %parallel_loop3A_507 = arith.constant 21 : i32
          %parallel_loop3A_508 = arith.index_cast %parallel_loop3A_507 : i32 to index
          %parallel_loop3A_509 = arith.index_cast %parallel_loop3A_506 : i32 to index
          %parallel_loop3A_510 = tpu.vector_load %arg10[%parallel_loop3A_508, %parallel_loop3A_509] {strides = array<i32>} : memref<64x128xf32, #tpu.memory_space<vmem>>, vector<16xf32>,
          tpu.vector_store %arg10[%parallel_loop3A_508, %parallel_loop3A_509], %parallel_loop3A_444 {strides = array<i32>} : memref<64x128xf32, #tpu.memory_space<vmem>>, vector<16xf32>,
          %parallel_loop3A_511 = arith.constant 28 : i32
          %parallel_loop3A_512 = vector.broadcast %parallel_loop3A_511 : i32 to vector<16xi32>
          %parallel_loop3A_513 = arith.addi %parallel_loop3A_266, %parallel_loop3A_512 : vector<16xi32>
          %parallel_loop3A_514 = tpu.vector_load_idx %arg6[%parallel_loop3A_513] : memref<61456xf32, #tpu.memory_space<vmem>>[vector<16xi32>], vector<16xf32>,
          %parallel_loop3A_515 = arith.constant 16 : i32
          %parallel_loop3A_516 = arith.muli %parallel_loop3A_120, %parallel_loop3A_515 : i32
          %parallel_loop3A_517 = arith.constant 22 : i32
          %parallel_loop3A_518 = arith.index_cast %parallel_loop3A_517 : i32 to index
          %parallel_loop3A_519 = arith.index_cast %parallel_loop3A_516 : i32 to index
          %parallel_loop3A_520 = tpu.vector_load %arg10[%parallel_loop3A_518, %parallel_loop3A_519] {strides = array<i32>} : memref<64x128xf32, #tpu.memory_space<vmem>>, vector<16xf32>,
          tpu.vector_store %arg10[%parallel_loop3A_518, %parallel_loop3A_519], %parallel_loop3A_454 {strides = array<i32>} : memref<64x128xf32, #tpu.memory_space<vmem>>, vector<16xf32>,
          %parallel_loop3A_521 = arith.constant 29 : i32
          %parallel_loop3A_522 = vector.broadcast %parallel_loop3A_521 : i32 to vector<16xi32>
          %parallel_loop3A_523 = arith.addi %parallel_loop3A_266, %parallel_loop3A_522 : vector<16xi32>
          %parallel_loop3A_524 = tpu.vector_load_idx %arg6[%parallel_loop3A_523] : memref<61456xf32, #tpu.memory_space<vmem>>[vector<16xi32>], vector<16xf32>,
          %parallel_loop3A_525 = arith.constant 16 : i32
          %parallel_loop3A_526 = arith.muli %parallel_loop3A_120, %parallel_loop3A_525 : i32
          %parallel_loop3A_527 = arith.constant 23 : i32
          %parallel_loop3A_528 = arith.index_cast %parallel_loop3A_527 : i32 to index
          %parallel_loop3A_529 = arith.index_cast %parallel_loop3A_526 : i32 to index
          %parallel_loop3A_530 = tpu.vector_load %arg10[%parallel_loop3A_528, %parallel_loop3A_529] {strides = array<i32>} : memref<64x128xf32, #tpu.memory_space<vmem>>, vector<16xf32>,
          tpu.vector_store %arg10[%parallel_loop3A_528, %parallel_loop3A_529], %parallel_loop3A_464 {strides = array<i32>} : memref<64x128xf32, #tpu.memory_space<vmem>>, vector<16xf32>,
          %parallel_loop3A_531 = arith.constant 30 : i32
          %parallel_loop3A_532 = vector.broadcast %parallel_loop3A_531 : i32 to vector<16xi32>
          %parallel_loop3A_533 = arith.addi %parallel_loop3A_266, %parallel_loop3A_532 : vector<16xi32>
          %parallel_loop3A_534 = tpu.vector_load_idx %arg6[%parallel_loop3A_533] : memref<61456xf32, #tpu.memory_space<vmem>>[vector<16xi32>], vector<16xf32>,
          %parallel_loop3A_535 = arith.constant 16 : i32
          %parallel_loop3A_536 = arith.muli %parallel_loop3A_120, %parallel_loop3A_535 : i32
          %parallel_loop3A_537 = arith.constant 24 : i32
          %parallel_loop3A_538 = arith.index_cast %parallel_loop3A_537 : i32 to index
          %parallel_loop3A_539 = arith.index_cast %parallel_loop3A_536 : i32 to index
          %parallel_loop3A_540 = tpu.vector_load %arg10[%parallel_loop3A_538, %parallel_loop3A_539] {strides = array<i32>} : memref<64x128xf32, #tpu.memory_space<vmem>>, vector<16xf32>,
          tpu.vector_store %arg10[%parallel_loop3A_538, %parallel_loop3A_539], %parallel_loop3A_474 {strides = array<i32>} : memref<64x128xf32, #tpu.memory_space<vmem>>, vector<16xf32>,
          %parallel_loop3A_541 = arith.constant 31 : i32
          %parallel_loop3A_542 = vector.broadcast %parallel_loop3A_541 : i32 to vector<16xi32>
          %parallel_loop3A_543 = arith.addi %parallel_loop3A_266, %parallel_loop3A_542 : vector<16xi32>
          %parallel_loop3A_544 = tpu.vector_load_idx %arg6[%parallel_loop3A_543] : memref<61456xf32, #tpu.memory_space<vmem>>[vector<16xi32>], vector<16xf32>,
          %parallel_loop3A_545 = arith.constant 16 : i32
          %parallel_loop3A_546 = arith.muli %parallel_loop3A_120, %parallel_loop3A_545 : i32
          %parallel_loop3A_547 = arith.constant 25 : i32
          %parallel_loop3A_548 = arith.index_cast %parallel_loop3A_547 : i32 to index
          %parallel_loop3A_549 = arith.index_cast %parallel_loop3A_546 : i32 to index
          %parallel_loop3A_550 = tpu.vector_load %arg10[%parallel_loop3A_548, %parallel_loop3A_549] {strides = array<i32>} : memref<64x128xf32, #tpu.memory_space<vmem>>, vector<16xf32>,
          tpu.vector_store %arg10[%parallel_loop3A_548, %parallel_loop3A_549], %parallel_loop3A_484 {strides = array<i32>} : memref<64x128xf32, #tpu.memory_space<vmem>>, vector<16xf32>,
          %parallel_loop3A_551 = arith.constant 32 : i32
          %parallel_loop3A_552 = vector.broadcast %parallel_loop3A_551 : i32 to vector<16xi32>
          %parallel_loop3A_553 = arith.addi %parallel_loop3A_266, %parallel_loop3A_552 : vector<16xi32>
          %parallel_loop3A_554 = tpu.vector_load_idx %arg6[%parallel_loop3A_553] : memref<61456xf32, #tpu.memory_space<vmem>>[vector<16xi32>], vector<16xf32>,
          %parallel_loop3A_555 = arith.constant 16 : i32
          %parallel_loop3A_556 = arith.muli %parallel_loop3A_120, %parallel_loop3A_555 : i32
          %parallel_loop3A_557 = arith.constant 26 : i32
          %parallel_loop3A_558 = arith.index_cast %parallel_loop3A_557 : i32 to index
          %parallel_loop3A_559 = arith.index_cast %parallel_loop3A_556 : i32 to index
          %parallel_loop3A_560 = tpu.vector_load %arg10[%parallel_loop3A_558, %parallel_loop3A_559] {strides = array<i32>} : memref<64x128xf32, #tpu.memory_space<vmem>>, vector<16xf32>,
          tpu.vector_store %arg10[%parallel_loop3A_558, %parallel_loop3A_559], %parallel_loop3A_494 {strides = array<i32>} : memref<64x128xf32, #tpu.memory_space<vmem>>, vector<16xf32>,
          %parallel_loop3A_561 = arith.constant 33 : i32
          %parallel_loop3A_562 = vector.broadcast %parallel_loop3A_561 : i32 to vector<16xi32>
          %parallel_loop3A_563 = arith.addi %parallel_loop3A_266, %parallel_loop3A_562 : vector<16xi32>
          %parallel_loop3A_564 = tpu.vector_load_idx %arg6[%parallel_loop3A_563] : memref<61456xf32, #tpu.memory_space<vmem>>[vector<16xi32>], vector<16xf32>,
          %parallel_loop3A_565 = arith.constant 16 : i32
          %parallel_loop3A_566 = arith.muli %parallel_loop3A_120, %parallel_loop3A_565 : i32
          %parallel_loop3A_567 = arith.constant 27 : i32
          %parallel_loop3A_568 = arith.index_cast %parallel_loop3A_567 : i32 to index
          %parallel_loop3A_569 = arith.index_cast %parallel_loop3A_566 : i32 to index
          %parallel_loop3A_570 = tpu.vector_load %arg10[%parallel_loop3A_568, %parallel_loop3A_569] {strides = array<i32>} : memref<64x128xf32, #tpu.memory_space<vmem>>, vector<16xf32>,
          tpu.vector_store %arg10[%parallel_loop3A_568, %parallel_loop3A_569], %parallel_loop3A_504 {strides = array<i32>} : memref<64x128xf32, #tpu.memory_space<vmem>>, vector<16xf32>,
          %parallel_loop3A_571 = arith.constant 34 : i32
          %parallel_loop3A_572 = vector.broadcast %parallel_loop3A_571 : i32 to vector<16xi32>
          %parallel_loop3A_573 = arith.addi %parallel_loop3A_266, %parallel_loop3A_572 : vector<16xi32>
          %parallel_loop3A_574 = tpu.vector_load_idx %arg6[%parallel_loop3A_573] : memref<61456xf32, #tpu.memory_space<vmem>>[vector<16xi32>], vector<16xf32>,
          %parallel_loop3A_575 = arith.constant 16 : i32
          %parallel_loop3A_576 = arith.muli %parallel_loop3A_120, %parallel_loop3A_575 : i32
          %parallel_loop3A_577 = arith.constant 28 : i32
          %parallel_loop3A_578 = arith.index_cast %parallel_loop3A_577 : i32 to index
          %parallel_loop3A_579 = arith.index_cast %parallel_loop3A_576 : i32 to index
          %parallel_loop3A_580 = tpu.vector_load %arg10[%parallel_loop3A_578, %parallel_loop3A_579] {strides = array<i32>} : memref<64x128xf32, #tpu.memory_space<vmem>>, vector<16xf32>,
          tpu.vector_store %arg10[%parallel_loop3A_578, %parallel_loop3A_579], %parallel_loop3A_514 {strides = array<i32>} : memref<64x128xf32, #tpu.memory_space<vmem>>, vector<16xf32>,
          %parallel_loop3A_581 = arith.constant 35 : i32
          %parallel_loop3A_582 = vector.broadcast %parallel_loop3A_581 : i32 to vector<16xi32>
          %parallel_loop3A_583 = arith.addi %parallel_loop3A_266, %parallel_loop3A_582 : vector<16xi32>
          %parallel_loop3A_584 = tpu.vector_load_idx %arg6[%parallel_loop3A_583] : memref<61456xf32, #tpu.memory_space<vmem>>[vector<16xi32>], vector<16xf32>,
          %parallel_loop3A_585 = arith.constant 16 : i32
          %parallel_loop3A_586 = arith.muli %parallel_loop3A_120, %parallel_loop3A_585 : i32
          %parallel_loop3A_587 = arith.constant 29 : i32
          %parallel_loop3A_588 = arith.index_cast %parallel_loop3A_587 : i32 to index
          %parallel_loop3A_589 = arith.index_cast %parallel_loop3A_586 : i32 to index
          %parallel_loop3A_590 = tpu.vector_load %arg10[%parallel_loop3A_588, %parallel_loop3A_589] {strides = array<i32>} : memref<64x128xf32, #tpu.memory_space<vmem>>, vector<16xf32>,
          tpu.vector_store %arg10[%parallel_loop3A_588, %parallel_loop3A_589], %parallel_loop3A_524 {strides = array<i32>} : memref<64x128xf32, #tpu.memory_space<vmem>>, vector<16xf32>,
          %parallel_loop3A_591 = arith.constant 36 : i32
          %parallel_loop3A_592 = vector.broadcast %parallel_loop3A_591 : i32 to vector<16xi32>
          %parallel_loop3A_593 = arith.addi %parallel_loop3A_266, %parallel_loop3A_592 : vector<16xi32>
          %parallel_loop3A_594 = tpu.vector_load_idx %arg6[%parallel_loop3A_593] : memref<61456xf32, #tpu.memory_space<vmem>>[vector<16xi32>], vector<16xf32>,
          %parallel_loop3A_595 = arith.constant 16 : i32
          %parallel_loop3A_596 = arith.muli %parallel_loop3A_120, %parallel_loop3A_595 : i32
          %parallel_loop3A_597 = arith.constant 30 : i32
          %parallel_loop3A_598 = arith.index_cast %parallel_loop3A_597 : i32 to index
          %parallel_loop3A_599 = arith.index_cast %parallel_loop3A_596 : i32 to index
          %parallel_loop3A_600 = tpu.vector_load %arg10[%parallel_loop3A_598, %parallel_loop3A_599] {strides = array<i32>} : memref<64x128xf32, #tpu.memory_space<vmem>>, vector<16xf32>,
          tpu.vector_store %arg10[%parallel_loop3A_598, %parallel_loop3A_599], %parallel_loop3A_534 {strides = array<i32>} : memref<64x128xf32, #tpu.memory_space<vmem>>, vector<16xf32>,
          %parallel_loop3A_601 = arith.constant 37 : i32
          %parallel_loop3A_602 = vector.broadcast %parallel_loop3A_601 : i32 to vector<16xi32>
          %parallel_loop3A_603 = arith.addi %parallel_loop3A_266, %parallel_loop3A_602 : vector<16xi32>
          %parallel_loop3A_604 = tpu.vector_load_idx %arg6[%parallel_loop3A_603] : memref<61456xf32, #tpu.memory_space<vmem>>[vector<16xi32>], vector<16xf32>,
          %parallel_loop3A_605 = arith.constant 16 : i32
          %parallel_loop3A_606 = arith.muli %parallel_loop3A_120, %parallel_loop3A_605 : i32
          %parallel_loop3A_607 = arith.constant 31 : i32
          %parallel_loop3A_608 = arith.index_cast %parallel_loop3A_607 : i32 to index
          %parallel_loop3A_609 = arith.index_cast %parallel_loop3A_606 : i32 to index
          %parallel_loop3A_610 = tpu.vector_load %arg10[%parallel_loop3A_608, %parallel_loop3A_609] {strides = array<i32>} : memref<64x128xf32, #tpu.memory_space<vmem>>, vector<16xf32>,
          tpu.vector_store %arg10[%parallel_loop3A_608, %parallel_loop3A_609], %parallel_loop3A_544 {strides = array<i32>} : memref<64x128xf32, #tpu.memory_space<vmem>>, vector<16xf32>,
          %parallel_loop3A_611 = arith.constant 38 : i32
          %parallel_loop3A_612 = vector.broadcast %parallel_loop3A_611 : i32 to vector<16xi32>
          %parallel_loop3A_613 = arith.addi %parallel_loop3A_266, %parallel_loop3A_612 : vector<16xi32>
          %parallel_loop3A_614 = tpu.vector_load_idx %arg6[%parallel_loop3A_613] : memref<61456xf32, #tpu.memory_space<vmem>>[vector<16xi32>], vector<16xf32>,
          %parallel_loop3A_615 = arith.constant 16 : i32
          %parallel_loop3A_616 = arith.muli %parallel_loop3A_120, %parallel_loop3A_615 : i32
          %parallel_loop3A_617 = arith.constant 32 : i32
          %parallel_loop3A_618 = arith.index_cast %parallel_loop3A_617 : i32 to index
          %parallel_loop3A_619 = arith.index_cast %parallel_loop3A_616 : i32 to index
          %parallel_loop3A_620 = tpu.vector_load %arg10[%parallel_loop3A_618, %parallel_loop3A_619] {strides = array<i32>} : memref<64x128xf32, #tpu.memory_space<vmem>>, vector<16xf32>,
          tpu.vector_store %arg10[%parallel_loop3A_618, %parallel_loop3A_619], %parallel_loop3A_554 {strides = array<i32>} : memref<64x128xf32, #tpu.memory_space<vmem>>, vector<16xf32>,
          %parallel_loop3A_621 = arith.constant 39 : i32
          %parallel_loop3A_622 = vector.broadcast %parallel_loop3A_621 : i32 to vector<16xi32>
          %parallel_loop3A_623 = arith.addi %parallel_loop3A_266, %parallel_loop3A_622 : vector<16xi32>
          %parallel_loop3A_624 = tpu.vector_load_idx %arg6[%parallel_loop3A_623] : memref<61456xf32, #tpu.memory_space<vmem>>[vector<16xi32>], vector<16xf32>,
          %parallel_loop3A_625 = arith.constant 16 : i32
          %parallel_loop3A_626 = arith.muli %parallel_loop3A_120, %parallel_loop3A_625 : i32
          %parallel_loop3A_627 = arith.constant 33 : i32
          %parallel_loop3A_628 = arith.index_cast %parallel_loop3A_627 : i32 to index
          %parallel_loop3A_629 = arith.index_cast %parallel_loop3A_626 : i32 to index
          %parallel_loop3A_630 = tpu.vector_load %arg10[%parallel_loop3A_628, %parallel_loop3A_629] {strides = array<i32>} : memref<64x128xf32, #tpu.memory_space<vmem>>, vector<16xf32>,
          tpu.vector_store %arg10[%parallel_loop3A_628, %parallel_loop3A_629], %parallel_loop3A_564 {strides = array<i32>} : memref<64x128xf32, #tpu.memory_space<vmem>>, vector<16xf32>,
          %parallel_loop3A_631 = arith.constant 40 : i32
          %parallel_loop3A_632 = vector.broadcast %parallel_loop3A_631 : i32 to vector<16xi32>
          %parallel_loop3A_633 = arith.addi %parallel_loop3A_266, %parallel_loop3A_632 : vector<16xi32>
          %parallel_loop3A_634 = tpu.vector_load_idx %arg6[%parallel_loop3A_633] : memref<61456xf32, #tpu.memory_space<vmem>>[vector<16xi32>], vector<16xf32>,
          %parallel_loop3A_635 = arith.constant 16 : i32
          %parallel_loop3A_636 = arith.muli %parallel_loop3A_120, %parallel_loop3A_635 : i32
          %parallel_loop3A_637 = arith.constant 34 : i32
          %parallel_loop3A_638 = arith.index_cast %parallel_loop3A_637 : i32 to index
          %parallel_loop3A_639 = arith.index_cast %parallel_loop3A_636 : i32 to index
          %parallel_loop3A_640 = tpu.vector_load %arg10[%parallel_loop3A_638, %parallel_loop3A_639] {strides = array<i32>} : memref<64x128xf32, #tpu.memory_space<vmem>>, vector<16xf32>,
          tpu.vector_store %arg10[%parallel_loop3A_638, %parallel_loop3A_639], %parallel_loop3A_574 {strides = array<i32>} : memref<64x128xf32, #tpu.memory_space<vmem>>, vector<16xf32>,
          %parallel_loop3A_641 = arith.constant 41 : i32
          %parallel_loop3A_642 = vector.broadcast %parallel_loop3A_641 : i32 to vector<16xi32>
          %parallel_loop3A_643 = arith.addi %parallel_loop3A_266, %parallel_loop3A_642 : vector<16xi32>
          %parallel_loop3A_644 = tpu.vector_load_idx %arg6[%parallel_loop3A_643] : memref<61456xf32, #tpu.memory_space<vmem>>[vector<16xi32>], vector<16xf32>,
          %parallel_loop3A_645 = arith.constant 16 : i32
          %parallel_loop3A_646 = arith.muli %parallel_loop3A_120, %parallel_loop3A_645 : i32
          %parallel_loop3A_647 = arith.constant 35 : i32
          %parallel_loop3A_648 = arith.index_cast %parallel_loop3A_647 : i32 to index
          %parallel_loop3A_649 = arith.index_cast %parallel_loop3A_646 : i32 to index
          %parallel_loop3A_650 = tpu.vector_load %arg10[%parallel_loop3A_648, %parallel_loop3A_649] {strides = array<i32>} : memref<64x128xf32, #tpu.memory_space<vmem>>, vector<16xf32>,
          tpu.vector_store %arg10[%parallel_loop3A_648, %parallel_loop3A_649], %parallel_loop3A_584 {strides = array<i32>} : memref<64x128xf32, #tpu.memory_space<vmem>>, vector<16xf32>,
          %parallel_loop3A_651 = arith.constant 42 : i32
          %parallel_loop3A_652 = vector.broadcast %parallel_loop3A_651 : i32 to vector<16xi32>
          %parallel_loop3A_653 = arith.addi %parallel_loop3A_266, %parallel_loop3A_652 : vector<16xi32>
          %parallel_loop3A_654 = tpu.vector_load_idx %arg6[%parallel_loop3A_653] : memref<61456xf32, #tpu.memory_space<vmem>>[vector<16xi32>], vector<16xf32>,
          %parallel_loop3A_655 = arith.constant 16 : i32
          %parallel_loop3A_656 = arith.muli %parallel_loop3A_120, %parallel_loop3A_655 : i32
          %parallel_loop3A_657 = arith.constant 36 : i32
          %parallel_loop3A_658 = arith.index_cast %parallel_loop3A_657 : i32 to index
          %parallel_loop3A_659 = arith.index_cast %parallel_loop3A_656 : i32 to index
          %parallel_loop3A_660 = tpu.vector_load %arg10[%parallel_loop3A_658, %parallel_loop3A_659] {strides = array<i32>} : memref<64x128xf32, #tpu.memory_space<vmem>>, vector<16xf32>,
          tpu.vector_store %arg10[%parallel_loop3A_658, %parallel_loop3A_659], %parallel_loop3A_594 {strides = array<i32>} : memref<64x128xf32, #tpu.memory_space<vmem>>, vector<16xf32>,
          %parallel_loop3A_661 = arith.constant 43 : i32
          %parallel_loop3A_662 = vector.broadcast %parallel_loop3A_661 : i32 to vector<16xi32>
          %parallel_loop3A_663 = arith.addi %parallel_loop3A_266, %parallel_loop3A_662 : vector<16xi32>
          %parallel_loop3A_664 = tpu.vector_load_idx %arg6[%parallel_loop3A_663] : memref<61456xf32, #tpu.memory_space<vmem>>[vector<16xi32>], vector<16xf32>,
          %parallel_loop3A_665 = arith.constant 16 : i32
          %parallel_loop3A_666 = arith.muli %parallel_loop3A_120, %parallel_loop3A_665 : i32
          %parallel_loop3A_667 = arith.constant 37 : i32
          %parallel_loop3A_668 = arith.index_cast %parallel_loop3A_667 : i32 to index
          %parallel_loop3A_669 = arith.index_cast %parallel_loop3A_666 : i32 to index
          %parallel_loop3A_670 = tpu.vector_load %arg10[%parallel_loop3A_668, %parallel_loop3A_669] {strides = array<i32>} : memref<64x128xf32, #tpu.memory_space<vmem>>, vector<16xf32>,
          tpu.vector_store %arg10[%parallel_loop3A_668, %parallel_loop3A_669], %parallel_loop3A_604 {strides = array<i32>} : memref<64x128xf32, #tpu.memory_space<vmem>>, vector<16xf32>,
          %parallel_loop3A_671 = arith.constant 44 : i32
          %parallel_loop3A_672 = vector.broadcast %parallel_loop3A_671 : i32 to vector<16xi32>
          %parallel_loop3A_673 = arith.addi %parallel_loop3A_266, %parallel_loop3A_672 : vector<16xi32>
          %parallel_loop3A_674 = tpu.vector_load_idx %arg6[%parallel_loop3A_673] : memref<61456xf32, #tpu.memory_space<vmem>>[vector<16xi32>], vector<16xf32>,
          %parallel_loop3A_675 = arith.constant 16 : i32
          %parallel_loop3A_676 = arith.muli %parallel_loop3A_120, %parallel_loop3A_675 : i32
          %parallel_loop3A_677 = arith.constant 38 : i32
          %parallel_loop3A_678 = arith.index_cast %parallel_loop3A_677 : i32 to index
          %parallel_loop3A_679 = arith.index_cast %parallel_loop3A_676 : i32 to index
          %parallel_loop3A_680 = tpu.vector_load %arg10[%parallel_loop3A_678, %parallel_loop3A_679] {strides = array<i32>} : memref<64x128xf32, #tpu.memory_space<vmem>>, vector<16xf32>,
          tpu.vector_store %arg10[%parallel_loop3A_678, %parallel_loop3A_679], %parallel_loop3A_614 {strides = array<i32>} : memref<64x128xf32, #tpu.memory_space<vmem>>, vector<16xf32>,
          %parallel_loop3A_681 = arith.constant 45 : i32
          %parallel_loop3A_682 = vector.broadcast %parallel_loop3A_681 : i32 to vector<16xi32>
          %parallel_loop3A_683 = arith.addi %parallel_loop3A_266, %parallel_loop3A_682 : vector<16xi32>
          %parallel_loop3A_684 = tpu.vector_load_idx %arg6[%parallel_loop3A_683] : memref<61456xf32, #tpu.memory_space<vmem>>[vector<16xi32>], vector<16xf32>,
          %parallel_loop3A_685 = arith.constant 16 : i32
          %parallel_loop3A_686 = arith.muli %parallel_loop3A_120, %parallel_loop3A_685 : i32
          %parallel_loop3A_687 = arith.constant 39 : i32
          %parallel_loop3A_688 = arith.index_cast %parallel_loop3A_687 : i32 to index
          %parallel_loop3A_689 = arith.index_cast %parallel_loop3A_686 : i32 to index
          %parallel_loop3A_690 = tpu.vector_load %arg10[%parallel_loop3A_688, %parallel_loop3A_689] {strides = array<i32>} : memref<64x128xf32, #tpu.memory_space<vmem>>, vector<16xf32>,
          tpu.vector_store %arg10[%parallel_loop3A_688, %parallel_loop3A_689], %parallel_loop3A_624 {strides = array<i32>} : memref<64x128xf32, #tpu.memory_space<vmem>>, vector<16xf32>,
          %parallel_loop3A_691 = arith.constant 46 : i32
          %parallel_loop3A_692 = vector.broadcast %parallel_loop3A_691 : i32 to vector<16xi32>
          %parallel_loop3A_693 = arith.addi %parallel_loop3A_266, %parallel_loop3A_692 : vector<16xi32>
          %parallel_loop3A_694 = tpu.vector_load_idx %arg6[%parallel_loop3A_693] : memref<61456xf32, #tpu.memory_space<vmem>>[vector<16xi32>], vector<16xf32>,
          %parallel_loop3A_695 = arith.constant 16 : i32
          %parallel_loop3A_696 = arith.muli %parallel_loop3A_120, %parallel_loop3A_695 : i32
          %parallel_loop3A_697 = arith.constant 40 : i32
          %parallel_loop3A_698 = arith.index_cast %parallel_loop3A_697 : i32 to index
          %parallel_loop3A_699 = arith.index_cast %parallel_loop3A_696 : i32 to index
          %parallel_loop3A_700 = tpu.vector_load %arg10[%parallel_loop3A_698, %parallel_loop3A_699] {strides = array<i32>} : memref<64x128xf32, #tpu.memory_space<vmem>>, vector<16xf32>,
          tpu.vector_store %arg10[%parallel_loop3A_698, %parallel_loop3A_699], %parallel_loop3A_634 {strides = array<i32>} : memref<64x128xf32, #tpu.memory_space<vmem>>, vector<16xf32>,
          %parallel_loop3A_701 = arith.constant 47 : i32
          %parallel_loop3A_702 = vector.broadcast %parallel_loop3A_701 : i32 to vector<16xi32>
          %parallel_loop3A_703 = arith.addi %parallel_loop3A_266, %parallel_loop3A_702 : vector<16xi32>
          %parallel_loop3A_704 = tpu.vector_load_idx %arg6[%parallel_loop3A_703] : memref<61456xf32, #tpu.memory_space<vmem>>[vector<16xi32>], vector<16xf32>,
          %parallel_loop3A_705 = arith.constant 16 : i32
          %parallel_loop3A_706 = arith.muli %parallel_loop3A_120, %parallel_loop3A_705 : i32
          %parallel_loop3A_707 = arith.constant 41 : i32
          %parallel_loop3A_708 = arith.index_cast %parallel_loop3A_707 : i32 to index
          %parallel_loop3A_709 = arith.index_cast %parallel_loop3A_706 : i32 to index
          %parallel_loop3A_710 = tpu.vector_load %arg10[%parallel_loop3A_708, %parallel_loop3A_709] {strides = array<i32>} : memref<64x128xf32, #tpu.memory_space<vmem>>, vector<16xf32>,
          tpu.vector_store %arg10[%parallel_loop3A_708, %parallel_loop3A_709], %parallel_loop3A_644 {strides = array<i32>} : memref<64x128xf32, #tpu.memory_space<vmem>>, vector<16xf32>,
          %parallel_loop3A_711 = arith.constant 48 : i32
          %parallel_loop3A_712 = vector.broadcast %parallel_loop3A_711 : i32 to vector<16xi32>
          %parallel_loop3A_713 = arith.addi %parallel_loop3A_266, %parallel_loop3A_712 : vector<16xi32>
          %parallel_loop3A_714 = tpu.vector_load_idx %arg6[%parallel_loop3A_713] : memref<61456xf32, #tpu.memory_space<vmem>>[vector<16xi32>], vector<16xf32>,
          %parallel_loop3A_715 = arith.constant 16 : i32
          %parallel_loop3A_716 = arith.muli %parallel_loop3A_120, %parallel_loop3A_715 : i32
          %parallel_loop3A_717 = arith.constant 42 : i32
          %parallel_loop3A_718 = arith.index_cast %parallel_loop3A_717 : i32 to index
          %parallel_loop3A_719 = arith.index_cast %parallel_loop3A_716 : i32 to index
          %parallel_loop3A_720 = tpu.vector_load %arg10[%parallel_loop3A_718, %parallel_loop3A_719] {strides = array<i32>} : memref<64x128xf32, #tpu.memory_space<vmem>>, vector<16xf32>,
          tpu.vector_store %arg10[%parallel_loop3A_718, %parallel_loop3A_719], %parallel_loop3A_654 {strides = array<i32>} : memref<64x128xf32, #tpu.memory_space<vmem>>, vector<16xf32>,
          %parallel_loop3A_721 = arith.constant 49 : i32
          %parallel_loop3A_722 = vector.broadcast %parallel_loop3A_721 : i32 to vector<16xi32>
          %parallel_loop3A_723 = arith.addi %parallel_loop3A_266, %parallel_loop3A_722 : vector<16xi32>
          %parallel_loop3A_724 = tpu.vector_load_idx %arg6[%parallel_loop3A_723] : memref<61456xf32, #tpu.memory_space<vmem>>[vector<16xi32>], vector<16xf32>,
          %parallel_loop3A_725 = arith.constant 16 : i32
          %parallel_loop3A_726 = arith.muli %parallel_loop3A_120, %parallel_loop3A_725 : i32
          %parallel_loop3A_727 = arith.constant 43 : i32
          %parallel_loop3A_728 = arith.index_cast %parallel_loop3A_727 : i32 to index
          %parallel_loop3A_729 = arith.index_cast %parallel_loop3A_726 : i32 to index
          %parallel_loop3A_730 = tpu.vector_load %arg10[%parallel_loop3A_728, %parallel_loop3A_729] {strides = array<i32>} : memref<64x128xf32, #tpu.memory_space<vmem>>, vector<16xf32>,
          tpu.vector_store %arg10[%parallel_loop3A_728, %parallel_loop3A_729], %parallel_loop3A_664 {strides = array<i32>} : memref<64x128xf32, #tpu.memory_space<vmem>>, vector<16xf32>,
          %parallel_loop3A_731 = arith.constant 50 : i32
          %parallel_loop3A_732 = vector.broadcast %parallel_loop3A_731 : i32 to vector<16xi32>
          %parallel_loop3A_733 = arith.addi %parallel_loop3A_266, %parallel_loop3A_732 : vector<16xi32>
          %parallel_loop3A_734 = tpu.vector_load_idx %arg6[%parallel_loop3A_733] : memref<61456xf32, #tpu.memory_space<vmem>>[vector<16xi32>], vector<16xf32>,
          %parallel_loop3A_735 = arith.constant 16 : i32
          %parallel_loop3A_736 = arith.muli %parallel_loop3A_120, %parallel_loop3A_735 : i32
          %parallel_loop3A_737 = arith.constant 44 : i32
          %parallel_loop3A_738 = arith.index_cast %parallel_loop3A_737 : i32 to index
          %parallel_loop3A_739 = arith.index_cast %parallel_loop3A_736 : i32 to index
          %parallel_loop3A_740 = tpu.vector_load %arg10[%parallel_loop3A_738, %parallel_loop3A_739] {strides = array<i32>} : memref<64x128xf32, #tpu.memory_space<vmem>>, vector<16xf32>,
          tpu.vector_store %arg10[%parallel_loop3A_738, %parallel_loop3A_739], %parallel_loop3A_674 {strides = array<i32>} : memref<64x128xf32, #tpu.memory_space<vmem>>, vector<16xf32>,
          %parallel_loop3A_741 = arith.constant 51 : i32
          %parallel_loop3A_742 = vector.broadcast %parallel_loop3A_741 : i32 to vector<16xi32>
          %parallel_loop3A_743 = arith.addi %parallel_loop3A_266, %parallel_loop3A_742 : vector<16xi32>
          %parallel_loop3A_744 = tpu.vector_load_idx %arg6[%parallel_loop3A_743] : memref<61456xf32, #tpu.memory_space<vmem>>[vector<16xi32>], vector<16xf32>,
          %parallel_loop3A_745 = arith.constant 16 : i32
          %parallel_loop3A_746 = arith.muli %parallel_loop3A_120, %parallel_loop3A_745 : i32
          %parallel_loop3A_747 = arith.constant 45 : i32
          %parallel_loop3A_748 = arith.index_cast %parallel_loop3A_747 : i32 to index
          %parallel_loop3A_749 = arith.index_cast %parallel_loop3A_746 : i32 to index
          %parallel_loop3A_750 = tpu.vector_load %arg10[%parallel_loop3A_748, %parallel_loop3A_749] {strides = array<i32>} : memref<64x128xf32, #tpu.memory_space<vmem>>, vector<16xf32>,
          tpu.vector_store %arg10[%parallel_loop3A_748, %parallel_loop3A_749], %parallel_loop3A_684 {strides = array<i32>} : memref<64x128xf32, #tpu.memory_space<vmem>>, vector<16xf32>,
          %parallel_loop3A_751 = arith.constant 52 : i32
          %parallel_loop3A_752 = vector.broadcast %parallel_loop3A_751 : i32 to vector<16xi32>
          %parallel_loop3A_753 = arith.addi %parallel_loop3A_266, %parallel_loop3A_752 : vector<16xi32>
          %parallel_loop3A_754 = tpu.vector_load_idx %arg6[%parallel_loop3A_753] : memref<61456xf32, #tpu.memory_space<vmem>>[vector<16xi32>], vector<16xf32>,
          %parallel_loop3A_755 = arith.constant 16 : i32
          %parallel_loop3A_756 = arith.muli %parallel_loop3A_120, %parallel_loop3A_755 : i32
          %parallel_loop3A_757 = arith.constant 46 : i32
          %parallel_loop3A_758 = arith.index_cast %parallel_loop3A_757 : i32 to index
          %parallel_loop3A_759 = arith.index_cast %parallel_loop3A_756 : i32 to index
          %parallel_loop3A_760 = tpu.vector_load %arg10[%parallel_loop3A_758, %parallel_loop3A_759] {strides = array<i32>} : memref<64x128xf32, #tpu.memory_space<vmem>>, vector<16xf32>,
          tpu.vector_store %arg10[%parallel_loop3A_758, %parallel_loop3A_759], %parallel_loop3A_694 {strides = array<i32>} : memref<64x128xf32, #tpu.memory_space<vmem>>, vector<16xf32>,
          %parallel_loop3A_761 = arith.constant 53 : i32
          %parallel_loop3A_762 = vector.broadcast %parallel_loop3A_761 : i32 to vector<16xi32>
          %parallel_loop3A_763 = arith.addi %parallel_loop3A_266, %parallel_loop3A_762 : vector<16xi32>
          %parallel_loop3A_764 = tpu.vector_load_idx %arg6[%parallel_loop3A_763] : memref<61456xf32, #tpu.memory_space<vmem>>[vector<16xi32>], vector<16xf32>,
          %parallel_loop3A_765 = arith.constant 16 : i32
          %parallel_loop3A_766 = arith.muli %parallel_loop3A_120, %parallel_loop3A_765 : i32
          %parallel_loop3A_767 = arith.constant 47 : i32
          %parallel_loop3A_768 = arith.index_cast %parallel_loop3A_767 : i32 to index
          %parallel_loop3A_769 = arith.index_cast %parallel_loop3A_766 : i32 to index
          %parallel_loop3A_770 = tpu.vector_load %arg10[%parallel_loop3A_768, %parallel_loop3A_769] {strides = array<i32>} : memref<64x128xf32, #tpu.memory_space<vmem>>, vector<16xf32>,
          tpu.vector_store %arg10[%parallel_loop3A_768, %parallel_loop3A_769], %parallel_loop3A_704 {strides = array<i32>} : memref<64x128xf32, #tpu.memory_space<vmem>>, vector<16xf32>,
          %parallel_loop3A_771 = arith.constant 54 : i32
          %parallel_loop3A_772 = vector.broadcast %parallel_loop3A_771 : i32 to vector<16xi32>
          %parallel_loop3A_773 = arith.addi %parallel_loop3A_266, %parallel_loop3A_772 : vector<16xi32>
          %parallel_loop3A_774 = tpu.vector_load_idx %arg6[%parallel_loop3A_773] : memref<61456xf32, #tpu.memory_space<vmem>>[vector<16xi32>], vector<16xf32>,
          %parallel_loop3A_775 = arith.constant 16 : i32
          %parallel_loop3A_776 = arith.muli %parallel_loop3A_120, %parallel_loop3A_775 : i32
          %parallel_loop3A_777 = arith.constant 48 : i32
          %parallel_loop3A_778 = arith.index_cast %parallel_loop3A_777 : i32 to index
          %parallel_loop3A_779 = arith.index_cast %parallel_loop3A_776 : i32 to index
          %parallel_loop3A_780 = tpu.vector_load %arg10[%parallel_loop3A_778, %parallel_loop3A_779] {strides = array<i32>} : memref<64x128xf32, #tpu.memory_space<vmem>>, vector<16xf32>,
          tpu.vector_store %arg10[%parallel_loop3A_778, %parallel_loop3A_779], %parallel_loop3A_714 {strides = array<i32>} : memref<64x128xf32, #tpu.memory_space<vmem>>, vector<16xf32>,
          %parallel_loop3A_781 = arith.constant 55 : i32
          %parallel_loop3A_782 = vector.broadcast %parallel_loop3A_781 : i32 to vector<16xi32>
          %parallel_loop3A_783 = arith.addi %parallel_loop3A_266, %parallel_loop3A_782 : vector<16xi32>
          %parallel_loop3A_784 = tpu.vector_load_idx %arg6[%parallel_loop3A_783] : memref<61456xf32, #tpu.memory_space<vmem>>[vector<16xi32>], vector<16xf32>,
          %parallel_loop3A_785 = arith.constant 16 : i32
          %parallel_loop3A_786 = arith.muli %parallel_loop3A_120, %parallel_loop3A_785 : i32
          %parallel_loop3A_787 = arith.constant 49 : i32
          %parallel_loop3A_788 = arith.index_cast %parallel_loop3A_787 : i32 to index
          %parallel_loop3A_789 = arith.index_cast %parallel_loop3A_786 : i32 to index
          %parallel_loop3A_790 = tpu.vector_load %arg10[%parallel_loop3A_788, %parallel_loop3A_789] {strides = array<i32>} : memref<64x128xf32, #tpu.memory_space<vmem>>, vector<16xf32>,
          tpu.vector_store %arg10[%parallel_loop3A_788, %parallel_loop3A_789], %parallel_loop3A_724 {strides = array<i32>} : memref<64x128xf32, #tpu.memory_space<vmem>>, vector<16xf32>,
          %parallel_loop3A_791 = arith.constant 56 : i32
          %parallel_loop3A_792 = vector.broadcast %parallel_loop3A_791 : i32 to vector<16xi32>
          %parallel_loop3A_793 = arith.addi %parallel_loop3A_266, %parallel_loop3A_792 : vector<16xi32>
          %parallel_loop3A_794 = tpu.vector_load_idx %arg6[%parallel_loop3A_793] : memref<61456xf32, #tpu.memory_space<vmem>>[vector<16xi32>], vector<16xf32>,
          %parallel_loop3A_795 = arith.constant 16 : i32
          %parallel_loop3A_796 = arith.muli %parallel_loop3A_120, %parallel_loop3A_795 : i32
          %parallel_loop3A_797 = arith.constant 50 : i32
          %parallel_loop3A_798 = arith.index_cast %parallel_loop3A_797 : i32 to index
          %parallel_loop3A_799 = arith.index_cast %parallel_loop3A_796 : i32 to index
          %parallel_loop3A_800 = tpu.vector_load %arg10[%parallel_loop3A_798, %parallel_loop3A_799] {strides = array<i32>} : memref<64x128xf32, #tpu.memory_space<vmem>>, vector<16xf32>,
          tpu.vector_store %arg10[%parallel_loop3A_798, %parallel_loop3A_799], %parallel_loop3A_734 {strides = array<i32>} : memref<64x128xf32, #tpu.memory_space<vmem>>, vector<16xf32>,
          %parallel_loop3A_801 = arith.constant 57 : i32
          %parallel_loop3A_802 = vector.broadcast %parallel_loop3A_801 : i32 to vector<16xi32>
          %parallel_loop3A_803 = arith.addi %parallel_loop3A_266, %parallel_loop3A_802 : vector<16xi32>
          %parallel_loop3A_804 = tpu.vector_load_idx %arg6[%parallel_loop3A_803] : memref<61456xf32, #tpu.memory_space<vmem>>[vector<16xi32>], vector<16xf32>,
          %parallel_loop3A_805 = arith.constant 16 : i32
          %parallel_loop3A_806 = arith.muli %parallel_loop3A_120, %parallel_loop3A_805 : i32
          %parallel_loop3A_807 = arith.constant 51 : i32
          %parallel_loop3A_808 = arith.index_cast %parallel_loop3A_807 : i32 to index
          %parallel_loop3A_809 = arith.index_cast %parallel_loop3A_806 : i32 to index
          %parallel_loop3A_810 = tpu.vector_load %arg10[%parallel_loop3A_808, %parallel_loop3A_809] {strides = array<i32>} : memref<64x128xf32, #tpu.memory_space<vmem>>, vector<16xf32>,
          tpu.vector_store %arg10[%parallel_loop3A_808, %parallel_loop3A_809], %parallel_loop3A_744 {strides = array<i32>} : memref<64x128xf32, #tpu.memory_space<vmem>>, vector<16xf32>,
          %parallel_loop3A_811 = arith.constant 58 : i32
          %parallel_loop3A_812 = vector.broadcast %parallel_loop3A_811 : i32 to vector<16xi32>
          %parallel_loop3A_813 = arith.addi %parallel_loop3A_266, %parallel_loop3A_812 : vector<16xi32>
          %parallel_loop3A_814 = tpu.vector_load_idx %arg6[%parallel_loop3A_813] : memref<61456xf32, #tpu.memory_space<vmem>>[vector<16xi32>], vector<16xf32>,
          %parallel_loop3A_815 = arith.constant 16 : i32
          %parallel_loop3A_816 = arith.muli %parallel_loop3A_120, %parallel_loop3A_815 : i32
          %parallel_loop3A_817 = arith.constant 52 : i32
          %parallel_loop3A_818 = arith.index_cast %parallel_loop3A_817 : i32 to index
          %parallel_loop3A_819 = arith.index_cast %parallel_loop3A_816 : i32 to index
          %parallel_loop3A_820 = tpu.vector_load %arg10[%parallel_loop3A_818, %parallel_loop3A_819] {strides = array<i32>} : memref<64x128xf32, #tpu.memory_space<vmem>>, vector<16xf32>,
          tpu.vector_store %arg10[%parallel_loop3A_818, %parallel_loop3A_819], %parallel_loop3A_754 {strides = array<i32>} : memref<64x128xf32, #tpu.memory_space<vmem>>, vector<16xf32>,
          %parallel_loop3A_821 = arith.constant 59 : i32
          %parallel_loop3A_822 = vector.broadcast %parallel_loop3A_821 : i32 to vector<16xi32>
          %parallel_loop3A_823 = arith.addi %parallel_loop3A_266, %parallel_loop3A_822 : vector<16xi32>
          %parallel_loop3A_824 = tpu.vector_load_idx %arg6[%parallel_loop3A_823] : memref<61456xf32, #tpu.memory_space<vmem>>[vector<16xi32>], vector<16xf32>,
          %parallel_loop3A_825 = arith.constant 16 : i32
          %parallel_loop3A_826 = arith.muli %parallel_loop3A_120, %parallel_loop3A_825 : i32
          %parallel_loop3A_827 = arith.constant 53 : i32
          %parallel_loop3A_828 = arith.index_cast %parallel_loop3A_827 : i32 to index
          %parallel_loop3A_829 = arith.index_cast %parallel_loop3A_826 : i32 to index
          %parallel_loop3A_830 = tpu.vector_load %arg10[%parallel_loop3A_828, %parallel_loop3A_829] {strides = array<i32>} : memref<64x128xf32, #tpu.memory_space<vmem>>, vector<16xf32>,
          tpu.vector_store %arg10[%parallel_loop3A_828, %parallel_loop3A_829], %parallel_loop3A_764 {strides = array<i32>} : memref<64x128xf32, #tpu.memory_space<vmem>>, vector<16xf32>,
          %parallel_loop3A_831 = arith.constant 60 : i32
          %parallel_loop3A_832 = vector.broadcast %parallel_loop3A_831 : i32 to vector<16xi32>
          %parallel_loop3A_833 = arith.addi %parallel_loop3A_266, %parallel_loop3A_832 : vector<16xi32>
          %parallel_loop3A_834 = tpu.vector_load_idx %arg6[%parallel_loop3A_833] : memref<61456xf32, #tpu.memory_space<vmem>>[vector<16xi32>], vector<16xf32>,
          %parallel_loop3A_835 = arith.constant 16 : i32
          %parallel_loop3A_836 = arith.muli %parallel_loop3A_120, %parallel_loop3A_835 : i32
          %parallel_loop3A_837 = arith.constant 54 : i32
          %parallel_loop3A_838 = arith.index_cast %parallel_loop3A_837 : i32 to index
          %parallel_loop3A_839 = arith.index_cast %parallel_loop3A_836 : i32 to index
          %parallel_loop3A_840 = tpu.vector_load %arg10[%parallel_loop3A_838, %parallel_loop3A_839] {strides = array<i32>} : memref<64x128xf32, #tpu.memory_space<vmem>>, vector<16xf32>,
          tpu.vector_store %arg10[%parallel_loop3A_838, %parallel_loop3A_839], %parallel_loop3A_774 {strides = array<i32>} : memref<64x128xf32, #tpu.memory_space<vmem>>, vector<16xf32>,
          %parallel_loop3A_841 = arith.constant 61 : i32
          %parallel_loop3A_842 = vector.broadcast %parallel_loop3A_841 : i32 to vector<16xi32>
          %parallel_loop3A_843 = arith.addi %parallel_loop3A_266, %parallel_loop3A_842 : vector<16xi32>
          %parallel_loop3A_844 = tpu.vector_load_idx %arg6[%parallel_loop3A_843] : memref<61456xf32, #tpu.memory_space<vmem>>[vector<16xi32>], vector<16xf32>,
          %parallel_loop3A_845 = arith.constant 16 : i32
          %parallel_loop3A_846 = arith.muli %parallel_loop3A_120, %parallel_loop3A_845 : i32
          %parallel_loop3A_847 = arith.constant 55 : i32
          %parallel_loop3A_848 = arith.index_cast %parallel_loop3A_847 : i32 to index
          %parallel_loop3A_849 = arith.index_cast %parallel_loop3A_846 : i32 to index
          %parallel_loop3A_850 = tpu.vector_load %arg10[%parallel_loop3A_848, %parallel_loop3A_849] {strides = array<i32>} : memref<64x128xf32, #tpu.memory_space<vmem>>, vector<16xf32>,
          tpu.vector_store %arg10[%parallel_loop3A_848, %parallel_loop3A_849], %parallel_loop3A_784 {strides = array<i32>} : memref<64x128xf32, #tpu.memory_space<vmem>>, vector<16xf32>,
          %parallel_loop3A_851 = arith.constant 62 : i32
          %parallel_loop3A_852 = vector.broadcast %parallel_loop3A_851 : i32 to vector<16xi32>
          %parallel_loop3A_853 = arith.addi %parallel_loop3A_266, %parallel_loop3A_852 : vector<16xi32>
          %parallel_loop3A_854 = tpu.vector_load_idx %arg6[%parallel_loop3A_853] : memref<61456xf32, #tpu.memory_space<vmem>>[vector<16xi32>], vector<16xf32>,
          %parallel_loop3A_855 = arith.constant 16 : i32
          %parallel_loop3A_856 = arith.muli %parallel_loop3A_120, %parallel_loop3A_855 : i32
          %parallel_loop3A_857 = arith.constant 56 : i32
          %parallel_loop3A_858 = arith.index_cast %parallel_loop3A_857 : i32 to index
          %parallel_loop3A_859 = arith.index_cast %parallel_loop3A_856 : i32 to index
          %parallel_loop3A_860 = tpu.vector_load %arg10[%parallel_loop3A_858, %parallel_loop3A_859] {strides = array<i32>} : memref<64x128xf32, #tpu.memory_space<vmem>>, vector<16xf32>,
          tpu.vector_store %arg10[%parallel_loop3A_858, %parallel_loop3A_859], %parallel_loop3A_794 {strides = array<i32>} : memref<64x128xf32, #tpu.memory_space<vmem>>, vector<16xf32>,
          %parallel_loop3A_861 = arith.constant 63 : i32
          %parallel_loop3A_862 = vector.broadcast %parallel_loop3A_861 : i32 to vector<16xi32>
          %parallel_loop3A_863 = arith.addi %parallel_loop3A_266, %parallel_loop3A_862 : vector<16xi32>
          %parallel_loop3A_864 = tpu.vector_load_idx %arg6[%parallel_loop3A_863] : memref<61456xf32, #tpu.memory_space<vmem>>[vector<16xi32>], vector<16xf32>,
          %parallel_loop3A_865 = arith.constant 16 : i32
          %parallel_loop3A_866 = arith.muli %parallel_loop3A_120, %parallel_loop3A_865 : i32
          %parallel_loop3A_867 = arith.constant 57 : i32
          %parallel_loop3A_868 = arith.index_cast %parallel_loop3A_867 : i32 to index
          %parallel_loop3A_869 = arith.index_cast %parallel_loop3A_866 : i32 to index
          %parallel_loop3A_870 = tpu.vector_load %arg10[%parallel_loop3A_868, %parallel_loop3A_869] {strides = array<i32>} : memref<64x128xf32, #tpu.memory_space<vmem>>, vector<16xf32>,
          tpu.vector_store %arg10[%parallel_loop3A_868, %parallel_loop3A_869], %parallel_loop3A_804 {strides = array<i32>} : memref<64x128xf32, #tpu.memory_space<vmem>>, vector<16xf32>,
          %parallel_loop3A_871 = arith.constant 16 : i32
          %parallel_loop3A_872 = arith.muli %parallel_loop3A_120, %parallel_loop3A_871 : i32
          %parallel_loop3A_873 = arith.constant 58 : i32
          %parallel_loop3A_874 = arith.index_cast %parallel_loop3A_873 : i32 to index
          %parallel_loop3A_875 = arith.index_cast %parallel_loop3A_872 : i32 to index
          %parallel_loop3A_876 = tpu.vector_load %arg10[%parallel_loop3A_874, %parallel_loop3A_875] {strides = array<i32>} : memref<64x128xf32, #tpu.memory_space<vmem>>, vector<16xf32>,
          tpu.vector_store %arg10[%parallel_loop3A_874, %parallel_loop3A_875], %parallel_loop3A_814 {strides = array<i32>} : memref<64x128xf32, #tpu.memory_space<vmem>>, vector<16xf32>,
          %parallel_loop3A_877 = arith.constant 16 : i32
          %parallel_loop3A_878 = arith.muli %parallel_loop3A_120, %parallel_loop3A_877 : i32
          %parallel_loop3A_879 = arith.constant 59 : i32
          %parallel_loop3A_880 = arith.index_cast %parallel_loop3A_879 : i32 to index
          %parallel_loop3A_881 = arith.index_cast %parallel_loop3A_878 : i32 to index
          %parallel_loop3A_882 = tpu.vector_load %arg10[%parallel_loop3A_880, %parallel_loop3A_881] {strides = array<i32>} : memref<64x128xf32, #tpu.memory_space<vmem>>, vector<16xf32>,
          tpu.vector_store %arg10[%parallel_loop3A_880, %parallel_loop3A_881], %parallel_loop3A_824 {strides = array<i32>} : memref<64x128xf32, #tpu.memory_space<vmem>>, vector<16xf32>,
          %parallel_loop3A_883 = arith.constant 16 : i32
          %parallel_loop3A_884 = arith.muli %parallel_loop3A_120, %parallel_loop3A_883 : i32
          %parallel_loop3A_885 = arith.constant 60 : i32
          %parallel_loop3A_886 = arith.index_cast %parallel_loop3A_885 : i32 to index
          %parallel_loop3A_887 = arith.index_cast %parallel_loop3A_884 : i32 to index
          %parallel_loop3A_888 = tpu.vector_load %arg10[%parallel_loop3A_886, %parallel_loop3A_887] {strides = array<i32>} : memref<64x128xf32, #tpu.memory_space<vmem>>, vector<16xf32>,
          tpu.vector_store %arg10[%parallel_loop3A_886, %parallel_loop3A_887], %parallel_loop3A_834 {strides = array<i32>} : memref<64x128xf32, #tpu.memory_space<vmem>>, vector<16xf32>,
          %parallel_loop3A_889 = arith.constant 16 : i32
          %parallel_loop3A_890 = arith.muli %parallel_loop3A_120, %parallel_loop3A_889 : i32
          %parallel_loop3A_891 = arith.constant 61 : i32
          %parallel_loop3A_892 = arith.index_cast %parallel_loop3A_891 : i32 to index
          %parallel_loop3A_893 = arith.index_cast %parallel_loop3A_890 : i32 to index
          %parallel_loop3A_894 = tpu.vector_load %arg10[%parallel_loop3A_892, %parallel_loop3A_893] {strides = array<i32>} : memref<64x128xf32, #tpu.memory_space<vmem>>, vector<16xf32>,
          tpu.vector_store %arg10[%parallel_loop3A_892, %parallel_loop3A_893], %parallel_loop3A_844 {strides = array<i32>} : memref<64x128xf32, #tpu.memory_space<vmem>>, vector<16xf32>,
          %parallel_loop3A_895 = arith.constant 16 : i32
          %parallel_loop3A_896 = arith.muli %parallel_loop3A_120, %parallel_loop3A_895 : i32
          %parallel_loop3A_897 = arith.constant 62 : i32
          %parallel_loop3A_898 = arith.index_cast %parallel_loop3A_897 : i32 to index
          %parallel_loop3A_899 = arith.index_cast %parallel_loop3A_896 : i32 to index
          %parallel_loop3A_900 = tpu.vector_load %arg10[%parallel_loop3A_898, %parallel_loop3A_899] {strides = array<i32>} : memref<64x128xf32, #tpu.memory_space<vmem>>, vector<16xf32>,
          tpu.vector_store %arg10[%parallel_loop3A_898, %parallel_loop3A_899], %parallel_loop3A_854 {strides = array<i32>} : memref<64x128xf32, #tpu.memory_space<vmem>>, vector<16xf32>,
          %parallel_loop3A_901 = arith.constant 16 : i32
          %parallel_loop3A_902 = arith.muli %parallel_loop3A_120, %parallel_loop3A_901 : i32
          %parallel_loop3A_903 = arith.constant 63 : i32
          %parallel_loop3A_904 = arith.index_cast %parallel_loop3A_903 : i32 to index
          %parallel_loop3A_905 = arith.index_cast %parallel_loop3A_902 : i32 to index
          %parallel_loop3A_906 = tpu.vector_load %arg10[%parallel_loop3A_904, %parallel_loop3A_905] {strides = array<i32>} : memref<64x128xf32, #tpu.memory_space<vmem>>, vector<16xf32>,
          tpu.vector_store %arg10[%parallel_loop3A_904, %parallel_loop3A_905], %parallel_loop3A_864 {strides = array<i32>} : memref<64x128xf32, #tpu.memory_space<vmem>>, vector<16xf32>,
        } {sc.loop_unroll_factor = 2 : i64, sc.parallel_access}
        %mul3A_106 = arith.constant 32 : i32
        %mul3A_107 = arith.muli %add3A_53, %mul3A_106 : i32
        %add3A_108 = arith.addi %add3A, %mul3A_107 : i32
        %mul3A_109 = arith.constant 128 : i32
        %mul3A_110 = arith.muli %add3A_108, %mul3A_109 : i32
        %dma_start3A = arith.constant 0 : i32
        %dma_start3A_111 = tpu.memref_slice %arg4[%dma_start3A, %mul3A_110] : memref<64x800000xf32, #tpu.memory_space<hbm>> -> memref<64x128xf32, #tpu.memory_space<hbm>>
        %dma_start3A_112 = arith.constant 0 : i32
        %dma_start3A_113 = tpu.memref_slice %arg4[%dma_start3A_112, %mul3A_110] : memref<64x800000xf32, #tpu.memory_space<hbm>> -> memref<64x128xf32, #tpu.memory_space<hbm>>
        tpu.enqueue_dma source(%arg10 : memref<64x128xf32, #tpu.memory_space<vmem>>) target(%dma_start3A_113 : memref<64x128xf32, #tpu.memory_space<hbm>>) target_semaphore(%arg16 : memref<!tpu.dma_semaphore, #tpu.memory_space<semaphore_mem>>)
        %add3A_114 = arith.constant 3 : i32
        %add3A_115 = arith.addi %add3A_53, %add3A_114 : i32
        %lt3A_116 = arith.cmpi slt, %add3A_115, %select_n3A : i32
        %convert_element_type3A_117 = arith.extui %lt3A_116 : i1 to i32
        %cond3A_118 = arith.constant 0 : i32
        %cond3A_119 = arith.cmpi ne, %convert_element_type3A_117, %cond3A_118 : i32
        scf.if %cond3A_119 {
          %add3A_120 = arith.constant 3 : i32
          %add3A_121 = arith.addi %add3A_53, %add3A_120 : i32
          %mul3A_122 = arith.constant 32 : i32
          %mul3A_123 = arith.muli %add3A_121, %mul3A_122 : i32
          %add3A_124 = arith.addi %add3A, %mul3A_123 : i32
          %mul3A_125 = arith.constant 128 : i32
          %mul3A_126 = arith.muli %add3A_124, %mul3A_125 : i32
          %dma_start3A_127 = arith.constant 0 : i32
          %dma_start3A_128 = tpu.memref_slice %arg2[%dma_start3A_127, %mul3A_126] : memref<13x800000xf32, #tpu.memory_space<hbm>> -> memref<13x128xf32, #tpu.memory_space<hbm>>
          %dma_start3A_129 = arith.constant 0 : i32
          %dma_start3A_130 = tpu.memref_slice %arg2[%dma_start3A_129, %mul3A_126] : memref<13x800000xf32, #tpu.memory_space<hbm>> -> memref<13x128xf32, #tpu.memory_space<hbm>>
          tpu.enqueue_dma source(%dma_start3A_130 : memref<13x128xf32, #tpu.memory_space<hbm>>) target(%arg7 : memref<13x128xf32, #tpu.memory_space<vmem>>) target_semaphore(%arg13 : memref<!tpu.dma_semaphore, #tpu.memory_space<semaphore_mem>>)
        } else {
        }
      } else {
      }
      %mul3A_65 = arith.constant 3 : i32
      %mul3A_66 = arith.muli %scan3A_49, %mul3A_65 : i32
      %add3A_67 = arith.constant 1 : i32
      %add3A_68 = arith.addi %mul3A_66, %add3A_67 : i32
      %ge3A_69 = arith.constant 3 : i32
      %ge3A_70 = arith.cmpi sge, %add3A_68, %ge3A_69 : i32
      %sub3A_71 = arith.constant 3 : i32
      %sub3A_72 = arith.subi %add3A_68, %sub3A_71 : i32
      %lt3A_73 = arith.cmpi slt, %sub3A_72, %select_n3A : i32
      %and3A_74 = arith.andi %ge3A_70, %lt3A_73 : i1
      %convert_element_type3A_75 = arith.extui %and3A_74 : i1 to i32
      %cond3A_76 = arith.constant 0 : i32
      %cond3A_77 = arith.cmpi ne, %convert_element_type3A_75, %cond3A_76 : i32
      scf.if %cond3A_77 {
        %dma_wait3A = arith.constant 0 : i32
        %dma_wait3A_99 = arith.constant 0 : i32
        %dma_wait3A_100 = tpu.memref_slice %arg4[%dma_wait3A, %dma_wait3A_99] : memref<64x800000xf32, #tpu.memory_space<hbm>> -> memref<64x128xf32, #tpu.memory_space<hbm>>
        %dma_wait3A_101 = arith.constant 0 : i32
        %dma_wait3A_102 = arith.constant 0 : i32
        %dma_wait3A_103 = tpu.memref_slice %arg4[%dma_wait3A_101, %dma_wait3A_102] : memref<64x800000xf32, #tpu.memory_space<hbm>> -> memref<64x128xf32, #tpu.memory_space<hbm>>
        tpu.wait_dma2 semaphore(%arg17 : memref<!tpu.dma_semaphore, #tpu.memory_space<semaphore_mem>>) src(%arg11 : memref<64x128xf32, #tpu.memory_space<vmem>>) dst(%dma_wait3A_103 : memref<64x128xf32, #tpu.memory_space<hbm>>)
      } else {
      }
      %lt3A_78 = arith.cmpi slt, %add3A_68, %select_n3A : i32
      %convert_element_type3A_79 = arith.extui %lt3A_78 : i1 to i32
      %cond3A_80 = arith.constant 0 : i32
      %cond3A_81 = arith.cmpi ne, %convert_element_type3A_79, %cond3A_80 : i32
      scf.if %cond3A_81 {
        %dma_wait3A = arith.constant 0 : i32
        %dma_wait3A_99 = arith.constant 0 : i32
        %dma_wait3A_100 = tpu.memref_slice %arg2[%dma_wait3A, %dma_wait3A_99] : memref<13x800000xf32, #tpu.memory_space<hbm>> -> memref<13x128xf32, #tpu.memory_space<hbm>>
        %dma_wait3A_101 = arith.constant 0 : i32
        %dma_wait3A_102 = arith.constant 0 : i32
        %dma_wait3A_103 = tpu.memref_slice %arg2[%dma_wait3A_101, %dma_wait3A_102] : memref<13x800000xf32, #tpu.memory_space<hbm>> -> memref<13x128xf32, #tpu.memory_space<hbm>>
        tpu.wait_dma2 semaphore(%arg14 : memref<!tpu.dma_semaphore, #tpu.memory_space<semaphore_mem>>) src(%dma_wait3A_103 : memref<13x128xf32, #tpu.memory_space<hbm>>) dst(%arg8 : memref<13x128xf32, #tpu.memory_space<vmem>>)
        %parallel_loop3A = arith.constant 0 : i32
        %parallel_loop3A_104 = arith.constant 8 : i32
        %parallel_loop3A_105 = arith.constant 1 : i32
        scf.for %parallel_loop3A_120 = %parallel_loop3A to %parallel_loop3A_104 step %parallel_loop3A_105  : i32 {
          %parallel_loop3A_121 = arith.constant 16 : i32
          %parallel_loop3A_122 = arith.muli %parallel_loop3A_120, %parallel_loop3A_121 : i32
          %parallel_loop3A_123 = arith.constant 0 : i32
          %parallel_loop3A_124 = arith.index_cast %parallel_loop3A_123 : i32 to index
          %parallel_loop3A_125 = arith.index_cast %parallel_loop3A_122 : i32 to index
          %parallel_loop3A_126 = tpu.vector_load %arg8[%parallel_loop3A_124, %parallel_loop3A_125] {strides = array<i32>} : memref<13x128xf32, #tpu.memory_space<vmem>>, vector<16xf32>,
          %parallel_loop3A_127 = arith.constant 16 : i32
          %parallel_loop3A_128 = arith.muli %parallel_loop3A_120, %parallel_loop3A_127 : i32
          %parallel_loop3A_129 = arith.constant 1 : i32
          %parallel_loop3A_130 = arith.index_cast %parallel_loop3A_129 : i32 to index
          %parallel_loop3A_131 = arith.index_cast %parallel_loop3A_128 : i32 to index
          %parallel_loop3A_132 = tpu.vector_load %arg8[%parallel_loop3A_130, %parallel_loop3A_131] {strides = array<i32>} : memref<13x128xf32, #tpu.memory_space<vmem>>, vector<16xf32>,
          %parallel_loop3A_133 = arith.constant 16 : i32
          %parallel_loop3A_134 = arith.muli %parallel_loop3A_120, %parallel_loop3A_133 : i32
          %parallel_loop3A_135 = arith.constant 2 : i32
          %parallel_loop3A_136 = arith.index_cast %parallel_loop3A_135 : i32 to index
          %parallel_loop3A_137 = arith.index_cast %parallel_loop3A_134 : i32 to index
          %parallel_loop3A_138 = tpu.vector_load %arg8[%parallel_loop3A_136, %parallel_loop3A_137] {strides = array<i32>} : memref<13x128xf32, #tpu.memory_space<vmem>>, vector<16xf32>,
          %parallel_loop3A_139 = arith.constant 16 : i32
          %parallel_loop3A_140 = arith.muli %parallel_loop3A_120, %parallel_loop3A_139 : i32
          %parallel_loop3A_141 = arith.constant 3 : i32
          %parallel_loop3A_142 = arith.index_cast %parallel_loop3A_141 : i32 to index
          %parallel_loop3A_143 = arith.index_cast %parallel_loop3A_140 : i32 to index
          %parallel_loop3A_144 = tpu.vector_load %arg8[%parallel_loop3A_142, %parallel_loop3A_143] {strides = array<i32>} : memref<13x128xf32, #tpu.memory_space<vmem>>, vector<16xf32>,
          %parallel_loop3A_145 = arith.constant 16 : i32
          %parallel_loop3A_146 = arith.muli %parallel_loop3A_120, %parallel_loop3A_145 : i32
          %parallel_loop3A_147 = arith.constant 4 : i32
          %parallel_loop3A_148 = arith.index_cast %parallel_loop3A_147 : i32 to index
          %parallel_loop3A_149 = arith.index_cast %parallel_loop3A_146 : i32 to index
          %parallel_loop3A_150 = tpu.vector_load %arg8[%parallel_loop3A_148, %parallel_loop3A_149] {strides = array<i32>} : memref<13x128xf32, #tpu.memory_space<vmem>>, vector<16xf32>,
          %parallel_loop3A_151 = arith.constant 16 : i32
          %parallel_loop3A_152 = arith.muli %parallel_loop3A_120, %parallel_loop3A_151 : i32
          %parallel_loop3A_153 = arith.constant 5 : i32
          %parallel_loop3A_154 = arith.index_cast %parallel_loop3A_153 : i32 to index
          %parallel_loop3A_155 = arith.index_cast %parallel_loop3A_152 : i32 to index
          %parallel_loop3A_156 = tpu.vector_load %arg8[%parallel_loop3A_154, %parallel_loop3A_155] {strides = array<i32>} : memref<13x128xf32, #tpu.memory_space<vmem>>, vector<16xf32>,
          %parallel_loop3A_157 = arith.constant 16 : i32
          %parallel_loop3A_158 = arith.muli %parallel_loop3A_120, %parallel_loop3A_157 : i32
          %parallel_loop3A_159 = arith.constant 6 : i32
          %parallel_loop3A_160 = arith.index_cast %parallel_loop3A_159 : i32 to index
          %parallel_loop3A_161 = arith.index_cast %parallel_loop3A_158 : i32 to index
          %parallel_loop3A_162 = tpu.vector_load %arg8[%parallel_loop3A_160, %parallel_loop3A_161] {strides = array<i32>} : memref<13x128xf32, #tpu.memory_space<vmem>>, vector<16xf32>,
          %parallel_loop3A_163 = arith.constant 16 : i32
          %parallel_loop3A_164 = arith.muli %parallel_loop3A_120, %parallel_loop3A_163 : i32
          %parallel_loop3A_165 = arith.constant 7 : i32
          %parallel_loop3A_166 = arith.index_cast %parallel_loop3A_165 : i32 to index
          %parallel_loop3A_167 = arith.index_cast %parallel_loop3A_164 : i32 to index
          %parallel_loop3A_168 = tpu.vector_load %arg8[%parallel_loop3A_166, %parallel_loop3A_167] {strides = array<i32>} : memref<13x128xf32, #tpu.memory_space<vmem>>, vector<16xf32>,
          %parallel_loop3A_169 = arith.constant 16 : i32
          %parallel_loop3A_170 = arith.muli %parallel_loop3A_120, %parallel_loop3A_169 : i32
          %parallel_loop3A_171 = arith.constant 8 : i32
          %parallel_loop3A_172 = arith.index_cast %parallel_loop3A_171 : i32 to index
          %parallel_loop3A_173 = arith.index_cast %parallel_loop3A_170 : i32 to index
          %parallel_loop3A_174 = tpu.vector_load %arg8[%parallel_loop3A_172, %parallel_loop3A_173] {strides = array<i32>} : memref<13x128xf32, #tpu.memory_space<vmem>>, vector<16xf32>,
          %parallel_loop3A_175 = arith.constant 16 : i32
          %parallel_loop3A_176 = arith.muli %parallel_loop3A_120, %parallel_loop3A_175 : i32
          %parallel_loop3A_177 = arith.constant 9 : i32
          %parallel_loop3A_178 = arith.index_cast %parallel_loop3A_177 : i32 to index
          %parallel_loop3A_179 = arith.index_cast %parallel_loop3A_176 : i32 to index
          %parallel_loop3A_180 = tpu.vector_load %arg8[%parallel_loop3A_178, %parallel_loop3A_179] {strides = array<i32>} : memref<13x128xf32, #tpu.memory_space<vmem>>, vector<16xf32>,
          %parallel_loop3A_181 = arith.constant 16 : i32
          %parallel_loop3A_182 = arith.muli %parallel_loop3A_120, %parallel_loop3A_181 : i32
          %parallel_loop3A_183 = arith.constant 10 : i32
          %parallel_loop3A_184 = arith.index_cast %parallel_loop3A_183 : i32 to index
          %parallel_loop3A_185 = arith.index_cast %parallel_loop3A_182 : i32 to index
          %parallel_loop3A_186 = tpu.vector_load %arg8[%parallel_loop3A_184, %parallel_loop3A_185] {strides = array<i32>} : memref<13x128xf32, #tpu.memory_space<vmem>>, vector<16xf32>,
          %parallel_loop3A_187 = arith.constant 16 : i32
          %parallel_loop3A_188 = arith.muli %parallel_loop3A_120, %parallel_loop3A_187 : i32
          %parallel_loop3A_189 = arith.constant 11 : i32
          %parallel_loop3A_190 = arith.index_cast %parallel_loop3A_189 : i32 to index
          %parallel_loop3A_191 = arith.index_cast %parallel_loop3A_188 : i32 to index
          %parallel_loop3A_192 = tpu.vector_load %arg8[%parallel_loop3A_190, %parallel_loop3A_191] {strides = array<i32>} : memref<13x128xf32, #tpu.memory_space<vmem>>, vector<16xf32>,
          %parallel_loop3A_193 = arith.constant 16 : i32
          %parallel_loop3A_194 = arith.muli %parallel_loop3A_120, %parallel_loop3A_193 : i32
          %parallel_loop3A_195 = arith.constant 12 : i32
          %parallel_loop3A_196 = arith.index_cast %parallel_loop3A_195 : i32 to index
          %parallel_loop3A_197 = arith.index_cast %parallel_loop3A_194 : i32 to index
          %parallel_loop3A_198 = tpu.vector_load %arg8[%parallel_loop3A_196, %parallel_loop3A_197] {strides = array<i32>} : memref<13x128xf32, #tpu.memory_space<vmem>>, vector<16xf32>,
          %parallel_loop3A_199 = arith.constant 0 : i32
          %parallel_loop3A_200 = vector.broadcast %parallel_loop3A_199 : i32 to vector<16xi32>
          %parallel_loop3A_201 = arith.cmpf ogt, %parallel_loop3A_132, %parallel_loop3A_126 : vector<16xf32>
          %parallel_loop3A_202 = arith.constant 1 : i32
          %parallel_loop3A_203 = vector.broadcast %parallel_loop3A_202 : i32 to vector<16xi32>
          %parallel_loop3A_204 = arith.select %parallel_loop3A_201, %parallel_loop3A_203, %parallel_loop3A_200 : vector<16xi1>, vector<16xi32>
          %parallel_loop3A_205 = arith.select %parallel_loop3A_201, %parallel_loop3A_132, %parallel_loop3A_126 : vector<16xi1>, vector<16xf32>
          %parallel_loop3A_206 = arith.cmpf ogt, %parallel_loop3A_138, %parallel_loop3A_205 : vector<16xf32>
          %parallel_loop3A_207 = arith.constant 2 : i32
          %parallel_loop3A_208 = vector.broadcast %parallel_loop3A_207 : i32 to vector<16xi32>
          %parallel_loop3A_209 = arith.select %parallel_loop3A_206, %parallel_loop3A_208, %parallel_loop3A_204 : vector<16xi1>, vector<16xi32>
          %parallel_loop3A_210 = arith.select %parallel_loop3A_206, %parallel_loop3A_138, %parallel_loop3A_205 : vector<16xi1>, vector<16xf32>
          %parallel_loop3A_211 = arith.cmpf ogt, %parallel_loop3A_144, %parallel_loop3A_210 : vector<16xf32>
          %parallel_loop3A_212 = arith.constant 3 : i32
          %parallel_loop3A_213 = vector.broadcast %parallel_loop3A_212 : i32 to vector<16xi32>
          %parallel_loop3A_214 = arith.select %parallel_loop3A_211, %parallel_loop3A_213, %parallel_loop3A_209 : vector<16xi1>, vector<16xi32>
          %parallel_loop3A_215 = arith.select %parallel_loop3A_211, %parallel_loop3A_144, %parallel_loop3A_210 : vector<16xi1>, vector<16xf32>
          %parallel_loop3A_216 = arith.cmpf ogt, %parallel_loop3A_150, %parallel_loop3A_215 : vector<16xf32>
          %parallel_loop3A_217 = arith.constant 4 : i32
          %parallel_loop3A_218 = vector.broadcast %parallel_loop3A_217 : i32 to vector<16xi32>
          %parallel_loop3A_219 = arith.select %parallel_loop3A_216, %parallel_loop3A_218, %parallel_loop3A_214 : vector<16xi1>, vector<16xi32>
          %parallel_loop3A_220 = arith.select %parallel_loop3A_216, %parallel_loop3A_150, %parallel_loop3A_215 : vector<16xi1>, vector<16xf32>
          %parallel_loop3A_221 = arith.constant 0 : i32
          %parallel_loop3A_222 = vector.broadcast %parallel_loop3A_221 : i32 to vector<16xi32>
          %parallel_loop3A_223 = arith.cmpf ogt, %parallel_loop3A_162, %parallel_loop3A_156 : vector<16xf32>
          %parallel_loop3A_224 = arith.constant 1 : i32
          %parallel_loop3A_225 = vector.broadcast %parallel_loop3A_224 : i32 to vector<16xi32>
          %parallel_loop3A_226 = arith.select %parallel_loop3A_223, %parallel_loop3A_225, %parallel_loop3A_222 : vector<16xi1>, vector<16xi32>
          %parallel_loop3A_227 = arith.select %parallel_loop3A_223, %parallel_loop3A_162, %parallel_loop3A_156 : vector<16xi1>, vector<16xf32>
          %parallel_loop3A_228 = arith.cmpf ogt, %parallel_loop3A_168, %parallel_loop3A_227 : vector<16xf32>
          %parallel_loop3A_229 = arith.constant 2 : i32
          %parallel_loop3A_230 = vector.broadcast %parallel_loop3A_229 : i32 to vector<16xi32>
          %parallel_loop3A_231 = arith.select %parallel_loop3A_228, %parallel_loop3A_230, %parallel_loop3A_226 : vector<16xi1>, vector<16xi32>
          %parallel_loop3A_232 = arith.select %parallel_loop3A_228, %parallel_loop3A_168, %parallel_loop3A_227 : vector<16xi1>, vector<16xf32>
          %parallel_loop3A_233 = arith.cmpf ogt, %parallel_loop3A_174, %parallel_loop3A_232 : vector<16xf32>
          %parallel_loop3A_234 = arith.constant 3 : i32
          %parallel_loop3A_235 = vector.broadcast %parallel_loop3A_234 : i32 to vector<16xi32>
          %parallel_loop3A_236 = arith.select %parallel_loop3A_233, %parallel_loop3A_235, %parallel_loop3A_231 : vector<16xi1>, vector<16xi32>
          %parallel_loop3A_237 = arith.select %parallel_loop3A_233, %parallel_loop3A_174, %parallel_loop3A_232 : vector<16xi1>, vector<16xf32>
          %parallel_loop3A_238 = arith.cmpf ogt, %parallel_loop3A_180, %parallel_loop3A_237 : vector<16xf32>
          %parallel_loop3A_239 = arith.constant 4 : i32
          %parallel_loop3A_240 = vector.broadcast %parallel_loop3A_239 : i32 to vector<16xi32>
          %parallel_loop3A_241 = arith.select %parallel_loop3A_238, %parallel_loop3A_240, %parallel_loop3A_236 : vector<16xi1>, vector<16xi32>
          %parallel_loop3A_242 = arith.select %parallel_loop3A_238, %parallel_loop3A_180, %parallel_loop3A_237 : vector<16xi1>, vector<16xf32>
          %parallel_loop3A_243 = arith.cmpf ogt, %parallel_loop3A_186, %parallel_loop3A_242 : vector<16xf32>
          %parallel_loop3A_244 = arith.constant 5 : i32
          %parallel_loop3A_245 = vector.broadcast %parallel_loop3A_244 : i32 to vector<16xi32>
          %parallel_loop3A_246 = arith.select %parallel_loop3A_243, %parallel_loop3A_245, %parallel_loop3A_241 : vector<16xi1>, vector<16xi32>
          %parallel_loop3A_247 = arith.select %parallel_loop3A_243, %parallel_loop3A_186, %parallel_loop3A_242 : vector<16xi1>, vector<16xf32>
          %parallel_loop3A_248 = arith.constant 0 : i32
          %parallel_loop3A_249 = vector.broadcast %parallel_loop3A_248 : i32 to vector<16xi32>
          %parallel_loop3A_250 = arith.cmpf ogt, %parallel_loop3A_198, %parallel_loop3A_192 : vector<16xf32>
          %parallel_loop3A_251 = arith.constant 1 : i32
          %parallel_loop3A_252 = vector.broadcast %parallel_loop3A_251 : i32 to vector<16xi32>
          %parallel_loop3A_253 = arith.select %parallel_loop3A_250, %parallel_loop3A_252, %parallel_loop3A_249 : vector<16xi1>, vector<16xi32>
          %parallel_loop3A_254 = arith.select %parallel_loop3A_250, %parallel_loop3A_198, %parallel_loop3A_192 : vector<16xi1>, vector<16xf32>
          %parallel_loop3A_255 = arith.constant 12 : i32
          %parallel_loop3A_256 = vector.broadcast %parallel_loop3A_255 : i32 to vector<16xi32>
          %parallel_loop3A_257 = arith.muli %parallel_loop3A_219, %parallel_loop3A_256 : vector<16xi32>
          %parallel_loop3A_258 = arith.constant 2 : i32
          %parallel_loop3A_259 = vector.broadcast %parallel_loop3A_258 : i32 to vector<16xi32>
          %parallel_loop3A_260 = arith.muli %parallel_loop3A_246, %parallel_loop3A_259 : vector<16xi32>
          %parallel_loop3A_261 = arith.addi %parallel_loop3A_257, %parallel_loop3A_260 : vector<16xi32>
          %parallel_loop3A_262 = arith.addi %parallel_loop3A_261, %parallel_loop3A_253 : vector<16xi32>
          %parallel_loop3A_263 = arith.constant 64 : i32
          %parallel_loop3A_264 = vector.broadcast %parallel_loop3A_263 : i32 to vector<16xi32>
          %parallel_loop3A_265 = arith.muli %parallel_loop3A_262, %parallel_loop3A_264 : vector<16xi32>
          %parallel_loop3A_266 = arith.addi %parallel_loop3A_265, %mul3A_30 : vector<16xi32>
          %parallel_loop3A_267 = arith.constant 0 : i32
          %parallel_loop3A_268 = vector.broadcast %parallel_loop3A_267 : i32 to vector<16xi32>
          %parallel_loop3A_269 = arith.addi %parallel_loop3A_266, %parallel_loop3A_268 : vector<16xi32>
          %parallel_loop3A_270 = tpu.vector_load_idx %arg6[%parallel_loop3A_269] : memref<61456xf32, #tpu.memory_space<vmem>>[vector<16xi32>], vector<16xf32>,
          %parallel_loop3A_271 = arith.constant 1 : i32
          %parallel_loop3A_272 = vector.broadcast %parallel_loop3A_271 : i32 to vector<16xi32>
          %parallel_loop3A_273 = arith.addi %parallel_loop3A_266, %parallel_loop3A_272 : vector<16xi32>
          %parallel_loop3A_274 = tpu.vector_load_idx %arg6[%parallel_loop3A_273] : memref<61456xf32, #tpu.memory_space<vmem>>[vector<16xi32>], vector<16xf32>,
          %parallel_loop3A_275 = arith.constant 2 : i32
          %parallel_loop3A_276 = vector.broadcast %parallel_loop3A_275 : i32 to vector<16xi32>
          %parallel_loop3A_277 = arith.addi %parallel_loop3A_266, %parallel_loop3A_276 : vector<16xi32>
          %parallel_loop3A_278 = tpu.vector_load_idx %arg6[%parallel_loop3A_277] : memref<61456xf32, #tpu.memory_space<vmem>>[vector<16xi32>], vector<16xf32>,
          %parallel_loop3A_279 = arith.constant 3 : i32
          %parallel_loop3A_280 = vector.broadcast %parallel_loop3A_279 : i32 to vector<16xi32>
          %parallel_loop3A_281 = arith.addi %parallel_loop3A_266, %parallel_loop3A_280 : vector<16xi32>
          %parallel_loop3A_282 = tpu.vector_load_idx %arg6[%parallel_loop3A_281] : memref<61456xf32, #tpu.memory_space<vmem>>[vector<16xi32>], vector<16xf32>,
          %parallel_loop3A_283 = arith.constant 4 : i32
          %parallel_loop3A_284 = vector.broadcast %parallel_loop3A_283 : i32 to vector<16xi32>
          %parallel_loop3A_285 = arith.addi %parallel_loop3A_266, %parallel_loop3A_284 : vector<16xi32>
          %parallel_loop3A_286 = tpu.vector_load_idx %arg6[%parallel_loop3A_285] : memref<61456xf32, #tpu.memory_space<vmem>>[vector<16xi32>], vector<16xf32>,
          %parallel_loop3A_287 = arith.constant 5 : i32
          %parallel_loop3A_288 = vector.broadcast %parallel_loop3A_287 : i32 to vector<16xi32>
          %parallel_loop3A_289 = arith.addi %parallel_loop3A_266, %parallel_loop3A_288 : vector<16xi32>
          %parallel_loop3A_290 = tpu.vector_load_idx %arg6[%parallel_loop3A_289] : memref<61456xf32, #tpu.memory_space<vmem>>[vector<16xi32>], vector<16xf32>,
          %parallel_loop3A_291 = arith.constant 6 : i32
          %parallel_loop3A_292 = vector.broadcast %parallel_loop3A_291 : i32 to vector<16xi32>
          %parallel_loop3A_293 = arith.addi %parallel_loop3A_266, %parallel_loop3A_292 : vector<16xi32>
          %parallel_loop3A_294 = tpu.vector_load_idx %arg6[%parallel_loop3A_293] : memref<61456xf32, #tpu.memory_space<vmem>>[vector<16xi32>], vector<16xf32>,
          %parallel_loop3A_295 = arith.constant 16 : i32
          %parallel_loop3A_296 = arith.muli %parallel_loop3A_120, %parallel_loop3A_295 : i32
          %parallel_loop3A_297 = arith.constant 0 : i32
          %parallel_loop3A_298 = arith.index_cast %parallel_loop3A_297 : i32 to index
          %parallel_loop3A_299 = arith.index_cast %parallel_loop3A_296 : i32 to index
          %parallel_loop3A_300 = tpu.vector_load %arg11[%parallel_loop3A_298, %parallel_loop3A_299] {strides = array<i32>} : memref<64x128xf32, #tpu.memory_space<vmem>>, vector<16xf32>,
          tpu.vector_store %arg11[%parallel_loop3A_298, %parallel_loop3A_299], %parallel_loop3A_270 {strides = array<i32>} : memref<64x128xf32, #tpu.memory_space<vmem>>, vector<16xf32>,
          %parallel_loop3A_301 = arith.constant 7 : i32
          %parallel_loop3A_302 = vector.broadcast %parallel_loop3A_301 : i32 to vector<16xi32>
          %parallel_loop3A_303 = arith.addi %parallel_loop3A_266, %parallel_loop3A_302 : vector<16xi32>
          %parallel_loop3A_304 = tpu.vector_load_idx %arg6[%parallel_loop3A_303] : memref<61456xf32, #tpu.memory_space<vmem>>[vector<16xi32>], vector<16xf32>,
          %parallel_loop3A_305 = arith.constant 16 : i32
          %parallel_loop3A_306 = arith.muli %parallel_loop3A_120, %parallel_loop3A_305 : i32
          %parallel_loop3A_307 = arith.constant 1 : i32
          %parallel_loop3A_308 = arith.index_cast %parallel_loop3A_307 : i32 to index
          %parallel_loop3A_309 = arith.index_cast %parallel_loop3A_306 : i32 to index
          %parallel_loop3A_310 = tpu.vector_load %arg11[%parallel_loop3A_308, %parallel_loop3A_309] {strides = array<i32>} : memref<64x128xf32, #tpu.memory_space<vmem>>, vector<16xf32>,
          tpu.vector_store %arg11[%parallel_loop3A_308, %parallel_loop3A_309], %parallel_loop3A_274 {strides = array<i32>} : memref<64x128xf32, #tpu.memory_space<vmem>>, vector<16xf32>,
          %parallel_loop3A_311 = arith.constant 8 : i32
          %parallel_loop3A_312 = vector.broadcast %parallel_loop3A_311 : i32 to vector<16xi32>
          %parallel_loop3A_313 = arith.addi %parallel_loop3A_266, %parallel_loop3A_312 : vector<16xi32>
          %parallel_loop3A_314 = tpu.vector_load_idx %arg6[%parallel_loop3A_313] : memref<61456xf32, #tpu.memory_space<vmem>>[vector<16xi32>], vector<16xf32>,
          %parallel_loop3A_315 = arith.constant 16 : i32
          %parallel_loop3A_316 = arith.muli %parallel_loop3A_120, %parallel_loop3A_315 : i32
          %parallel_loop3A_317 = arith.constant 2 : i32
          %parallel_loop3A_318 = arith.index_cast %parallel_loop3A_317 : i32 to index
          %parallel_loop3A_319 = arith.index_cast %parallel_loop3A_316 : i32 to index
          %parallel_loop3A_320 = tpu.vector_load %arg11[%parallel_loop3A_318, %parallel_loop3A_319] {strides = array<i32>} : memref<64x128xf32, #tpu.memory_space<vmem>>, vector<16xf32>,
          tpu.vector_store %arg11[%parallel_loop3A_318, %parallel_loop3A_319], %parallel_loop3A_278 {strides = array<i32>} : memref<64x128xf32, #tpu.memory_space<vmem>>, vector<16xf32>,
          %parallel_loop3A_321 = arith.constant 9 : i32
          %parallel_loop3A_322 = vector.broadcast %parallel_loop3A_321 : i32 to vector<16xi32>
          %parallel_loop3A_323 = arith.addi %parallel_loop3A_266, %parallel_loop3A_322 : vector<16xi32>
          %parallel_loop3A_324 = tpu.vector_load_idx %arg6[%parallel_loop3A_323] : memref<61456xf32, #tpu.memory_space<vmem>>[vector<16xi32>], vector<16xf32>,
          %parallel_loop3A_325 = arith.constant 16 : i32
          %parallel_loop3A_326 = arith.muli %parallel_loop3A_120, %parallel_loop3A_325 : i32
          %parallel_loop3A_327 = arith.constant 3 : i32
          %parallel_loop3A_328 = arith.index_cast %parallel_loop3A_327 : i32 to index
          %parallel_loop3A_329 = arith.index_cast %parallel_loop3A_326 : i32 to index
          %parallel_loop3A_330 = tpu.vector_load %arg11[%parallel_loop3A_328, %parallel_loop3A_329] {strides = array<i32>} : memref<64x128xf32, #tpu.memory_space<vmem>>, vector<16xf32>,
          tpu.vector_store %arg11[%parallel_loop3A_328, %parallel_loop3A_329], %parallel_loop3A_282 {strides = array<i32>} : memref<64x128xf32, #tpu.memory_space<vmem>>, vector<16xf32>,
          %parallel_loop3A_331 = arith.constant 10 : i32
          %parallel_loop3A_332 = vector.broadcast %parallel_loop3A_331 : i32 to vector<16xi32>
          %parallel_loop3A_333 = arith.addi %parallel_loop3A_266, %parallel_loop3A_332 : vector<16xi32>
          %parallel_loop3A_334 = tpu.vector_load_idx %arg6[%parallel_loop3A_333] : memref<61456xf32, #tpu.memory_space<vmem>>[vector<16xi32>], vector<16xf32>,
          %parallel_loop3A_335 = arith.constant 16 : i32
          %parallel_loop3A_336 = arith.muli %parallel_loop3A_120, %parallel_loop3A_335 : i32
          %parallel_loop3A_337 = arith.constant 4 : i32
          %parallel_loop3A_338 = arith.index_cast %parallel_loop3A_337 : i32 to index
          %parallel_loop3A_339 = arith.index_cast %parallel_loop3A_336 : i32 to index
          %parallel_loop3A_340 = tpu.vector_load %arg11[%parallel_loop3A_338, %parallel_loop3A_339] {strides = array<i32>} : memref<64x128xf32, #tpu.memory_space<vmem>>, vector<16xf32>,
          tpu.vector_store %arg11[%parallel_loop3A_338, %parallel_loop3A_339], %parallel_loop3A_286 {strides = array<i32>} : memref<64x128xf32, #tpu.memory_space<vmem>>, vector<16xf32>,
          %parallel_loop3A_341 = arith.constant 11 : i32
          %parallel_loop3A_342 = vector.broadcast %parallel_loop3A_341 : i32 to vector<16xi32>
          %parallel_loop3A_343 = arith.addi %parallel_loop3A_266, %parallel_loop3A_342 : vector<16xi32>
          %parallel_loop3A_344 = tpu.vector_load_idx %arg6[%parallel_loop3A_343] : memref<61456xf32, #tpu.memory_space<vmem>>[vector<16xi32>], vector<16xf32>,
          %parallel_loop3A_345 = arith.constant 16 : i32
          %parallel_loop3A_346 = arith.muli %parallel_loop3A_120, %parallel_loop3A_345 : i32
          %parallel_loop3A_347 = arith.constant 5 : i32
          %parallel_loop3A_348 = arith.index_cast %parallel_loop3A_347 : i32 to index
          %parallel_loop3A_349 = arith.index_cast %parallel_loop3A_346 : i32 to index
          %parallel_loop3A_350 = tpu.vector_load %arg11[%parallel_loop3A_348, %parallel_loop3A_349] {strides = array<i32>} : memref<64x128xf32, #tpu.memory_space<vmem>>, vector<16xf32>,
          tpu.vector_store %arg11[%parallel_loop3A_348, %parallel_loop3A_349], %parallel_loop3A_290 {strides = array<i32>} : memref<64x128xf32, #tpu.memory_space<vmem>>, vector<16xf32>,
          %parallel_loop3A_351 = arith.constant 12 : i32
          %parallel_loop3A_352 = vector.broadcast %parallel_loop3A_351 : i32 to vector<16xi32>
          %parallel_loop3A_353 = arith.addi %parallel_loop3A_266, %parallel_loop3A_352 : vector<16xi32>
          %parallel_loop3A_354 = tpu.vector_load_idx %arg6[%parallel_loop3A_353] : memref<61456xf32, #tpu.memory_space<vmem>>[vector<16xi32>], vector<16xf32>,
          %parallel_loop3A_355 = arith.constant 16 : i32
          %parallel_loop3A_356 = arith.muli %parallel_loop3A_120, %parallel_loop3A_355 : i32
          %parallel_loop3A_357 = arith.constant 6 : i32
          %parallel_loop3A_358 = arith.index_cast %parallel_loop3A_357 : i32 to index
          %parallel_loop3A_359 = arith.index_cast %parallel_loop3A_356 : i32 to index
          %parallel_loop3A_360 = tpu.vector_load %arg11[%parallel_loop3A_358, %parallel_loop3A_359] {strides = array<i32>} : memref<64x128xf32, #tpu.memory_space<vmem>>, vector<16xf32>,
          tpu.vector_store %arg11[%parallel_loop3A_358, %parallel_loop3A_359], %parallel_loop3A_294 {strides = array<i32>} : memref<64x128xf32, #tpu.memory_space<vmem>>, vector<16xf32>,
          %parallel_loop3A_361 = arith.constant 13 : i32
          %parallel_loop3A_362 = vector.broadcast %parallel_loop3A_361 : i32 to vector<16xi32>
          %parallel_loop3A_363 = arith.addi %parallel_loop3A_266, %parallel_loop3A_362 : vector<16xi32>
          %parallel_loop3A_364 = tpu.vector_load_idx %arg6[%parallel_loop3A_363] : memref<61456xf32, #tpu.memory_space<vmem>>[vector<16xi32>], vector<16xf32>,
          %parallel_loop3A_365 = arith.constant 16 : i32
          %parallel_loop3A_366 = arith.muli %parallel_loop3A_120, %parallel_loop3A_365 : i32
          %parallel_loop3A_367 = arith.constant 7 : i32
          %parallel_loop3A_368 = arith.index_cast %parallel_loop3A_367 : i32 to index
          %parallel_loop3A_369 = arith.index_cast %parallel_loop3A_366 : i32 to index
          %parallel_loop3A_370 = tpu.vector_load %arg11[%parallel_loop3A_368, %parallel_loop3A_369] {strides = array<i32>} : memref<64x128xf32, #tpu.memory_space<vmem>>, vector<16xf32>,
          tpu.vector_store %arg11[%parallel_loop3A_368, %parallel_loop3A_369], %parallel_loop3A_304 {strides = array<i32>} : memref<64x128xf32, #tpu.memory_space<vmem>>, vector<16xf32>,
          %parallel_loop3A_371 = arith.constant 14 : i32
          %parallel_loop3A_372 = vector.broadcast %parallel_loop3A_371 : i32 to vector<16xi32>
          %parallel_loop3A_373 = arith.addi %parallel_loop3A_266, %parallel_loop3A_372 : vector<16xi32>
          %parallel_loop3A_374 = tpu.vector_load_idx %arg6[%parallel_loop3A_373] : memref<61456xf32, #tpu.memory_space<vmem>>[vector<16xi32>], vector<16xf32>,
          %parallel_loop3A_375 = arith.constant 16 : i32
          %parallel_loop3A_376 = arith.muli %parallel_loop3A_120, %parallel_loop3A_375 : i32
          %parallel_loop3A_377 = arith.constant 8 : i32
          %parallel_loop3A_378 = arith.index_cast %parallel_loop3A_377 : i32 to index
          %parallel_loop3A_379 = arith.index_cast %parallel_loop3A_376 : i32 to index
          %parallel_loop3A_380 = tpu.vector_load %arg11[%parallel_loop3A_378, %parallel_loop3A_379] {strides = array<i32>} : memref<64x128xf32, #tpu.memory_space<vmem>>, vector<16xf32>,
          tpu.vector_store %arg11[%parallel_loop3A_378, %parallel_loop3A_379], %parallel_loop3A_314 {strides = array<i32>} : memref<64x128xf32, #tpu.memory_space<vmem>>, vector<16xf32>,
          %parallel_loop3A_381 = arith.constant 15 : i32
          %parallel_loop3A_382 = vector.broadcast %parallel_loop3A_381 : i32 to vector<16xi32>
          %parallel_loop3A_383 = arith.addi %parallel_loop3A_266, %parallel_loop3A_382 : vector<16xi32>
          %parallel_loop3A_384 = tpu.vector_load_idx %arg6[%parallel_loop3A_383] : memref<61456xf32, #tpu.memory_space<vmem>>[vector<16xi32>], vector<16xf32>,
          %parallel_loop3A_385 = arith.constant 16 : i32
          %parallel_loop3A_386 = arith.muli %parallel_loop3A_120, %parallel_loop3A_385 : i32
          %parallel_loop3A_387 = arith.constant 9 : i32
          %parallel_loop3A_388 = arith.index_cast %parallel_loop3A_387 : i32 to index
          %parallel_loop3A_389 = arith.index_cast %parallel_loop3A_386 : i32 to index
          %parallel_loop3A_390 = tpu.vector_load %arg11[%parallel_loop3A_388, %parallel_loop3A_389] {strides = array<i32>} : memref<64x128xf32, #tpu.memory_space<vmem>>, vector<16xf32>,
          tpu.vector_store %arg11[%parallel_loop3A_388, %parallel_loop3A_389], %parallel_loop3A_324 {strides = array<i32>} : memref<64x128xf32, #tpu.memory_space<vmem>>, vector<16xf32>,
          %parallel_loop3A_391 = arith.constant 16 : i32
          %parallel_loop3A_392 = vector.broadcast %parallel_loop3A_391 : i32 to vector<16xi32>
          %parallel_loop3A_393 = arith.addi %parallel_loop3A_266, %parallel_loop3A_392 : vector<16xi32>
          %parallel_loop3A_394 = tpu.vector_load_idx %arg6[%parallel_loop3A_393] : memref<61456xf32, #tpu.memory_space<vmem>>[vector<16xi32>], vector<16xf32>,
          %parallel_loop3A_395 = arith.constant 16 : i32
          %parallel_loop3A_396 = arith.muli %parallel_loop3A_120, %parallel_loop3A_395 : i32
          %parallel_loop3A_397 = arith.constant 10 : i32
          %parallel_loop3A_398 = arith.index_cast %parallel_loop3A_397 : i32 to index
          %parallel_loop3A_399 = arith.index_cast %parallel_loop3A_396 : i32 to index
          %parallel_loop3A_400 = tpu.vector_load %arg11[%parallel_loop3A_398, %parallel_loop3A_399] {strides = array<i32>} : memref<64x128xf32, #tpu.memory_space<vmem>>, vector<16xf32>,
          tpu.vector_store %arg11[%parallel_loop3A_398, %parallel_loop3A_399], %parallel_loop3A_334 {strides = array<i32>} : memref<64x128xf32, #tpu.memory_space<vmem>>, vector<16xf32>,
          %parallel_loop3A_401 = arith.constant 17 : i32
          %parallel_loop3A_402 = vector.broadcast %parallel_loop3A_401 : i32 to vector<16xi32>
          %parallel_loop3A_403 = arith.addi %parallel_loop3A_266, %parallel_loop3A_402 : vector<16xi32>
          %parallel_loop3A_404 = tpu.vector_load_idx %arg6[%parallel_loop3A_403] : memref<61456xf32, #tpu.memory_space<vmem>>[vector<16xi32>], vector<16xf32>,
          %parallel_loop3A_405 = arith.constant 16 : i32
          %parallel_loop3A_406 = arith.muli %parallel_loop3A_120, %parallel_loop3A_405 : i32
          %parallel_loop3A_407 = arith.constant 11 : i32
          %parallel_loop3A_408 = arith.index_cast %parallel_loop3A_407 : i32 to index
          %parallel_loop3A_409 = arith.index_cast %parallel_loop3A_406 : i32 to index
          %parallel_loop3A_410 = tpu.vector_load %arg11[%parallel_loop3A_408, %parallel_loop3A_409] {strides = array<i32>} : memref<64x128xf32, #tpu.memory_space<vmem>>, vector<16xf32>,
          tpu.vector_store %arg11[%parallel_loop3A_408, %parallel_loop3A_409], %parallel_loop3A_344 {strides = array<i32>} : memref<64x128xf32, #tpu.memory_space<vmem>>, vector<16xf32>,
          %parallel_loop3A_411 = arith.constant 18 : i32
          %parallel_loop3A_412 = vector.broadcast %parallel_loop3A_411 : i32 to vector<16xi32>
          %parallel_loop3A_413 = arith.addi %parallel_loop3A_266, %parallel_loop3A_412 : vector<16xi32>
          %parallel_loop3A_414 = tpu.vector_load_idx %arg6[%parallel_loop3A_413] : memref<61456xf32, #tpu.memory_space<vmem>>[vector<16xi32>], vector<16xf32>,
          %parallel_loop3A_415 = arith.constant 16 : i32
          %parallel_loop3A_416 = arith.muli %parallel_loop3A_120, %parallel_loop3A_415 : i32
          %parallel_loop3A_417 = arith.constant 12 : i32
          %parallel_loop3A_418 = arith.index_cast %parallel_loop3A_417 : i32 to index
          %parallel_loop3A_419 = arith.index_cast %parallel_loop3A_416 : i32 to index
          %parallel_loop3A_420 = tpu.vector_load %arg11[%parallel_loop3A_418, %parallel_loop3A_419] {strides = array<i32>} : memref<64x128xf32, #tpu.memory_space<vmem>>, vector<16xf32>,
          tpu.vector_store %arg11[%parallel_loop3A_418, %parallel_loop3A_419], %parallel_loop3A_354 {strides = array<i32>} : memref<64x128xf32, #tpu.memory_space<vmem>>, vector<16xf32>,
          %parallel_loop3A_421 = arith.constant 19 : i32
          %parallel_loop3A_422 = vector.broadcast %parallel_loop3A_421 : i32 to vector<16xi32>
          %parallel_loop3A_423 = arith.addi %parallel_loop3A_266, %parallel_loop3A_422 : vector<16xi32>
          %parallel_loop3A_424 = tpu.vector_load_idx %arg6[%parallel_loop3A_423] : memref<61456xf32, #tpu.memory_space<vmem>>[vector<16xi32>], vector<16xf32>,
          %parallel_loop3A_425 = arith.constant 16 : i32
          %parallel_loop3A_426 = arith.muli %parallel_loop3A_120, %parallel_loop3A_425 : i32
          %parallel_loop3A_427 = arith.constant 13 : i32
          %parallel_loop3A_428 = arith.index_cast %parallel_loop3A_427 : i32 to index
          %parallel_loop3A_429 = arith.index_cast %parallel_loop3A_426 : i32 to index
          %parallel_loop3A_430 = tpu.vector_load %arg11[%parallel_loop3A_428, %parallel_loop3A_429] {strides = array<i32>} : memref<64x128xf32, #tpu.memory_space<vmem>>, vector<16xf32>,
          tpu.vector_store %arg11[%parallel_loop3A_428, %parallel_loop3A_429], %parallel_loop3A_364 {strides = array<i32>} : memref<64x128xf32, #tpu.memory_space<vmem>>, vector<16xf32>,
          %parallel_loop3A_431 = arith.constant 20 : i32
          %parallel_loop3A_432 = vector.broadcast %parallel_loop3A_431 : i32 to vector<16xi32>
          %parallel_loop3A_433 = arith.addi %parallel_loop3A_266, %parallel_loop3A_432 : vector<16xi32>
          %parallel_loop3A_434 = tpu.vector_load_idx %arg6[%parallel_loop3A_433] : memref<61456xf32, #tpu.memory_space<vmem>>[vector<16xi32>], vector<16xf32>,
          %parallel_loop3A_435 = arith.constant 16 : i32
          %parallel_loop3A_436 = arith.muli %parallel_loop3A_120, %parallel_loop3A_435 : i32
          %parallel_loop3A_437 = arith.constant 14 : i32
          %parallel_loop3A_438 = arith.index_cast %parallel_loop3A_437 : i32 to index
          %parallel_loop3A_439 = arith.index_cast %parallel_loop3A_436 : i32 to index
          %parallel_loop3A_440 = tpu.vector_load %arg11[%parallel_loop3A_438, %parallel_loop3A_439] {strides = array<i32>} : memref<64x128xf32, #tpu.memory_space<vmem>>, vector<16xf32>,
          tpu.vector_store %arg11[%parallel_loop3A_438, %parallel_loop3A_439], %parallel_loop3A_374 {strides = array<i32>} : memref<64x128xf32, #tpu.memory_space<vmem>>, vector<16xf32>,
          %parallel_loop3A_441 = arith.constant 21 : i32
          %parallel_loop3A_442 = vector.broadcast %parallel_loop3A_441 : i32 to vector<16xi32>
          %parallel_loop3A_443 = arith.addi %parallel_loop3A_266, %parallel_loop3A_442 : vector<16xi32>
          %parallel_loop3A_444 = tpu.vector_load_idx %arg6[%parallel_loop3A_443] : memref<61456xf32, #tpu.memory_space<vmem>>[vector<16xi32>], vector<16xf32>,
          %parallel_loop3A_445 = arith.constant 16 : i32
          %parallel_loop3A_446 = arith.muli %parallel_loop3A_120, %parallel_loop3A_445 : i32
          %parallel_loop3A_447 = arith.constant 15 : i32
          %parallel_loop3A_448 = arith.index_cast %parallel_loop3A_447 : i32 to index
          %parallel_loop3A_449 = arith.index_cast %parallel_loop3A_446 : i32 to index
          %parallel_loop3A_450 = tpu.vector_load %arg11[%parallel_loop3A_448, %parallel_loop3A_449] {strides = array<i32>} : memref<64x128xf32, #tpu.memory_space<vmem>>, vector<16xf32>,
          tpu.vector_store %arg11[%parallel_loop3A_448, %parallel_loop3A_449], %parallel_loop3A_384 {strides = array<i32>} : memref<64x128xf32, #tpu.memory_space<vmem>>, vector<16xf32>,
          %parallel_loop3A_451 = arith.constant 22 : i32
          %parallel_loop3A_452 = vector.broadcast %parallel_loop3A_451 : i32 to vector<16xi32>
          %parallel_loop3A_453 = arith.addi %parallel_loop3A_266, %parallel_loop3A_452 : vector<16xi32>
          %parallel_loop3A_454 = tpu.vector_load_idx %arg6[%parallel_loop3A_453] : memref<61456xf32, #tpu.memory_space<vmem>>[vector<16xi32>], vector<16xf32>,
          %parallel_loop3A_455 = arith.constant 16 : i32
          %parallel_loop3A_456 = arith.muli %parallel_loop3A_120, %parallel_loop3A_455 : i32
          %parallel_loop3A_457 = arith.constant 16 : i32
          %parallel_loop3A_458 = arith.index_cast %parallel_loop3A_457 : i32 to index
          %parallel_loop3A_459 = arith.index_cast %parallel_loop3A_456 : i32 to index
          %parallel_loop3A_460 = tpu.vector_load %arg11[%parallel_loop3A_458, %parallel_loop3A_459] {strides = array<i32>} : memref<64x128xf32, #tpu.memory_space<vmem>>, vector<16xf32>,
          tpu.vector_store %arg11[%parallel_loop3A_458, %parallel_loop3A_459], %parallel_loop3A_394 {strides = array<i32>} : memref<64x128xf32, #tpu.memory_space<vmem>>, vector<16xf32>,
          %parallel_loop3A_461 = arith.constant 23 : i32
          %parallel_loop3A_462 = vector.broadcast %parallel_loop3A_461 : i32 to vector<16xi32>
          %parallel_loop3A_463 = arith.addi %parallel_loop3A_266, %parallel_loop3A_462 : vector<16xi32>
          %parallel_loop3A_464 = tpu.vector_load_idx %arg6[%parallel_loop3A_463] : memref<61456xf32, #tpu.memory_space<vmem>>[vector<16xi32>], vector<16xf32>,
          %parallel_loop3A_465 = arith.constant 16 : i32
          %parallel_loop3A_466 = arith.muli %parallel_loop3A_120, %parallel_loop3A_465 : i32
          %parallel_loop3A_467 = arith.constant 17 : i32
          %parallel_loop3A_468 = arith.index_cast %parallel_loop3A_467 : i32 to index
          %parallel_loop3A_469 = arith.index_cast %parallel_loop3A_466 : i32 to index
          %parallel_loop3A_470 = tpu.vector_load %arg11[%parallel_loop3A_468, %parallel_loop3A_469] {strides = array<i32>} : memref<64x128xf32, #tpu.memory_space<vmem>>, vector<16xf32>,
          tpu.vector_store %arg11[%parallel_loop3A_468, %parallel_loop3A_469], %parallel_loop3A_404 {strides = array<i32>} : memref<64x128xf32, #tpu.memory_space<vmem>>, vector<16xf32>,
          %parallel_loop3A_471 = arith.constant 24 : i32
          %parallel_loop3A_472 = vector.broadcast %parallel_loop3A_471 : i32 to vector<16xi32>
          %parallel_loop3A_473 = arith.addi %parallel_loop3A_266, %parallel_loop3A_472 : vector<16xi32>
          %parallel_loop3A_474 = tpu.vector_load_idx %arg6[%parallel_loop3A_473] : memref<61456xf32, #tpu.memory_space<vmem>>[vector<16xi32>], vector<16xf32>,
          %parallel_loop3A_475 = arith.constant 16 : i32
          %parallel_loop3A_476 = arith.muli %parallel_loop3A_120, %parallel_loop3A_475 : i32
          %parallel_loop3A_477 = arith.constant 18 : i32
          %parallel_loop3A_478 = arith.index_cast %parallel_loop3A_477 : i32 to index
          %parallel_loop3A_479 = arith.index_cast %parallel_loop3A_476 : i32 to index
          %parallel_loop3A_480 = tpu.vector_load %arg11[%parallel_loop3A_478, %parallel_loop3A_479] {strides = array<i32>} : memref<64x128xf32, #tpu.memory_space<vmem>>, vector<16xf32>,
          tpu.vector_store %arg11[%parallel_loop3A_478, %parallel_loop3A_479], %parallel_loop3A_414 {strides = array<i32>} : memref<64x128xf32, #tpu.memory_space<vmem>>, vector<16xf32>,
          %parallel_loop3A_481 = arith.constant 25 : i32
          %parallel_loop3A_482 = vector.broadcast %parallel_loop3A_481 : i32 to vector<16xi32>
          %parallel_loop3A_483 = arith.addi %parallel_loop3A_266, %parallel_loop3A_482 : vector<16xi32>
          %parallel_loop3A_484 = tpu.vector_load_idx %arg6[%parallel_loop3A_483] : memref<61456xf32, #tpu.memory_space<vmem>>[vector<16xi32>], vector<16xf32>,
          %parallel_loop3A_485 = arith.constant 16 : i32
          %parallel_loop3A_486 = arith.muli %parallel_loop3A_120, %parallel_loop3A_485 : i32
          %parallel_loop3A_487 = arith.constant 19 : i32
          %parallel_loop3A_488 = arith.index_cast %parallel_loop3A_487 : i32 to index
          %parallel_loop3A_489 = arith.index_cast %parallel_loop3A_486 : i32 to index
          %parallel_loop3A_490 = tpu.vector_load %arg11[%parallel_loop3A_488, %parallel_loop3A_489] {strides = array<i32>} : memref<64x128xf32, #tpu.memory_space<vmem>>, vector<16xf32>,
          tpu.vector_store %arg11[%parallel_loop3A_488, %parallel_loop3A_489], %parallel_loop3A_424 {strides = array<i32>} : memref<64x128xf32, #tpu.memory_space<vmem>>, vector<16xf32>,
          %parallel_loop3A_491 = arith.constant 26 : i32
          %parallel_loop3A_492 = vector.broadcast %parallel_loop3A_491 : i32 to vector<16xi32>
          %parallel_loop3A_493 = arith.addi %parallel_loop3A_266, %parallel_loop3A_492 : vector<16xi32>
          %parallel_loop3A_494 = tpu.vector_load_idx %arg6[%parallel_loop3A_493] : memref<61456xf32, #tpu.memory_space<vmem>>[vector<16xi32>], vector<16xf32>,
          %parallel_loop3A_495 = arith.constant 16 : i32
          %parallel_loop3A_496 = arith.muli %parallel_loop3A_120, %parallel_loop3A_495 : i32
          %parallel_loop3A_497 = arith.constant 20 : i32
          %parallel_loop3A_498 = arith.index_cast %parallel_loop3A_497 : i32 to index
          %parallel_loop3A_499 = arith.index_cast %parallel_loop3A_496 : i32 to index
          %parallel_loop3A_500 = tpu.vector_load %arg11[%parallel_loop3A_498, %parallel_loop3A_499] {strides = array<i32>} : memref<64x128xf32, #tpu.memory_space<vmem>>, vector<16xf32>,
          tpu.vector_store %arg11[%parallel_loop3A_498, %parallel_loop3A_499], %parallel_loop3A_434 {strides = array<i32>} : memref<64x128xf32, #tpu.memory_space<vmem>>, vector<16xf32>,
          %parallel_loop3A_501 = arith.constant 27 : i32
          %parallel_loop3A_502 = vector.broadcast %parallel_loop3A_501 : i32 to vector<16xi32>
          %parallel_loop3A_503 = arith.addi %parallel_loop3A_266, %parallel_loop3A_502 : vector<16xi32>
          %parallel_loop3A_504 = tpu.vector_load_idx %arg6[%parallel_loop3A_503] : memref<61456xf32, #tpu.memory_space<vmem>>[vector<16xi32>], vector<16xf32>,
          %parallel_loop3A_505 = arith.constant 16 : i32
          %parallel_loop3A_506 = arith.muli %parallel_loop3A_120, %parallel_loop3A_505 : i32
          %parallel_loop3A_507 = arith.constant 21 : i32
          %parallel_loop3A_508 = arith.index_cast %parallel_loop3A_507 : i32 to index
          %parallel_loop3A_509 = arith.index_cast %parallel_loop3A_506 : i32 to index
          %parallel_loop3A_510 = tpu.vector_load %arg11[%parallel_loop3A_508, %parallel_loop3A_509] {strides = array<i32>} : memref<64x128xf32, #tpu.memory_space<vmem>>, vector<16xf32>,
          tpu.vector_store %arg11[%parallel_loop3A_508, %parallel_loop3A_509], %parallel_loop3A_444 {strides = array<i32>} : memref<64x128xf32, #tpu.memory_space<vmem>>, vector<16xf32>,
          %parallel_loop3A_511 = arith.constant 28 : i32
          %parallel_loop3A_512 = vector.broadcast %parallel_loop3A_511 : i32 to vector<16xi32>
          %parallel_loop3A_513 = arith.addi %parallel_loop3A_266, %parallel_loop3A_512 : vector<16xi32>
          %parallel_loop3A_514 = tpu.vector_load_idx %arg6[%parallel_loop3A_513] : memref<61456xf32, #tpu.memory_space<vmem>>[vector<16xi32>], vector<16xf32>,
          %parallel_loop3A_515 = arith.constant 16 : i32
          %parallel_loop3A_516 = arith.muli %parallel_loop3A_120, %parallel_loop3A_515 : i32
          %parallel_loop3A_517 = arith.constant 22 : i32
          %parallel_loop3A_518 = arith.index_cast %parallel_loop3A_517 : i32 to index
          %parallel_loop3A_519 = arith.index_cast %parallel_loop3A_516 : i32 to index
          %parallel_loop3A_520 = tpu.vector_load %arg11[%parallel_loop3A_518, %parallel_loop3A_519] {strides = array<i32>} : memref<64x128xf32, #tpu.memory_space<vmem>>, vector<16xf32>,
          tpu.vector_store %arg11[%parallel_loop3A_518, %parallel_loop3A_519], %parallel_loop3A_454 {strides = array<i32>} : memref<64x128xf32, #tpu.memory_space<vmem>>, vector<16xf32>,
          %parallel_loop3A_521 = arith.constant 29 : i32
          %parallel_loop3A_522 = vector.broadcast %parallel_loop3A_521 : i32 to vector<16xi32>
          %parallel_loop3A_523 = arith.addi %parallel_loop3A_266, %parallel_loop3A_522 : vector<16xi32>
          %parallel_loop3A_524 = tpu.vector_load_idx %arg6[%parallel_loop3A_523] : memref<61456xf32, #tpu.memory_space<vmem>>[vector<16xi32>], vector<16xf32>,
          %parallel_loop3A_525 = arith.constant 16 : i32
          %parallel_loop3A_526 = arith.muli %parallel_loop3A_120, %parallel_loop3A_525 : i32
          %parallel_loop3A_527 = arith.constant 23 : i32
          %parallel_loop3A_528 = arith.index_cast %parallel_loop3A_527 : i32 to index
          %parallel_loop3A_529 = arith.index_cast %parallel_loop3A_526 : i32 to index
          %parallel_loop3A_530 = tpu.vector_load %arg11[%parallel_loop3A_528, %parallel_loop3A_529] {strides = array<i32>} : memref<64x128xf32, #tpu.memory_space<vmem>>, vector<16xf32>,
          tpu.vector_store %arg11[%parallel_loop3A_528, %parallel_loop3A_529], %parallel_loop3A_464 {strides = array<i32>} : memref<64x128xf32, #tpu.memory_space<vmem>>, vector<16xf32>,
          %parallel_loop3A_531 = arith.constant 30 : i32
          %parallel_loop3A_532 = vector.broadcast %parallel_loop3A_531 : i32 to vector<16xi32>
          %parallel_loop3A_533 = arith.addi %parallel_loop3A_266, %parallel_loop3A_532 : vector<16xi32>
          %parallel_loop3A_534 = tpu.vector_load_idx %arg6[%parallel_loop3A_533] : memref<61456xf32, #tpu.memory_space<vmem>>[vector<16xi32>], vector<16xf32>,
          %parallel_loop3A_535 = arith.constant 16 : i32
          %parallel_loop3A_536 = arith.muli %parallel_loop3A_120, %parallel_loop3A_535 : i32
          %parallel_loop3A_537 = arith.constant 24 : i32
          %parallel_loop3A_538 = arith.index_cast %parallel_loop3A_537 : i32 to index
          %parallel_loop3A_539 = arith.index_cast %parallel_loop3A_536 : i32 to index
          %parallel_loop3A_540 = tpu.vector_load %arg11[%parallel_loop3A_538, %parallel_loop3A_539] {strides = array<i32>} : memref<64x128xf32, #tpu.memory_space<vmem>>, vector<16xf32>,
          tpu.vector_store %arg11[%parallel_loop3A_538, %parallel_loop3A_539], %parallel_loop3A_474 {strides = array<i32>} : memref<64x128xf32, #tpu.memory_space<vmem>>, vector<16xf32>,
          %parallel_loop3A_541 = arith.constant 31 : i32
          %parallel_loop3A_542 = vector.broadcast %parallel_loop3A_541 : i32 to vector<16xi32>
          %parallel_loop3A_543 = arith.addi %parallel_loop3A_266, %parallel_loop3A_542 : vector<16xi32>
          %parallel_loop3A_544 = tpu.vector_load_idx %arg6[%parallel_loop3A_543] : memref<61456xf32, #tpu.memory_space<vmem>>[vector<16xi32>], vector<16xf32>,
          %parallel_loop3A_545 = arith.constant 16 : i32
          %parallel_loop3A_546 = arith.muli %parallel_loop3A_120, %parallel_loop3A_545 : i32
          %parallel_loop3A_547 = arith.constant 25 : i32
          %parallel_loop3A_548 = arith.index_cast %parallel_loop3A_547 : i32 to index
          %parallel_loop3A_549 = arith.index_cast %parallel_loop3A_546 : i32 to index
          %parallel_loop3A_550 = tpu.vector_load %arg11[%parallel_loop3A_548, %parallel_loop3A_549] {strides = array<i32>} : memref<64x128xf32, #tpu.memory_space<vmem>>, vector<16xf32>,
          tpu.vector_store %arg11[%parallel_loop3A_548, %parallel_loop3A_549], %parallel_loop3A_484 {strides = array<i32>} : memref<64x128xf32, #tpu.memory_space<vmem>>, vector<16xf32>,
          %parallel_loop3A_551 = arith.constant 32 : i32
          %parallel_loop3A_552 = vector.broadcast %parallel_loop3A_551 : i32 to vector<16xi32>
          %parallel_loop3A_553 = arith.addi %parallel_loop3A_266, %parallel_loop3A_552 : vector<16xi32>
          %parallel_loop3A_554 = tpu.vector_load_idx %arg6[%parallel_loop3A_553] : memref<61456xf32, #tpu.memory_space<vmem>>[vector<16xi32>], vector<16xf32>,
          %parallel_loop3A_555 = arith.constant 16 : i32
          %parallel_loop3A_556 = arith.muli %parallel_loop3A_120, %parallel_loop3A_555 : i32
          %parallel_loop3A_557 = arith.constant 26 : i32
          %parallel_loop3A_558 = arith.index_cast %parallel_loop3A_557 : i32 to index
          %parallel_loop3A_559 = arith.index_cast %parallel_loop3A_556 : i32 to index
          %parallel_loop3A_560 = tpu.vector_load %arg11[%parallel_loop3A_558, %parallel_loop3A_559] {strides = array<i32>} : memref<64x128xf32, #tpu.memory_space<vmem>>, vector<16xf32>,
          tpu.vector_store %arg11[%parallel_loop3A_558, %parallel_loop3A_559], %parallel_loop3A_494 {strides = array<i32>} : memref<64x128xf32, #tpu.memory_space<vmem>>, vector<16xf32>,
          %parallel_loop3A_561 = arith.constant 33 : i32
          %parallel_loop3A_562 = vector.broadcast %parallel_loop3A_561 : i32 to vector<16xi32>
          %parallel_loop3A_563 = arith.addi %parallel_loop3A_266, %parallel_loop3A_562 : vector<16xi32>
          %parallel_loop3A_564 = tpu.vector_load_idx %arg6[%parallel_loop3A_563] : memref<61456xf32, #tpu.memory_space<vmem>>[vector<16xi32>], vector<16xf32>,
          %parallel_loop3A_565 = arith.constant 16 : i32
          %parallel_loop3A_566 = arith.muli %parallel_loop3A_120, %parallel_loop3A_565 : i32
          %parallel_loop3A_567 = arith.constant 27 : i32
          %parallel_loop3A_568 = arith.index_cast %parallel_loop3A_567 : i32 to index
          %parallel_loop3A_569 = arith.index_cast %parallel_loop3A_566 : i32 to index
          %parallel_loop3A_570 = tpu.vector_load %arg11[%parallel_loop3A_568, %parallel_loop3A_569] {strides = array<i32>} : memref<64x128xf32, #tpu.memory_space<vmem>>, vector<16xf32>,
          tpu.vector_store %arg11[%parallel_loop3A_568, %parallel_loop3A_569], %parallel_loop3A_504 {strides = array<i32>} : memref<64x128xf32, #tpu.memory_space<vmem>>, vector<16xf32>,
          %parallel_loop3A_571 = arith.constant 34 : i32
          %parallel_loop3A_572 = vector.broadcast %parallel_loop3A_571 : i32 to vector<16xi32>
          %parallel_loop3A_573 = arith.addi %parallel_loop3A_266, %parallel_loop3A_572 : vector<16xi32>
          %parallel_loop3A_574 = tpu.vector_load_idx %arg6[%parallel_loop3A_573] : memref<61456xf32, #tpu.memory_space<vmem>>[vector<16xi32>], vector<16xf32>,
          %parallel_loop3A_575 = arith.constant 16 : i32
          %parallel_loop3A_576 = arith.muli %parallel_loop3A_120, %parallel_loop3A_575 : i32
          %parallel_loop3A_577 = arith.constant 28 : i32
          %parallel_loop3A_578 = arith.index_cast %parallel_loop3A_577 : i32 to index
          %parallel_loop3A_579 = arith.index_cast %parallel_loop3A_576 : i32 to index
          %parallel_loop3A_580 = tpu.vector_load %arg11[%parallel_loop3A_578, %parallel_loop3A_579] {strides = array<i32>} : memref<64x128xf32, #tpu.memory_space<vmem>>, vector<16xf32>,
          tpu.vector_store %arg11[%parallel_loop3A_578, %parallel_loop3A_579], %parallel_loop3A_514 {strides = array<i32>} : memref<64x128xf32, #tpu.memory_space<vmem>>, vector<16xf32>,
          %parallel_loop3A_581 = arith.constant 35 : i32
          %parallel_loop3A_582 = vector.broadcast %parallel_loop3A_581 : i32 to vector<16xi32>
          %parallel_loop3A_583 = arith.addi %parallel_loop3A_266, %parallel_loop3A_582 : vector<16xi32>
          %parallel_loop3A_584 = tpu.vector_load_idx %arg6[%parallel_loop3A_583] : memref<61456xf32, #tpu.memory_space<vmem>>[vector<16xi32>], vector<16xf32>,
          %parallel_loop3A_585 = arith.constant 16 : i32
          %parallel_loop3A_586 = arith.muli %parallel_loop3A_120, %parallel_loop3A_585 : i32
          %parallel_loop3A_587 = arith.constant 29 : i32
          %parallel_loop3A_588 = arith.index_cast %parallel_loop3A_587 : i32 to index
          %parallel_loop3A_589 = arith.index_cast %parallel_loop3A_586 : i32 to index
          %parallel_loop3A_590 = tpu.vector_load %arg11[%parallel_loop3A_588, %parallel_loop3A_589] {strides = array<i32>} : memref<64x128xf32, #tpu.memory_space<vmem>>, vector<16xf32>,
          tpu.vector_store %arg11[%parallel_loop3A_588, %parallel_loop3A_589], %parallel_loop3A_524 {strides = array<i32>} : memref<64x128xf32, #tpu.memory_space<vmem>>, vector<16xf32>,
          %parallel_loop3A_591 = arith.constant 36 : i32
          %parallel_loop3A_592 = vector.broadcast %parallel_loop3A_591 : i32 to vector<16xi32>
          %parallel_loop3A_593 = arith.addi %parallel_loop3A_266, %parallel_loop3A_592 : vector<16xi32>
          %parallel_loop3A_594 = tpu.vector_load_idx %arg6[%parallel_loop3A_593] : memref<61456xf32, #tpu.memory_space<vmem>>[vector<16xi32>], vector<16xf32>,
          %parallel_loop3A_595 = arith.constant 16 : i32
          %parallel_loop3A_596 = arith.muli %parallel_loop3A_120, %parallel_loop3A_595 : i32
          %parallel_loop3A_597 = arith.constant 30 : i32
          %parallel_loop3A_598 = arith.index_cast %parallel_loop3A_597 : i32 to index
          %parallel_loop3A_599 = arith.index_cast %parallel_loop3A_596 : i32 to index
          %parallel_loop3A_600 = tpu.vector_load %arg11[%parallel_loop3A_598, %parallel_loop3A_599] {strides = array<i32>} : memref<64x128xf32, #tpu.memory_space<vmem>>, vector<16xf32>,
          tpu.vector_store %arg11[%parallel_loop3A_598, %parallel_loop3A_599], %parallel_loop3A_534 {strides = array<i32>} : memref<64x128xf32, #tpu.memory_space<vmem>>, vector<16xf32>,
          %parallel_loop3A_601 = arith.constant 37 : i32
          %parallel_loop3A_602 = vector.broadcast %parallel_loop3A_601 : i32 to vector<16xi32>
          %parallel_loop3A_603 = arith.addi %parallel_loop3A_266, %parallel_loop3A_602 : vector<16xi32>
          %parallel_loop3A_604 = tpu.vector_load_idx %arg6[%parallel_loop3A_603] : memref<61456xf32, #tpu.memory_space<vmem>>[vector<16xi32>], vector<16xf32>,
          %parallel_loop3A_605 = arith.constant 16 : i32
          %parallel_loop3A_606 = arith.muli %parallel_loop3A_120, %parallel_loop3A_605 : i32
          %parallel_loop3A_607 = arith.constant 31 : i32
          %parallel_loop3A_608 = arith.index_cast %parallel_loop3A_607 : i32 to index
          %parallel_loop3A_609 = arith.index_cast %parallel_loop3A_606 : i32 to index
          %parallel_loop3A_610 = tpu.vector_load %arg11[%parallel_loop3A_608, %parallel_loop3A_609] {strides = array<i32>} : memref<64x128xf32, #tpu.memory_space<vmem>>, vector<16xf32>,
          tpu.vector_store %arg11[%parallel_loop3A_608, %parallel_loop3A_609], %parallel_loop3A_544 {strides = array<i32>} : memref<64x128xf32, #tpu.memory_space<vmem>>, vector<16xf32>,
          %parallel_loop3A_611 = arith.constant 38 : i32
          %parallel_loop3A_612 = vector.broadcast %parallel_loop3A_611 : i32 to vector<16xi32>
          %parallel_loop3A_613 = arith.addi %parallel_loop3A_266, %parallel_loop3A_612 : vector<16xi32>
          %parallel_loop3A_614 = tpu.vector_load_idx %arg6[%parallel_loop3A_613] : memref<61456xf32, #tpu.memory_space<vmem>>[vector<16xi32>], vector<16xf32>,
          %parallel_loop3A_615 = arith.constant 16 : i32
          %parallel_loop3A_616 = arith.muli %parallel_loop3A_120, %parallel_loop3A_615 : i32
          %parallel_loop3A_617 = arith.constant 32 : i32
          %parallel_loop3A_618 = arith.index_cast %parallel_loop3A_617 : i32 to index
          %parallel_loop3A_619 = arith.index_cast %parallel_loop3A_616 : i32 to index
          %parallel_loop3A_620 = tpu.vector_load %arg11[%parallel_loop3A_618, %parallel_loop3A_619] {strides = array<i32>} : memref<64x128xf32, #tpu.memory_space<vmem>>, vector<16xf32>,
          tpu.vector_store %arg11[%parallel_loop3A_618, %parallel_loop3A_619], %parallel_loop3A_554 {strides = array<i32>} : memref<64x128xf32, #tpu.memory_space<vmem>>, vector<16xf32>,
          %parallel_loop3A_621 = arith.constant 39 : i32
          %parallel_loop3A_622 = vector.broadcast %parallel_loop3A_621 : i32 to vector<16xi32>
          %parallel_loop3A_623 = arith.addi %parallel_loop3A_266, %parallel_loop3A_622 : vector<16xi32>
          %parallel_loop3A_624 = tpu.vector_load_idx %arg6[%parallel_loop3A_623] : memref<61456xf32, #tpu.memory_space<vmem>>[vector<16xi32>], vector<16xf32>,
          %parallel_loop3A_625 = arith.constant 16 : i32
          %parallel_loop3A_626 = arith.muli %parallel_loop3A_120, %parallel_loop3A_625 : i32
          %parallel_loop3A_627 = arith.constant 33 : i32
          %parallel_loop3A_628 = arith.index_cast %parallel_loop3A_627 : i32 to index
          %parallel_loop3A_629 = arith.index_cast %parallel_loop3A_626 : i32 to index
          %parallel_loop3A_630 = tpu.vector_load %arg11[%parallel_loop3A_628, %parallel_loop3A_629] {strides = array<i32>} : memref<64x128xf32, #tpu.memory_space<vmem>>, vector<16xf32>,
          tpu.vector_store %arg11[%parallel_loop3A_628, %parallel_loop3A_629], %parallel_loop3A_564 {strides = array<i32>} : memref<64x128xf32, #tpu.memory_space<vmem>>, vector<16xf32>,
          %parallel_loop3A_631 = arith.constant 40 : i32
          %parallel_loop3A_632 = vector.broadcast %parallel_loop3A_631 : i32 to vector<16xi32>
          %parallel_loop3A_633 = arith.addi %parallel_loop3A_266, %parallel_loop3A_632 : vector<16xi32>
          %parallel_loop3A_634 = tpu.vector_load_idx %arg6[%parallel_loop3A_633] : memref<61456xf32, #tpu.memory_space<vmem>>[vector<16xi32>], vector<16xf32>,
          %parallel_loop3A_635 = arith.constant 16 : i32
          %parallel_loop3A_636 = arith.muli %parallel_loop3A_120, %parallel_loop3A_635 : i32
          %parallel_loop3A_637 = arith.constant 34 : i32
          %parallel_loop3A_638 = arith.index_cast %parallel_loop3A_637 : i32 to index
          %parallel_loop3A_639 = arith.index_cast %parallel_loop3A_636 : i32 to index
          %parallel_loop3A_640 = tpu.vector_load %arg11[%parallel_loop3A_638, %parallel_loop3A_639] {strides = array<i32>} : memref<64x128xf32, #tpu.memory_space<vmem>>, vector<16xf32>,
          tpu.vector_store %arg11[%parallel_loop3A_638, %parallel_loop3A_639], %parallel_loop3A_574 {strides = array<i32>} : memref<64x128xf32, #tpu.memory_space<vmem>>, vector<16xf32>,
          %parallel_loop3A_641 = arith.constant 41 : i32
          %parallel_loop3A_642 = vector.broadcast %parallel_loop3A_641 : i32 to vector<16xi32>
          %parallel_loop3A_643 = arith.addi %parallel_loop3A_266, %parallel_loop3A_642 : vector<16xi32>
          %parallel_loop3A_644 = tpu.vector_load_idx %arg6[%parallel_loop3A_643] : memref<61456xf32, #tpu.memory_space<vmem>>[vector<16xi32>], vector<16xf32>,
          %parallel_loop3A_645 = arith.constant 16 : i32
          %parallel_loop3A_646 = arith.muli %parallel_loop3A_120, %parallel_loop3A_645 : i32
          %parallel_loop3A_647 = arith.constant 35 : i32
          %parallel_loop3A_648 = arith.index_cast %parallel_loop3A_647 : i32 to index
          %parallel_loop3A_649 = arith.index_cast %parallel_loop3A_646 : i32 to index
          %parallel_loop3A_650 = tpu.vector_load %arg11[%parallel_loop3A_648, %parallel_loop3A_649] {strides = array<i32>} : memref<64x128xf32, #tpu.memory_space<vmem>>, vector<16xf32>,
          tpu.vector_store %arg11[%parallel_loop3A_648, %parallel_loop3A_649], %parallel_loop3A_584 {strides = array<i32>} : memref<64x128xf32, #tpu.memory_space<vmem>>, vector<16xf32>,
          %parallel_loop3A_651 = arith.constant 42 : i32
          %parallel_loop3A_652 = vector.broadcast %parallel_loop3A_651 : i32 to vector<16xi32>
          %parallel_loop3A_653 = arith.addi %parallel_loop3A_266, %parallel_loop3A_652 : vector<16xi32>
          %parallel_loop3A_654 = tpu.vector_load_idx %arg6[%parallel_loop3A_653] : memref<61456xf32, #tpu.memory_space<vmem>>[vector<16xi32>], vector<16xf32>,
          %parallel_loop3A_655 = arith.constant 16 : i32
          %parallel_loop3A_656 = arith.muli %parallel_loop3A_120, %parallel_loop3A_655 : i32
          %parallel_loop3A_657 = arith.constant 36 : i32
          %parallel_loop3A_658 = arith.index_cast %parallel_loop3A_657 : i32 to index
          %parallel_loop3A_659 = arith.index_cast %parallel_loop3A_656 : i32 to index
          %parallel_loop3A_660 = tpu.vector_load %arg11[%parallel_loop3A_658, %parallel_loop3A_659] {strides = array<i32>} : memref<64x128xf32, #tpu.memory_space<vmem>>, vector<16xf32>,
          tpu.vector_store %arg11[%parallel_loop3A_658, %parallel_loop3A_659], %parallel_loop3A_594 {strides = array<i32>} : memref<64x128xf32, #tpu.memory_space<vmem>>, vector<16xf32>,
          %parallel_loop3A_661 = arith.constant 43 : i32
          %parallel_loop3A_662 = vector.broadcast %parallel_loop3A_661 : i32 to vector<16xi32>
          %parallel_loop3A_663 = arith.addi %parallel_loop3A_266, %parallel_loop3A_662 : vector<16xi32>
          %parallel_loop3A_664 = tpu.vector_load_idx %arg6[%parallel_loop3A_663] : memref<61456xf32, #tpu.memory_space<vmem>>[vector<16xi32>], vector<16xf32>,
          %parallel_loop3A_665 = arith.constant 16 : i32
          %parallel_loop3A_666 = arith.muli %parallel_loop3A_120, %parallel_loop3A_665 : i32
          %parallel_loop3A_667 = arith.constant 37 : i32
          %parallel_loop3A_668 = arith.index_cast %parallel_loop3A_667 : i32 to index
          %parallel_loop3A_669 = arith.index_cast %parallel_loop3A_666 : i32 to index
          %parallel_loop3A_670 = tpu.vector_load %arg11[%parallel_loop3A_668, %parallel_loop3A_669] {strides = array<i32>} : memref<64x128xf32, #tpu.memory_space<vmem>>, vector<16xf32>,
          tpu.vector_store %arg11[%parallel_loop3A_668, %parallel_loop3A_669], %parallel_loop3A_604 {strides = array<i32>} : memref<64x128xf32, #tpu.memory_space<vmem>>, vector<16xf32>,
          %parallel_loop3A_671 = arith.constant 44 : i32
          %parallel_loop3A_672 = vector.broadcast %parallel_loop3A_671 : i32 to vector<16xi32>
          %parallel_loop3A_673 = arith.addi %parallel_loop3A_266, %parallel_loop3A_672 : vector<16xi32>
          %parallel_loop3A_674 = tpu.vector_load_idx %arg6[%parallel_loop3A_673] : memref<61456xf32, #tpu.memory_space<vmem>>[vector<16xi32>], vector<16xf32>,
          %parallel_loop3A_675 = arith.constant 16 : i32
          %parallel_loop3A_676 = arith.muli %parallel_loop3A_120, %parallel_loop3A_675 : i32
          %parallel_loop3A_677 = arith.constant 38 : i32
          %parallel_loop3A_678 = arith.index_cast %parallel_loop3A_677 : i32 to index
          %parallel_loop3A_679 = arith.index_cast %parallel_loop3A_676 : i32 to index
          %parallel_loop3A_680 = tpu.vector_load %arg11[%parallel_loop3A_678, %parallel_loop3A_679] {strides = array<i32>} : memref<64x128xf32, #tpu.memory_space<vmem>>, vector<16xf32>,
          tpu.vector_store %arg11[%parallel_loop3A_678, %parallel_loop3A_679], %parallel_loop3A_614 {strides = array<i32>} : memref<64x128xf32, #tpu.memory_space<vmem>>, vector<16xf32>,
          %parallel_loop3A_681 = arith.constant 45 : i32
          %parallel_loop3A_682 = vector.broadcast %parallel_loop3A_681 : i32 to vector<16xi32>
          %parallel_loop3A_683 = arith.addi %parallel_loop3A_266, %parallel_loop3A_682 : vector<16xi32>
          %parallel_loop3A_684 = tpu.vector_load_idx %arg6[%parallel_loop3A_683] : memref<61456xf32, #tpu.memory_space<vmem>>[vector<16xi32>], vector<16xf32>,
          %parallel_loop3A_685 = arith.constant 16 : i32
          %parallel_loop3A_686 = arith.muli %parallel_loop3A_120, %parallel_loop3A_685 : i32
          %parallel_loop3A_687 = arith.constant 39 : i32
          %parallel_loop3A_688 = arith.index_cast %parallel_loop3A_687 : i32 to index
          %parallel_loop3A_689 = arith.index_cast %parallel_loop3A_686 : i32 to index
          %parallel_loop3A_690 = tpu.vector_load %arg11[%parallel_loop3A_688, %parallel_loop3A_689] {strides = array<i32>} : memref<64x128xf32, #tpu.memory_space<vmem>>, vector<16xf32>,
          tpu.vector_store %arg11[%parallel_loop3A_688, %parallel_loop3A_689], %parallel_loop3A_624 {strides = array<i32>} : memref<64x128xf32, #tpu.memory_space<vmem>>, vector<16xf32>,
          %parallel_loop3A_691 = arith.constant 46 : i32
          %parallel_loop3A_692 = vector.broadcast %parallel_loop3A_691 : i32 to vector<16xi32>
          %parallel_loop3A_693 = arith.addi %parallel_loop3A_266, %parallel_loop3A_692 : vector<16xi32>
          %parallel_loop3A_694 = tpu.vector_load_idx %arg6[%parallel_loop3A_693] : memref<61456xf32, #tpu.memory_space<vmem>>[vector<16xi32>], vector<16xf32>,
          %parallel_loop3A_695 = arith.constant 16 : i32
          %parallel_loop3A_696 = arith.muli %parallel_loop3A_120, %parallel_loop3A_695 : i32
          %parallel_loop3A_697 = arith.constant 40 : i32
          %parallel_loop3A_698 = arith.index_cast %parallel_loop3A_697 : i32 to index
          %parallel_loop3A_699 = arith.index_cast %parallel_loop3A_696 : i32 to index
          %parallel_loop3A_700 = tpu.vector_load %arg11[%parallel_loop3A_698, %parallel_loop3A_699] {strides = array<i32>} : memref<64x128xf32, #tpu.memory_space<vmem>>, vector<16xf32>,
          tpu.vector_store %arg11[%parallel_loop3A_698, %parallel_loop3A_699], %parallel_loop3A_634 {strides = array<i32>} : memref<64x128xf32, #tpu.memory_space<vmem>>, vector<16xf32>,
          %parallel_loop3A_701 = arith.constant 47 : i32
          %parallel_loop3A_702 = vector.broadcast %parallel_loop3A_701 : i32 to vector<16xi32>
          %parallel_loop3A_703 = arith.addi %parallel_loop3A_266, %parallel_loop3A_702 : vector<16xi32>
          %parallel_loop3A_704 = tpu.vector_load_idx %arg6[%parallel_loop3A_703] : memref<61456xf32, #tpu.memory_space<vmem>>[vector<16xi32>], vector<16xf32>,
          %parallel_loop3A_705 = arith.constant 16 : i32
          %parallel_loop3A_706 = arith.muli %parallel_loop3A_120, %parallel_loop3A_705 : i32
          %parallel_loop3A_707 = arith.constant 41 : i32
          %parallel_loop3A_708 = arith.index_cast %parallel_loop3A_707 : i32 to index
          %parallel_loop3A_709 = arith.index_cast %parallel_loop3A_706 : i32 to index
          %parallel_loop3A_710 = tpu.vector_load %arg11[%parallel_loop3A_708, %parallel_loop3A_709] {strides = array<i32>} : memref<64x128xf32, #tpu.memory_space<vmem>>, vector<16xf32>,
          tpu.vector_store %arg11[%parallel_loop3A_708, %parallel_loop3A_709], %parallel_loop3A_644 {strides = array<i32>} : memref<64x128xf32, #tpu.memory_space<vmem>>, vector<16xf32>,
          %parallel_loop3A_711 = arith.constant 48 : i32
          %parallel_loop3A_712 = vector.broadcast %parallel_loop3A_711 : i32 to vector<16xi32>
          %parallel_loop3A_713 = arith.addi %parallel_loop3A_266, %parallel_loop3A_712 : vector<16xi32>
          %parallel_loop3A_714 = tpu.vector_load_idx %arg6[%parallel_loop3A_713] : memref<61456xf32, #tpu.memory_space<vmem>>[vector<16xi32>], vector<16xf32>,
          %parallel_loop3A_715 = arith.constant 16 : i32
          %parallel_loop3A_716 = arith.muli %parallel_loop3A_120, %parallel_loop3A_715 : i32
          %parallel_loop3A_717 = arith.constant 42 : i32
          %parallel_loop3A_718 = arith.index_cast %parallel_loop3A_717 : i32 to index
          %parallel_loop3A_719 = arith.index_cast %parallel_loop3A_716 : i32 to index
          %parallel_loop3A_720 = tpu.vector_load %arg11[%parallel_loop3A_718, %parallel_loop3A_719] {strides = array<i32>} : memref<64x128xf32, #tpu.memory_space<vmem>>, vector<16xf32>,
          tpu.vector_store %arg11[%parallel_loop3A_718, %parallel_loop3A_719], %parallel_loop3A_654 {strides = array<i32>} : memref<64x128xf32, #tpu.memory_space<vmem>>, vector<16xf32>,
          %parallel_loop3A_721 = arith.constant 49 : i32
          %parallel_loop3A_722 = vector.broadcast %parallel_loop3A_721 : i32 to vector<16xi32>
          %parallel_loop3A_723 = arith.addi %parallel_loop3A_266, %parallel_loop3A_722 : vector<16xi32>
          %parallel_loop3A_724 = tpu.vector_load_idx %arg6[%parallel_loop3A_723] : memref<61456xf32, #tpu.memory_space<vmem>>[vector<16xi32>], vector<16xf32>,
          %parallel_loop3A_725 = arith.constant 16 : i32
          %parallel_loop3A_726 = arith.muli %parallel_loop3A_120, %parallel_loop3A_725 : i32
          %parallel_loop3A_727 = arith.constant 43 : i32
          %parallel_loop3A_728 = arith.index_cast %parallel_loop3A_727 : i32 to index
          %parallel_loop3A_729 = arith.index_cast %parallel_loop3A_726 : i32 to index
          %parallel_loop3A_730 = tpu.vector_load %arg11[%parallel_loop3A_728, %parallel_loop3A_729] {strides = array<i32>} : memref<64x128xf32, #tpu.memory_space<vmem>>, vector<16xf32>,
          tpu.vector_store %arg11[%parallel_loop3A_728, %parallel_loop3A_729], %parallel_loop3A_664 {strides = array<i32>} : memref<64x128xf32, #tpu.memory_space<vmem>>, vector<16xf32>,
          %parallel_loop3A_731 = arith.constant 50 : i32
          %parallel_loop3A_732 = vector.broadcast %parallel_loop3A_731 : i32 to vector<16xi32>
          %parallel_loop3A_733 = arith.addi %parallel_loop3A_266, %parallel_loop3A_732 : vector<16xi32>
          %parallel_loop3A_734 = tpu.vector_load_idx %arg6[%parallel_loop3A_733] : memref<61456xf32, #tpu.memory_space<vmem>>[vector<16xi32>], vector<16xf32>,
          %parallel_loop3A_735 = arith.constant 16 : i32
          %parallel_loop3A_736 = arith.muli %parallel_loop3A_120, %parallel_loop3A_735 : i32
          %parallel_loop3A_737 = arith.constant 44 : i32
          %parallel_loop3A_738 = arith.index_cast %parallel_loop3A_737 : i32 to index
          %parallel_loop3A_739 = arith.index_cast %parallel_loop3A_736 : i32 to index
          %parallel_loop3A_740 = tpu.vector_load %arg11[%parallel_loop3A_738, %parallel_loop3A_739] {strides = array<i32>} : memref<64x128xf32, #tpu.memory_space<vmem>>, vector<16xf32>,
          tpu.vector_store %arg11[%parallel_loop3A_738, %parallel_loop3A_739], %parallel_loop3A_674 {strides = array<i32>} : memref<64x128xf32, #tpu.memory_space<vmem>>, vector<16xf32>,
          %parallel_loop3A_741 = arith.constant 51 : i32
          %parallel_loop3A_742 = vector.broadcast %parallel_loop3A_741 : i32 to vector<16xi32>
          %parallel_loop3A_743 = arith.addi %parallel_loop3A_266, %parallel_loop3A_742 : vector<16xi32>
          %parallel_loop3A_744 = tpu.vector_load_idx %arg6[%parallel_loop3A_743] : memref<61456xf32, #tpu.memory_space<vmem>>[vector<16xi32>], vector<16xf32>,
          %parallel_loop3A_745 = arith.constant 16 : i32
          %parallel_loop3A_746 = arith.muli %parallel_loop3A_120, %parallel_loop3A_745 : i32
          %parallel_loop3A_747 = arith.constant 45 : i32
          %parallel_loop3A_748 = arith.index_cast %parallel_loop3A_747 : i32 to index
          %parallel_loop3A_749 = arith.index_cast %parallel_loop3A_746 : i32 to index
          %parallel_loop3A_750 = tpu.vector_load %arg11[%parallel_loop3A_748, %parallel_loop3A_749] {strides = array<i32>} : memref<64x128xf32, #tpu.memory_space<vmem>>, vector<16xf32>,
          tpu.vector_store %arg11[%parallel_loop3A_748, %parallel_loop3A_749], %parallel_loop3A_684 {strides = array<i32>} : memref<64x128xf32, #tpu.memory_space<vmem>>, vector<16xf32>,
          %parallel_loop3A_751 = arith.constant 52 : i32
          %parallel_loop3A_752 = vector.broadcast %parallel_loop3A_751 : i32 to vector<16xi32>
          %parallel_loop3A_753 = arith.addi %parallel_loop3A_266, %parallel_loop3A_752 : vector<16xi32>
          %parallel_loop3A_754 = tpu.vector_load_idx %arg6[%parallel_loop3A_753] : memref<61456xf32, #tpu.memory_space<vmem>>[vector<16xi32>], vector<16xf32>,
          %parallel_loop3A_755 = arith.constant 16 : i32
          %parallel_loop3A_756 = arith.muli %parallel_loop3A_120, %parallel_loop3A_755 : i32
          %parallel_loop3A_757 = arith.constant 46 : i32
          %parallel_loop3A_758 = arith.index_cast %parallel_loop3A_757 : i32 to index
          %parallel_loop3A_759 = arith.index_cast %parallel_loop3A_756 : i32 to index
          %parallel_loop3A_760 = tpu.vector_load %arg11[%parallel_loop3A_758, %parallel_loop3A_759] {strides = array<i32>} : memref<64x128xf32, #tpu.memory_space<vmem>>, vector<16xf32>,
          tpu.vector_store %arg11[%parallel_loop3A_758, %parallel_loop3A_759], %parallel_loop3A_694 {strides = array<i32>} : memref<64x128xf32, #tpu.memory_space<vmem>>, vector<16xf32>,
          %parallel_loop3A_761 = arith.constant 53 : i32
          %parallel_loop3A_762 = vector.broadcast %parallel_loop3A_761 : i32 to vector<16xi32>
          %parallel_loop3A_763 = arith.addi %parallel_loop3A_266, %parallel_loop3A_762 : vector<16xi32>
          %parallel_loop3A_764 = tpu.vector_load_idx %arg6[%parallel_loop3A_763] : memref<61456xf32, #tpu.memory_space<vmem>>[vector<16xi32>], vector<16xf32>,
          %parallel_loop3A_765 = arith.constant 16 : i32
          %parallel_loop3A_766 = arith.muli %parallel_loop3A_120, %parallel_loop3A_765 : i32
          %parallel_loop3A_767 = arith.constant 47 : i32
          %parallel_loop3A_768 = arith.index_cast %parallel_loop3A_767 : i32 to index
          %parallel_loop3A_769 = arith.index_cast %parallel_loop3A_766 : i32 to index
          %parallel_loop3A_770 = tpu.vector_load %arg11[%parallel_loop3A_768, %parallel_loop3A_769] {strides = array<i32>} : memref<64x128xf32, #tpu.memory_space<vmem>>, vector<16xf32>,
          tpu.vector_store %arg11[%parallel_loop3A_768, %parallel_loop3A_769], %parallel_loop3A_704 {strides = array<i32>} : memref<64x128xf32, #tpu.memory_space<vmem>>, vector<16xf32>,
          %parallel_loop3A_771 = arith.constant 54 : i32
          %parallel_loop3A_772 = vector.broadcast %parallel_loop3A_771 : i32 to vector<16xi32>
          %parallel_loop3A_773 = arith.addi %parallel_loop3A_266, %parallel_loop3A_772 : vector<16xi32>
          %parallel_loop3A_774 = tpu.vector_load_idx %arg6[%parallel_loop3A_773] : memref<61456xf32, #tpu.memory_space<vmem>>[vector<16xi32>], vector<16xf32>,
          %parallel_loop3A_775 = arith.constant 16 : i32
          %parallel_loop3A_776 = arith.muli %parallel_loop3A_120, %parallel_loop3A_775 : i32
          %parallel_loop3A_777 = arith.constant 48 : i32
          %parallel_loop3A_778 = arith.index_cast %parallel_loop3A_777 : i32 to index
          %parallel_loop3A_779 = arith.index_cast %parallel_loop3A_776 : i32 to index
          %parallel_loop3A_780 = tpu.vector_load %arg11[%parallel_loop3A_778, %parallel_loop3A_779] {strides = array<i32>} : memref<64x128xf32, #tpu.memory_space<vmem>>, vector<16xf32>,
          tpu.vector_store %arg11[%parallel_loop3A_778, %parallel_loop3A_779], %parallel_loop3A_714 {strides = array<i32>} : memref<64x128xf32, #tpu.memory_space<vmem>>, vector<16xf32>,
          %parallel_loop3A_781 = arith.constant 55 : i32
          %parallel_loop3A_782 = vector.broadcast %parallel_loop3A_781 : i32 to vector<16xi32>
          %parallel_loop3A_783 = arith.addi %parallel_loop3A_266, %parallel_loop3A_782 : vector<16xi32>
          %parallel_loop3A_784 = tpu.vector_load_idx %arg6[%parallel_loop3A_783] : memref<61456xf32, #tpu.memory_space<vmem>>[vector<16xi32>], vector<16xf32>,
          %parallel_loop3A_785 = arith.constant 16 : i32
          %parallel_loop3A_786 = arith.muli %parallel_loop3A_120, %parallel_loop3A_785 : i32
          %parallel_loop3A_787 = arith.constant 49 : i32
          %parallel_loop3A_788 = arith.index_cast %parallel_loop3A_787 : i32 to index
          %parallel_loop3A_789 = arith.index_cast %parallel_loop3A_786 : i32 to index
          %parallel_loop3A_790 = tpu.vector_load %arg11[%parallel_loop3A_788, %parallel_loop3A_789] {strides = array<i32>} : memref<64x128xf32, #tpu.memory_space<vmem>>, vector<16xf32>,
          tpu.vector_store %arg11[%parallel_loop3A_788, %parallel_loop3A_789], %parallel_loop3A_724 {strides = array<i32>} : memref<64x128xf32, #tpu.memory_space<vmem>>, vector<16xf32>,
          %parallel_loop3A_791 = arith.constant 56 : i32
          %parallel_loop3A_792 = vector.broadcast %parallel_loop3A_791 : i32 to vector<16xi32>
          %parallel_loop3A_793 = arith.addi %parallel_loop3A_266, %parallel_loop3A_792 : vector<16xi32>
          %parallel_loop3A_794 = tpu.vector_load_idx %arg6[%parallel_loop3A_793] : memref<61456xf32, #tpu.memory_space<vmem>>[vector<16xi32>], vector<16xf32>,
          %parallel_loop3A_795 = arith.constant 16 : i32
          %parallel_loop3A_796 = arith.muli %parallel_loop3A_120, %parallel_loop3A_795 : i32
          %parallel_loop3A_797 = arith.constant 50 : i32
          %parallel_loop3A_798 = arith.index_cast %parallel_loop3A_797 : i32 to index
          %parallel_loop3A_799 = arith.index_cast %parallel_loop3A_796 : i32 to index
          %parallel_loop3A_800 = tpu.vector_load %arg11[%parallel_loop3A_798, %parallel_loop3A_799] {strides = array<i32>} : memref<64x128xf32, #tpu.memory_space<vmem>>, vector<16xf32>,
          tpu.vector_store %arg11[%parallel_loop3A_798, %parallel_loop3A_799], %parallel_loop3A_734 {strides = array<i32>} : memref<64x128xf32, #tpu.memory_space<vmem>>, vector<16xf32>,
          %parallel_loop3A_801 = arith.constant 57 : i32
          %parallel_loop3A_802 = vector.broadcast %parallel_loop3A_801 : i32 to vector<16xi32>
          %parallel_loop3A_803 = arith.addi %parallel_loop3A_266, %parallel_loop3A_802 : vector<16xi32>
          %parallel_loop3A_804 = tpu.vector_load_idx %arg6[%parallel_loop3A_803] : memref<61456xf32, #tpu.memory_space<vmem>>[vector<16xi32>], vector<16xf32>,
          %parallel_loop3A_805 = arith.constant 16 : i32
          %parallel_loop3A_806 = arith.muli %parallel_loop3A_120, %parallel_loop3A_805 : i32
          %parallel_loop3A_807 = arith.constant 51 : i32
          %parallel_loop3A_808 = arith.index_cast %parallel_loop3A_807 : i32 to index
          %parallel_loop3A_809 = arith.index_cast %parallel_loop3A_806 : i32 to index
          %parallel_loop3A_810 = tpu.vector_load %arg11[%parallel_loop3A_808, %parallel_loop3A_809] {strides = array<i32>} : memref<64x128xf32, #tpu.memory_space<vmem>>, vector<16xf32>,
          tpu.vector_store %arg11[%parallel_loop3A_808, %parallel_loop3A_809], %parallel_loop3A_744 {strides = array<i32>} : memref<64x128xf32, #tpu.memory_space<vmem>>, vector<16xf32>,
          %parallel_loop3A_811 = arith.constant 58 : i32
          %parallel_loop3A_812 = vector.broadcast %parallel_loop3A_811 : i32 to vector<16xi32>
          %parallel_loop3A_813 = arith.addi %parallel_loop3A_266, %parallel_loop3A_812 : vector<16xi32>
          %parallel_loop3A_814 = tpu.vector_load_idx %arg6[%parallel_loop3A_813] : memref<61456xf32, #tpu.memory_space<vmem>>[vector<16xi32>], vector<16xf32>,
          %parallel_loop3A_815 = arith.constant 16 : i32
          %parallel_loop3A_816 = arith.muli %parallel_loop3A_120, %parallel_loop3A_815 : i32
          %parallel_loop3A_817 = arith.constant 52 : i32
          %parallel_loop3A_818 = arith.index_cast %parallel_loop3A_817 : i32 to index
          %parallel_loop3A_819 = arith.index_cast %parallel_loop3A_816 : i32 to index
          %parallel_loop3A_820 = tpu.vector_load %arg11[%parallel_loop3A_818, %parallel_loop3A_819] {strides = array<i32>} : memref<64x128xf32, #tpu.memory_space<vmem>>, vector<16xf32>,
          tpu.vector_store %arg11[%parallel_loop3A_818, %parallel_loop3A_819], %parallel_loop3A_754 {strides = array<i32>} : memref<64x128xf32, #tpu.memory_space<vmem>>, vector<16xf32>,
          %parallel_loop3A_821 = arith.constant 59 : i32
          %parallel_loop3A_822 = vector.broadcast %parallel_loop3A_821 : i32 to vector<16xi32>
          %parallel_loop3A_823 = arith.addi %parallel_loop3A_266, %parallel_loop3A_822 : vector<16xi32>
          %parallel_loop3A_824 = tpu.vector_load_idx %arg6[%parallel_loop3A_823] : memref<61456xf32, #tpu.memory_space<vmem>>[vector<16xi32>], vector<16xf32>,
          %parallel_loop3A_825 = arith.constant 16 : i32
          %parallel_loop3A_826 = arith.muli %parallel_loop3A_120, %parallel_loop3A_825 : i32
          %parallel_loop3A_827 = arith.constant 53 : i32
          %parallel_loop3A_828 = arith.index_cast %parallel_loop3A_827 : i32 to index
          %parallel_loop3A_829 = arith.index_cast %parallel_loop3A_826 : i32 to index
          %parallel_loop3A_830 = tpu.vector_load %arg11[%parallel_loop3A_828, %parallel_loop3A_829] {strides = array<i32>} : memref<64x128xf32, #tpu.memory_space<vmem>>, vector<16xf32>,
          tpu.vector_store %arg11[%parallel_loop3A_828, %parallel_loop3A_829], %parallel_loop3A_764 {strides = array<i32>} : memref<64x128xf32, #tpu.memory_space<vmem>>, vector<16xf32>,
          %parallel_loop3A_831 = arith.constant 60 : i32
          %parallel_loop3A_832 = vector.broadcast %parallel_loop3A_831 : i32 to vector<16xi32>
          %parallel_loop3A_833 = arith.addi %parallel_loop3A_266, %parallel_loop3A_832 : vector<16xi32>
          %parallel_loop3A_834 = tpu.vector_load_idx %arg6[%parallel_loop3A_833] : memref<61456xf32, #tpu.memory_space<vmem>>[vector<16xi32>], vector<16xf32>,
          %parallel_loop3A_835 = arith.constant 16 : i32
          %parallel_loop3A_836 = arith.muli %parallel_loop3A_120, %parallel_loop3A_835 : i32
          %parallel_loop3A_837 = arith.constant 54 : i32
          %parallel_loop3A_838 = arith.index_cast %parallel_loop3A_837 : i32 to index
          %parallel_loop3A_839 = arith.index_cast %parallel_loop3A_836 : i32 to index
          %parallel_loop3A_840 = tpu.vector_load %arg11[%parallel_loop3A_838, %parallel_loop3A_839] {strides = array<i32>} : memref<64x128xf32, #tpu.memory_space<vmem>>, vector<16xf32>,
          tpu.vector_store %arg11[%parallel_loop3A_838, %parallel_loop3A_839], %parallel_loop3A_774 {strides = array<i32>} : memref<64x128xf32, #tpu.memory_space<vmem>>, vector<16xf32>,
          %parallel_loop3A_841 = arith.constant 61 : i32
          %parallel_loop3A_842 = vector.broadcast %parallel_loop3A_841 : i32 to vector<16xi32>
          %parallel_loop3A_843 = arith.addi %parallel_loop3A_266, %parallel_loop3A_842 : vector<16xi32>
          %parallel_loop3A_844 = tpu.vector_load_idx %arg6[%parallel_loop3A_843] : memref<61456xf32, #tpu.memory_space<vmem>>[vector<16xi32>], vector<16xf32>,
          %parallel_loop3A_845 = arith.constant 16 : i32
          %parallel_loop3A_846 = arith.muli %parallel_loop3A_120, %parallel_loop3A_845 : i32
          %parallel_loop3A_847 = arith.constant 55 : i32
          %parallel_loop3A_848 = arith.index_cast %parallel_loop3A_847 : i32 to index
          %parallel_loop3A_849 = arith.index_cast %parallel_loop3A_846 : i32 to index
          %parallel_loop3A_850 = tpu.vector_load %arg11[%parallel_loop3A_848, %parallel_loop3A_849] {strides = array<i32>} : memref<64x128xf32, #tpu.memory_space<vmem>>, vector<16xf32>,
          tpu.vector_store %arg11[%parallel_loop3A_848, %parallel_loop3A_849], %parallel_loop3A_784 {strides = array<i32>} : memref<64x128xf32, #tpu.memory_space<vmem>>, vector<16xf32>,
          %parallel_loop3A_851 = arith.constant 62 : i32
          %parallel_loop3A_852 = vector.broadcast %parallel_loop3A_851 : i32 to vector<16xi32>
          %parallel_loop3A_853 = arith.addi %parallel_loop3A_266, %parallel_loop3A_852 : vector<16xi32>
          %parallel_loop3A_854 = tpu.vector_load_idx %arg6[%parallel_loop3A_853] : memref<61456xf32, #tpu.memory_space<vmem>>[vector<16xi32>], vector<16xf32>,
          %parallel_loop3A_855 = arith.constant 16 : i32
          %parallel_loop3A_856 = arith.muli %parallel_loop3A_120, %parallel_loop3A_855 : i32
          %parallel_loop3A_857 = arith.constant 56 : i32
          %parallel_loop3A_858 = arith.index_cast %parallel_loop3A_857 : i32 to index
          %parallel_loop3A_859 = arith.index_cast %parallel_loop3A_856 : i32 to index
          %parallel_loop3A_860 = tpu.vector_load %arg11[%parallel_loop3A_858, %parallel_loop3A_859] {strides = array<i32>} : memref<64x128xf32, #tpu.memory_space<vmem>>, vector<16xf32>,
          tpu.vector_store %arg11[%parallel_loop3A_858, %parallel_loop3A_859], %parallel_loop3A_794 {strides = array<i32>} : memref<64x128xf32, #tpu.memory_space<vmem>>, vector<16xf32>,
          %parallel_loop3A_861 = arith.constant 63 : i32
          %parallel_loop3A_862 = vector.broadcast %parallel_loop3A_861 : i32 to vector<16xi32>
          %parallel_loop3A_863 = arith.addi %parallel_loop3A_266, %parallel_loop3A_862 : vector<16xi32>
          %parallel_loop3A_864 = tpu.vector_load_idx %arg6[%parallel_loop3A_863] : memref<61456xf32, #tpu.memory_space<vmem>>[vector<16xi32>], vector<16xf32>,
          %parallel_loop3A_865 = arith.constant 16 : i32
          %parallel_loop3A_866 = arith.muli %parallel_loop3A_120, %parallel_loop3A_865 : i32
          %parallel_loop3A_867 = arith.constant 57 : i32
          %parallel_loop3A_868 = arith.index_cast %parallel_loop3A_867 : i32 to index
          %parallel_loop3A_869 = arith.index_cast %parallel_loop3A_866 : i32 to index
          %parallel_loop3A_870 = tpu.vector_load %arg11[%parallel_loop3A_868, %parallel_loop3A_869] {strides = array<i32>} : memref<64x128xf32, #tpu.memory_space<vmem>>, vector<16xf32>,
          tpu.vector_store %arg11[%parallel_loop3A_868, %parallel_loop3A_869], %parallel_loop3A_804 {strides = array<i32>} : memref<64x128xf32, #tpu.memory_space<vmem>>, vector<16xf32>,
          %parallel_loop3A_871 = arith.constant 16 : i32
          %parallel_loop3A_872 = arith.muli %parallel_loop3A_120, %parallel_loop3A_871 : i32
          %parallel_loop3A_873 = arith.constant 58 : i32
          %parallel_loop3A_874 = arith.index_cast %parallel_loop3A_873 : i32 to index
          %parallel_loop3A_875 = arith.index_cast %parallel_loop3A_872 : i32 to index
          %parallel_loop3A_876 = tpu.vector_load %arg11[%parallel_loop3A_874, %parallel_loop3A_875] {strides = array<i32>} : memref<64x128xf32, #tpu.memory_space<vmem>>, vector<16xf32>,
          tpu.vector_store %arg11[%parallel_loop3A_874, %parallel_loop3A_875], %parallel_loop3A_814 {strides = array<i32>} : memref<64x128xf32, #tpu.memory_space<vmem>>, vector<16xf32>,
          %parallel_loop3A_877 = arith.constant 16 : i32
          %parallel_loop3A_878 = arith.muli %parallel_loop3A_120, %parallel_loop3A_877 : i32
          %parallel_loop3A_879 = arith.constant 59 : i32
          %parallel_loop3A_880 = arith.index_cast %parallel_loop3A_879 : i32 to index
          %parallel_loop3A_881 = arith.index_cast %parallel_loop3A_878 : i32 to index
          %parallel_loop3A_882 = tpu.vector_load %arg11[%parallel_loop3A_880, %parallel_loop3A_881] {strides = array<i32>} : memref<64x128xf32, #tpu.memory_space<vmem>>, vector<16xf32>,
          tpu.vector_store %arg11[%parallel_loop3A_880, %parallel_loop3A_881], %parallel_loop3A_824 {strides = array<i32>} : memref<64x128xf32, #tpu.memory_space<vmem>>, vector<16xf32>,
          %parallel_loop3A_883 = arith.constant 16 : i32
          %parallel_loop3A_884 = arith.muli %parallel_loop3A_120, %parallel_loop3A_883 : i32
          %parallel_loop3A_885 = arith.constant 60 : i32
          %parallel_loop3A_886 = arith.index_cast %parallel_loop3A_885 : i32 to index
          %parallel_loop3A_887 = arith.index_cast %parallel_loop3A_884 : i32 to index
          %parallel_loop3A_888 = tpu.vector_load %arg11[%parallel_loop3A_886, %parallel_loop3A_887] {strides = array<i32>} : memref<64x128xf32, #tpu.memory_space<vmem>>, vector<16xf32>,
          tpu.vector_store %arg11[%parallel_loop3A_886, %parallel_loop3A_887], %parallel_loop3A_834 {strides = array<i32>} : memref<64x128xf32, #tpu.memory_space<vmem>>, vector<16xf32>,
          %parallel_loop3A_889 = arith.constant 16 : i32
          %parallel_loop3A_890 = arith.muli %parallel_loop3A_120, %parallel_loop3A_889 : i32
          %parallel_loop3A_891 = arith.constant 61 : i32
          %parallel_loop3A_892 = arith.index_cast %parallel_loop3A_891 : i32 to index
          %parallel_loop3A_893 = arith.index_cast %parallel_loop3A_890 : i32 to index
          %parallel_loop3A_894 = tpu.vector_load %arg11[%parallel_loop3A_892, %parallel_loop3A_893] {strides = array<i32>} : memref<64x128xf32, #tpu.memory_space<vmem>>, vector<16xf32>,
          tpu.vector_store %arg11[%parallel_loop3A_892, %parallel_loop3A_893], %parallel_loop3A_844 {strides = array<i32>} : memref<64x128xf32, #tpu.memory_space<vmem>>, vector<16xf32>,
          %parallel_loop3A_895 = arith.constant 16 : i32
          %parallel_loop3A_896 = arith.muli %parallel_loop3A_120, %parallel_loop3A_895 : i32
          %parallel_loop3A_897 = arith.constant 62 : i32
          %parallel_loop3A_898 = arith.index_cast %parallel_loop3A_897 : i32 to index
          %parallel_loop3A_899 = arith.index_cast %parallel_loop3A_896 : i32 to index
          %parallel_loop3A_900 = tpu.vector_load %arg11[%parallel_loop3A_898, %parallel_loop3A_899] {strides = array<i32>} : memref<64x128xf32, #tpu.memory_space<vmem>>, vector<16xf32>,
          tpu.vector_store %arg11[%parallel_loop3A_898, %parallel_loop3A_899], %parallel_loop3A_854 {strides = array<i32>} : memref<64x128xf32, #tpu.memory_space<vmem>>, vector<16xf32>,
          %parallel_loop3A_901 = arith.constant 16 : i32
          %parallel_loop3A_902 = arith.muli %parallel_loop3A_120, %parallel_loop3A_901 : i32
          %parallel_loop3A_903 = arith.constant 63 : i32
          %parallel_loop3A_904 = arith.index_cast %parallel_loop3A_903 : i32 to index
          %parallel_loop3A_905 = arith.index_cast %parallel_loop3A_902 : i32 to index
          %parallel_loop3A_906 = tpu.vector_load %arg11[%parallel_loop3A_904, %parallel_loop3A_905] {strides = array<i32>} : memref<64x128xf32, #tpu.memory_space<vmem>>, vector<16xf32>,
          tpu.vector_store %arg11[%parallel_loop3A_904, %parallel_loop3A_905], %parallel_loop3A_864 {strides = array<i32>} : memref<64x128xf32, #tpu.memory_space<vmem>>, vector<16xf32>,
        } {sc.loop_unroll_factor = 2 : i64, sc.parallel_access}
        %mul3A_106 = arith.constant 32 : i32
        %mul3A_107 = arith.muli %add3A_68, %mul3A_106 : i32
        %add3A_108 = arith.addi %add3A, %mul3A_107 : i32
        %mul3A_109 = arith.constant 128 : i32
        %mul3A_110 = arith.muli %add3A_108, %mul3A_109 : i32
        %dma_start3A = arith.constant 0 : i32
        %dma_start3A_111 = tpu.memref_slice %arg4[%dma_start3A, %mul3A_110] : memref<64x800000xf32, #tpu.memory_space<hbm>> -> memref<64x128xf32, #tpu.memory_space<hbm>>
        %dma_start3A_112 = arith.constant 0 : i32
        %dma_start3A_113 = tpu.memref_slice %arg4[%dma_start3A_112, %mul3A_110] : memref<64x800000xf32, #tpu.memory_space<hbm>> -> memref<64x128xf32, #tpu.memory_space<hbm>>
        tpu.enqueue_dma source(%arg11 : memref<64x128xf32, #tpu.memory_space<vmem>>) target(%dma_start3A_113 : memref<64x128xf32, #tpu.memory_space<hbm>>) target_semaphore(%arg17 : memref<!tpu.dma_semaphore, #tpu.memory_space<semaphore_mem>>)
        %add3A_114 = arith.constant 3 : i32
        %add3A_115 = arith.addi %add3A_68, %add3A_114 : i32
        %lt3A_116 = arith.cmpi slt, %add3A_115, %select_n3A : i32
        %convert_element_type3A_117 = arith.extui %lt3A_116 : i1 to i32
        %cond3A_118 = arith.constant 0 : i32
        %cond3A_119 = arith.cmpi ne, %convert_element_type3A_117, %cond3A_118 : i32
        scf.if %cond3A_119 {
          %add3A_120 = arith.constant 3 : i32
          %add3A_121 = arith.addi %add3A_68, %add3A_120 : i32
          %mul3A_122 = arith.constant 32 : i32
          %mul3A_123 = arith.muli %add3A_121, %mul3A_122 : i32
          %add3A_124 = arith.addi %add3A, %mul3A_123 : i32
          %mul3A_125 = arith.constant 128 : i32
          %mul3A_126 = arith.muli %add3A_124, %mul3A_125 : i32
          %dma_start3A_127 = arith.constant 0 : i32
          %dma_start3A_128 = tpu.memref_slice %arg2[%dma_start3A_127, %mul3A_126] : memref<13x800000xf32, #tpu.memory_space<hbm>> -> memref<13x128xf32, #tpu.memory_space<hbm>>
          %dma_start3A_129 = arith.constant 0 : i32
          %dma_start3A_130 = tpu.memref_slice %arg2[%dma_start3A_129, %mul3A_126] : memref<13x800000xf32, #tpu.memory_space<hbm>> -> memref<13x128xf32, #tpu.memory_space<hbm>>
          tpu.enqueue_dma source(%dma_start3A_130 : memref<13x128xf32, #tpu.memory_space<hbm>>) target(%arg8 : memref<13x128xf32, #tpu.memory_space<vmem>>) target_semaphore(%arg14 : memref<!tpu.dma_semaphore, #tpu.memory_space<semaphore_mem>>)
        } else {
        }
      } else {
      }
      %mul3A_82 = arith.constant 3 : i32
      %mul3A_83 = arith.muli %scan3A_49, %mul3A_82 : i32
      %add3A_84 = arith.constant 2 : i32
      %add3A_85 = arith.addi %mul3A_83, %add3A_84 : i32
      %ge3A_86 = arith.constant 3 : i32
      %ge3A_87 = arith.cmpi sge, %add3A_85, %ge3A_86 : i32
      %sub3A_88 = arith.constant 3 : i32
      %sub3A_89 = arith.subi %add3A_85, %sub3A_88 : i32
      %lt3A_90 = arith.cmpi slt, %sub3A_89, %select_n3A : i32
      %and3A_91 = arith.andi %ge3A_87, %lt3A_90 : i1
      %convert_element_type3A_92 = arith.extui %and3A_91 : i1 to i32
      %cond3A_93 = arith.constant 0 : i32
      %cond3A_94 = arith.cmpi ne, %convert_element_type3A_92, %cond3A_93 : i32
      scf.if %cond3A_94 {
        %dma_wait3A = arith.constant 0 : i32
        %dma_wait3A_99 = arith.constant 0 : i32
        %dma_wait3A_100 = tpu.memref_slice %arg4[%dma_wait3A, %dma_wait3A_99] : memref<64x800000xf32, #tpu.memory_space<hbm>> -> memref<64x128xf32, #tpu.memory_space<hbm>>
        %dma_wait3A_101 = arith.constant 0 : i32
        %dma_wait3A_102 = arith.constant 0 : i32
        %dma_wait3A_103 = tpu.memref_slice %arg4[%dma_wait3A_101, %dma_wait3A_102] : memref<64x800000xf32, #tpu.memory_space<hbm>> -> memref<64x128xf32, #tpu.memory_space<hbm>>
        tpu.wait_dma2 semaphore(%arg18 : memref<!tpu.dma_semaphore, #tpu.memory_space<semaphore_mem>>) src(%arg12 : memref<64x128xf32, #tpu.memory_space<vmem>>) dst(%dma_wait3A_103 : memref<64x128xf32, #tpu.memory_space<hbm>>)
      } else {
      }
      %lt3A_95 = arith.cmpi slt, %add3A_85, %select_n3A : i32
      %convert_element_type3A_96 = arith.extui %lt3A_95 : i1 to i32
      %cond3A_97 = arith.constant 0 : i32
      %cond3A_98 = arith.cmpi ne, %convert_element_type3A_96, %cond3A_97 : i32
      scf.if %cond3A_98 {
        %dma_wait3A = arith.constant 0 : i32
        %dma_wait3A_99 = arith.constant 0 : i32
        %dma_wait3A_100 = tpu.memref_slice %arg2[%dma_wait3A, %dma_wait3A_99] : memref<13x800000xf32, #tpu.memory_space<hbm>> -> memref<13x128xf32, #tpu.memory_space<hbm>>
        %dma_wait3A_101 = arith.constant 0 : i32
        %dma_wait3A_102 = arith.constant 0 : i32
        %dma_wait3A_103 = tpu.memref_slice %arg2[%dma_wait3A_101, %dma_wait3A_102] : memref<13x800000xf32, #tpu.memory_space<hbm>> -> memref<13x128xf32, #tpu.memory_space<hbm>>
        tpu.wait_dma2 semaphore(%arg15 : memref<!tpu.dma_semaphore, #tpu.memory_space<semaphore_mem>>) src(%dma_wait3A_103 : memref<13x128xf32, #tpu.memory_space<hbm>>) dst(%arg9 : memref<13x128xf32, #tpu.memory_space<vmem>>)
        %parallel_loop3A = arith.constant 0 : i32
        %parallel_loop3A_104 = arith.constant 8 : i32
        %parallel_loop3A_105 = arith.constant 1 : i32
        scf.for %parallel_loop3A_120 = %parallel_loop3A to %parallel_loop3A_104 step %parallel_loop3A_105  : i32 {
          %parallel_loop3A_121 = arith.constant 16 : i32
          %parallel_loop3A_122 = arith.muli %parallel_loop3A_120, %parallel_loop3A_121 : i32
          %parallel_loop3A_123 = arith.constant 0 : i32
          %parallel_loop3A_124 = arith.index_cast %parallel_loop3A_123 : i32 to index
          %parallel_loop3A_125 = arith.index_cast %parallel_loop3A_122 : i32 to index
          %parallel_loop3A_126 = tpu.vector_load %arg9[%parallel_loop3A_124, %parallel_loop3A_125] {strides = array<i32>} : memref<13x128xf32, #tpu.memory_space<vmem>>, vector<16xf32>,
          %parallel_loop3A_127 = arith.constant 16 : i32
          %parallel_loop3A_128 = arith.muli %parallel_loop3A_120, %parallel_loop3A_127 : i32
          %parallel_loop3A_129 = arith.constant 1 : i32
          %parallel_loop3A_130 = arith.index_cast %parallel_loop3A_129 : i32 to index
          %parallel_loop3A_131 = arith.index_cast %parallel_loop3A_128 : i32 to index
          %parallel_loop3A_132 = tpu.vector_load %arg9[%parallel_loop3A_130, %parallel_loop3A_131] {strides = array<i32>} : memref<13x128xf32, #tpu.memory_space<vmem>>, vector<16xf32>,
          %parallel_loop3A_133 = arith.constant 16 : i32
          %parallel_loop3A_134 = arith.muli %parallel_loop3A_120, %parallel_loop3A_133 : i32
          %parallel_loop3A_135 = arith.constant 2 : i32
          %parallel_loop3A_136 = arith.index_cast %parallel_loop3A_135 : i32 to index
          %parallel_loop3A_137 = arith.index_cast %parallel_loop3A_134 : i32 to index
          %parallel_loop3A_138 = tpu.vector_load %arg9[%parallel_loop3A_136, %parallel_loop3A_137] {strides = array<i32>} : memref<13x128xf32, #tpu.memory_space<vmem>>, vector<16xf32>,
          %parallel_loop3A_139 = arith.constant 16 : i32
          %parallel_loop3A_140 = arith.muli %parallel_loop3A_120, %parallel_loop3A_139 : i32
          %parallel_loop3A_141 = arith.constant 3 : i32
          %parallel_loop3A_142 = arith.index_cast %parallel_loop3A_141 : i32 to index
          %parallel_loop3A_143 = arith.index_cast %parallel_loop3A_140 : i32 to index
          %parallel_loop3A_144 = tpu.vector_load %arg9[%parallel_loop3A_142, %parallel_loop3A_143] {strides = array<i32>} : memref<13x128xf32, #tpu.memory_space<vmem>>, vector<16xf32>,
          %parallel_loop3A_145 = arith.constant 16 : i32
          %parallel_loop3A_146 = arith.muli %parallel_loop3A_120, %parallel_loop3A_145 : i32
          %parallel_loop3A_147 = arith.constant 4 : i32
          %parallel_loop3A_148 = arith.index_cast %parallel_loop3A_147 : i32 to index
          %parallel_loop3A_149 = arith.index_cast %parallel_loop3A_146 : i32 to index
          %parallel_loop3A_150 = tpu.vector_load %arg9[%parallel_loop3A_148, %parallel_loop3A_149] {strides = array<i32>} : memref<13x128xf32, #tpu.memory_space<vmem>>, vector<16xf32>,
          %parallel_loop3A_151 = arith.constant 16 : i32
          %parallel_loop3A_152 = arith.muli %parallel_loop3A_120, %parallel_loop3A_151 : i32
          %parallel_loop3A_153 = arith.constant 5 : i32
          %parallel_loop3A_154 = arith.index_cast %parallel_loop3A_153 : i32 to index
          %parallel_loop3A_155 = arith.index_cast %parallel_loop3A_152 : i32 to index
          %parallel_loop3A_156 = tpu.vector_load %arg9[%parallel_loop3A_154, %parallel_loop3A_155] {strides = array<i32>} : memref<13x128xf32, #tpu.memory_space<vmem>>, vector<16xf32>,
          %parallel_loop3A_157 = arith.constant 16 : i32
          %parallel_loop3A_158 = arith.muli %parallel_loop3A_120, %parallel_loop3A_157 : i32
          %parallel_loop3A_159 = arith.constant 6 : i32
          %parallel_loop3A_160 = arith.index_cast %parallel_loop3A_159 : i32 to index
          %parallel_loop3A_161 = arith.index_cast %parallel_loop3A_158 : i32 to index
          %parallel_loop3A_162 = tpu.vector_load %arg9[%parallel_loop3A_160, %parallel_loop3A_161] {strides = array<i32>} : memref<13x128xf32, #tpu.memory_space<vmem>>, vector<16xf32>,
          %parallel_loop3A_163 = arith.constant 16 : i32
          %parallel_loop3A_164 = arith.muli %parallel_loop3A_120, %parallel_loop3A_163 : i32
          %parallel_loop3A_165 = arith.constant 7 : i32
          %parallel_loop3A_166 = arith.index_cast %parallel_loop3A_165 : i32 to index
          %parallel_loop3A_167 = arith.index_cast %parallel_loop3A_164 : i32 to index
          %parallel_loop3A_168 = tpu.vector_load %arg9[%parallel_loop3A_166, %parallel_loop3A_167] {strides = array<i32>} : memref<13x128xf32, #tpu.memory_space<vmem>>, vector<16xf32>,
          %parallel_loop3A_169 = arith.constant 16 : i32
          %parallel_loop3A_170 = arith.muli %parallel_loop3A_120, %parallel_loop3A_169 : i32
          %parallel_loop3A_171 = arith.constant 8 : i32
          %parallel_loop3A_172 = arith.index_cast %parallel_loop3A_171 : i32 to index
          %parallel_loop3A_173 = arith.index_cast %parallel_loop3A_170 : i32 to index
          %parallel_loop3A_174 = tpu.vector_load %arg9[%parallel_loop3A_172, %parallel_loop3A_173] {strides = array<i32>} : memref<13x128xf32, #tpu.memory_space<vmem>>, vector<16xf32>,
          %parallel_loop3A_175 = arith.constant 16 : i32
          %parallel_loop3A_176 = arith.muli %parallel_loop3A_120, %parallel_loop3A_175 : i32
          %parallel_loop3A_177 = arith.constant 9 : i32
          %parallel_loop3A_178 = arith.index_cast %parallel_loop3A_177 : i32 to index
          %parallel_loop3A_179 = arith.index_cast %parallel_loop3A_176 : i32 to index
          %parallel_loop3A_180 = tpu.vector_load %arg9[%parallel_loop3A_178, %parallel_loop3A_179] {strides = array<i32>} : memref<13x128xf32, #tpu.memory_space<vmem>>, vector<16xf32>,
          %parallel_loop3A_181 = arith.constant 16 : i32
          %parallel_loop3A_182 = arith.muli %parallel_loop3A_120, %parallel_loop3A_181 : i32
          %parallel_loop3A_183 = arith.constant 10 : i32
          %parallel_loop3A_184 = arith.index_cast %parallel_loop3A_183 : i32 to index
          %parallel_loop3A_185 = arith.index_cast %parallel_loop3A_182 : i32 to index
          %parallel_loop3A_186 = tpu.vector_load %arg9[%parallel_loop3A_184, %parallel_loop3A_185] {strides = array<i32>} : memref<13x128xf32, #tpu.memory_space<vmem>>, vector<16xf32>,
          %parallel_loop3A_187 = arith.constant 16 : i32
          %parallel_loop3A_188 = arith.muli %parallel_loop3A_120, %parallel_loop3A_187 : i32
          %parallel_loop3A_189 = arith.constant 11 : i32
          %parallel_loop3A_190 = arith.index_cast %parallel_loop3A_189 : i32 to index
          %parallel_loop3A_191 = arith.index_cast %parallel_loop3A_188 : i32 to index
          %parallel_loop3A_192 = tpu.vector_load %arg9[%parallel_loop3A_190, %parallel_loop3A_191] {strides = array<i32>} : memref<13x128xf32, #tpu.memory_space<vmem>>, vector<16xf32>,
          %parallel_loop3A_193 = arith.constant 16 : i32
          %parallel_loop3A_194 = arith.muli %parallel_loop3A_120, %parallel_loop3A_193 : i32
          %parallel_loop3A_195 = arith.constant 12 : i32
          %parallel_loop3A_196 = arith.index_cast %parallel_loop3A_195 : i32 to index
          %parallel_loop3A_197 = arith.index_cast %parallel_loop3A_194 : i32 to index
          %parallel_loop3A_198 = tpu.vector_load %arg9[%parallel_loop3A_196, %parallel_loop3A_197] {strides = array<i32>} : memref<13x128xf32, #tpu.memory_space<vmem>>, vector<16xf32>,
          %parallel_loop3A_199 = arith.constant 0 : i32
          %parallel_loop3A_200 = vector.broadcast %parallel_loop3A_199 : i32 to vector<16xi32>
          %parallel_loop3A_201 = arith.cmpf ogt, %parallel_loop3A_132, %parallel_loop3A_126 : vector<16xf32>
          %parallel_loop3A_202 = arith.constant 1 : i32
          %parallel_loop3A_203 = vector.broadcast %parallel_loop3A_202 : i32 to vector<16xi32>
          %parallel_loop3A_204 = arith.select %parallel_loop3A_201, %parallel_loop3A_203, %parallel_loop3A_200 : vector<16xi1>, vector<16xi32>
          %parallel_loop3A_205 = arith.select %parallel_loop3A_201, %parallel_loop3A_132, %parallel_loop3A_126 : vector<16xi1>, vector<16xf32>
          %parallel_loop3A_206 = arith.cmpf ogt, %parallel_loop3A_138, %parallel_loop3A_205 : vector<16xf32>
          %parallel_loop3A_207 = arith.constant 2 : i32
          %parallel_loop3A_208 = vector.broadcast %parallel_loop3A_207 : i32 to vector<16xi32>
          %parallel_loop3A_209 = arith.select %parallel_loop3A_206, %parallel_loop3A_208, %parallel_loop3A_204 : vector<16xi1>, vector<16xi32>
          %parallel_loop3A_210 = arith.select %parallel_loop3A_206, %parallel_loop3A_138, %parallel_loop3A_205 : vector<16xi1>, vector<16xf32>
          %parallel_loop3A_211 = arith.cmpf ogt, %parallel_loop3A_144, %parallel_loop3A_210 : vector<16xf32>
          %parallel_loop3A_212 = arith.constant 3 : i32
          %parallel_loop3A_213 = vector.broadcast %parallel_loop3A_212 : i32 to vector<16xi32>
          %parallel_loop3A_214 = arith.select %parallel_loop3A_211, %parallel_loop3A_213, %parallel_loop3A_209 : vector<16xi1>, vector<16xi32>
          %parallel_loop3A_215 = arith.select %parallel_loop3A_211, %parallel_loop3A_144, %parallel_loop3A_210 : vector<16xi1>, vector<16xf32>
          %parallel_loop3A_216 = arith.cmpf ogt, %parallel_loop3A_150, %parallel_loop3A_215 : vector<16xf32>
          %parallel_loop3A_217 = arith.constant 4 : i32
          %parallel_loop3A_218 = vector.broadcast %parallel_loop3A_217 : i32 to vector<16xi32>
          %parallel_loop3A_219 = arith.select %parallel_loop3A_216, %parallel_loop3A_218, %parallel_loop3A_214 : vector<16xi1>, vector<16xi32>
          %parallel_loop3A_220 = arith.select %parallel_loop3A_216, %parallel_loop3A_150, %parallel_loop3A_215 : vector<16xi1>, vector<16xf32>
          %parallel_loop3A_221 = arith.constant 0 : i32
          %parallel_loop3A_222 = vector.broadcast %parallel_loop3A_221 : i32 to vector<16xi32>
          %parallel_loop3A_223 = arith.cmpf ogt, %parallel_loop3A_162, %parallel_loop3A_156 : vector<16xf32>
          %parallel_loop3A_224 = arith.constant 1 : i32
          %parallel_loop3A_225 = vector.broadcast %parallel_loop3A_224 : i32 to vector<16xi32>
          %parallel_loop3A_226 = arith.select %parallel_loop3A_223, %parallel_loop3A_225, %parallel_loop3A_222 : vector<16xi1>, vector<16xi32>
          %parallel_loop3A_227 = arith.select %parallel_loop3A_223, %parallel_loop3A_162, %parallel_loop3A_156 : vector<16xi1>, vector<16xf32>
          %parallel_loop3A_228 = arith.cmpf ogt, %parallel_loop3A_168, %parallel_loop3A_227 : vector<16xf32>
          %parallel_loop3A_229 = arith.constant 2 : i32
          %parallel_loop3A_230 = vector.broadcast %parallel_loop3A_229 : i32 to vector<16xi32>
          %parallel_loop3A_231 = arith.select %parallel_loop3A_228, %parallel_loop3A_230, %parallel_loop3A_226 : vector<16xi1>, vector<16xi32>
          %parallel_loop3A_232 = arith.select %parallel_loop3A_228, %parallel_loop3A_168, %parallel_loop3A_227 : vector<16xi1>, vector<16xf32>
          %parallel_loop3A_233 = arith.cmpf ogt, %parallel_loop3A_174, %parallel_loop3A_232 : vector<16xf32>
          %parallel_loop3A_234 = arith.constant 3 : i32
          %parallel_loop3A_235 = vector.broadcast %parallel_loop3A_234 : i32 to vector<16xi32>
          %parallel_loop3A_236 = arith.select %parallel_loop3A_233, %parallel_loop3A_235, %parallel_loop3A_231 : vector<16xi1>, vector<16xi32>
          %parallel_loop3A_237 = arith.select %parallel_loop3A_233, %parallel_loop3A_174, %parallel_loop3A_232 : vector<16xi1>, vector<16xf32>
          %parallel_loop3A_238 = arith.cmpf ogt, %parallel_loop3A_180, %parallel_loop3A_237 : vector<16xf32>
          %parallel_loop3A_239 = arith.constant 4 : i32
          %parallel_loop3A_240 = vector.broadcast %parallel_loop3A_239 : i32 to vector<16xi32>
          %parallel_loop3A_241 = arith.select %parallel_loop3A_238, %parallel_loop3A_240, %parallel_loop3A_236 : vector<16xi1>, vector<16xi32>
          %parallel_loop3A_242 = arith.select %parallel_loop3A_238, %parallel_loop3A_180, %parallel_loop3A_237 : vector<16xi1>, vector<16xf32>
          %parallel_loop3A_243 = arith.cmpf ogt, %parallel_loop3A_186, %parallel_loop3A_242 : vector<16xf32>
          %parallel_loop3A_244 = arith.constant 5 : i32
          %parallel_loop3A_245 = vector.broadcast %parallel_loop3A_244 : i32 to vector<16xi32>
          %parallel_loop3A_246 = arith.select %parallel_loop3A_243, %parallel_loop3A_245, %parallel_loop3A_241 : vector<16xi1>, vector<16xi32>
          %parallel_loop3A_247 = arith.select %parallel_loop3A_243, %parallel_loop3A_186, %parallel_loop3A_242 : vector<16xi1>, vector<16xf32>
          %parallel_loop3A_248 = arith.constant 0 : i32
          %parallel_loop3A_249 = vector.broadcast %parallel_loop3A_248 : i32 to vector<16xi32>
          %parallel_loop3A_250 = arith.cmpf ogt, %parallel_loop3A_198, %parallel_loop3A_192 : vector<16xf32>
          %parallel_loop3A_251 = arith.constant 1 : i32
          %parallel_loop3A_252 = vector.broadcast %parallel_loop3A_251 : i32 to vector<16xi32>
          %parallel_loop3A_253 = arith.select %parallel_loop3A_250, %parallel_loop3A_252, %parallel_loop3A_249 : vector<16xi1>, vector<16xi32>
          %parallel_loop3A_254 = arith.select %parallel_loop3A_250, %parallel_loop3A_198, %parallel_loop3A_192 : vector<16xi1>, vector<16xf32>
          %parallel_loop3A_255 = arith.constant 12 : i32
          %parallel_loop3A_256 = vector.broadcast %parallel_loop3A_255 : i32 to vector<16xi32>
          %parallel_loop3A_257 = arith.muli %parallel_loop3A_219, %parallel_loop3A_256 : vector<16xi32>
          %parallel_loop3A_258 = arith.constant 2 : i32
          %parallel_loop3A_259 = vector.broadcast %parallel_loop3A_258 : i32 to vector<16xi32>
          %parallel_loop3A_260 = arith.muli %parallel_loop3A_246, %parallel_loop3A_259 : vector<16xi32>
          %parallel_loop3A_261 = arith.addi %parallel_loop3A_257, %parallel_loop3A_260 : vector<16xi32>
          %parallel_loop3A_262 = arith.addi %parallel_loop3A_261, %parallel_loop3A_253 : vector<16xi32>
          %parallel_loop3A_263 = arith.constant 64 : i32
          %parallel_loop3A_264 = vector.broadcast %parallel_loop3A_263 : i32 to vector<16xi32>
          %parallel_loop3A_265 = arith.muli %parallel_loop3A_262, %parallel_loop3A_264 : vector<16xi32>
          %parallel_loop3A_266 = arith.addi %parallel_loop3A_265, %mul3A_30 : vector<16xi32>
          %parallel_loop3A_267 = arith.constant 0 : i32
          %parallel_loop3A_268 = vector.broadcast %parallel_loop3A_267 : i32 to vector<16xi32>
          %parallel_loop3A_269 = arith.addi %parallel_loop3A_266, %parallel_loop3A_268 : vector<16xi32>
          %parallel_loop3A_270 = tpu.vector_load_idx %arg6[%parallel_loop3A_269] : memref<61456xf32, #tpu.memory_space<vmem>>[vector<16xi32>], vector<16xf32>,
          %parallel_loop3A_271 = arith.constant 1 : i32
          %parallel_loop3A_272 = vector.broadcast %parallel_loop3A_271 : i32 to vector<16xi32>
          %parallel_loop3A_273 = arith.addi %parallel_loop3A_266, %parallel_loop3A_272 : vector<16xi32>
          %parallel_loop3A_274 = tpu.vector_load_idx %arg6[%parallel_loop3A_273] : memref<61456xf32, #tpu.memory_space<vmem>>[vector<16xi32>], vector<16xf32>,
          %parallel_loop3A_275 = arith.constant 2 : i32
          %parallel_loop3A_276 = vector.broadcast %parallel_loop3A_275 : i32 to vector<16xi32>
          %parallel_loop3A_277 = arith.addi %parallel_loop3A_266, %parallel_loop3A_276 : vector<16xi32>
          %parallel_loop3A_278 = tpu.vector_load_idx %arg6[%parallel_loop3A_277] : memref<61456xf32, #tpu.memory_space<vmem>>[vector<16xi32>], vector<16xf32>,
          %parallel_loop3A_279 = arith.constant 3 : i32
          %parallel_loop3A_280 = vector.broadcast %parallel_loop3A_279 : i32 to vector<16xi32>
          %parallel_loop3A_281 = arith.addi %parallel_loop3A_266, %parallel_loop3A_280 : vector<16xi32>
          %parallel_loop3A_282 = tpu.vector_load_idx %arg6[%parallel_loop3A_281] : memref<61456xf32, #tpu.memory_space<vmem>>[vector<16xi32>], vector<16xf32>,
          %parallel_loop3A_283 = arith.constant 4 : i32
          %parallel_loop3A_284 = vector.broadcast %parallel_loop3A_283 : i32 to vector<16xi32>
          %parallel_loop3A_285 = arith.addi %parallel_loop3A_266, %parallel_loop3A_284 : vector<16xi32>
          %parallel_loop3A_286 = tpu.vector_load_idx %arg6[%parallel_loop3A_285] : memref<61456xf32, #tpu.memory_space<vmem>>[vector<16xi32>], vector<16xf32>,
          %parallel_loop3A_287 = arith.constant 5 : i32
          %parallel_loop3A_288 = vector.broadcast %parallel_loop3A_287 : i32 to vector<16xi32>
          %parallel_loop3A_289 = arith.addi %parallel_loop3A_266, %parallel_loop3A_288 : vector<16xi32>
          %parallel_loop3A_290 = tpu.vector_load_idx %arg6[%parallel_loop3A_289] : memref<61456xf32, #tpu.memory_space<vmem>>[vector<16xi32>], vector<16xf32>,
          %parallel_loop3A_291 = arith.constant 6 : i32
          %parallel_loop3A_292 = vector.broadcast %parallel_loop3A_291 : i32 to vector<16xi32>
          %parallel_loop3A_293 = arith.addi %parallel_loop3A_266, %parallel_loop3A_292 : vector<16xi32>
          %parallel_loop3A_294 = tpu.vector_load_idx %arg6[%parallel_loop3A_293] : memref<61456xf32, #tpu.memory_space<vmem>>[vector<16xi32>], vector<16xf32>,
          %parallel_loop3A_295 = arith.constant 16 : i32
          %parallel_loop3A_296 = arith.muli %parallel_loop3A_120, %parallel_loop3A_295 : i32
          %parallel_loop3A_297 = arith.constant 0 : i32
          %parallel_loop3A_298 = arith.index_cast %parallel_loop3A_297 : i32 to index
          %parallel_loop3A_299 = arith.index_cast %parallel_loop3A_296 : i32 to index
          %parallel_loop3A_300 = tpu.vector_load %arg12[%parallel_loop3A_298, %parallel_loop3A_299] {strides = array<i32>} : memref<64x128xf32, #tpu.memory_space<vmem>>, vector<16xf32>,
          tpu.vector_store %arg12[%parallel_loop3A_298, %parallel_loop3A_299], %parallel_loop3A_270 {strides = array<i32>} : memref<64x128xf32, #tpu.memory_space<vmem>>, vector<16xf32>,
          %parallel_loop3A_301 = arith.constant 7 : i32
          %parallel_loop3A_302 = vector.broadcast %parallel_loop3A_301 : i32 to vector<16xi32>
          %parallel_loop3A_303 = arith.addi %parallel_loop3A_266, %parallel_loop3A_302 : vector<16xi32>
          %parallel_loop3A_304 = tpu.vector_load_idx %arg6[%parallel_loop3A_303] : memref<61456xf32, #tpu.memory_space<vmem>>[vector<16xi32>], vector<16xf32>,
          %parallel_loop3A_305 = arith.constant 16 : i32
          %parallel_loop3A_306 = arith.muli %parallel_loop3A_120, %parallel_loop3A_305 : i32
          %parallel_loop3A_307 = arith.constant 1 : i32
          %parallel_loop3A_308 = arith.index_cast %parallel_loop3A_307 : i32 to index
          %parallel_loop3A_309 = arith.index_cast %parallel_loop3A_306 : i32 to index
          %parallel_loop3A_310 = tpu.vector_load %arg12[%parallel_loop3A_308, %parallel_loop3A_309] {strides = array<i32>} : memref<64x128xf32, #tpu.memory_space<vmem>>, vector<16xf32>,
          tpu.vector_store %arg12[%parallel_loop3A_308, %parallel_loop3A_309], %parallel_loop3A_274 {strides = array<i32>} : memref<64x128xf32, #tpu.memory_space<vmem>>, vector<16xf32>,
          %parallel_loop3A_311 = arith.constant 8 : i32
          %parallel_loop3A_312 = vector.broadcast %parallel_loop3A_311 : i32 to vector<16xi32>
          %parallel_loop3A_313 = arith.addi %parallel_loop3A_266, %parallel_loop3A_312 : vector<16xi32>
          %parallel_loop3A_314 = tpu.vector_load_idx %arg6[%parallel_loop3A_313] : memref<61456xf32, #tpu.memory_space<vmem>>[vector<16xi32>], vector<16xf32>,
          %parallel_loop3A_315 = arith.constant 16 : i32
          %parallel_loop3A_316 = arith.muli %parallel_loop3A_120, %parallel_loop3A_315 : i32
          %parallel_loop3A_317 = arith.constant 2 : i32
          %parallel_loop3A_318 = arith.index_cast %parallel_loop3A_317 : i32 to index
          %parallel_loop3A_319 = arith.index_cast %parallel_loop3A_316 : i32 to index
          %parallel_loop3A_320 = tpu.vector_load %arg12[%parallel_loop3A_318, %parallel_loop3A_319] {strides = array<i32>} : memref<64x128xf32, #tpu.memory_space<vmem>>, vector<16xf32>,
          tpu.vector_store %arg12[%parallel_loop3A_318, %parallel_loop3A_319], %parallel_loop3A_278 {strides = array<i32>} : memref<64x128xf32, #tpu.memory_space<vmem>>, vector<16xf32>,
          %parallel_loop3A_321 = arith.constant 9 : i32
          %parallel_loop3A_322 = vector.broadcast %parallel_loop3A_321 : i32 to vector<16xi32>
          %parallel_loop3A_323 = arith.addi %parallel_loop3A_266, %parallel_loop3A_322 : vector<16xi32>
          %parallel_loop3A_324 = tpu.vector_load_idx %arg6[%parallel_loop3A_323] : memref<61456xf32, #tpu.memory_space<vmem>>[vector<16xi32>], vector<16xf32>,
          %parallel_loop3A_325 = arith.constant 16 : i32
          %parallel_loop3A_326 = arith.muli %parallel_loop3A_120, %parallel_loop3A_325 : i32
          %parallel_loop3A_327 = arith.constant 3 : i32
          %parallel_loop3A_328 = arith.index_cast %parallel_loop3A_327 : i32 to index
          %parallel_loop3A_329 = arith.index_cast %parallel_loop3A_326 : i32 to index
          %parallel_loop3A_330 = tpu.vector_load %arg12[%parallel_loop3A_328, %parallel_loop3A_329] {strides = array<i32>} : memref<64x128xf32, #tpu.memory_space<vmem>>, vector<16xf32>,
          tpu.vector_store %arg12[%parallel_loop3A_328, %parallel_loop3A_329], %parallel_loop3A_282 {strides = array<i32>} : memref<64x128xf32, #tpu.memory_space<vmem>>, vector<16xf32>,
          %parallel_loop3A_331 = arith.constant 10 : i32
          %parallel_loop3A_332 = vector.broadcast %parallel_loop3A_331 : i32 to vector<16xi32>
          %parallel_loop3A_333 = arith.addi %parallel_loop3A_266, %parallel_loop3A_332 : vector<16xi32>
          %parallel_loop3A_334 = tpu.vector_load_idx %arg6[%parallel_loop3A_333] : memref<61456xf32, #tpu.memory_space<vmem>>[vector<16xi32>], vector<16xf32>,
          %parallel_loop3A_335 = arith.constant 16 : i32
          %parallel_loop3A_336 = arith.muli %parallel_loop3A_120, %parallel_loop3A_335 : i32
          %parallel_loop3A_337 = arith.constant 4 : i32
          %parallel_loop3A_338 = arith.index_cast %parallel_loop3A_337 : i32 to index
          %parallel_loop3A_339 = arith.index_cast %parallel_loop3A_336 : i32 to index
          %parallel_loop3A_340 = tpu.vector_load %arg12[%parallel_loop3A_338, %parallel_loop3A_339] {strides = array<i32>} : memref<64x128xf32, #tpu.memory_space<vmem>>, vector<16xf32>,
          tpu.vector_store %arg12[%parallel_loop3A_338, %parallel_loop3A_339], %parallel_loop3A_286 {strides = array<i32>} : memref<64x128xf32, #tpu.memory_space<vmem>>, vector<16xf32>,
          %parallel_loop3A_341 = arith.constant 11 : i32
          %parallel_loop3A_342 = vector.broadcast %parallel_loop3A_341 : i32 to vector<16xi32>
          %parallel_loop3A_343 = arith.addi %parallel_loop3A_266, %parallel_loop3A_342 : vector<16xi32>
          %parallel_loop3A_344 = tpu.vector_load_idx %arg6[%parallel_loop3A_343] : memref<61456xf32, #tpu.memory_space<vmem>>[vector<16xi32>], vector<16xf32>,
          %parallel_loop3A_345 = arith.constant 16 : i32
          %parallel_loop3A_346 = arith.muli %parallel_loop3A_120, %parallel_loop3A_345 : i32
          %parallel_loop3A_347 = arith.constant 5 : i32
          %parallel_loop3A_348 = arith.index_cast %parallel_loop3A_347 : i32 to index
          %parallel_loop3A_349 = arith.index_cast %parallel_loop3A_346 : i32 to index
          %parallel_loop3A_350 = tpu.vector_load %arg12[%parallel_loop3A_348, %parallel_loop3A_349] {strides = array<i32>} : memref<64x128xf32, #tpu.memory_space<vmem>>, vector<16xf32>,
          tpu.vector_store %arg12[%parallel_loop3A_348, %parallel_loop3A_349], %parallel_loop3A_290 {strides = array<i32>} : memref<64x128xf32, #tpu.memory_space<vmem>>, vector<16xf32>,
          %parallel_loop3A_351 = arith.constant 12 : i32
          %parallel_loop3A_352 = vector.broadcast %parallel_loop3A_351 : i32 to vector<16xi32>
          %parallel_loop3A_353 = arith.addi %parallel_loop3A_266, %parallel_loop3A_352 : vector<16xi32>
          %parallel_loop3A_354 = tpu.vector_load_idx %arg6[%parallel_loop3A_353] : memref<61456xf32, #tpu.memory_space<vmem>>[vector<16xi32>], vector<16xf32>,
          %parallel_loop3A_355 = arith.constant 16 : i32
          %parallel_loop3A_356 = arith.muli %parallel_loop3A_120, %parallel_loop3A_355 : i32
          %parallel_loop3A_357 = arith.constant 6 : i32
          %parallel_loop3A_358 = arith.index_cast %parallel_loop3A_357 : i32 to index
          %parallel_loop3A_359 = arith.index_cast %parallel_loop3A_356 : i32 to index
          %parallel_loop3A_360 = tpu.vector_load %arg12[%parallel_loop3A_358, %parallel_loop3A_359] {strides = array<i32>} : memref<64x128xf32, #tpu.memory_space<vmem>>, vector<16xf32>,
          tpu.vector_store %arg12[%parallel_loop3A_358, %parallel_loop3A_359], %parallel_loop3A_294 {strides = array<i32>} : memref<64x128xf32, #tpu.memory_space<vmem>>, vector<16xf32>,
          %parallel_loop3A_361 = arith.constant 13 : i32
          %parallel_loop3A_362 = vector.broadcast %parallel_loop3A_361 : i32 to vector<16xi32>
          %parallel_loop3A_363 = arith.addi %parallel_loop3A_266, %parallel_loop3A_362 : vector<16xi32>
          %parallel_loop3A_364 = tpu.vector_load_idx %arg6[%parallel_loop3A_363] : memref<61456xf32, #tpu.memory_space<vmem>>[vector<16xi32>], vector<16xf32>,
          %parallel_loop3A_365 = arith.constant 16 : i32
          %parallel_loop3A_366 = arith.muli %parallel_loop3A_120, %parallel_loop3A_365 : i32
          %parallel_loop3A_367 = arith.constant 7 : i32
          %parallel_loop3A_368 = arith.index_cast %parallel_loop3A_367 : i32 to index
          %parallel_loop3A_369 = arith.index_cast %parallel_loop3A_366 : i32 to index
          %parallel_loop3A_370 = tpu.vector_load %arg12[%parallel_loop3A_368, %parallel_loop3A_369] {strides = array<i32>} : memref<64x128xf32, #tpu.memory_space<vmem>>, vector<16xf32>,
          tpu.vector_store %arg12[%parallel_loop3A_368, %parallel_loop3A_369], %parallel_loop3A_304 {strides = array<i32>} : memref<64x128xf32, #tpu.memory_space<vmem>>, vector<16xf32>,
          %parallel_loop3A_371 = arith.constant 14 : i32
          %parallel_loop3A_372 = vector.broadcast %parallel_loop3A_371 : i32 to vector<16xi32>
          %parallel_loop3A_373 = arith.addi %parallel_loop3A_266, %parallel_loop3A_372 : vector<16xi32>
          %parallel_loop3A_374 = tpu.vector_load_idx %arg6[%parallel_loop3A_373] : memref<61456xf32, #tpu.memory_space<vmem>>[vector<16xi32>], vector<16xf32>,
          %parallel_loop3A_375 = arith.constant 16 : i32
          %parallel_loop3A_376 = arith.muli %parallel_loop3A_120, %parallel_loop3A_375 : i32
          %parallel_loop3A_377 = arith.constant 8 : i32
          %parallel_loop3A_378 = arith.index_cast %parallel_loop3A_377 : i32 to index
          %parallel_loop3A_379 = arith.index_cast %parallel_loop3A_376 : i32 to index
          %parallel_loop3A_380 = tpu.vector_load %arg12[%parallel_loop3A_378, %parallel_loop3A_379] {strides = array<i32>} : memref<64x128xf32, #tpu.memory_space<vmem>>, vector<16xf32>,
          tpu.vector_store %arg12[%parallel_loop3A_378, %parallel_loop3A_379], %parallel_loop3A_314 {strides = array<i32>} : memref<64x128xf32, #tpu.memory_space<vmem>>, vector<16xf32>,
          %parallel_loop3A_381 = arith.constant 15 : i32
          %parallel_loop3A_382 = vector.broadcast %parallel_loop3A_381 : i32 to vector<16xi32>
          %parallel_loop3A_383 = arith.addi %parallel_loop3A_266, %parallel_loop3A_382 : vector<16xi32>
          %parallel_loop3A_384 = tpu.vector_load_idx %arg6[%parallel_loop3A_383] : memref<61456xf32, #tpu.memory_space<vmem>>[vector<16xi32>], vector<16xf32>,
          %parallel_loop3A_385 = arith.constant 16 : i32
          %parallel_loop3A_386 = arith.muli %parallel_loop3A_120, %parallel_loop3A_385 : i32
          %parallel_loop3A_387 = arith.constant 9 : i32
          %parallel_loop3A_388 = arith.index_cast %parallel_loop3A_387 : i32 to index
          %parallel_loop3A_389 = arith.index_cast %parallel_loop3A_386 : i32 to index
          %parallel_loop3A_390 = tpu.vector_load %arg12[%parallel_loop3A_388, %parallel_loop3A_389] {strides = array<i32>} : memref<64x128xf32, #tpu.memory_space<vmem>>, vector<16xf32>,
          tpu.vector_store %arg12[%parallel_loop3A_388, %parallel_loop3A_389], %parallel_loop3A_324 {strides = array<i32>} : memref<64x128xf32, #tpu.memory_space<vmem>>, vector<16xf32>,
          %parallel_loop3A_391 = arith.constant 16 : i32
          %parallel_loop3A_392 = vector.broadcast %parallel_loop3A_391 : i32 to vector<16xi32>
          %parallel_loop3A_393 = arith.addi %parallel_loop3A_266, %parallel_loop3A_392 : vector<16xi32>
          %parallel_loop3A_394 = tpu.vector_load_idx %arg6[%parallel_loop3A_393] : memref<61456xf32, #tpu.memory_space<vmem>>[vector<16xi32>], vector<16xf32>,
          %parallel_loop3A_395 = arith.constant 16 : i32
          %parallel_loop3A_396 = arith.muli %parallel_loop3A_120, %parallel_loop3A_395 : i32
          %parallel_loop3A_397 = arith.constant 10 : i32
          %parallel_loop3A_398 = arith.index_cast %parallel_loop3A_397 : i32 to index
          %parallel_loop3A_399 = arith.index_cast %parallel_loop3A_396 : i32 to index
          %parallel_loop3A_400 = tpu.vector_load %arg12[%parallel_loop3A_398, %parallel_loop3A_399] {strides = array<i32>} : memref<64x128xf32, #tpu.memory_space<vmem>>, vector<16xf32>,
          tpu.vector_store %arg12[%parallel_loop3A_398, %parallel_loop3A_399], %parallel_loop3A_334 {strides = array<i32>} : memref<64x128xf32, #tpu.memory_space<vmem>>, vector<16xf32>,
          %parallel_loop3A_401 = arith.constant 17 : i32
          %parallel_loop3A_402 = vector.broadcast %parallel_loop3A_401 : i32 to vector<16xi32>
          %parallel_loop3A_403 = arith.addi %parallel_loop3A_266, %parallel_loop3A_402 : vector<16xi32>
          %parallel_loop3A_404 = tpu.vector_load_idx %arg6[%parallel_loop3A_403] : memref<61456xf32, #tpu.memory_space<vmem>>[vector<16xi32>], vector<16xf32>,
          %parallel_loop3A_405 = arith.constant 16 : i32
          %parallel_loop3A_406 = arith.muli %parallel_loop3A_120, %parallel_loop3A_405 : i32
          %parallel_loop3A_407 = arith.constant 11 : i32
          %parallel_loop3A_408 = arith.index_cast %parallel_loop3A_407 : i32 to index
          %parallel_loop3A_409 = arith.index_cast %parallel_loop3A_406 : i32 to index
          %parallel_loop3A_410 = tpu.vector_load %arg12[%parallel_loop3A_408, %parallel_loop3A_409] {strides = array<i32>} : memref<64x128xf32, #tpu.memory_space<vmem>>, vector<16xf32>,
          tpu.vector_store %arg12[%parallel_loop3A_408, %parallel_loop3A_409], %parallel_loop3A_344 {strides = array<i32>} : memref<64x128xf32, #tpu.memory_space<vmem>>, vector<16xf32>,
          %parallel_loop3A_411 = arith.constant 18 : i32
          %parallel_loop3A_412 = vector.broadcast %parallel_loop3A_411 : i32 to vector<16xi32>
          %parallel_loop3A_413 = arith.addi %parallel_loop3A_266, %parallel_loop3A_412 : vector<16xi32>
          %parallel_loop3A_414 = tpu.vector_load_idx %arg6[%parallel_loop3A_413] : memref<61456xf32, #tpu.memory_space<vmem>>[vector<16xi32>], vector<16xf32>,
          %parallel_loop3A_415 = arith.constant 16 : i32
          %parallel_loop3A_416 = arith.muli %parallel_loop3A_120, %parallel_loop3A_415 : i32
          %parallel_loop3A_417 = arith.constant 12 : i32
          %parallel_loop3A_418 = arith.index_cast %parallel_loop3A_417 : i32 to index
          %parallel_loop3A_419 = arith.index_cast %parallel_loop3A_416 : i32 to index
          %parallel_loop3A_420 = tpu.vector_load %arg12[%parallel_loop3A_418, %parallel_loop3A_419] {strides = array<i32>} : memref<64x128xf32, #tpu.memory_space<vmem>>, vector<16xf32>,
          tpu.vector_store %arg12[%parallel_loop3A_418, %parallel_loop3A_419], %parallel_loop3A_354 {strides = array<i32>} : memref<64x128xf32, #tpu.memory_space<vmem>>, vector<16xf32>,
          %parallel_loop3A_421 = arith.constant 19 : i32
          %parallel_loop3A_422 = vector.broadcast %parallel_loop3A_421 : i32 to vector<16xi32>
          %parallel_loop3A_423 = arith.addi %parallel_loop3A_266, %parallel_loop3A_422 : vector<16xi32>
          %parallel_loop3A_424 = tpu.vector_load_idx %arg6[%parallel_loop3A_423] : memref<61456xf32, #tpu.memory_space<vmem>>[vector<16xi32>], vector<16xf32>,
          %parallel_loop3A_425 = arith.constant 16 : i32
          %parallel_loop3A_426 = arith.muli %parallel_loop3A_120, %parallel_loop3A_425 : i32
          %parallel_loop3A_427 = arith.constant 13 : i32
          %parallel_loop3A_428 = arith.index_cast %parallel_loop3A_427 : i32 to index
          %parallel_loop3A_429 = arith.index_cast %parallel_loop3A_426 : i32 to index
          %parallel_loop3A_430 = tpu.vector_load %arg12[%parallel_loop3A_428, %parallel_loop3A_429] {strides = array<i32>} : memref<64x128xf32, #tpu.memory_space<vmem>>, vector<16xf32>,
          tpu.vector_store %arg12[%parallel_loop3A_428, %parallel_loop3A_429], %parallel_loop3A_364 {strides = array<i32>} : memref<64x128xf32, #tpu.memory_space<vmem>>, vector<16xf32>,
          %parallel_loop3A_431 = arith.constant 20 : i32
          %parallel_loop3A_432 = vector.broadcast %parallel_loop3A_431 : i32 to vector<16xi32>
          %parallel_loop3A_433 = arith.addi %parallel_loop3A_266, %parallel_loop3A_432 : vector<16xi32>
          %parallel_loop3A_434 = tpu.vector_load_idx %arg6[%parallel_loop3A_433] : memref<61456xf32, #tpu.memory_space<vmem>>[vector<16xi32>], vector<16xf32>,
          %parallel_loop3A_435 = arith.constant 16 : i32
          %parallel_loop3A_436 = arith.muli %parallel_loop3A_120, %parallel_loop3A_435 : i32
          %parallel_loop3A_437 = arith.constant 14 : i32
          %parallel_loop3A_438 = arith.index_cast %parallel_loop3A_437 : i32 to index
          %parallel_loop3A_439 = arith.index_cast %parallel_loop3A_436 : i32 to index
          %parallel_loop3A_440 = tpu.vector_load %arg12[%parallel_loop3A_438, %parallel_loop3A_439] {strides = array<i32>} : memref<64x128xf32, #tpu.memory_space<vmem>>, vector<16xf32>,
          tpu.vector_store %arg12[%parallel_loop3A_438, %parallel_loop3A_439], %parallel_loop3A_374 {strides = array<i32>} : memref<64x128xf32, #tpu.memory_space<vmem>>, vector<16xf32>,
          %parallel_loop3A_441 = arith.constant 21 : i32
          %parallel_loop3A_442 = vector.broadcast %parallel_loop3A_441 : i32 to vector<16xi32>
          %parallel_loop3A_443 = arith.addi %parallel_loop3A_266, %parallel_loop3A_442 : vector<16xi32>
          %parallel_loop3A_444 = tpu.vector_load_idx %arg6[%parallel_loop3A_443] : memref<61456xf32, #tpu.memory_space<vmem>>[vector<16xi32>], vector<16xf32>,
          %parallel_loop3A_445 = arith.constant 16 : i32
          %parallel_loop3A_446 = arith.muli %parallel_loop3A_120, %parallel_loop3A_445 : i32
          %parallel_loop3A_447 = arith.constant 15 : i32
          %parallel_loop3A_448 = arith.index_cast %parallel_loop3A_447 : i32 to index
          %parallel_loop3A_449 = arith.index_cast %parallel_loop3A_446 : i32 to index
          %parallel_loop3A_450 = tpu.vector_load %arg12[%parallel_loop3A_448, %parallel_loop3A_449] {strides = array<i32>} : memref<64x128xf32, #tpu.memory_space<vmem>>, vector<16xf32>,
          tpu.vector_store %arg12[%parallel_loop3A_448, %parallel_loop3A_449], %parallel_loop3A_384 {strides = array<i32>} : memref<64x128xf32, #tpu.memory_space<vmem>>, vector<16xf32>,
          %parallel_loop3A_451 = arith.constant 22 : i32
          %parallel_loop3A_452 = vector.broadcast %parallel_loop3A_451 : i32 to vector<16xi32>
          %parallel_loop3A_453 = arith.addi %parallel_loop3A_266, %parallel_loop3A_452 : vector<16xi32>
          %parallel_loop3A_454 = tpu.vector_load_idx %arg6[%parallel_loop3A_453] : memref<61456xf32, #tpu.memory_space<vmem>>[vector<16xi32>], vector<16xf32>,
          %parallel_loop3A_455 = arith.constant 16 : i32
          %parallel_loop3A_456 = arith.muli %parallel_loop3A_120, %parallel_loop3A_455 : i32
          %parallel_loop3A_457 = arith.constant 16 : i32
          %parallel_loop3A_458 = arith.index_cast %parallel_loop3A_457 : i32 to index
          %parallel_loop3A_459 = arith.index_cast %parallel_loop3A_456 : i32 to index
          %parallel_loop3A_460 = tpu.vector_load %arg12[%parallel_loop3A_458, %parallel_loop3A_459] {strides = array<i32>} : memref<64x128xf32, #tpu.memory_space<vmem>>, vector<16xf32>,
          tpu.vector_store %arg12[%parallel_loop3A_458, %parallel_loop3A_459], %parallel_loop3A_394 {strides = array<i32>} : memref<64x128xf32, #tpu.memory_space<vmem>>, vector<16xf32>,
          %parallel_loop3A_461 = arith.constant 23 : i32
          %parallel_loop3A_462 = vector.broadcast %parallel_loop3A_461 : i32 to vector<16xi32>
          %parallel_loop3A_463 = arith.addi %parallel_loop3A_266, %parallel_loop3A_462 : vector<16xi32>
          %parallel_loop3A_464 = tpu.vector_load_idx %arg6[%parallel_loop3A_463] : memref<61456xf32, #tpu.memory_space<vmem>>[vector<16xi32>], vector<16xf32>,
          %parallel_loop3A_465 = arith.constant 16 : i32
          %parallel_loop3A_466 = arith.muli %parallel_loop3A_120, %parallel_loop3A_465 : i32
          %parallel_loop3A_467 = arith.constant 17 : i32
          %parallel_loop3A_468 = arith.index_cast %parallel_loop3A_467 : i32 to index
          %parallel_loop3A_469 = arith.index_cast %parallel_loop3A_466 : i32 to index
          %parallel_loop3A_470 = tpu.vector_load %arg12[%parallel_loop3A_468, %parallel_loop3A_469] {strides = array<i32>} : memref<64x128xf32, #tpu.memory_space<vmem>>, vector<16xf32>,
          tpu.vector_store %arg12[%parallel_loop3A_468, %parallel_loop3A_469], %parallel_loop3A_404 {strides = array<i32>} : memref<64x128xf32, #tpu.memory_space<vmem>>, vector<16xf32>,
          %parallel_loop3A_471 = arith.constant 24 : i32
          %parallel_loop3A_472 = vector.broadcast %parallel_loop3A_471 : i32 to vector<16xi32>
          %parallel_loop3A_473 = arith.addi %parallel_loop3A_266, %parallel_loop3A_472 : vector<16xi32>
          %parallel_loop3A_474 = tpu.vector_load_idx %arg6[%parallel_loop3A_473] : memref<61456xf32, #tpu.memory_space<vmem>>[vector<16xi32>], vector<16xf32>,
          %parallel_loop3A_475 = arith.constant 16 : i32
          %parallel_loop3A_476 = arith.muli %parallel_loop3A_120, %parallel_loop3A_475 : i32
          %parallel_loop3A_477 = arith.constant 18 : i32
          %parallel_loop3A_478 = arith.index_cast %parallel_loop3A_477 : i32 to index
          %parallel_loop3A_479 = arith.index_cast %parallel_loop3A_476 : i32 to index
          %parallel_loop3A_480 = tpu.vector_load %arg12[%parallel_loop3A_478, %parallel_loop3A_479] {strides = array<i32>} : memref<64x128xf32, #tpu.memory_space<vmem>>, vector<16xf32>,
          tpu.vector_store %arg12[%parallel_loop3A_478, %parallel_loop3A_479], %parallel_loop3A_414 {strides = array<i32>} : memref<64x128xf32, #tpu.memory_space<vmem>>, vector<16xf32>,
          %parallel_loop3A_481 = arith.constant 25 : i32
          %parallel_loop3A_482 = vector.broadcast %parallel_loop3A_481 : i32 to vector<16xi32>
          %parallel_loop3A_483 = arith.addi %parallel_loop3A_266, %parallel_loop3A_482 : vector<16xi32>
          %parallel_loop3A_484 = tpu.vector_load_idx %arg6[%parallel_loop3A_483] : memref<61456xf32, #tpu.memory_space<vmem>>[vector<16xi32>], vector<16xf32>,
          %parallel_loop3A_485 = arith.constant 16 : i32
          %parallel_loop3A_486 = arith.muli %parallel_loop3A_120, %parallel_loop3A_485 : i32
          %parallel_loop3A_487 = arith.constant 19 : i32
          %parallel_loop3A_488 = arith.index_cast %parallel_loop3A_487 : i32 to index
          %parallel_loop3A_489 = arith.index_cast %parallel_loop3A_486 : i32 to index
          %parallel_loop3A_490 = tpu.vector_load %arg12[%parallel_loop3A_488, %parallel_loop3A_489] {strides = array<i32>} : memref<64x128xf32, #tpu.memory_space<vmem>>, vector<16xf32>,
          tpu.vector_store %arg12[%parallel_loop3A_488, %parallel_loop3A_489], %parallel_loop3A_424 {strides = array<i32>} : memref<64x128xf32, #tpu.memory_space<vmem>>, vector<16xf32>,
          %parallel_loop3A_491 = arith.constant 26 : i32
          %parallel_loop3A_492 = vector.broadcast %parallel_loop3A_491 : i32 to vector<16xi32>
          %parallel_loop3A_493 = arith.addi %parallel_loop3A_266, %parallel_loop3A_492 : vector<16xi32>
          %parallel_loop3A_494 = tpu.vector_load_idx %arg6[%parallel_loop3A_493] : memref<61456xf32, #tpu.memory_space<vmem>>[vector<16xi32>], vector<16xf32>,
          %parallel_loop3A_495 = arith.constant 16 : i32
          %parallel_loop3A_496 = arith.muli %parallel_loop3A_120, %parallel_loop3A_495 : i32
          %parallel_loop3A_497 = arith.constant 20 : i32
          %parallel_loop3A_498 = arith.index_cast %parallel_loop3A_497 : i32 to index
          %parallel_loop3A_499 = arith.index_cast %parallel_loop3A_496 : i32 to index
          %parallel_loop3A_500 = tpu.vector_load %arg12[%parallel_loop3A_498, %parallel_loop3A_499] {strides = array<i32>} : memref<64x128xf32, #tpu.memory_space<vmem>>, vector<16xf32>,
          tpu.vector_store %arg12[%parallel_loop3A_498, %parallel_loop3A_499], %parallel_loop3A_434 {strides = array<i32>} : memref<64x128xf32, #tpu.memory_space<vmem>>, vector<16xf32>,
          %parallel_loop3A_501 = arith.constant 27 : i32
          %parallel_loop3A_502 = vector.broadcast %parallel_loop3A_501 : i32 to vector<16xi32>
          %parallel_loop3A_503 = arith.addi %parallel_loop3A_266, %parallel_loop3A_502 : vector<16xi32>
          %parallel_loop3A_504 = tpu.vector_load_idx %arg6[%parallel_loop3A_503] : memref<61456xf32, #tpu.memory_space<vmem>>[vector<16xi32>], vector<16xf32>,
          %parallel_loop3A_505 = arith.constant 16 : i32
          %parallel_loop3A_506 = arith.muli %parallel_loop3A_120, %parallel_loop3A_505 : i32
          %parallel_loop3A_507 = arith.constant 21 : i32
          %parallel_loop3A_508 = arith.index_cast %parallel_loop3A_507 : i32 to index
          %parallel_loop3A_509 = arith.index_cast %parallel_loop3A_506 : i32 to index
          %parallel_loop3A_510 = tpu.vector_load %arg12[%parallel_loop3A_508, %parallel_loop3A_509] {strides = array<i32>} : memref<64x128xf32, #tpu.memory_space<vmem>>, vector<16xf32>,
          tpu.vector_store %arg12[%parallel_loop3A_508, %parallel_loop3A_509], %parallel_loop3A_444 {strides = array<i32>} : memref<64x128xf32, #tpu.memory_space<vmem>>, vector<16xf32>,
          %parallel_loop3A_511 = arith.constant 28 : i32
          %parallel_loop3A_512 = vector.broadcast %parallel_loop3A_511 : i32 to vector<16xi32>
          %parallel_loop3A_513 = arith.addi %parallel_loop3A_266, %parallel_loop3A_512 : vector<16xi32>
          %parallel_loop3A_514 = tpu.vector_load_idx %arg6[%parallel_loop3A_513] : memref<61456xf32, #tpu.memory_space<vmem>>[vector<16xi32>], vector<16xf32>,
          %parallel_loop3A_515 = arith.constant 16 : i32
          %parallel_loop3A_516 = arith.muli %parallel_loop3A_120, %parallel_loop3A_515 : i32
          %parallel_loop3A_517 = arith.constant 22 : i32
          %parallel_loop3A_518 = arith.index_cast %parallel_loop3A_517 : i32 to index
          %parallel_loop3A_519 = arith.index_cast %parallel_loop3A_516 : i32 to index
          %parallel_loop3A_520 = tpu.vector_load %arg12[%parallel_loop3A_518, %parallel_loop3A_519] {strides = array<i32>} : memref<64x128xf32, #tpu.memory_space<vmem>>, vector<16xf32>,
          tpu.vector_store %arg12[%parallel_loop3A_518, %parallel_loop3A_519], %parallel_loop3A_454 {strides = array<i32>} : memref<64x128xf32, #tpu.memory_space<vmem>>, vector<16xf32>,
          %parallel_loop3A_521 = arith.constant 29 : i32
          %parallel_loop3A_522 = vector.broadcast %parallel_loop3A_521 : i32 to vector<16xi32>
          %parallel_loop3A_523 = arith.addi %parallel_loop3A_266, %parallel_loop3A_522 : vector<16xi32>
          %parallel_loop3A_524 = tpu.vector_load_idx %arg6[%parallel_loop3A_523] : memref<61456xf32, #tpu.memory_space<vmem>>[vector<16xi32>], vector<16xf32>,
          %parallel_loop3A_525 = arith.constant 16 : i32
          %parallel_loop3A_526 = arith.muli %parallel_loop3A_120, %parallel_loop3A_525 : i32
          %parallel_loop3A_527 = arith.constant 23 : i32
          %parallel_loop3A_528 = arith.index_cast %parallel_loop3A_527 : i32 to index
          %parallel_loop3A_529 = arith.index_cast %parallel_loop3A_526 : i32 to index
          %parallel_loop3A_530 = tpu.vector_load %arg12[%parallel_loop3A_528, %parallel_loop3A_529] {strides = array<i32>} : memref<64x128xf32, #tpu.memory_space<vmem>>, vector<16xf32>,
          tpu.vector_store %arg12[%parallel_loop3A_528, %parallel_loop3A_529], %parallel_loop3A_464 {strides = array<i32>} : memref<64x128xf32, #tpu.memory_space<vmem>>, vector<16xf32>,
          %parallel_loop3A_531 = arith.constant 30 : i32
          %parallel_loop3A_532 = vector.broadcast %parallel_loop3A_531 : i32 to vector<16xi32>
          %parallel_loop3A_533 = arith.addi %parallel_loop3A_266, %parallel_loop3A_532 : vector<16xi32>
          %parallel_loop3A_534 = tpu.vector_load_idx %arg6[%parallel_loop3A_533] : memref<61456xf32, #tpu.memory_space<vmem>>[vector<16xi32>], vector<16xf32>,
          %parallel_loop3A_535 = arith.constant 16 : i32
          %parallel_loop3A_536 = arith.muli %parallel_loop3A_120, %parallel_loop3A_535 : i32
          %parallel_loop3A_537 = arith.constant 24 : i32
          %parallel_loop3A_538 = arith.index_cast %parallel_loop3A_537 : i32 to index
          %parallel_loop3A_539 = arith.index_cast %parallel_loop3A_536 : i32 to index
          %parallel_loop3A_540 = tpu.vector_load %arg12[%parallel_loop3A_538, %parallel_loop3A_539] {strides = array<i32>} : memref<64x128xf32, #tpu.memory_space<vmem>>, vector<16xf32>,
          tpu.vector_store %arg12[%parallel_loop3A_538, %parallel_loop3A_539], %parallel_loop3A_474 {strides = array<i32>} : memref<64x128xf32, #tpu.memory_space<vmem>>, vector<16xf32>,
          %parallel_loop3A_541 = arith.constant 31 : i32
          %parallel_loop3A_542 = vector.broadcast %parallel_loop3A_541 : i32 to vector<16xi32>
          %parallel_loop3A_543 = arith.addi %parallel_loop3A_266, %parallel_loop3A_542 : vector<16xi32>
          %parallel_loop3A_544 = tpu.vector_load_idx %arg6[%parallel_loop3A_543] : memref<61456xf32, #tpu.memory_space<vmem>>[vector<16xi32>], vector<16xf32>,
          %parallel_loop3A_545 = arith.constant 16 : i32
          %parallel_loop3A_546 = arith.muli %parallel_loop3A_120, %parallel_loop3A_545 : i32
          %parallel_loop3A_547 = arith.constant 25 : i32
          %parallel_loop3A_548 = arith.index_cast %parallel_loop3A_547 : i32 to index
          %parallel_loop3A_549 = arith.index_cast %parallel_loop3A_546 : i32 to index
          %parallel_loop3A_550 = tpu.vector_load %arg12[%parallel_loop3A_548, %parallel_loop3A_549] {strides = array<i32>} : memref<64x128xf32, #tpu.memory_space<vmem>>, vector<16xf32>,
          tpu.vector_store %arg12[%parallel_loop3A_548, %parallel_loop3A_549], %parallel_loop3A_484 {strides = array<i32>} : memref<64x128xf32, #tpu.memory_space<vmem>>, vector<16xf32>,
          %parallel_loop3A_551 = arith.constant 32 : i32
          %parallel_loop3A_552 = vector.broadcast %parallel_loop3A_551 : i32 to vector<16xi32>
          %parallel_loop3A_553 = arith.addi %parallel_loop3A_266, %parallel_loop3A_552 : vector<16xi32>
          %parallel_loop3A_554 = tpu.vector_load_idx %arg6[%parallel_loop3A_553] : memref<61456xf32, #tpu.memory_space<vmem>>[vector<16xi32>], vector<16xf32>,
          %parallel_loop3A_555 = arith.constant 16 : i32
          %parallel_loop3A_556 = arith.muli %parallel_loop3A_120, %parallel_loop3A_555 : i32
          %parallel_loop3A_557 = arith.constant 26 : i32
          %parallel_loop3A_558 = arith.index_cast %parallel_loop3A_557 : i32 to index
          %parallel_loop3A_559 = arith.index_cast %parallel_loop3A_556 : i32 to index
          %parallel_loop3A_560 = tpu.vector_load %arg12[%parallel_loop3A_558, %parallel_loop3A_559] {strides = array<i32>} : memref<64x128xf32, #tpu.memory_space<vmem>>, vector<16xf32>,
          tpu.vector_store %arg12[%parallel_loop3A_558, %parallel_loop3A_559], %parallel_loop3A_494 {strides = array<i32>} : memref<64x128xf32, #tpu.memory_space<vmem>>, vector<16xf32>,
          %parallel_loop3A_561 = arith.constant 33 : i32
          %parallel_loop3A_562 = vector.broadcast %parallel_loop3A_561 : i32 to vector<16xi32>
          %parallel_loop3A_563 = arith.addi %parallel_loop3A_266, %parallel_loop3A_562 : vector<16xi32>
          %parallel_loop3A_564 = tpu.vector_load_idx %arg6[%parallel_loop3A_563] : memref<61456xf32, #tpu.memory_space<vmem>>[vector<16xi32>], vector<16xf32>,
          %parallel_loop3A_565 = arith.constant 16 : i32
          %parallel_loop3A_566 = arith.muli %parallel_loop3A_120, %parallel_loop3A_565 : i32
          %parallel_loop3A_567 = arith.constant 27 : i32
          %parallel_loop3A_568 = arith.index_cast %parallel_loop3A_567 : i32 to index
          %parallel_loop3A_569 = arith.index_cast %parallel_loop3A_566 : i32 to index
          %parallel_loop3A_570 = tpu.vector_load %arg12[%parallel_loop3A_568, %parallel_loop3A_569] {strides = array<i32>} : memref<64x128xf32, #tpu.memory_space<vmem>>, vector<16xf32>,
          tpu.vector_store %arg12[%parallel_loop3A_568, %parallel_loop3A_569], %parallel_loop3A_504 {strides = array<i32>} : memref<64x128xf32, #tpu.memory_space<vmem>>, vector<16xf32>,
          %parallel_loop3A_571 = arith.constant 34 : i32
          %parallel_loop3A_572 = vector.broadcast %parallel_loop3A_571 : i32 to vector<16xi32>
          %parallel_loop3A_573 = arith.addi %parallel_loop3A_266, %parallel_loop3A_572 : vector<16xi32>
          %parallel_loop3A_574 = tpu.vector_load_idx %arg6[%parallel_loop3A_573] : memref<61456xf32, #tpu.memory_space<vmem>>[vector<16xi32>], vector<16xf32>,
          %parallel_loop3A_575 = arith.constant 16 : i32
          %parallel_loop3A_576 = arith.muli %parallel_loop3A_120, %parallel_loop3A_575 : i32
          %parallel_loop3A_577 = arith.constant 28 : i32
          %parallel_loop3A_578 = arith.index_cast %parallel_loop3A_577 : i32 to index
          %parallel_loop3A_579 = arith.index_cast %parallel_loop3A_576 : i32 to index
          %parallel_loop3A_580 = tpu.vector_load %arg12[%parallel_loop3A_578, %parallel_loop3A_579] {strides = array<i32>} : memref<64x128xf32, #tpu.memory_space<vmem>>, vector<16xf32>,
          tpu.vector_store %arg12[%parallel_loop3A_578, %parallel_loop3A_579], %parallel_loop3A_514 {strides = array<i32>} : memref<64x128xf32, #tpu.memory_space<vmem>>, vector<16xf32>,
          %parallel_loop3A_581 = arith.constant 35 : i32
          %parallel_loop3A_582 = vector.broadcast %parallel_loop3A_581 : i32 to vector<16xi32>
          %parallel_loop3A_583 = arith.addi %parallel_loop3A_266, %parallel_loop3A_582 : vector<16xi32>
          %parallel_loop3A_584 = tpu.vector_load_idx %arg6[%parallel_loop3A_583] : memref<61456xf32, #tpu.memory_space<vmem>>[vector<16xi32>], vector<16xf32>,
          %parallel_loop3A_585 = arith.constant 16 : i32
          %parallel_loop3A_586 = arith.muli %parallel_loop3A_120, %parallel_loop3A_585 : i32
          %parallel_loop3A_587 = arith.constant 29 : i32
          %parallel_loop3A_588 = arith.index_cast %parallel_loop3A_587 : i32 to index
          %parallel_loop3A_589 = arith.index_cast %parallel_loop3A_586 : i32 to index
          %parallel_loop3A_590 = tpu.vector_load %arg12[%parallel_loop3A_588, %parallel_loop3A_589] {strides = array<i32>} : memref<64x128xf32, #tpu.memory_space<vmem>>, vector<16xf32>,
          tpu.vector_store %arg12[%parallel_loop3A_588, %parallel_loop3A_589], %parallel_loop3A_524 {strides = array<i32>} : memref<64x128xf32, #tpu.memory_space<vmem>>, vector<16xf32>,
          %parallel_loop3A_591 = arith.constant 36 : i32
          %parallel_loop3A_592 = vector.broadcast %parallel_loop3A_591 : i32 to vector<16xi32>
          %parallel_loop3A_593 = arith.addi %parallel_loop3A_266, %parallel_loop3A_592 : vector<16xi32>
          %parallel_loop3A_594 = tpu.vector_load_idx %arg6[%parallel_loop3A_593] : memref<61456xf32, #tpu.memory_space<vmem>>[vector<16xi32>], vector<16xf32>,
          %parallel_loop3A_595 = arith.constant 16 : i32
          %parallel_loop3A_596 = arith.muli %parallel_loop3A_120, %parallel_loop3A_595 : i32
          %parallel_loop3A_597 = arith.constant 30 : i32
          %parallel_loop3A_598 = arith.index_cast %parallel_loop3A_597 : i32 to index
          %parallel_loop3A_599 = arith.index_cast %parallel_loop3A_596 : i32 to index
          %parallel_loop3A_600 = tpu.vector_load %arg12[%parallel_loop3A_598, %parallel_loop3A_599] {strides = array<i32>} : memref<64x128xf32, #tpu.memory_space<vmem>>, vector<16xf32>,
          tpu.vector_store %arg12[%parallel_loop3A_598, %parallel_loop3A_599], %parallel_loop3A_534 {strides = array<i32>} : memref<64x128xf32, #tpu.memory_space<vmem>>, vector<16xf32>,
          %parallel_loop3A_601 = arith.constant 37 : i32
          %parallel_loop3A_602 = vector.broadcast %parallel_loop3A_601 : i32 to vector<16xi32>
          %parallel_loop3A_603 = arith.addi %parallel_loop3A_266, %parallel_loop3A_602 : vector<16xi32>
          %parallel_loop3A_604 = tpu.vector_load_idx %arg6[%parallel_loop3A_603] : memref<61456xf32, #tpu.memory_space<vmem>>[vector<16xi32>], vector<16xf32>,
          %parallel_loop3A_605 = arith.constant 16 : i32
          %parallel_loop3A_606 = arith.muli %parallel_loop3A_120, %parallel_loop3A_605 : i32
          %parallel_loop3A_607 = arith.constant 31 : i32
          %parallel_loop3A_608 = arith.index_cast %parallel_loop3A_607 : i32 to index
          %parallel_loop3A_609 = arith.index_cast %parallel_loop3A_606 : i32 to index
          %parallel_loop3A_610 = tpu.vector_load %arg12[%parallel_loop3A_608, %parallel_loop3A_609] {strides = array<i32>} : memref<64x128xf32, #tpu.memory_space<vmem>>, vector<16xf32>,
          tpu.vector_store %arg12[%parallel_loop3A_608, %parallel_loop3A_609], %parallel_loop3A_544 {strides = array<i32>} : memref<64x128xf32, #tpu.memory_space<vmem>>, vector<16xf32>,
          %parallel_loop3A_611 = arith.constant 38 : i32
          %parallel_loop3A_612 = vector.broadcast %parallel_loop3A_611 : i32 to vector<16xi32>
          %parallel_loop3A_613 = arith.addi %parallel_loop3A_266, %parallel_loop3A_612 : vector<16xi32>
          %parallel_loop3A_614 = tpu.vector_load_idx %arg6[%parallel_loop3A_613] : memref<61456xf32, #tpu.memory_space<vmem>>[vector<16xi32>], vector<16xf32>,
          %parallel_loop3A_615 = arith.constant 16 : i32
          %parallel_loop3A_616 = arith.muli %parallel_loop3A_120, %parallel_loop3A_615 : i32
          %parallel_loop3A_617 = arith.constant 32 : i32
          %parallel_loop3A_618 = arith.index_cast %parallel_loop3A_617 : i32 to index
          %parallel_loop3A_619 = arith.index_cast %parallel_loop3A_616 : i32 to index
          %parallel_loop3A_620 = tpu.vector_load %arg12[%parallel_loop3A_618, %parallel_loop3A_619] {strides = array<i32>} : memref<64x128xf32, #tpu.memory_space<vmem>>, vector<16xf32>,
          tpu.vector_store %arg12[%parallel_loop3A_618, %parallel_loop3A_619], %parallel_loop3A_554 {strides = array<i32>} : memref<64x128xf32, #tpu.memory_space<vmem>>, vector<16xf32>,
          %parallel_loop3A_621 = arith.constant 39 : i32
          %parallel_loop3A_622 = vector.broadcast %parallel_loop3A_621 : i32 to vector<16xi32>
          %parallel_loop3A_623 = arith.addi %parallel_loop3A_266, %parallel_loop3A_622 : vector<16xi32>
          %parallel_loop3A_624 = tpu.vector_load_idx %arg6[%parallel_loop3A_623] : memref<61456xf32, #tpu.memory_space<vmem>>[vector<16xi32>], vector<16xf32>,
          %parallel_loop3A_625 = arith.constant 16 : i32
          %parallel_loop3A_626 = arith.muli %parallel_loop3A_120, %parallel_loop3A_625 : i32
          %parallel_loop3A_627 = arith.constant 33 : i32
          %parallel_loop3A_628 = arith.index_cast %parallel_loop3A_627 : i32 to index
          %parallel_loop3A_629 = arith.index_cast %parallel_loop3A_626 : i32 to index
          %parallel_loop3A_630 = tpu.vector_load %arg12[%parallel_loop3A_628, %parallel_loop3A_629] {strides = array<i32>} : memref<64x128xf32, #tpu.memory_space<vmem>>, vector<16xf32>,
          tpu.vector_store %arg12[%parallel_loop3A_628, %parallel_loop3A_629], %parallel_loop3A_564 {strides = array<i32>} : memref<64x128xf32, #tpu.memory_space<vmem>>, vector<16xf32>,
          %parallel_loop3A_631 = arith.constant 40 : i32
          %parallel_loop3A_632 = vector.broadcast %parallel_loop3A_631 : i32 to vector<16xi32>
          %parallel_loop3A_633 = arith.addi %parallel_loop3A_266, %parallel_loop3A_632 : vector<16xi32>
          %parallel_loop3A_634 = tpu.vector_load_idx %arg6[%parallel_loop3A_633] : memref<61456xf32, #tpu.memory_space<vmem>>[vector<16xi32>], vector<16xf32>,
          %parallel_loop3A_635 = arith.constant 16 : i32
          %parallel_loop3A_636 = arith.muli %parallel_loop3A_120, %parallel_loop3A_635 : i32
          %parallel_loop3A_637 = arith.constant 34 : i32
          %parallel_loop3A_638 = arith.index_cast %parallel_loop3A_637 : i32 to index
          %parallel_loop3A_639 = arith.index_cast %parallel_loop3A_636 : i32 to index
          %parallel_loop3A_640 = tpu.vector_load %arg12[%parallel_loop3A_638, %parallel_loop3A_639] {strides = array<i32>} : memref<64x128xf32, #tpu.memory_space<vmem>>, vector<16xf32>,
          tpu.vector_store %arg12[%parallel_loop3A_638, %parallel_loop3A_639], %parallel_loop3A_574 {strides = array<i32>} : memref<64x128xf32, #tpu.memory_space<vmem>>, vector<16xf32>,
          %parallel_loop3A_641 = arith.constant 41 : i32
          %parallel_loop3A_642 = vector.broadcast %parallel_loop3A_641 : i32 to vector<16xi32>
          %parallel_loop3A_643 = arith.addi %parallel_loop3A_266, %parallel_loop3A_642 : vector<16xi32>
          %parallel_loop3A_644 = tpu.vector_load_idx %arg6[%parallel_loop3A_643] : memref<61456xf32, #tpu.memory_space<vmem>>[vector<16xi32>], vector<16xf32>,
          %parallel_loop3A_645 = arith.constant 16 : i32
          %parallel_loop3A_646 = arith.muli %parallel_loop3A_120, %parallel_loop3A_645 : i32
          %parallel_loop3A_647 = arith.constant 35 : i32
          %parallel_loop3A_648 = arith.index_cast %parallel_loop3A_647 : i32 to index
          %parallel_loop3A_649 = arith.index_cast %parallel_loop3A_646 : i32 to index
          %parallel_loop3A_650 = tpu.vector_load %arg12[%parallel_loop3A_648, %parallel_loop3A_649] {strides = array<i32>} : memref<64x128xf32, #tpu.memory_space<vmem>>, vector<16xf32>,
          tpu.vector_store %arg12[%parallel_loop3A_648, %parallel_loop3A_649], %parallel_loop3A_584 {strides = array<i32>} : memref<64x128xf32, #tpu.memory_space<vmem>>, vector<16xf32>,
          %parallel_loop3A_651 = arith.constant 42 : i32
          %parallel_loop3A_652 = vector.broadcast %parallel_loop3A_651 : i32 to vector<16xi32>
          %parallel_loop3A_653 = arith.addi %parallel_loop3A_266, %parallel_loop3A_652 : vector<16xi32>
          %parallel_loop3A_654 = tpu.vector_load_idx %arg6[%parallel_loop3A_653] : memref<61456xf32, #tpu.memory_space<vmem>>[vector<16xi32>], vector<16xf32>,
          %parallel_loop3A_655 = arith.constant 16 : i32
          %parallel_loop3A_656 = arith.muli %parallel_loop3A_120, %parallel_loop3A_655 : i32
          %parallel_loop3A_657 = arith.constant 36 : i32
          %parallel_loop3A_658 = arith.index_cast %parallel_loop3A_657 : i32 to index
          %parallel_loop3A_659 = arith.index_cast %parallel_loop3A_656 : i32 to index
          %parallel_loop3A_660 = tpu.vector_load %arg12[%parallel_loop3A_658, %parallel_loop3A_659] {strides = array<i32>} : memref<64x128xf32, #tpu.memory_space<vmem>>, vector<16xf32>,
          tpu.vector_store %arg12[%parallel_loop3A_658, %parallel_loop3A_659], %parallel_loop3A_594 {strides = array<i32>} : memref<64x128xf32, #tpu.memory_space<vmem>>, vector<16xf32>,
          %parallel_loop3A_661 = arith.constant 43 : i32
          %parallel_loop3A_662 = vector.broadcast %parallel_loop3A_661 : i32 to vector<16xi32>
          %parallel_loop3A_663 = arith.addi %parallel_loop3A_266, %parallel_loop3A_662 : vector<16xi32>
          %parallel_loop3A_664 = tpu.vector_load_idx %arg6[%parallel_loop3A_663] : memref<61456xf32, #tpu.memory_space<vmem>>[vector<16xi32>], vector<16xf32>,
          %parallel_loop3A_665 = arith.constant 16 : i32
          %parallel_loop3A_666 = arith.muli %parallel_loop3A_120, %parallel_loop3A_665 : i32
          %parallel_loop3A_667 = arith.constant 37 : i32
          %parallel_loop3A_668 = arith.index_cast %parallel_loop3A_667 : i32 to index
          %parallel_loop3A_669 = arith.index_cast %parallel_loop3A_666 : i32 to index
          %parallel_loop3A_670 = tpu.vector_load %arg12[%parallel_loop3A_668, %parallel_loop3A_669] {strides = array<i32>} : memref<64x128xf32, #tpu.memory_space<vmem>>, vector<16xf32>,
          tpu.vector_store %arg12[%parallel_loop3A_668, %parallel_loop3A_669], %parallel_loop3A_604 {strides = array<i32>} : memref<64x128xf32, #tpu.memory_space<vmem>>, vector<16xf32>,
          %parallel_loop3A_671 = arith.constant 44 : i32
          %parallel_loop3A_672 = vector.broadcast %parallel_loop3A_671 : i32 to vector<16xi32>
          %parallel_loop3A_673 = arith.addi %parallel_loop3A_266, %parallel_loop3A_672 : vector<16xi32>
          %parallel_loop3A_674 = tpu.vector_load_idx %arg6[%parallel_loop3A_673] : memref<61456xf32, #tpu.memory_space<vmem>>[vector<16xi32>], vector<16xf32>,
          %parallel_loop3A_675 = arith.constant 16 : i32
          %parallel_loop3A_676 = arith.muli %parallel_loop3A_120, %parallel_loop3A_675 : i32
          %parallel_loop3A_677 = arith.constant 38 : i32
          %parallel_loop3A_678 = arith.index_cast %parallel_loop3A_677 : i32 to index
          %parallel_loop3A_679 = arith.index_cast %parallel_loop3A_676 : i32 to index
          %parallel_loop3A_680 = tpu.vector_load %arg12[%parallel_loop3A_678, %parallel_loop3A_679] {strides = array<i32>} : memref<64x128xf32, #tpu.memory_space<vmem>>, vector<16xf32>,
          tpu.vector_store %arg12[%parallel_loop3A_678, %parallel_loop3A_679], %parallel_loop3A_614 {strides = array<i32>} : memref<64x128xf32, #tpu.memory_space<vmem>>, vector<16xf32>,
          %parallel_loop3A_681 = arith.constant 45 : i32
          %parallel_loop3A_682 = vector.broadcast %parallel_loop3A_681 : i32 to vector<16xi32>
          %parallel_loop3A_683 = arith.addi %parallel_loop3A_266, %parallel_loop3A_682 : vector<16xi32>
          %parallel_loop3A_684 = tpu.vector_load_idx %arg6[%parallel_loop3A_683] : memref<61456xf32, #tpu.memory_space<vmem>>[vector<16xi32>], vector<16xf32>,
          %parallel_loop3A_685 = arith.constant 16 : i32
          %parallel_loop3A_686 = arith.muli %parallel_loop3A_120, %parallel_loop3A_685 : i32
          %parallel_loop3A_687 = arith.constant 39 : i32
          %parallel_loop3A_688 = arith.index_cast %parallel_loop3A_687 : i32 to index
          %parallel_loop3A_689 = arith.index_cast %parallel_loop3A_686 : i32 to index
          %parallel_loop3A_690 = tpu.vector_load %arg12[%parallel_loop3A_688, %parallel_loop3A_689] {strides = array<i32>} : memref<64x128xf32, #tpu.memory_space<vmem>>, vector<16xf32>,
          tpu.vector_store %arg12[%parallel_loop3A_688, %parallel_loop3A_689], %parallel_loop3A_624 {strides = array<i32>} : memref<64x128xf32, #tpu.memory_space<vmem>>, vector<16xf32>,
          %parallel_loop3A_691 = arith.constant 46 : i32
          %parallel_loop3A_692 = vector.broadcast %parallel_loop3A_691 : i32 to vector<16xi32>
          %parallel_loop3A_693 = arith.addi %parallel_loop3A_266, %parallel_loop3A_692 : vector<16xi32>
          %parallel_loop3A_694 = tpu.vector_load_idx %arg6[%parallel_loop3A_693] : memref<61456xf32, #tpu.memory_space<vmem>>[vector<16xi32>], vector<16xf32>,
          %parallel_loop3A_695 = arith.constant 16 : i32
          %parallel_loop3A_696 = arith.muli %parallel_loop3A_120, %parallel_loop3A_695 : i32
          %parallel_loop3A_697 = arith.constant 40 : i32
          %parallel_loop3A_698 = arith.index_cast %parallel_loop3A_697 : i32 to index
          %parallel_loop3A_699 = arith.index_cast %parallel_loop3A_696 : i32 to index
          %parallel_loop3A_700 = tpu.vector_load %arg12[%parallel_loop3A_698, %parallel_loop3A_699] {strides = array<i32>} : memref<64x128xf32, #tpu.memory_space<vmem>>, vector<16xf32>,
          tpu.vector_store %arg12[%parallel_loop3A_698, %parallel_loop3A_699], %parallel_loop3A_634 {strides = array<i32>} : memref<64x128xf32, #tpu.memory_space<vmem>>, vector<16xf32>,
          %parallel_loop3A_701 = arith.constant 47 : i32
          %parallel_loop3A_702 = vector.broadcast %parallel_loop3A_701 : i32 to vector<16xi32>
          %parallel_loop3A_703 = arith.addi %parallel_loop3A_266, %parallel_loop3A_702 : vector<16xi32>
          %parallel_loop3A_704 = tpu.vector_load_idx %arg6[%parallel_loop3A_703] : memref<61456xf32, #tpu.memory_space<vmem>>[vector<16xi32>], vector<16xf32>,
          %parallel_loop3A_705 = arith.constant 16 : i32
          %parallel_loop3A_706 = arith.muli %parallel_loop3A_120, %parallel_loop3A_705 : i32
          %parallel_loop3A_707 = arith.constant 41 : i32
          %parallel_loop3A_708 = arith.index_cast %parallel_loop3A_707 : i32 to index
          %parallel_loop3A_709 = arith.index_cast %parallel_loop3A_706 : i32 to index
          %parallel_loop3A_710 = tpu.vector_load %arg12[%parallel_loop3A_708, %parallel_loop3A_709] {strides = array<i32>} : memref<64x128xf32, #tpu.memory_space<vmem>>, vector<16xf32>,
          tpu.vector_store %arg12[%parallel_loop3A_708, %parallel_loop3A_709], %parallel_loop3A_644 {strides = array<i32>} : memref<64x128xf32, #tpu.memory_space<vmem>>, vector<16xf32>,
          %parallel_loop3A_711 = arith.constant 48 : i32
          %parallel_loop3A_712 = vector.broadcast %parallel_loop3A_711 : i32 to vector<16xi32>
          %parallel_loop3A_713 = arith.addi %parallel_loop3A_266, %parallel_loop3A_712 : vector<16xi32>
          %parallel_loop3A_714 = tpu.vector_load_idx %arg6[%parallel_loop3A_713] : memref<61456xf32, #tpu.memory_space<vmem>>[vector<16xi32>], vector<16xf32>,
          %parallel_loop3A_715 = arith.constant 16 : i32
          %parallel_loop3A_716 = arith.muli %parallel_loop3A_120, %parallel_loop3A_715 : i32
          %parallel_loop3A_717 = arith.constant 42 : i32
          %parallel_loop3A_718 = arith.index_cast %parallel_loop3A_717 : i32 to index
          %parallel_loop3A_719 = arith.index_cast %parallel_loop3A_716 : i32 to index
          %parallel_loop3A_720 = tpu.vector_load %arg12[%parallel_loop3A_718, %parallel_loop3A_719] {strides = array<i32>} : memref<64x128xf32, #tpu.memory_space<vmem>>, vector<16xf32>,
          tpu.vector_store %arg12[%parallel_loop3A_718, %parallel_loop3A_719], %parallel_loop3A_654 {strides = array<i32>} : memref<64x128xf32, #tpu.memory_space<vmem>>, vector<16xf32>,
          %parallel_loop3A_721 = arith.constant 49 : i32
          %parallel_loop3A_722 = vector.broadcast %parallel_loop3A_721 : i32 to vector<16xi32>
          %parallel_loop3A_723 = arith.addi %parallel_loop3A_266, %parallel_loop3A_722 : vector<16xi32>
          %parallel_loop3A_724 = tpu.vector_load_idx %arg6[%parallel_loop3A_723] : memref<61456xf32, #tpu.memory_space<vmem>>[vector<16xi32>], vector<16xf32>,
          %parallel_loop3A_725 = arith.constant 16 : i32
          %parallel_loop3A_726 = arith.muli %parallel_loop3A_120, %parallel_loop3A_725 : i32
          %parallel_loop3A_727 = arith.constant 43 : i32
          %parallel_loop3A_728 = arith.index_cast %parallel_loop3A_727 : i32 to index
          %parallel_loop3A_729 = arith.index_cast %parallel_loop3A_726 : i32 to index
          %parallel_loop3A_730 = tpu.vector_load %arg12[%parallel_loop3A_728, %parallel_loop3A_729] {strides = array<i32>} : memref<64x128xf32, #tpu.memory_space<vmem>>, vector<16xf32>,
          tpu.vector_store %arg12[%parallel_loop3A_728, %parallel_loop3A_729], %parallel_loop3A_664 {strides = array<i32>} : memref<64x128xf32, #tpu.memory_space<vmem>>, vector<16xf32>,
          %parallel_loop3A_731 = arith.constant 50 : i32
          %parallel_loop3A_732 = vector.broadcast %parallel_loop3A_731 : i32 to vector<16xi32>
          %parallel_loop3A_733 = arith.addi %parallel_loop3A_266, %parallel_loop3A_732 : vector<16xi32>
          %parallel_loop3A_734 = tpu.vector_load_idx %arg6[%parallel_loop3A_733] : memref<61456xf32, #tpu.memory_space<vmem>>[vector<16xi32>], vector<16xf32>,
          %parallel_loop3A_735 = arith.constant 16 : i32
          %parallel_loop3A_736 = arith.muli %parallel_loop3A_120, %parallel_loop3A_735 : i32
          %parallel_loop3A_737 = arith.constant 44 : i32
          %parallel_loop3A_738 = arith.index_cast %parallel_loop3A_737 : i32 to index
          %parallel_loop3A_739 = arith.index_cast %parallel_loop3A_736 : i32 to index
          %parallel_loop3A_740 = tpu.vector_load %arg12[%parallel_loop3A_738, %parallel_loop3A_739] {strides = array<i32>} : memref<64x128xf32, #tpu.memory_space<vmem>>, vector<16xf32>,
          tpu.vector_store %arg12[%parallel_loop3A_738, %parallel_loop3A_739], %parallel_loop3A_674 {strides = array<i32>} : memref<64x128xf32, #tpu.memory_space<vmem>>, vector<16xf32>,
          %parallel_loop3A_741 = arith.constant 51 : i32
          %parallel_loop3A_742 = vector.broadcast %parallel_loop3A_741 : i32 to vector<16xi32>
          %parallel_loop3A_743 = arith.addi %parallel_loop3A_266, %parallel_loop3A_742 : vector<16xi32>
          %parallel_loop3A_744 = tpu.vector_load_idx %arg6[%parallel_loop3A_743] : memref<61456xf32, #tpu.memory_space<vmem>>[vector<16xi32>], vector<16xf32>,
          %parallel_loop3A_745 = arith.constant 16 : i32
          %parallel_loop3A_746 = arith.muli %parallel_loop3A_120, %parallel_loop3A_745 : i32
          %parallel_loop3A_747 = arith.constant 45 : i32
          %parallel_loop3A_748 = arith.index_cast %parallel_loop3A_747 : i32 to index
          %parallel_loop3A_749 = arith.index_cast %parallel_loop3A_746 : i32 to index
          %parallel_loop3A_750 = tpu.vector_load %arg12[%parallel_loop3A_748, %parallel_loop3A_749] {strides = array<i32>} : memref<64x128xf32, #tpu.memory_space<vmem>>, vector<16xf32>,
          tpu.vector_store %arg12[%parallel_loop3A_748, %parallel_loop3A_749], %parallel_loop3A_684 {strides = array<i32>} : memref<64x128xf32, #tpu.memory_space<vmem>>, vector<16xf32>,
          %parallel_loop3A_751 = arith.constant 52 : i32
          %parallel_loop3A_752 = vector.broadcast %parallel_loop3A_751 : i32 to vector<16xi32>
          %parallel_loop3A_753 = arith.addi %parallel_loop3A_266, %parallel_loop3A_752 : vector<16xi32>
          %parallel_loop3A_754 = tpu.vector_load_idx %arg6[%parallel_loop3A_753] : memref<61456xf32, #tpu.memory_space<vmem>>[vector<16xi32>], vector<16xf32>,
          %parallel_loop3A_755 = arith.constant 16 : i32
          %parallel_loop3A_756 = arith.muli %parallel_loop3A_120, %parallel_loop3A_755 : i32
          %parallel_loop3A_757 = arith.constant 46 : i32
          %parallel_loop3A_758 = arith.index_cast %parallel_loop3A_757 : i32 to index
          %parallel_loop3A_759 = arith.index_cast %parallel_loop3A_756 : i32 to index
          %parallel_loop3A_760 = tpu.vector_load %arg12[%parallel_loop3A_758, %parallel_loop3A_759] {strides = array<i32>} : memref<64x128xf32, #tpu.memory_space<vmem>>, vector<16xf32>,
          tpu.vector_store %arg12[%parallel_loop3A_758, %parallel_loop3A_759], %parallel_loop3A_694 {strides = array<i32>} : memref<64x128xf32, #tpu.memory_space<vmem>>, vector<16xf32>,
          %parallel_loop3A_761 = arith.constant 53 : i32
          %parallel_loop3A_762 = vector.broadcast %parallel_loop3A_761 : i32 to vector<16xi32>
          %parallel_loop3A_763 = arith.addi %parallel_loop3A_266, %parallel_loop3A_762 : vector<16xi32>
          %parallel_loop3A_764 = tpu.vector_load_idx %arg6[%parallel_loop3A_763] : memref<61456xf32, #tpu.memory_space<vmem>>[vector<16xi32>], vector<16xf32>,
          %parallel_loop3A_765 = arith.constant 16 : i32
          %parallel_loop3A_766 = arith.muli %parallel_loop3A_120, %parallel_loop3A_765 : i32
          %parallel_loop3A_767 = arith.constant 47 : i32
          %parallel_loop3A_768 = arith.index_cast %parallel_loop3A_767 : i32 to index
          %parallel_loop3A_769 = arith.index_cast %parallel_loop3A_766 : i32 to index
          %parallel_loop3A_770 = tpu.vector_load %arg12[%parallel_loop3A_768, %parallel_loop3A_769] {strides = array<i32>} : memref<64x128xf32, #tpu.memory_space<vmem>>, vector<16xf32>,
          tpu.vector_store %arg12[%parallel_loop3A_768, %parallel_loop3A_769], %parallel_loop3A_704 {strides = array<i32>} : memref<64x128xf32, #tpu.memory_space<vmem>>, vector<16xf32>,
          %parallel_loop3A_771 = arith.constant 54 : i32
          %parallel_loop3A_772 = vector.broadcast %parallel_loop3A_771 : i32 to vector<16xi32>
          %parallel_loop3A_773 = arith.addi %parallel_loop3A_266, %parallel_loop3A_772 : vector<16xi32>
          %parallel_loop3A_774 = tpu.vector_load_idx %arg6[%parallel_loop3A_773] : memref<61456xf32, #tpu.memory_space<vmem>>[vector<16xi32>], vector<16xf32>,
          %parallel_loop3A_775 = arith.constant 16 : i32
          %parallel_loop3A_776 = arith.muli %parallel_loop3A_120, %parallel_loop3A_775 : i32
          %parallel_loop3A_777 = arith.constant 48 : i32
          %parallel_loop3A_778 = arith.index_cast %parallel_loop3A_777 : i32 to index
          %parallel_loop3A_779 = arith.index_cast %parallel_loop3A_776 : i32 to index
          %parallel_loop3A_780 = tpu.vector_load %arg12[%parallel_loop3A_778, %parallel_loop3A_779] {strides = array<i32>} : memref<64x128xf32, #tpu.memory_space<vmem>>, vector<16xf32>,
          tpu.vector_store %arg12[%parallel_loop3A_778, %parallel_loop3A_779], %parallel_loop3A_714 {strides = array<i32>} : memref<64x128xf32, #tpu.memory_space<vmem>>, vector<16xf32>,
          %parallel_loop3A_781 = arith.constant 55 : i32
          %parallel_loop3A_782 = vector.broadcast %parallel_loop3A_781 : i32 to vector<16xi32>
          %parallel_loop3A_783 = arith.addi %parallel_loop3A_266, %parallel_loop3A_782 : vector<16xi32>
          %parallel_loop3A_784 = tpu.vector_load_idx %arg6[%parallel_loop3A_783] : memref<61456xf32, #tpu.memory_space<vmem>>[vector<16xi32>], vector<16xf32>,
          %parallel_loop3A_785 = arith.constant 16 : i32
          %parallel_loop3A_786 = arith.muli %parallel_loop3A_120, %parallel_loop3A_785 : i32
          %parallel_loop3A_787 = arith.constant 49 : i32
          %parallel_loop3A_788 = arith.index_cast %parallel_loop3A_787 : i32 to index
          %parallel_loop3A_789 = arith.index_cast %parallel_loop3A_786 : i32 to index
          %parallel_loop3A_790 = tpu.vector_load %arg12[%parallel_loop3A_788, %parallel_loop3A_789] {strides = array<i32>} : memref<64x128xf32, #tpu.memory_space<vmem>>, vector<16xf32>,
          tpu.vector_store %arg12[%parallel_loop3A_788, %parallel_loop3A_789], %parallel_loop3A_724 {strides = array<i32>} : memref<64x128xf32, #tpu.memory_space<vmem>>, vector<16xf32>,
          %parallel_loop3A_791 = arith.constant 56 : i32
          %parallel_loop3A_792 = vector.broadcast %parallel_loop3A_791 : i32 to vector<16xi32>
          %parallel_loop3A_793 = arith.addi %parallel_loop3A_266, %parallel_loop3A_792 : vector<16xi32>
          %parallel_loop3A_794 = tpu.vector_load_idx %arg6[%parallel_loop3A_793] : memref<61456xf32, #tpu.memory_space<vmem>>[vector<16xi32>], vector<16xf32>,
          %parallel_loop3A_795 = arith.constant 16 : i32
          %parallel_loop3A_796 = arith.muli %parallel_loop3A_120, %parallel_loop3A_795 : i32
          %parallel_loop3A_797 = arith.constant 50 : i32
          %parallel_loop3A_798 = arith.index_cast %parallel_loop3A_797 : i32 to index
          %parallel_loop3A_799 = arith.index_cast %parallel_loop3A_796 : i32 to index
          %parallel_loop3A_800 = tpu.vector_load %arg12[%parallel_loop3A_798, %parallel_loop3A_799] {strides = array<i32>} : memref<64x128xf32, #tpu.memory_space<vmem>>, vector<16xf32>,
          tpu.vector_store %arg12[%parallel_loop3A_798, %parallel_loop3A_799], %parallel_loop3A_734 {strides = array<i32>} : memref<64x128xf32, #tpu.memory_space<vmem>>, vector<16xf32>,
          %parallel_loop3A_801 = arith.constant 57 : i32
          %parallel_loop3A_802 = vector.broadcast %parallel_loop3A_801 : i32 to vector<16xi32>
          %parallel_loop3A_803 = arith.addi %parallel_loop3A_266, %parallel_loop3A_802 : vector<16xi32>
          %parallel_loop3A_804 = tpu.vector_load_idx %arg6[%parallel_loop3A_803] : memref<61456xf32, #tpu.memory_space<vmem>>[vector<16xi32>], vector<16xf32>,
          %parallel_loop3A_805 = arith.constant 16 : i32
          %parallel_loop3A_806 = arith.muli %parallel_loop3A_120, %parallel_loop3A_805 : i32
          %parallel_loop3A_807 = arith.constant 51 : i32
          %parallel_loop3A_808 = arith.index_cast %parallel_loop3A_807 : i32 to index
          %parallel_loop3A_809 = arith.index_cast %parallel_loop3A_806 : i32 to index
          %parallel_loop3A_810 = tpu.vector_load %arg12[%parallel_loop3A_808, %parallel_loop3A_809] {strides = array<i32>} : memref<64x128xf32, #tpu.memory_space<vmem>>, vector<16xf32>,
          tpu.vector_store %arg12[%parallel_loop3A_808, %parallel_loop3A_809], %parallel_loop3A_744 {strides = array<i32>} : memref<64x128xf32, #tpu.memory_space<vmem>>, vector<16xf32>,
          %parallel_loop3A_811 = arith.constant 58 : i32
          %parallel_loop3A_812 = vector.broadcast %parallel_loop3A_811 : i32 to vector<16xi32>
          %parallel_loop3A_813 = arith.addi %parallel_loop3A_266, %parallel_loop3A_812 : vector<16xi32>
          %parallel_loop3A_814 = tpu.vector_load_idx %arg6[%parallel_loop3A_813] : memref<61456xf32, #tpu.memory_space<vmem>>[vector<16xi32>], vector<16xf32>,
          %parallel_loop3A_815 = arith.constant 16 : i32
          %parallel_loop3A_816 = arith.muli %parallel_loop3A_120, %parallel_loop3A_815 : i32
          %parallel_loop3A_817 = arith.constant 52 : i32
          %parallel_loop3A_818 = arith.index_cast %parallel_loop3A_817 : i32 to index
          %parallel_loop3A_819 = arith.index_cast %parallel_loop3A_816 : i32 to index
          %parallel_loop3A_820 = tpu.vector_load %arg12[%parallel_loop3A_818, %parallel_loop3A_819] {strides = array<i32>} : memref<64x128xf32, #tpu.memory_space<vmem>>, vector<16xf32>,
          tpu.vector_store %arg12[%parallel_loop3A_818, %parallel_loop3A_819], %parallel_loop3A_754 {strides = array<i32>} : memref<64x128xf32, #tpu.memory_space<vmem>>, vector<16xf32>,
          %parallel_loop3A_821 = arith.constant 59 : i32
          %parallel_loop3A_822 = vector.broadcast %parallel_loop3A_821 : i32 to vector<16xi32>
          %parallel_loop3A_823 = arith.addi %parallel_loop3A_266, %parallel_loop3A_822 : vector<16xi32>
          %parallel_loop3A_824 = tpu.vector_load_idx %arg6[%parallel_loop3A_823] : memref<61456xf32, #tpu.memory_space<vmem>>[vector<16xi32>], vector<16xf32>,
          %parallel_loop3A_825 = arith.constant 16 : i32
          %parallel_loop3A_826 = arith.muli %parallel_loop3A_120, %parallel_loop3A_825 : i32
          %parallel_loop3A_827 = arith.constant 53 : i32
          %parallel_loop3A_828 = arith.index_cast %parallel_loop3A_827 : i32 to index
          %parallel_loop3A_829 = arith.index_cast %parallel_loop3A_826 : i32 to index
          %parallel_loop3A_830 = tpu.vector_load %arg12[%parallel_loop3A_828, %parallel_loop3A_829] {strides = array<i32>} : memref<64x128xf32, #tpu.memory_space<vmem>>, vector<16xf32>,
          tpu.vector_store %arg12[%parallel_loop3A_828, %parallel_loop3A_829], %parallel_loop3A_764 {strides = array<i32>} : memref<64x128xf32, #tpu.memory_space<vmem>>, vector<16xf32>,
          %parallel_loop3A_831 = arith.constant 60 : i32
          %parallel_loop3A_832 = vector.broadcast %parallel_loop3A_831 : i32 to vector<16xi32>
          %parallel_loop3A_833 = arith.addi %parallel_loop3A_266, %parallel_loop3A_832 : vector<16xi32>
          %parallel_loop3A_834 = tpu.vector_load_idx %arg6[%parallel_loop3A_833] : memref<61456xf32, #tpu.memory_space<vmem>>[vector<16xi32>], vector<16xf32>,
          %parallel_loop3A_835 = arith.constant 16 : i32
          %parallel_loop3A_836 = arith.muli %parallel_loop3A_120, %parallel_loop3A_835 : i32
          %parallel_loop3A_837 = arith.constant 54 : i32
          %parallel_loop3A_838 = arith.index_cast %parallel_loop3A_837 : i32 to index
          %parallel_loop3A_839 = arith.index_cast %parallel_loop3A_836 : i32 to index
          %parallel_loop3A_840 = tpu.vector_load %arg12[%parallel_loop3A_838, %parallel_loop3A_839] {strides = array<i32>} : memref<64x128xf32, #tpu.memory_space<vmem>>, vector<16xf32>,
          tpu.vector_store %arg12[%parallel_loop3A_838, %parallel_loop3A_839], %parallel_loop3A_774 {strides = array<i32>} : memref<64x128xf32, #tpu.memory_space<vmem>>, vector<16xf32>,
          %parallel_loop3A_841 = arith.constant 61 : i32
          %parallel_loop3A_842 = vector.broadcast %parallel_loop3A_841 : i32 to vector<16xi32>
          %parallel_loop3A_843 = arith.addi %parallel_loop3A_266, %parallel_loop3A_842 : vector<16xi32>
          %parallel_loop3A_844 = tpu.vector_load_idx %arg6[%parallel_loop3A_843] : memref<61456xf32, #tpu.memory_space<vmem>>[vector<16xi32>], vector<16xf32>,
          %parallel_loop3A_845 = arith.constant 16 : i32
          %parallel_loop3A_846 = arith.muli %parallel_loop3A_120, %parallel_loop3A_845 : i32
          %parallel_loop3A_847 = arith.constant 55 : i32
          %parallel_loop3A_848 = arith.index_cast %parallel_loop3A_847 : i32 to index
          %parallel_loop3A_849 = arith.index_cast %parallel_loop3A_846 : i32 to index
          %parallel_loop3A_850 = tpu.vector_load %arg12[%parallel_loop3A_848, %parallel_loop3A_849] {strides = array<i32>} : memref<64x128xf32, #tpu.memory_space<vmem>>, vector<16xf32>,
          tpu.vector_store %arg12[%parallel_loop3A_848, %parallel_loop3A_849], %parallel_loop3A_784 {strides = array<i32>} : memref<64x128xf32, #tpu.memory_space<vmem>>, vector<16xf32>,
          %parallel_loop3A_851 = arith.constant 62 : i32
          %parallel_loop3A_852 = vector.broadcast %parallel_loop3A_851 : i32 to vector<16xi32>
          %parallel_loop3A_853 = arith.addi %parallel_loop3A_266, %parallel_loop3A_852 : vector<16xi32>
          %parallel_loop3A_854 = tpu.vector_load_idx %arg6[%parallel_loop3A_853] : memref<61456xf32, #tpu.memory_space<vmem>>[vector<16xi32>], vector<16xf32>,
          %parallel_loop3A_855 = arith.constant 16 : i32
          %parallel_loop3A_856 = arith.muli %parallel_loop3A_120, %parallel_loop3A_855 : i32
          %parallel_loop3A_857 = arith.constant 56 : i32
          %parallel_loop3A_858 = arith.index_cast %parallel_loop3A_857 : i32 to index
          %parallel_loop3A_859 = arith.index_cast %parallel_loop3A_856 : i32 to index
          %parallel_loop3A_860 = tpu.vector_load %arg12[%parallel_loop3A_858, %parallel_loop3A_859] {strides = array<i32>} : memref<64x128xf32, #tpu.memory_space<vmem>>, vector<16xf32>,
          tpu.vector_store %arg12[%parallel_loop3A_858, %parallel_loop3A_859], %parallel_loop3A_794 {strides = array<i32>} : memref<64x128xf32, #tpu.memory_space<vmem>>, vector<16xf32>,
          %parallel_loop3A_861 = arith.constant 63 : i32
          %parallel_loop3A_862 = vector.broadcast %parallel_loop3A_861 : i32 to vector<16xi32>
          %parallel_loop3A_863 = arith.addi %parallel_loop3A_266, %parallel_loop3A_862 : vector<16xi32>
          %parallel_loop3A_864 = tpu.vector_load_idx %arg6[%parallel_loop3A_863] : memref<61456xf32, #tpu.memory_space<vmem>>[vector<16xi32>], vector<16xf32>,
          %parallel_loop3A_865 = arith.constant 16 : i32
          %parallel_loop3A_866 = arith.muli %parallel_loop3A_120, %parallel_loop3A_865 : i32
          %parallel_loop3A_867 = arith.constant 57 : i32
          %parallel_loop3A_868 = arith.index_cast %parallel_loop3A_867 : i32 to index
          %parallel_loop3A_869 = arith.index_cast %parallel_loop3A_866 : i32 to index
          %parallel_loop3A_870 = tpu.vector_load %arg12[%parallel_loop3A_868, %parallel_loop3A_869] {strides = array<i32>} : memref<64x128xf32, #tpu.memory_space<vmem>>, vector<16xf32>,
          tpu.vector_store %arg12[%parallel_loop3A_868, %parallel_loop3A_869], %parallel_loop3A_804 {strides = array<i32>} : memref<64x128xf32, #tpu.memory_space<vmem>>, vector<16xf32>,
          %parallel_loop3A_871 = arith.constant 16 : i32
          %parallel_loop3A_872 = arith.muli %parallel_loop3A_120, %parallel_loop3A_871 : i32
          %parallel_loop3A_873 = arith.constant 58 : i32
          %parallel_loop3A_874 = arith.index_cast %parallel_loop3A_873 : i32 to index
          %parallel_loop3A_875 = arith.index_cast %parallel_loop3A_872 : i32 to index
          %parallel_loop3A_876 = tpu.vector_load %arg12[%parallel_loop3A_874, %parallel_loop3A_875] {strides = array<i32>} : memref<64x128xf32, #tpu.memory_space<vmem>>, vector<16xf32>,
          tpu.vector_store %arg12[%parallel_loop3A_874, %parallel_loop3A_875], %parallel_loop3A_814 {strides = array<i32>} : memref<64x128xf32, #tpu.memory_space<vmem>>, vector<16xf32>,
          %parallel_loop3A_877 = arith.constant 16 : i32
          %parallel_loop3A_878 = arith.muli %parallel_loop3A_120, %parallel_loop3A_877 : i32
          %parallel_loop3A_879 = arith.constant 59 : i32
          %parallel_loop3A_880 = arith.index_cast %parallel_loop3A_879 : i32 to index
          %parallel_loop3A_881 = arith.index_cast %parallel_loop3A_878 : i32 to index
          %parallel_loop3A_882 = tpu.vector_load %arg12[%parallel_loop3A_880, %parallel_loop3A_881] {strides = array<i32>} : memref<64x128xf32, #tpu.memory_space<vmem>>, vector<16xf32>,
          tpu.vector_store %arg12[%parallel_loop3A_880, %parallel_loop3A_881], %parallel_loop3A_824 {strides = array<i32>} : memref<64x128xf32, #tpu.memory_space<vmem>>, vector<16xf32>,
          %parallel_loop3A_883 = arith.constant 16 : i32
          %parallel_loop3A_884 = arith.muli %parallel_loop3A_120, %parallel_loop3A_883 : i32
          %parallel_loop3A_885 = arith.constant 60 : i32
          %parallel_loop3A_886 = arith.index_cast %parallel_loop3A_885 : i32 to index
          %parallel_loop3A_887 = arith.index_cast %parallel_loop3A_884 : i32 to index
          %parallel_loop3A_888 = tpu.vector_load %arg12[%parallel_loop3A_886, %parallel_loop3A_887] {strides = array<i32>} : memref<64x128xf32, #tpu.memory_space<vmem>>, vector<16xf32>,
          tpu.vector_store %arg12[%parallel_loop3A_886, %parallel_loop3A_887], %parallel_loop3A_834 {strides = array<i32>} : memref<64x128xf32, #tpu.memory_space<vmem>>, vector<16xf32>,
          %parallel_loop3A_889 = arith.constant 16 : i32
          %parallel_loop3A_890 = arith.muli %parallel_loop3A_120, %parallel_loop3A_889 : i32
          %parallel_loop3A_891 = arith.constant 61 : i32
          %parallel_loop3A_892 = arith.index_cast %parallel_loop3A_891 : i32 to index
          %parallel_loop3A_893 = arith.index_cast %parallel_loop3A_890 : i32 to index
          %parallel_loop3A_894 = tpu.vector_load %arg12[%parallel_loop3A_892, %parallel_loop3A_893] {strides = array<i32>} : memref<64x128xf32, #tpu.memory_space<vmem>>, vector<16xf32>,
          tpu.vector_store %arg12[%parallel_loop3A_892, %parallel_loop3A_893], %parallel_loop3A_844 {strides = array<i32>} : memref<64x128xf32, #tpu.memory_space<vmem>>, vector<16xf32>,
          %parallel_loop3A_895 = arith.constant 16 : i32
          %parallel_loop3A_896 = arith.muli %parallel_loop3A_120, %parallel_loop3A_895 : i32
          %parallel_loop3A_897 = arith.constant 62 : i32
          %parallel_loop3A_898 = arith.index_cast %parallel_loop3A_897 : i32 to index
          %parallel_loop3A_899 = arith.index_cast %parallel_loop3A_896 : i32 to index
          %parallel_loop3A_900 = tpu.vector_load %arg12[%parallel_loop3A_898, %parallel_loop3A_899] {strides = array<i32>} : memref<64x128xf32, #tpu.memory_space<vmem>>, vector<16xf32>,
          tpu.vector_store %arg12[%parallel_loop3A_898, %parallel_loop3A_899], %parallel_loop3A_854 {strides = array<i32>} : memref<64x128xf32, #tpu.memory_space<vmem>>, vector<16xf32>,
          %parallel_loop3A_901 = arith.constant 16 : i32
          %parallel_loop3A_902 = arith.muli %parallel_loop3A_120, %parallel_loop3A_901 : i32
          %parallel_loop3A_903 = arith.constant 63 : i32
          %parallel_loop3A_904 = arith.index_cast %parallel_loop3A_903 : i32 to index
          %parallel_loop3A_905 = arith.index_cast %parallel_loop3A_902 : i32 to index
          %parallel_loop3A_906 = tpu.vector_load %arg12[%parallel_loop3A_904, %parallel_loop3A_905] {strides = array<i32>} : memref<64x128xf32, #tpu.memory_space<vmem>>, vector<16xf32>,
          tpu.vector_store %arg12[%parallel_loop3A_904, %parallel_loop3A_905], %parallel_loop3A_864 {strides = array<i32>} : memref<64x128xf32, #tpu.memory_space<vmem>>, vector<16xf32>,
        } {sc.loop_unroll_factor = 2 : i64, sc.parallel_access}
        %mul3A_106 = arith.constant 32 : i32
        %mul3A_107 = arith.muli %add3A_85, %mul3A_106 : i32
        %add3A_108 = arith.addi %add3A, %mul3A_107 : i32
        %mul3A_109 = arith.constant 128 : i32
        %mul3A_110 = arith.muli %add3A_108, %mul3A_109 : i32
        %dma_start3A = arith.constant 0 : i32
        %dma_start3A_111 = tpu.memref_slice %arg4[%dma_start3A, %mul3A_110] : memref<64x800000xf32, #tpu.memory_space<hbm>> -> memref<64x128xf32, #tpu.memory_space<hbm>>
        %dma_start3A_112 = arith.constant 0 : i32
        %dma_start3A_113 = tpu.memref_slice %arg4[%dma_start3A_112, %mul3A_110] : memref<64x800000xf32, #tpu.memory_space<hbm>> -> memref<64x128xf32, #tpu.memory_space<hbm>>
        tpu.enqueue_dma source(%arg12 : memref<64x128xf32, #tpu.memory_space<vmem>>) target(%dma_start3A_113 : memref<64x128xf32, #tpu.memory_space<hbm>>) target_semaphore(%arg18 : memref<!tpu.dma_semaphore, #tpu.memory_space<semaphore_mem>>)
        %add3A_114 = arith.constant 3 : i32
        %add3A_115 = arith.addi %add3A_85, %add3A_114 : i32
        %lt3A_116 = arith.cmpi slt, %add3A_115, %select_n3A : i32
        %convert_element_type3A_117 = arith.extui %lt3A_116 : i1 to i32
        %cond3A_118 = arith.constant 0 : i32
        %cond3A_119 = arith.cmpi ne, %convert_element_type3A_117, %cond3A_118 : i32
        scf.if %cond3A_119 {
          %add3A_120 = arith.constant 3 : i32
          %add3A_121 = arith.addi %add3A_85, %add3A_120 : i32
          %mul3A_122 = arith.constant 32 : i32
          %mul3A_123 = arith.muli %add3A_121, %mul3A_122 : i32
          %add3A_124 = arith.addi %add3A, %mul3A_123 : i32
          %mul3A_125 = arith.constant 128 : i32
          %mul3A_126 = arith.muli %add3A_124, %mul3A_125 : i32
          %dma_start3A_127 = arith.constant 0 : i32
          %dma_start3A_128 = tpu.memref_slice %arg2[%dma_start3A_127, %mul3A_126] : memref<13x800000xf32, #tpu.memory_space<hbm>> -> memref<13x128xf32, #tpu.memory_space<hbm>>
          %dma_start3A_129 = arith.constant 0 : i32
          %dma_start3A_130 = tpu.memref_slice %arg2[%dma_start3A_129, %mul3A_126] : memref<13x800000xf32, #tpu.memory_space<hbm>> -> memref<13x128xf32, #tpu.memory_space<hbm>>
          tpu.enqueue_dma source(%dma_start3A_130 : memref<13x128xf32, #tpu.memory_space<hbm>>) target(%arg9 : memref<13x128xf32, #tpu.memory_space<vmem>>) target_semaphore(%arg15 : memref<!tpu.dma_semaphore, #tpu.memory_space<semaphore_mem>>)
        } else {
        }
      } else {
      }
    }
    %scan3A_48 = arith.constant 67 : i32
    return
  }
}

</mosaic_0001>

<sc_bundles>
// kernel: kernel.3.cloned.1.call-start
scs
__scs_entry_jumppad:
0x0: {  	(pc) =	sbr.rel $0x88, $3  }
0x1: {  	(tag) =	ssettag $0x0;
	lr =	simm.s32 $0x1  }
0x2: {  	[smem:$0x3F9D] =	sst lr;
	_ =	strace $0xD0000000  }
0x3: {  	_ = 	snop  }
0x4: {  	_ = 	snop  }
0x5: {  	_ = 	snop  }
0x6: {  	_ = 	snop  }
0x7: {  	_ = 	snop  }
__scs_overlays_trampoline_lowered:
0x8: {  	[smem:$0x3FAC] =	sst s0  }
0x9: {  	[smem:$0x3FAD] =	sst s1  }
0xa: {  	[smem:$0x3FAE] =	sst s2  }
0xb: {  	[smem:$0x3FAF] =	sst s3  }
0xc: {  	[smem:$0x3FB0] =	sst s4  }
0xd: {  	[smem:$0x3FB1] =	sst s5  }
0xe: {  	[smem:$0x3FB2] =	sst s6  }
0xf: {  	[smem:$0x3FB3] =	sst s7  }
0x10: {  	[smem:$0x3FB4] =	sst s8  }
0x11: {  	[smem:$0x3FB5] =	sst s9;
	s0 =	simm.s32 @!p0 $0x0  }
0x12: {  	s1 =	sld [smem:$0x3F9B];
	s0 =	simm.s32 @p0 $0x1  }
0x13: {  	[smem:$0x3FB6] =	sst s0;
	s0 =	simm.s32 @!p1 $0x0  }
0x14: {  	s2 =	sld [smem:$0x3F9A];
	s0 =	simm.s32 @p1 $0x1  }
0x15: {  	[smem:$0x3FB7] =	sst s0;
	s0 =	simm.s32 @!p2 $0x0  }
0x16: {  	s3 =	sld [smem:$0x3FDB];
	s0 =	simm.s32 @p2 $0x1  }
0x17: {  	s4 =	simm.s32 $0x1BF5;
	[smem:$0x3FB9] =	sst s0  }
0x18: {  	s0 =	sld [smem:$0x3F9C];
	_ =	swait.ge [sflag:s4], $0x0  }
0x19: {  	s7 =	sld [smem:$0x3F9D]  }
0x1a: {  	s8 =	sadd.s32 $0xFFFFE003, lr  }
0x1b: {  	s9 =	sadd.s32 $0xFFFFFEF7, lr;
	s5 =	simm.s32 $0xFFFFFFFF;
	p2 =	slt.u32 s8, $0xFFFFF086  }
0x1c: {  	p1 =	slt.u32 s9, $0xF7A;
	s5 =	simm.s32 @!p2 $0x0  }
0x1d: {  	s5 =	simm.s32 @p1 $0x1;
	p0 =	seq.s32 s7, s2  }
0x1e: {  	s7 =	smul.u32 @!p0 $0xF7A, s2;
	p2 =	seq.s32 @!p0 s5, $0x0  }
0x1f: {  	s9 =	smul.u32 $0xF7A, s1;
	s8 =	simm.s32 @!p0 $0x1BF5;
	p2 =	por !p2, p0  }
0x20: {  	[sflag:s8] =	ssyncset.s32 @!p0 $0xFFFFF086;
	s6 =	sadd.s32 @!p0 s3, s7;
	s7 =	simm.s32 @!p0 $0x108  }
0x21: {  	s3 =	sadd.s32 s3, s9;
	s6 =	sadd.s32 @!p0 $0x88, s6;
	s7 =	simm.s32 @p2 $0x1082  }
0x22: {  	[simem:s7], [sflag:s8] =	dma.local @!p0 [hbm:s6], $0xF7A  }
0x23: {  	s9 =	sor.u32 $0xD0000000, s2;
	s6 =	simm.s32 $0x108;
	_ =	swait.ge @!p0 [sflag:s8], $0x0  }
0x24: {  	s3 =	sadd.s32 $0x88, s3;
	s6 =	simm.s32 @!p1 $0x1082;
	[sflag:s4] =	ssyncset.s32 $0xFFFFF086  }
0x25: {  	[simem:s6], [sflag:s4] =	dma.local [hbm:s3], $0xF7A  }
0x26: {  	[smem:$0x3F9D] =	sst s1;
	(tag) =	ssettag s2;
	_ =	strace s9  }
0x27: {  	s1 =	sld [smem:$0x3FAD]  }
0x28: {  	s2 =	sld [smem:$0x3FAE]  }
0x29: {  	s4 =	sld [smem:$0x3FB0]  }
0x2a: {  	p0 =	seq.s32 s5, $0x0;
	s5 =	sld [smem:$0x3FB1]  }
0x2b: {  	s6 =	sld [smem:$0x3FB2]  }
0x2c: {  	s7 =	sld [smem:$0x3FB3]  }
0x2d: {  	s3 =	simm.s32 $0x108;
	s8 =	sld [smem:$0x3FB4]  }
0x2e: {  	s3 =	simm.s32 @!p0 $0x1082;
	s9 =	sld [smem:$0x3FB5]  }
0x2f: {  	lr =	sadd.s32 s0, s3;
	s0 =	sld [smem:$0x3FAC]  }
0x30: {  	s3 =	sld [smem:$0x3FAF]  }
0x31: {  	[smem:$0x3FB8] =	sst s10  }
0x32: {  	s10 =	sld [smem:$0x3FB6];
	_ =	sdelay $0x3  }
0x33: {  	p0 =	seq.s32 s10, $0x1;
	s10 =	sld [smem:$0x3FB8];
	_ =	sdelay $0x3  }
0x34: {  	[smem:$0x3FB8] =	sst s10  }
0x35: {  	s10 =	sld [smem:$0x3FB7];
	_ =	sdelay $0x3  }
0x36: {  	p1 =	seq.s32 s10, $0x1;
	s10 =	sld [smem:$0x3FB8];
	_ =	sdelay $0x3  }
0x37: {  	[smem:$0x3FB8] =	sst s10  }
0x38: {  	s10 =	sld [smem:$0x3FB9]  }
0x39: {  	_ = 	snop;
	(pc) =	sbr.ind lr, $3  }
0x3a: {  	_ = 	snop  }
0x3b: {  	_ = 	snop  }
0x3c: {  	p2 =	seq.s32 s10, $0x1;
	s10 =	sld [smem:$0x3FB8]  }
0x3d: {  	_ =	shalt  }
0x3e: {  	_ =	shalt  }
0x3f: {  	_ =	shalt  }
0x40: {  	_ =	shalt  }
0x41: {  	_ =	shalt  }
0x42: {  	_ =	shalt  }
0x43: {  	_ =	shalt  }
0x44: {  	_ =	shalt  }
0x45: {  	_ =	shalt  }
0x46: {  	_ =	shalt  }
0x47: {  	_ =	shalt  }
0x48: {  	_ =	shalt  }
0x49: {  	_ =	shalt  }
0x4a: {  	_ =	shalt  }
0x4b: {  	_ =	shalt  }
0x4c: {  	_ =	shalt  }
0x4d: {  	_ =	shalt  }
0x4e: {  	_ =	shalt  }
0x4f: {  	_ =	shalt  }
0x50: {  	_ =	shalt  }
0x51: {  	_ =	shalt  }
0x52: {  	_ =	shalt  }
0x53: {  	_ =	shalt  }
0x54: {  	_ =	shalt  }
0x55: {  	_ =	shalt  }
0x56: {  	_ =	shalt  }
0x57: {  	_ =	shalt  }
0x58: {  	_ =	shalt  }
0x59: {  	_ =	shalt  }
0x5a: {  	_ =	shalt  }
0x5b: {  	_ =	shalt  }
0x5c: {  	_ =	shalt  }
0x5d: {  	_ =	shalt  }
0x5e: {  	_ =	shalt  }
0x5f: {  	_ =	shalt  }
0x60: {  	_ =	shalt  }
0x61: {  	_ =	shalt  }
0x62: {  	_ =	shalt  }
0x63: {  	_ =	shalt  }
0x64: {  	_ =	shalt  }
0x65: {  	_ =	shalt  }
0x66: {  	_ =	shalt  }
0x67: {  	_ =	shalt  }
0x68: {  	_ =	shalt  }
0x69: {  	_ =	shalt  }
0x6a: {  	_ =	shalt  }
0x6b: {  	_ =	shalt  }
0x6c: {  	_ =	shalt  }
0x6d: {  	_ =	shalt  }
0x6e: {  	_ =	shalt  }
0x6f: {  	_ =	shalt  }
0x70: {  	_ =	shalt  }
0x71: {  	_ =	shalt  }
0x72: {  	_ =	shalt  }
0x73: {  	_ =	shalt  }
0x74: {  	_ =	shalt  }
0x75: {  	_ =	shalt  }
0x76: {  	_ =	shalt  }
0x77: {  	_ =	shalt  }
0x78: {  	_ =	shalt  }
0x79: {  	_ =	shalt  }
0x7a: {  	_ =	shalt  }
0x7b: {  	_ =	shalt  }
0x7c: {  	_ =	shalt  }
0x7d: {  	_ =	shalt  }
0x7e: {  	_ =	shalt  }
0x7f: {  	_ =	shalt  }
0x80: {  	_ =	shalt  }
0x81: {  	_ =	shalt  }
0x82: {  	_ =	shalt  }
0x83: {  	_ =	shalt  }
0x84: {  	_ =	shalt  }
0x85: {  	_ =	shalt  }
0x86: {  	_ =	shalt  }
0x87: {  	_ =	shalt  }
.Lfunc_end0:
.L_simem_size_0:
called_computation_lowered:
.L_overlay_start_0:
0x88: {  	s2 =	sld [smem:$0x3FD9]  }
0x89: {  	s3 =	sld [smem:$0x3FFE];
	_ =	sdelay $0x1  }
0x8a: {  	s1 =	srdreg.scid  }
0x8b: {  	s0 =	sand.u32 $0x1, s1  }
0x8c: {  	s17 =	sshll.u32 s0, $0xA;
	s2 =	sadd.s32 s3, s2  }
0x8d: {  	s2 =	sadd.s32 s2, s17  }
0x8e: {  	[smem:$0x3FC4] =	sst s2  }
0x8f: {  	_ = 	snop  }
0x90: {  	s2 =	sld [smem:$0x3FC9]  }
0x91: {  	s18 =	sld [smem:$0x3FD0];
	(tm) =	ssettm $0x1  }
0x92: {  	s4 =	sld [smem:$0x3FFB];
	_ =	sdelay $0x3  }
0x93: {  	_ =	strace s4  }
0x94: {  	s4 =	sld [smem:$0x3FFC];
	_ =	sdelay $0x3  }
0x95: {  	_ =	strace s4  }
0x96: {  	s4 =	sld [smem:$0x3FFD];
	_ =	sdelay $0x3  }
0x97: {  	_ =	strace s4  }
0x98: {  	_ =	strace $0x8FFFFFFF  }
0x99: {  	s19 =	sld [smem:$0x3FDB];
	_ =	sdelay $0x1  }
0x9a: {  	s5 =	simm.s32 $_scs_section_size  }
0x9b: {  	s6 =	simm.s32 $_size__tile_overlayer_lowered;
	s7 =	simm.s32 $_tile_overlayer_lowered  }
0x9c: {  	s22 =	simm.s32 $0x1BFF;
	s21 =	sshll.u32 s7, $0x1;
	s4 =	sadd.s32 s5, s19  }
0x9d: {  	s8 =	simm.s32 $0x0;
	s20 =	sshll.u32 s6, $0x1;
	s6 =	sadd.s32 s21, s4  }
0x9e: {  	[timem:s8], [sflag:s22] =	dma.local [hbm:s6], s20  }
0x9f: {  	_ =	swait.ge [sflag:s22], s20  }
0xa0: {  	s5 =	ssub.s32 $0x0, s20;
	[sflag:s22] =	ssyncset.done $0x0  }
0xa1: {  	[sflag:s22] =	ssyncadd.s32 s5;
	_ =	sdelay $0x1  }
0xa2: {  	s23 =	simm.s32 $0x1B8B  }
0xa3: {  	_ =	swait.ge [sflag:s23], $0x1  }
0xa4: {  	[sflag:s23] =	ssyncset.done $0x0  }
0xa5: {  	s25 =	simm.s32 $0x1B8E;
	s24 =	sld [smem:$0x3FFE];
	[sflag:s23] =	ssyncadd.s32 $0xFFFFFFFF  }
0xa6: {  	s26 =	simm.s32 $execute0_lowered;
	[smem:$0x3FD2] =	sst s25  }
0xa7: {  	s6 =	sshll.u32 s26, $0x1;
	_ =	strace $0x80000046;
	[dreg:$0x1] =	wrdreg $0xFFFFFFFF  }
0xa8: {  	s28 =	simm.s32 $_size_execute0_lowered;
	s4 =	sadd.s32 s4, s6;
	[dreg:$0x0] =	wrdreg $0x0  }
0xa9: {  	s6 =	sshll.u32 s28, $0x1;
	[dreg:$0x2] =	wrdreg s4  }
0xaa: {  	[dreg:$0x3] =	wrdreg s6  }
0xab: {  	[dreg:$0x4] =	wrdreg $0xC0  }
0xac: {  	_ =	task [dreg:s8], $0x5FFFF  }
0xad: {  	[dreg:$0x1] =	wrdreg $0xFFFFFFFF  }
0xae: {  	[dreg:$0x0] =	wrdreg $0x60  }
0xaf: {  	[dreg:$0x2] =	wrdreg s2  }
0xb0: {  	[dreg:$0x3] =	wrdreg s24  }
0xb1: {  	[dreg:$0x4] =	wrdreg s18  }
0xb2: {  	[dreg:$0x5] =	wrdreg $0x9  }
0xb3: {  	_ =	task.clear_ibuf [dreg:s8], $0x6FFFF;
	_ =	strace $0x90000046  }
0xb4: {  	s29 =	simm.s32 $0x9;
	_ =	strace $0x80000048  }
0xb5: {  	_ =	swait.ge [sflag:s29], $0x1  }
0xb6: {  	[sflag:s29] =	ssyncadd.s32 $0xFFFFFFFF  }
0xb7: {  	_ =	strace $0x90000048  }
0xb8: {  	_ =	sfence  }
0xb9: {  	s30 =	sld [smem:$0x0];
	_ =	sdelay $0x2  }
0xba: {  	s31 =	sshll.u32 s1, $0xD;
	s1 =	sshrl.u32 s1, $0x2  }
0xbb: {  	s3 =	sand.u32 $0x4000, s31;
	s1 =	sadd.s32 s1, s30  }
0xbc: {  	s0 =	sor.u32 s3, s0;
	s1 =	sshll.u32 s1, $0x11  }
0xbd: {  	s0 =	sor.u32 s1, s0  }
0xbe: {  	s0 =	sadd.s32 $0x8F2B, s0  }
0xbf: {  	[sflag:s0] =	ssyncadd.remote.s32 $0x1  }
0xc0: {  	_ =	sfence.sel $0xFFFF  }
0xc1: {  	[dreg:$0x0] =	wrdreg $0xFFFFFFFF;
	(pc) =	sbr.abs _section_cstart, $3  }
0xc2: {  	[dreg:$0x1] =	wrdreg $0xFFFFFFFF  }
0xc3: {  	_ =	task.clear_ibuf [dreg:s8], $0x2FFFF;
	_ =	strace $0x9FFFFFFF  }
0xc4: {  	(tm) =	ssettm $0x7FFFFFFF  }
0xc5: {  	_ =	shalt  }
tec
execute0_lowered:
.L_overlay_start_1:
0x0: {  	(tag) =	ssettag $0x1  }
0x1: {  	v0 =	vlaneseq.u32;
	s0 =	rddreg [dreg:$0x0]  }
0x2: {  	s2 =	rddreg [dreg:$0x1];
	s3 =	simm.s32 $0x0;
	v53 =	vmul.u32 $0xF01, v0  }
0x3: {  	[smem:$0x7FF] =	sst s3  }
0x4: {  	s1 =	rddreg [dreg:$0x2];
	_ =	strace $0x80000047;
	v0 =	vadd.s32 $0x29, v53;
	[tilespmem:$0x1FCF0] =	vst v53  }
0x5: {  	v3 =	vadd.s32 $0x34, v53;
	[tilespmem:$0x1FC50] =	vst v0  }
0x6: {  	v21 =	vadd.s32 $0x1, v53;
	[tilespmem:$0x1FC80] =	vst v3  }
0x7: {  	v22 =	vadd.s32 $0x2, v53;
	[tilespmem:$0x1FD00] =	vst v21  }
0x8: {  	v26 =	vadd.s32 $0x3, v53;
	[tilespmem:$0x1FD10] =	vst v22  }
0x9: {  	v27 =	vadd.s32 $0x4, v53;
	[tilespmem:$0x1FD20] =	vst v26  }
0xa: {  	v28 =	vadd.s32 $0x5, v53;
	[tilespmem:$0x1FD30] =	vst v27  }
0xb: {  	v29 =	vadd.s32 $0x6, v53;
	[tilespmem:$0x1FD40] =	vst v28  }
0xc: {  	v30 =	vadd.s32 $0x7, v53;
	[tilespmem:$0x1FD50] =	vst v29  }
0xd: {  	v31 =	vadd.s32 $0x8, v53;
	[tilespmem:$0x1FD60] =	vst v30  }
0xe: {  	v32 =	vadd.s32 $0x9, v53;
	[tilespmem:$0x1FD70] =	vst v31  }
0xf: {  	v33 =	vadd.s32 $0xA, v53;
	[tilespmem:$0x1FD80] =	vst v32  }
0x10: {  	v34 =	vadd.s32 $0xB, v53;
	[tilespmem:$0x1FD90] =	vst v33  }
0x11: {  	v35 =	vadd.s32 $0xC, v53;
	[tilespmem:$0x1FDA0] =	vst v34  }
0x12: {  	v36 =	vadd.s32 $0xD, v53;
	[tilespmem:$0x1FDB0] =	vst v35  }
0x13: {  	v37 =	vadd.s32 $0xE, v53;
	[tilespmem:$0x1FDC0] =	vst v36  }
0x14: {  	v38 =	vadd.s32 $0xF, v53;
	[tilespmem:$0x1FDD0] =	vst v37  }
0x15: {  	v39 =	vadd.s32 $0x10, v53;
	[tilespmem:$0x1FDE0] =	vst v38  }
0x16: {  	v40 =	vadd.s32 $0x11, v53;
	[tilespmem:$0x1FDF0] =	vst v39  }
0x17: {  	v41 =	vadd.s32 $0x12, v53;
	[tilespmem:$0x1FE00] =	vst v40  }
0x18: {  	v42 =	vadd.s32 $0x13, v53;
	[tilespmem:$0x1FE10] =	vst v41  }
0x19: {  	v43 =	vadd.s32 $0x14, v53;
	[tilespmem:$0x1FE20] =	vst v42  }
0x1a: {  	v44 =	vadd.s32 $0x15, v53;
	[tilespmem:$0x1FE30] =	vst v43  }
0x1b: {  	v45 =	vadd.s32 $0x16, v53;
	[tilespmem:$0x1FE40] =	vst v44  }
0x1c: {  	v46 =	vadd.s32 $0x17, v53;
	[tilespmem:$0x1FE50] =	vst v45  }
0x1d: {  	v47 =	vadd.s32 $0x18, v53;
	[tilespmem:$0x1FE60] =	vst v46  }
0x1e: {  	v48 =	vadd.s32 $0x19, v53;
	[tilespmem:$0x1FE70] =	vst v47  }
0x1f: {  	v49 =	vadd.s32 $0x1A, v53;
	[tilespmem:$0x1FE80] =	vst v48  }
0x20: {  	v50 =	vadd.s32 $0x1B, v53;
	[tilespmem:$0x1FE90] =	vst v49  }
0x21: {  	v51 =	vadd.s32 $0x1C, v53;
	[tilespmem:$0x1FEA0] =	vst v50  }
0x22: {  	v52 =	vadd.s32 $0x1D, v53;
	[tilespmem:$0x1FEB0] =	vst v51  }
0x23: {  	v11 =	vadd.s32 $0x1E, v53;
	[tilespmem:$0x1FEC0] =	vst v52  }
0x24: {  	v13 =	vadd.s32 $0x1F, v53;
	[tilespmem:$0x1FED0] =	vst v11  }
0x25: {  	v55 =	vadd.s32 $0x20, v53;
	[tilespmem:$0x1FEE0] =	vst v13  }
0x26: {  	v56 =	vadd.s32 $0x21, v53;
	[tilespmem:$0x1FEF0] =	vst v55  }
0x27: {  	v12 =	vadd.s32 $0x22, v53;
	[tilespmem:$0x1FF00] =	vst v56  }
0x28: {  	v58 =	vadd.s32 $0x23, v53;
	[tilespmem:$0x1FF10] =	vst v12  }
0x29: {  	v59 =	vadd.s32 $0x24, v53;
	[tilespmem:$0x1FF20] =	vst v58  }
0x2a: {  	v54 =	vadd.s32 $0x25, v53;
	[tilespmem:$0x1FF30] =	vst v59  }
0x2b: {  	v8 =	vadd.s32 $0x26, v53;
	[tilespmem:$0x1FF40] =	vst v54  }
0x2c: {  	v9 =	vadd.s32 $0x27, v53;
	[tilespmem:$0x1FF50] =	vst v8  }
0x2d: {  	v10 =	vadd.s32 $0x28, v53;
	[tilespmem:$0x1FF60] =	vst v9  }
0x2e: {  	v1 =	vadd.s32 $0x2C, v53;
	[tilespmem:$0x1FF70] =	vst v10  }
0x2f: {  	v2 =	vadd.s32 $0x2D, v53;
	[tilespmem:$0x1FF90] =	vst v1  }
0x30: {  	v4 =	vadd.s32 $0x2E, v53;
	[tilespmem:$0x1FFA0] =	vst v2  }
0x31: {  	v5 =	vadd.s32 $0x2F, v53;
	[tilespmem:$0x1FFB0] =	vst v4  }
0x32: {  	v6 =	vadd.s32 $0x30, v53;
	[tilespmem:$0x1FFC0] =	vst v5  }
0x33: {  	v7 =	vadd.s32 $0x31, v53;
	[tilespmem:$0x1FFD0] =	vst v6  }
0x34: {  	s4 =	srdreg.scid;
	s5 =	stileid.u32;
	s14 =	simm.s32 $0x7;
	v14 =	vadd.s32 $0x32, v53;
	[tilespmem:$0x1FFE0] =	vst v7  }
0x35: {  	s23 =	simm.s32 $0x2000;
	s28 =	simm.s32 $0x12880;
	s29 =	simm.s32 $0x2;
	v0 =	vadd.s32 $0x2A, v53;
	[tilespmem:$0x1FFF0] =	vst v14  }
0x36: {  	s30 =	simm.s32 $0x14880;
	s31 =	simm.s32 $0x3;
	s6 =	sand.u32 $0x1, s4;
	v3 =	vadd.s32 $0x35, v53;
	[tilespmem:$0x1FC60] =	vst v0  }
0x37: {  	s24 =	sshll.u32 s5, $0x1;
	s5 =	sadd.s32 $0x400, s2;
	s2 =	simm.s32 $0x0;
	v0 =	vadd.s32 $0x2B, v53;
	[tilespmem:$0x1FC90] =	vst v3  }
0x38: {  	s4 =	sor.u32 s6, s24;
	s25 =	ssub.s32 $0x2, s6;
	s24 =	simm.s32 $0x1;
	v3 =	vadd.s32 $0x36, v53;
	[tilespmem:$0x1FC70] =	vst v0  }
0x39: {  	s12 =	sshll.u32 s4, $0x7;
	s7 =	sshrl.u32 s25, $0x1;
	s8 =	ssub.s32 $0x1889, s4;
	[tilespmem:$0x1FCA0] =	vst v3;
	v3 =	vadd.s32 $0x37, v53  }
.Ltmp0:
0x3a: {  	s6 =	sadd.s32 s0, s12;
	s26 =	ssub.s32 s25, s7;
	v0 =	vadd.s32 $0x33, v53;
	[tilespmem:$0x1FCB0] =	vst v3;
	(pc) =	sbr.rel .LBB2_1-.Ltmp0, $4  }
0x3b: {  	s7 =	sshrl.u32 s8, $0x5;
	s12 =	sadd.s32 s1, s12;
	s25 =	simm.s32 $0x400;
	v3 =	vadd.s32 $0x38, v53;
	[tilespmem:$0x1FF80] =	vst v0  }
0x3c: {  	s0 =	simm.s32 $0x16880;
	s8 =	sadd.s32 $0x1000, s6;
	s9 =	sadd.s32 $0x2000, s6;
	[tilespmem:$0x1FCC0] =	vst v3;
	v3 =	vadd.s32 $0x39, v53  }
0x3d: {  	s10 =	sadd.s32 $0x3, s7;
	s11 =	sadd.s32 $0x2, s7;
	s13 =	smax.u32 s26, $0x1;
	[tilespmem:$0x1FCD0] =	vst v3;
	v3 =	vadd.s32 $0x3A, v53  }
0x3e: {  	v23 =	vimm.s32 $0x0;
	v57 =	vmovc v12;
	v61 =	vmov v9;
	v62 =	vmov v10;
	s16 =	sadd.s32 $0xC3500, s6;
	s26 =	simm.s32 $0x61A800;
	s19 =	sadd.s32 $0xC3500, s8;
	[tilespmem:$0x1FCE0] =	vst v3  }
.LBB2_17:
0x3f: {  	s2 =	sadd.s32 $0x1, s2  }
0x40: {  	p0 =	sne.s32 s2, s13  }
.Ltmp1:
0x41: {  	_ = 	snop;
	(pc) =	sbr.rel @!p0 .LBB2_18-.Ltmp1, $1  }
0x42: {  	_ =	sdelay $0x3  }
.LBB2_1:
0x43: {  	[tilespmem:s3], [sflag:$0x7] =	stream.linear.gather [hbm4b:s5+s3], $0x1E00, $0x38;
	[tilespmem:$0x18880] =	vst v63  }
0x44: {  	_ =	swait.ge [sflag:s14], $0x1E00  }
0x45: {  	[sflag:s14] =	ssyncset.done $0x0  }
0x46: {  	v3 =	vmov v0;
	s15 =	simm.s32 $0x20;
	s17 =	simm.s32 $0x0;
	[sflag:s14] =	ssyncadd.s32 $0xFFFFE200  }
.LBB2_2:
0x47: {  	v0 =	vld [tilespmem:s15+$0xFFFFFFE0];
	_ =	sdelay $0x3  }
0x48: {  	s18 =	sshra.s32 s17, $0x2  }
0x49: {  	[tilespmem:s18+$0x2000] =	vst v0  }
0x4a: {  	[tilespmem:s18+$0x2F01] =	vst v0  }
0x4b: {  	[tilespmem:s18+$0x3E02] =	vst v0  }
0x4c: {  	[tilespmem:s18+$0x4D03] =	vst v0  }
0x4d: {  	[tilespmem:s18+$0x5C04] =	vst v0  }
0x4e: {  	[tilespmem:s18+$0x6B05] =	vst v0  }
0x4f: {  	[tilespmem:s18+$0x7A06] =	vst v0  }
0x50: {  	[tilespmem:s18+$0x8907] =	vst v0  }
0x51: {  	[tilespmem:s18+$0x9808] =	vst v0  }
0x52: {  	[tilespmem:s18+$0xA709] =	vst v0  }
0x53: {  	[tilespmem:s18+$0xB60A] =	vst v0  }
0x54: {  	[tilespmem:s18+$0xC50B] =	vst v0  }
0x55: {  	[tilespmem:s18+$0xD40C] =	vst v0  }
0x56: {  	[tilespmem:s18+$0xE30D] =	vst v0  }
0x57: {  	[tilespmem:s18+$0xF20E] =	vst v0  }
0x58: {  	[tilespmem:s18+$0x1010F] =	vst v0  }
0x59: {  	v0 =	vld [tilespmem:s15+$0xFFFFFFF0];
	_ =	sdelay $0x4  }
0x5a: {  	[tilespmem:s18+$0x2010] =	vst v0  }
0x5b: {  	[tilespmem:s18+$0x2F11] =	vst v0  }
0x5c: {  	[tilespmem:s18+$0x3E12] =	vst v0  }
0x5d: {  	[tilespmem:s18+$0x4D13] =	vst v0  }
0x5e: {  	[tilespmem:s18+$0x5C14] =	vst v0  }
0x5f: {  	[tilespmem:s18+$0x6B15] =	vst v0  }
0x60: {  	[tilespmem:s18+$0x7A16] =	vst v0  }
0x61: {  	[tilespmem:s18+$0x8917] =	vst v0  }
0x62: {  	[tilespmem:s18+$0x9818] =	vst v0  }
0x63: {  	[tilespmem:s18+$0xA719] =	vst v0  }
0x64: {  	[tilespmem:s18+$0xB61A] =	vst v0  }
0x65: {  	[tilespmem:s18+$0xC51B] =	vst v0  }
0x66: {  	[tilespmem:s18+$0xD41C] =	vst v0  }
0x67: {  	[tilespmem:s18+$0xE31D] =	vst v0  }
0x68: {  	[tilespmem:s18+$0xF21E] =	vst v0  }
0x69: {  	[tilespmem:s18+$0x1011F] =	vst v0  }
0x6a: {  	v0 =	vld [tilespmem:s15+$0x0];
	_ =	sdelay $0x4  }
0x6b: {  	[tilespmem:s18+$0x2020] =	vst v0  }
0x6c: {  	[tilespmem:s18+$0x2F21] =	vst v0  }
0x6d: {  	[tilespmem:s18+$0x3E22] =	vst v0  }
0x6e: {  	[tilespmem:s18+$0x4D23] =	vst v0  }
0x6f: {  	[tilespmem:s18+$0x5C24] =	vst v0  }
0x70: {  	[tilespmem:s18+$0x6B25] =	vst v0  }
0x71: {  	[tilespmem:s18+$0x7A26] =	vst v0  }
0x72: {  	[tilespmem:s18+$0x8927] =	vst v0  }
0x73: {  	[tilespmem:s18+$0x9828] =	vst v0  }
0x74: {  	[tilespmem:s18+$0xA729] =	vst v0  }
0x75: {  	[tilespmem:s18+$0xB62A] =	vst v0  }
0x76: {  	[tilespmem:s18+$0xC52B] =	vst v0  }
0x77: {  	[tilespmem:s18+$0xD42C] =	vst v0  }
0x78: {  	[tilespmem:s18+$0xE32D] =	vst v0  }
0x79: {  	[tilespmem:s18+$0xF22E] =	vst v0  }
0x7a: {  	[tilespmem:s18+$0x1012F] =	vst v0  }
0x7b: {  	v0 =	vld [tilespmem:s15+$0x10];
	_ =	sdelay $0x4  }
0x7c: {  	[tilespmem:s18+$0x2030] =	vst v0  }
0x7d: {  	[tilespmem:s18+$0x2F31] =	vst v0  }
0x7e: {  	[tilespmem:s18+$0x3E32] =	vst v0  }
0x7f: {  	[tilespmem:s18+$0x4D33] =	vst v0  }
0x80: {  	[tilespmem:s18+$0x5C34] =	vst v0  }
0x81: {  	[tilespmem:s18+$0x6B35] =	vst v0  }
0x82: {  	[tilespmem:s18+$0x7A36] =	vst v0  }
0x83: {  	[tilespmem:s18+$0x8937] =	vst v0  }
0x84: {  	[tilespmem:s18+$0x9838] =	vst v0  }
0x85: {  	[tilespmem:s18+$0xA739] =	vst v0  }
0x86: {  	p0 =	sne.s32 s17, $0x3B00;
	[tilespmem:s18+$0xB63A] =	vst v0  }
.Ltmp2:
0x87: {  	[tilespmem:s18+$0xC53B] =	vst v0;
	(pc) =	sbr.rel @p0 .LBB2_2-.Ltmp2, $4  }
0x88: {  	[tilespmem:s18+$0xD43C] =	vst v0  }
0x89: {  	[tilespmem:s18+$0xE33D] =	vst v0  }
0x8a: {  	[tilespmem:s18+$0xF23E] =	vst v0  }
0x8b: {  	s17 =	sadd.s32 $0x100, s17;
	s15 =	sadd.s32 $0x80, s15;
	[tilespmem:s18+$0x1013F] =	vst v0  }
0x8c: {  	s15 =	simm.s32 $0x0;
	s17 =	simm.s32 $0x11080  }
0x8d: {  	[tilespmem:s17], [sflag:$0x1] =	stream.linear.gather [hbm4b:s6+s15], $0x400, $0x38;
	[tilespmem:$0x18880] =	vst v63  }
0x8e: {  	s22 =	simm.s32 $0x11480  }
0x8f: {  	[tilespmem:s22], [sflag:$0x1] =	stream.linear.gather [hbm4b:s16+s15], $0x280, $0x38;
	[tilespmem:$0x18880] =	vst v63  }
0x90: {  	s18 =	simm.s32 $0x11880  }
0x91: {  	[tilespmem:s18], [sflag:$0x2] =	stream.linear.gather [hbm4b:s8+s15], $0x400, $0x38;
	[tilespmem:$0x18880] =	vst v63  }
0x92: {  	s20 =	simm.s32 $0x11C80  }
0x93: {  	[tilespmem:s20], [sflag:$0x2] =	stream.linear.gather [hbm4b:s19+s15], $0x280, $0x38;
	[tilespmem:$0x18880] =	vst v63  }
.Ltmp3:
0x94: {  	_ = 	snop;
	(pc) =	sbr.rel .LBB2_4-.Ltmp3, $4  }
0x95: {  	s21 =	simm.s32 $0x12080  }
0x96: {  	[tilespmem:s21], [sflag:$0x3] =	stream.linear.gather [hbm4b:s9+s15], $0x400, $0x38;
	[tilespmem:$0x18880] =	vst v63  }
0x97: {  	s22 =	sadd.s32 $0xC3500, s9;
	s18 =	simm.s32 $0x12480  }
0x98: {  	v0 =	vmov v3;
	[tilespmem:s18], [sflag:$0x3] =	stream.linear.gather [hbm4b:s22+s15], $0x280, $0x38;
	[tilespmem:$0x18880] =	vst v63  }
.LBB2_16:
0x99: {  	s15 =	sadd.s32 $0x1, s15  }
0x9a: {  	p0 =	sne.s32 s15, $0x43  }
.Ltmp4:
0x9b: {  	_ = 	snop;
	(pc) =	sbr.rel @!p0 .LBB2_17-.Ltmp4, $1  }
0x9c: {  	_ =	sdelay $0x3  }
.LBB2_4:
0x9d: {  	s17 =	smul.u32 $0x3, s15  }
0x9e: {  	p0 =	seq.s32 s15, $0x0  }
0x9f: {  	p1 =	sge.u32 @!p0 s17, s10;
	p2 =	sge.u32 s17, s7  }
.Ltmp5:
0xa0: {  	p1 =	por p1, p0;
	(pc) =	sbr.rel @p2 .LBB2_8-.Ltmp5, $4  }
0xa1: {  	s18 =	simm.s32 @!p1 $0x4  }
0xa2: {  	_ =	swait.ge @!p1 [sflag:s18], $0x2000  }
0xa3: {  	[sflag:s18] =	ssyncset.done @!p1 $0x0  }
0xa4: {  	[sflag:s18] =	ssyncadd.s32 @!p1 $0xFFFFE000  }
0xa5: {  	_ =	swait.ge [sflag:s24], $0x680  }
0xa6: {  	[sflag:s24] =	ssyncset.done $0x0  }
0xa7: {  	s18 =	simm.s32 $0x11390;
	[sflag:s24] =	ssyncadd.s32 $0xFFFFF980  }
0xa8: {  	v0 =	vld [tilespmem:s18+$0x280]  }
0xa9: {  	v1 =	vld [tilespmem:s18+$0xFFFFFD00]  }
0xaa: {  	v2 =	vld [tilespmem:s18+$0xFFFFFF80]  }
0xab: {  	v3 =	vld [tilespmem:s18+$0x0]  }
0xac: {  	v4 =	vld [tilespmem:s18+$0xFFFFFD80]  }
0xad: {  	v5 =	vld [tilespmem:s18+$0x80]  }
0xae: {  	v6 =	vld [tilespmem:s18+$0xFFFFFE00]  }
0xaf: {  	v7 =	vld [tilespmem:s18+$0x100]  }
0xb0: {  	v8 =	vld [tilespmem:s18+$0xFFFFFE80];
	vm0 =	vgt.f32 v3, v2  }
0xb1: {  	v9 =	vld [tilespmem:s18+$0x180];
	vm1 =	vgt.f32 v4, v1;
	v2 =	vsel vm0, v3, v2  }
0xb2: {  	v3 =	vld [tilespmem:s18+$0xFFFFFF00];
	v1 =	vsel vm1, v4, v1;
	vm2 =	vgt.f32 v5, v2  }
0xb3: {  	v4 =	vld [tilespmem:s18+$0x200];
	vm3 =	vgt.f32 v6, v1;
	v2 =	vsel vm2, v5, v2;
	v5 =	vsel vm1, $0xC, v23  }
0xb4: {  	v10 =	vld [tilespmem:s18+$0x300];
	v1 =	vsel vm3, v6, v1;
	v6 =	vsel vm0, $0x2, v23;
	vm13 =	vgt.f32 v7, v2  }
0xb5: {  	v11 =	vld [tilespmem:s18+$0xFFFFFF70];
	vm14 =	vgt.f32 v8, v1;
	v5 =	vsel vm3, $0x18, v5;
	v2 =	vsel vm13, v7, v2  }
0xb6: {  	v6 =	vsel vm2, $0x4, v6;
	v7 =	vld [tilespmem:s18+$0xFFFFFFF0];
	v5 =	vsel vm14, $0x24, v5;
	vm15 =	vgt.f32 v9, v2  }
0xb7: {  	v1 =	vsel vm14, v8, v1;
	v6 =	vsel vm13, $0x6, v6;
	v2 =	vsel vm15, v9, v2  }
0xb8: {  	v8 =	vld [tilespmem:s18+$0x70];
	vm0 =	vgt.f32 v3, v1;
	v1 =	vsel vm15, $0x8, v6;
	vm5 =	vgt.f32 v4, v2  }
0xb9: {  	v12 =	vld [tilespmem:s18+$0xFFFFFD70];
	vm6 =	vgt.f32 v10, v0;
	v0 =	vsel vm0, $0x30, v5;
	v1 =	vsel vm5, $0xA, v1  }
0xba: {  	v2 =	vld [tilespmem:s18+$0xFFFFFCF0];
	v4 =	vsel vm6, $0x1, v23;
	v0 =	vadd.s32 v0, v1  }
0xbb: {  	v1 =	vld [tilespmem:s18+$0xF0];
	vm7 =	vgt.f32 v7, v11;
	v0 =	vor.u32 v4, v0  }
0xbc: {  	v3 =	vld [tilespmem:s18+$0xFFFFFDF0];
	v7 =	vsel vm7, v7, v11;
	v19 =	vshll.u32 v0, $0x6  }
0xbd: {  	v15 =	vsel vm7, $0x2, v23;
	v0 =	vld [tilespmem:s18+$0x170];
	vm8 =	vgt.f32 v8, v7;
	v5 =	vadd.s32 v53, v19  }
0xbe: {  	v4 =	vld [tilespmem:s18+$0xFFFFFE70];
	v63 =	vadd.s32 v21, v19;
	v13 =	vadd.s32 v22, v19;
	v14 =	vadd.s32 v26, v19  }
0xbf: {  	v16 =	vld [tilespmem:s18+$0x2F0];
	v17 =	vadd.s32 v27, v19;
	vm9 =	vgt.f32 v12, v2;
	v7 =	vsel vm8, v8, v7  }
0xc0: {  	v10 =	vld [tilespmem:s18+$0x1F0];
	v8 =	vadd.s32 v28, v19;
	v2 =	vsel vm9, v12, v2;
	vm10 =	vgt.f32 v1, v7  }
0xc1: {  	v6 =	vld [tilespmem:s18+$0xFFFFFEF0];
	v18 =	vadd.s32 v29, v19;
	vm11 =	vgt.f32 v3, v2;
	v1 =	vsel vm10, v1, v7  }
0xc2: {  	v11 =	vld [tilespmem:s18+$0x270];
	v15 =	vsel vm8, $0x4, v15;
	v2 =	vsel vm11, v3, v2;
	vm12 =	vgt.f32 v0, v1  }
0xc3: {  	v3 =	vadd.s32 v30, v19;
	vm4 =	vgt.f32 v4, v2;
	v5 =	vld.idx.msk [tilespmem:v5+s23+$0x0], $0xffff;
	v0 =	vsel vm12, v0, v1  }
0xc4: {  	v9 =	vld.idx.msk [tilespmem:v63+s23+$0x0], $0xffff;
	v1 =	vsel vm9, $0xC, v23;
	v2 =	vsel vm4, v4, v2;
	v4 =	vsel vm10, $0x6, v15  }
0xc5: {  	v7 =	vld.idx.msk [tilespmem:v13+s23+$0x0], $0xffff;
	v63 =	vadd.s32 v31, v19;
	vm13 =	vgt.f32 v10, v0;
	v0 =	vsel vm11, $0x18, v1  }
0xc6: {  	v13 =	vld.idx.msk [tilespmem:v14+s23+$0x0], $0xffff;
	vm14 =	vgt.f32 v6, v2;
	v2 =	vsel vm12, $0x8, v4;
	v0 =	vsel vm4, $0x24, v0  }
0xc7: {  	vm15 =	vgt.f32 v16, v11;
	v60 =	vld.idx.msk [tilespmem:v17+s23+$0x0], $0xffff;
	v2 =	vsel vm13, $0xA, v2;
	v0 =	vsel vm14, $0x30, v0  }
0xc8: {  	s18 =	simm.s32 $0x13880;
	v8 =	vld.idx.msk [tilespmem:v8+s23+$0x0], $0xffff;
	v4 =	vadd.s32 v32, v19;
	v6 =	vsel vm15, $0x1, v23;
	v0 =	vadd.s32 v0, v2  }
0xc9: {  	v1 =	vld.idx.msk [tilespmem:v18+s23+$0x0], $0xffff;
	[tilespmem:s18+$0xFFFFF010] =	vst v5;
	v5 =	vadd.s32 v33, v19;
	v0 =	vor.u32 v6, v0  }
0xca: {  	v6 =	vadd.s32 v34, v19;
	v3 =	vld.idx.msk [tilespmem:v3+s23+$0x0], $0xffff;
	[tilespmem:s18+$0xFFFFF090] =	vst v9;
	v18 =	vshll.u32 v0, $0x6  }
0xcb: {  	v2 =	vld.idx.msk [tilespmem:v63+s23+$0x0], $0xffff;
	[tilespmem:s18+$0xFFFFF110] =	vst v7;
	v7 =	vadd.s32 v21, v18  }
0xcc: {  	v17 =	vadd.s32 v22, v18  }
0xcd: {  	v0 =	vld.idx.msk [tilespmem:v4+s23+$0x0], $0xffff;
	v4 =	vadd.s32 v53, v18;
	[tilespmem:s18+$0xFFFFF190] =	vst v13  }
0xce: {  	v10 =	vadd.s32 v26, v18;
	v20 =	vld.idx.msk [tilespmem:v5+s23+$0x0], $0xffff;
	[tilespmem:s18+$0xFFFFF210] =	vst v60  }
0xcf: {  	v11 =	vadd.s32 v27, v18;
	v6 =	vld.idx.msk [tilespmem:v6+s23+$0x0], $0xffff  }
0xd0: {  	v63 =	vadd.s32 v28, v18;
	v7 =	vld.idx.msk [tilespmem:v7+s23+$0x0], $0xffff  }
0xd1: {  	v13 =	vadd.s32 v29, v18;
	v9 =	vld.idx.msk [tilespmem:v17+s23+$0x0], $0xffff  }
0xd2: {  	v60 =	vadd.s32 v35, v19;
	v4 =	vld.idx.msk [tilespmem:v4+s23+$0x0], $0xffff  }
0xd3: {  	v15 =	vadd.s32 v30, v18;
	v10 =	vld.idx.msk [tilespmem:v10+s23+$0x0], $0xffff  }
0xd4: {  	v16 =	vadd.s32 v36, v19;
	v11 =	vld.idx.msk [tilespmem:v11+s23+$0x0], $0xffff  }
0xd5: {  	v17 =	vadd.s32 v31, v18;
	v12 =	vld.idx.msk [tilespmem:v63+s23+$0x0], $0xffff  }
0xd6: {  	v5 =	vmov v18;
	[tilespmem:s18+$0xFFFFF290] =	vst v8;
	v63 =	vadd.s32 v37, v19;
	v8 =	vld.idx.msk [tilespmem:v13+s23+$0x0], $0xffff  }
0xd7: {  	v13 =	vld.idx.msk [tilespmem:v60+s23+$0x0], $0xffff;
	v60 =	vadd.s32 v32, v5;
	[tilespmem:s18+$0xFFFFF000] =	vst v4  }
0xd8: {  	[tilespmem:s18+$0xFFFFF310] =	vst v1;
	v4 =	vadd.s32 v38, v19;
	v1 =	vld.idx.msk [tilespmem:v15+s23+$0x0], $0xffff  }
0xd9: {  	v15 =	vld.idx.msk [tilespmem:v16+s23+$0x0], $0xffff;
	v16 =	vadd.s32 v33, v5;
	[tilespmem:s18+$0xFFFFF080] =	vst v7  }
0xda: {  	v7 =	vadd.s32 v39, v19;
	[tilespmem:s18+$0xFFFFF390] =	vst v3;
	v3 =	vld.idx.msk [tilespmem:v17+s23+$0x0], $0xffff  }
0xdb: {  	v18 =	vadd.s32 v34, v5;
	v17 =	vld.idx.msk [tilespmem:v63+s23+$0x0], $0xffff;
	[tilespmem:s18+$0xFFFFF100] =	vst v9  }
0xdc: {  	v63 =	vadd.s32 v40, v19;
	[tilespmem:s18+$0xFFFFF410] =	vst v2;
	v2 =	vld.idx.msk [tilespmem:v60+s23+$0x0], $0xffff  }
0xdd: {  	v14 =	vadd.s32 v35, v5;
	[tilespmem:s18+$0xFFFFF180] =	vst v10;
	v4 =	vld.idx.msk [tilespmem:v4+s23+$0x0], $0xffff  }
0xde: {  	v60 =	vadd.s32 v41, v19;
	[tilespmem:s18+$0xFFFFF490] =	vst v0;
	v0 =	vld.idx.msk [tilespmem:v16+s23+$0x0], $0xffff  }
0xdf: {  	v7 =	vld.idx.msk [tilespmem:v7+s23+$0x0], $0xffff;
	v16 =	vadd.s32 v36, v5;
	[tilespmem:s18+$0xFFFFF200] =	vst v11  }
0xe0: {  	v11 =	vadd.s32 v42, v19;
	[tilespmem:s18+$0xFFFFF510] =	vst v20;
	v20 =	vld.idx.msk [tilespmem:v18+s23+$0x0], $0xffff  }
0xe1: {  	v9 =	vld.idx.msk [tilespmem:v63+s23+$0x0], $0xffff;
	v18 =	vadd.s32 v37, v5;
	[tilespmem:s18+$0xFFFFF280] =	vst v12  }
0xe2: {  	v63 =	vadd.s32 v43, v19;
	[tilespmem:s18+$0xFFFFF590] =	vst v6;
	v6 =	vld.idx.msk [tilespmem:v14+s23+$0x0], $0xffff  }
0xe3: {  	v10 =	vld.idx.msk [tilespmem:v60+s23+$0x0], $0xffff;
	v60 =	vadd.s32 v38, v5;
	[tilespmem:s18+$0xFFFFF300] =	vst v8  }
0xe4: {  	v8 =	vadd.s32 v44, v19;
	[tilespmem:s18+$0xFFFFF610] =	vst v13;
	v13 =	vld.idx.msk [tilespmem:v16+s23+$0x0], $0xffff  }
0xe5: {  	v11 =	vld.idx.msk [tilespmem:v11+s23+$0x0], $0xffff;
	v16 =	vadd.s32 v39, v5;
	[tilespmem:s18+$0xFFFFF380] =	vst v1  }
0xe6: {  	v1 =	vadd.s32 v45, v19;
	[tilespmem:s18+$0xFFFFF690] =	vst v15;
	v15 =	vld.idx.msk [tilespmem:v18+s23+$0x0], $0xffff  }
0xe7: {  	v12 =	vld.idx.msk [tilespmem:v63+s23+$0x0], $0xffff;
	v63 =	vadd.s32 v40, v5;
	[tilespmem:s18+$0xFFFFF400] =	vst v3  }
0xe8: {  	v3 =	vadd.s32 v46, v19;
	[tilespmem:s18+$0xFFFFF710] =	vst v17;
	v14 =	vld.idx.msk [tilespmem:v60+s23+$0x0], $0xffff  }
0xe9: {  	v8 =	vld.idx.msk [tilespmem:v8+s23+$0x0], $0xffff;
	v60 =	vadd.s32 v41, v5;
	[tilespmem:s18+$0xFFFFF480] =	vst v2  }
0xea: {  	v2 =	vadd.s32 v47, v19;
	[tilespmem:s18+$0xFFFFF790] =	vst v4;
	v4 =	vld.idx.msk [tilespmem:v16+s23+$0x0], $0xffff  }
0xeb: {  	v1 =	vld.idx.msk [tilespmem:v1+s23+$0x0], $0xffff;
	v16 =	vadd.s32 v42, v5;
	[tilespmem:s18+$0xFFFFF500] =	vst v0  }
0xec: {  	v0 =	vadd.s32 v48, v19;
	[tilespmem:s18+$0xFFFFF810] =	vst v7;
	v7 =	vld.idx.msk [tilespmem:v63+s23+$0x0], $0xffff  }
0xed: {  	v3 =	vld.idx.msk [tilespmem:v3+s23+$0x0], $0xffff;
	v63 =	vadd.s32 v43, v5;
	[tilespmem:s18+$0xFFFFF580] =	vst v20  }
0xee: {  	v20 =	vadd.s32 v49, v19;
	[tilespmem:s18+$0xFFFFF890] =	vst v9;
	v9 =	vld.idx.msk [tilespmem:v60+s23+$0x0], $0xffff  }
0xef: {  	v2 =	vld.idx.msk [tilespmem:v2+s23+$0x0], $0xffff;
	[tilespmem:s18+$0xFFFFF600] =	vst v6  }
0xf0: {  	[tilespmem:s18+$0xFFFFF910] =	vst v10;
	v10 =	vld.idx.msk [tilespmem:v16+s23+$0x0], $0xffff  }
0xf1: {  	v0 =	vld.idx.msk [tilespmem:v0+s23+$0x0], $0xffff;
	[tilespmem:s18+$0xFFFFF680] =	vst v13  }
0xf2: {  	[tilespmem:s18+$0xFFFFF990] =	vst v11;
	v11 =	vld.idx.msk [tilespmem:v63+s23+$0x0], $0xffff  }
0xf3: {  	v63 =	vld.idx.msk [tilespmem:v20+s23+$0x0], $0xffff;
	_ =	sdelay $0x1  }
0xf4: {  	v60 =	vadd.s32 v44, v5  }
0xf5: {  	v6 =	vadd.s32 v50, v19;
	_ =	sdelay $0x1  }
0xf6: {  	v16 =	vadd.s32 v45, v5;
	[tilespmem:$0x1FAB0] =	vst v63  }
0xf7: {  	[tilespmem:s18+$0xFFFFF700] =	vst v15  }
0xf8: {  	[tilespmem:s18+$0xFFFFFA10] =	vst v12;
	v12 =	vld.idx.msk [tilespmem:v60+s23+$0x0], $0xffff  }
0xf9: {  	v6 =	vld.idx.msk [tilespmem:v6+s23+$0x0], $0xffff;
	[tilespmem:s18+$0xFFFFF780] =	vst v14  }
0xfa: {  	v60 =	vld [tilespmem:$0x1FED0];
	[tilespmem:s18+$0xFFFFFA90] =	vst v8  }
0xfb: {  	v13 =	vadd.s32 v51, v19;
	v8 =	vld.idx.msk [tilespmem:v16+s23+$0x0], $0xffff;
	[tilespmem:s18+$0xFFFFF800] =	vst v4  }
0xfc: {  	v18 =	vadd.s32 v46, v5;
	v25 =	vld [tilespmem:$0x1FEE0]  }
0xfd: {  	v15 =	vadd.s32 v52, v19  }
0xfe: {  	v17 =	vadd.s32 v47, v5  }
0xff: {  	v14 =	vadd.s32 v60, v19  }
0x100: {  	v16 =	vadd.s32 v48, v5;
	v13 =	vld.idx.msk [tilespmem:v13+s23+$0x0], $0xffff;
	[tilespmem:s18+$0xFFFFFB10] =	vst v1  }
0x101: {  	v63 =	vld.idx.msk [tilespmem:v18+s23+$0x0], $0xffff;
	[tilespmem:s18+$0xFFFFF880] =	vst v7;
	v4 =	vadd.s32 v25, v19  }
0x102: {  	v18 =	vadd.s32 v49, v5;
	v15 =	vld.idx.msk [tilespmem:v15+s23+$0x0], $0xffff;
	[tilespmem:s18+$0xFFFFFB90] =	vst v3  }
0x103: {  	v3 =	vld.idx.msk [tilespmem:v17+s23+$0x0], $0xffff;
	[tilespmem:s18+$0xFFFFF900] =	vst v9  }
0x104: {  	v14 =	vld.idx.msk [tilespmem:v14+s23+$0x0], $0xffff;
	[tilespmem:s18+$0xFFFFFC10] =	vst v2  }
0x105: {  	v2 =	vld.idx.msk [tilespmem:v16+s23+$0x0], $0xffff;
	[tilespmem:s18+$0xFFFFF980] =	vst v10  }
0x106: {  	v20 =	vld.idx.msk [tilespmem:v4+s23+$0x0], $0xffff;
	[tilespmem:s18+$0xFFFFFC90] =	vst v0  }
0x107: {  	v7 =	vadd.s32 v55, v19;
	v24 =	vld.idx.msk [tilespmem:v18+s23+$0x0], $0xffff;
	[tilespmem:s18+$0xFFFFFA00] =	vst v11  }
0x108: {  	v17 =	vadd.s32 v50, v5;
	v0 =	vld [tilespmem:$0x1FAB0];
	_ =	sdelay $0x3  }
0x109: {  	v7 =	vld.idx.msk [tilespmem:v7+s23+$0x0], $0xffff  }
0x10a: {  	[tilespmem:s18+$0xFFFFFD10] =	vst v0;
	v0 =	vld.idx.msk [tilespmem:v17+s23+$0x0], $0xffff;
	_ =	sdelay $0x1  }
0x10b: {  	v16 =	vadd.s32 v51, v5;
	_ =	sdelay $0x2  }
0x10c: {  	[tilespmem:$0x1FAC0] =	vst v0  }
0x10d: {  	v9 =	vadd.s32 v56, v19;
	[tilespmem:s18+$0xFFFFFA80] =	vst v12  }
0x10e: {  	v0 =	vld.idx.msk [tilespmem:v16+s23+$0x0], $0xffff;
	_ =	sdelay $0x1  }
0x10f: {  	v10 =	vadd.s32 v57, v19  }
0x110: {  	v18 =	vadd.s32 v52, v5  }
0x111: {  	v9 =	vld.idx.msk [tilespmem:v9+s23+$0x0], $0xffff;
	[tilespmem:s18+$0xFFFFFD90] =	vst v6  }
0x112: {  	[tilespmem:$0x1FAD0] =	vst v0  }
0x113: {  	[tilespmem:s18+$0xFFFFFB00] =	vst v8  }
0x114: {  	v10 =	vld.idx.msk [tilespmem:v10+s23+$0x0], $0xffff;
	[tilespmem:s18+$0xFFFFFE10] =	vst v13  }
0x115: {  	v13 =	vld.idx.msk [tilespmem:v18+s23+$0x0], $0xffff;
	[tilespmem:s18+$0xFFFFFB80] =	vst v63  }
0x116: {  	v63 =	vld [tilespmem:$0x1FF50];
	_ =	sdelay $0x1  }
0x117: {  	v11 =	vadd.s32 v58, v19  }
0x118: {  	v12 =	vadd.s32 v59, v19  }
0x119: {  	v8 =	vadd.s32 v54, v19  }
0x11a: {  	v4 =	vadd.s32 v63, v19;
	_ =	sdelay $0x1  }
0x11b: {  	v11 =	vld.idx.msk [tilespmem:v11+s23+$0x0], $0xffff;
	[tilespmem:s18+$0xFFFFFE90] =	vst v15  }
0x11c: {  	v17 =	vadd.s32 v60, v5;
	v12 =	vld.idx.msk [tilespmem:v12+s23+$0x0], $0xffff;
	[tilespmem:s18+$0xFFFFFF10] =	vst v14  }
0x11d: {  	v16 =	vadd.s32 v25, v5;
	v8 =	vld.idx.msk [tilespmem:v8+s23+$0x0], $0xffff;
	[tilespmem:s18+$0xFFFFFF90] =	vst v20  }
0x11e: {  	v18 =	vadd.s32 v55, v5;
	v4 =	vld.idx.msk [tilespmem:v4+s23+$0x0], $0xffff;
	_ =	sdelay $0x2  }
0x11f: {  	v15 =	vld.idx.msk [tilespmem:v17+s23+$0x0], $0xffff;
	[tilespmem:s18+$0xFFFFFC00] =	vst v3;
	v3 =	vadd.s32 v61, v19  }
0x120: {  	v14 =	vld.idx.msk [tilespmem:v16+s23+$0x0], $0xffff;
	[tilespmem:s18+$0xFFFFFC80] =	vst v2  }
0x121: {  	v20 =	vld.idx.msk [tilespmem:v18+s23+$0x0], $0xffff;
	[tilespmem:$0x1FAE0] =	vst v4  }
0x122: {  	[tilespmem:s18+$0xFFFFFD00] =	vst v24  }
0x123: {  	v60 =	vadd.s32 v56, v5;
	v6 =	vld [tilespmem:$0x1FC50];
	[tilespmem:s18+$0x10] =	vst v7  }
0x124: {  	v3 =	vld.idx.msk [tilespmem:v3+s23+$0x0], $0xffff;
	_ =	sdelay $0x3  }
0x125: {  	v25 =	vld.idx.msk [tilespmem:v60+s23+$0x0], $0xffff  }
0x126: {  	[tilespmem:$0x1FAF0] =	vst v3;
	v3 =	vld [tilespmem:$0x1FAC0];
	_ =	sdelay $0x1  }
0x127: {  	v2 =	vadd.s32 v62, v19;
	_ =	sdelay $0x2  }
0x128: {  	[tilespmem:s18+$0xFFFFFD80] =	vst v3  }
0x129: {  	v16 =	vadd.s32 v57, v5;
	v4 =	vld [tilespmem:$0x1FC60];
	[tilespmem:s18+$0x90] =	vst v9  }
0x12a: {  	v2 =	vld.idx.msk [tilespmem:v2+s23+$0x0], $0xffff;
	_ =	sdelay $0x3  }
0x12b: {  	v9 =	vld.idx.msk [tilespmem:v16+s23+$0x0], $0xffff  }
0x12c: {  	[tilespmem:$0x1FB00] =	vst v2;
	v2 =	vld [tilespmem:$0x1FAD0];
	_ =	sdelay $0x1  }
0x12d: {  	v18 =	vadd.s32 v58, v5  }
0x12e: {  	v24 =	vadd.s32 v6, v19;
	_ =	sdelay $0x1  }
0x12f: {  	v60 =	vadd.s32 v4, v19;
	[tilespmem:s18+$0xFFFFFE00] =	vst v2  }
0x130: {  	v16 =	vld [tilespmem:$0x1FC70]  }
0x131: {  	[tilespmem:s18+$0x110] =	vst v10;
	v10 =	vld.idx.msk [tilespmem:v18+s23+$0x0], $0xffff  }
0x132: {  	[tilespmem:s18+$0xFFFFFE80] =	vst v13;
	v24 =	vld.idx.msk [tilespmem:v24+s23+$0x0], $0xffff  }
0x133: {  	v3 =	vld [tilespmem:$0x1FF90];
	[tilespmem:s18+$0x190] =	vst v11  }
0x134: {  	v17 =	vadd.s32 v59, v5;
	v18 =	vadd.s32 v63, v5;
	v63 =	vld.idx.msk [tilespmem:v60+s23+$0x0], $0xffff;
	_ =	sdelay $0x2  }
0x135: {  	v7 =	vadd.s32 v54, v5  }
0x136: {  	v2 =	vadd.s32 v16, v19  }
0x137: {  	v11 =	vld.idx.msk [tilespmem:v17+s23+$0x0], $0xffff;
	[tilespmem:$0x1FB10] =	vst v63  }
0x138: {  	[tilespmem:s18+$0xFFFFFF00] =	vst v15  }
0x139: {  	v0 =	vld [tilespmem:$0x1FFA0]  }
0x13a: {  	[tilespmem:s18+$0x210] =	vst v12;
	v12 =	vld.idx.msk [tilespmem:v7+s23+$0x0], $0xffff  }
0x13b: {  	[tilespmem:s18+$0xFFFFFF80] =	vst v14;
	v60 =	vld.idx.msk [tilespmem:v2+s23+$0x0], $0xffff  }
0x13c: {  	v2 =	vld [tilespmem:$0x1FFB0];
	[tilespmem:s18+$0x290] =	vst v8  }
0x13d: {  	v13 =	vadd.s32 v3, v19;
	v8 =	vld.idx.msk [tilespmem:v18+s23+$0x0], $0xffff;
	[tilespmem:s18+$0x0] =	vst v20  }
0x13e: {  	v7 =	vld [tilespmem:$0x1FAE0]  }
0x13f: {  	v15 =	vadd.s32 v0, v19;
	_ =	sdelay $0x2  }
0x140: {  	v63 =	vld.idx.msk [tilespmem:v13+s23+$0x0], $0xffff  }
0x141: {  	v18 =	vld [tilespmem:$0x1FFC0];
	[tilespmem:s18+$0x310] =	vst v7  }
0x142: {  	v17 =	vadd.s32 v61, v5;
	v7 =	vld.idx.msk [tilespmem:v15+s23+$0x0], $0xffff;
	_ =	sdelay $0x4  }
0x143: {  	v20 =	vld.idx.msk [tilespmem:v17+s23+$0x0], $0xffff;
	[tilespmem:$0x1FB20] =	vst v7  }
0x144: {  	[tilespmem:s18+$0x80] =	vst v25  }
0x145: {  	v1 =	vadd.s32 v62, v5;
	v15 =	vld [tilespmem:$0x1FAF0]  }
0x146: {  	v14 =	vadd.s32 v2, v19;
	_ =	sdelay $0x2  }
0x147: {  	v17 =	vadd.s32 v4, v5;
	v4 =	vld [tilespmem:$0x1FFD0]  }
0x148: {  	[tilespmem:s18+$0x390] =	vst v15;
	v15 =	vld.idx.msk [tilespmem:v1+s23+$0x0], $0xffff  }
0x149: {  	v1 =	vld.idx.msk [tilespmem:v14+s23+$0x0], $0xffff;
	_ =	sdelay $0x4  }
0x14a: {  	[tilespmem:$0x1FB30] =	vst v1  }
0x14b: {  	[tilespmem:s18+$0x100] =	vst v9  }
0x14c: {  	v14 =	vld [tilespmem:$0x1FB00]  }
0x14d: {  	v13 =	vadd.s32 v6, v5;
	v6 =	vadd.s32 v18, v19;
	_ =	sdelay $0x3  }
0x14e: {  	v1 =	vld [tilespmem:$0x1FFE0];
	[tilespmem:s18+$0x410] =	vst v14  }
0x14f: {  	v6 =	vld.idx.msk [tilespmem:v6+s23+$0x0], $0xffff;
	_ =	sdelay $0x2  }
0x150: {  	v7 =	vadd.s32 v4, v19;
	_ =	sdelay $0x1  }
0x151: {  	v13 =	vld.idx.msk [tilespmem:v13+s23+$0x0], $0xffff;
	[tilespmem:$0x1FB40] =	vst v6  }
0x152: {  	[tilespmem:s18+$0x180] =	vst v10  }
0x153: {  	v6 =	vadd.s32 v3, v5;
	v3 =	vld [tilespmem:$0x1FFF0];
	[tilespmem:s18+$0x490] =	vst v24  }
0x154: {  	v7 =	vld.idx.msk [tilespmem:v7+s23+$0x0], $0xffff;
	_ =	sdelay $0x4  }
0x155: {  	v14 =	vld.idx.msk [tilespmem:v17+s23+$0x0], $0xffff;
	[tilespmem:$0x1FB50] =	vst v7  }
0x156: {  	v16 =	vadd.s32 v16, v5;
	[tilespmem:s18+$0x200] =	vst v11  }
0x157: {  	v17 =	vadd.s32 v0, v5;
	v0 =	vld [tilespmem:$0x1FB10];
	_ =	sdelay $0x2  }
0x158: {  	v25 =	vld [tilespmem:$0x1FF80]  }
0x159: {  	v9 =	vadd.s32 v1, v19;
	v7 =	vld.idx.msk [tilespmem:v16+s23+$0x0], $0xffff;
	[tilespmem:s18+$0x280] =	vst v12  }
0x15a: {  	v10 =	vadd.s32 v3, v19;
	v24 =	vld.idx.msk [tilespmem:v6+s23+$0x0], $0xffff;
	[tilespmem:s18+$0x510] =	vst v0  }
0x15b: {  	v0 =	vld [tilespmem:$0x1FC80];
	[tilespmem:s18+$0x300] =	vst v8  }
0x15c: {  	v16 =	vadd.s32 v2, v5;
	v2 =	vld.idx.msk [tilespmem:v17+s23+$0x0], $0xffff;
	_ =	sdelay $0x1  }
0x15d: {  	v9 =	vld.idx.msk [tilespmem:v9+s23+$0x0], $0xffff;
	[tilespmem:s18+$0x590] =	vst v60  }
0x15e: {  	v10 =	vld.idx.msk [tilespmem:v10+s23+$0x0], $0xffff  }
0x15f: {  	v60 =	vld [tilespmem:$0x1FC90];
	[tilespmem:s18+$0x610] =	vst v63  }
0x160: {  	v11 =	vadd.s32 v25, v19;
	[tilespmem:$0x1FB60] =	vst v2  }
0x161: {  	[tilespmem:s18+$0x380] =	vst v20  }
0x162: {  	v17 =	vadd.s32 v4, v5;
	v4 =	vld [tilespmem:$0x1FB20];
	_ =	sdelay $0x2  }
0x163: {  	v11 =	vld.idx.msk [tilespmem:v11+s23+$0x0], $0xffff  }
0x164: {  	v63 =	vld [tilespmem:$0x1FCA0]  }
0x165: {  	[tilespmem:s18+$0x690] =	vst v4;
	v4 =	vld.idx.msk [tilespmem:v16+s23+$0x0], $0xffff  }
0x166: {  	v12 =	vadd.s32 v0, v19;
	_ =	sdelay $0x3  }
0x167: {  	[tilespmem:$0x1FB70] =	vst v4  }
0x168: {  	v4 =	vld.idx.msk [tilespmem:v12+s23+$0x0], $0xffff;
	_ =	sdelay $0x4  }
0x169: {  	[tilespmem:$0x1FB80] =	vst v4  }
0x16a: {  	[tilespmem:s18+$0x400] =	vst v15  }
0x16b: {  	v18 =	vadd.s32 v18, v5;
	v16 =	vadd.s32 v1, v5;
	v1 =	vld [tilespmem:$0x1FB30];
	_ =	sdelay $0x3  }
0x16c: {  	v12 =	vld [tilespmem:$0x1FCB0]  }
0x16d: {  	[tilespmem:s18+$0x710] =	vst v1;
	v1 =	vld.idx.msk [tilespmem:v18+s23+$0x0], $0xffff  }
0x16e: {  	v8 =	vadd.s32 v60, v19;
	_ =	sdelay $0x3  }
0x16f: {  	[tilespmem:$0x1FB90] =	vst v1  }
0x170: {  	v1 =	vld.idx.msk [tilespmem:v8+s23+$0x0], $0xffff;
	_ =	sdelay $0x4  }
0x171: {  	[tilespmem:$0x1FBA0] =	vst v1  }
0x172: {  	[tilespmem:s18+$0x480] =	vst v13  }
0x173: {  	v18 =	vadd.s32 v3, v5;
	v3 =	vld [tilespmem:$0x1FB40];
	_ =	sdelay $0x3  }
0x174: {  	v1 =	vld [tilespmem:$0x1FCC0]  }
0x175: {  	[tilespmem:s18+$0x790] =	vst v3;
	v3 =	vld.idx.msk [tilespmem:v17+s23+$0x0], $0xffff  }
0x176: {  	v2 =	vadd.s32 v63, v19;
	_ =	sdelay $0x3  }
0x177: {  	[tilespmem:$0x1FBB0] =	vst v3  }
0x178: {  	v2 =	vld.idx.msk [tilespmem:v2+s23+$0x0], $0xffff;
	_ =	sdelay $0x4  }
0x179: {  	[tilespmem:$0x1FBC0] =	vst v2  }
0x17a: {  	[tilespmem:s18+$0x500] =	vst v14  }
0x17b: {  	v2 =	vld [tilespmem:$0x1FB50];
	_ =	sdelay $0x3  }
0x17c: {  	v20 =	vld [tilespmem:$0x1FCD0]  }
0x17d: {  	[tilespmem:s18+$0x810] =	vst v2;
	v2 =	vld.idx.msk [tilespmem:v16+s23+$0x0], $0xffff;
	_ =	sdelay $0x4  }
0x17e: {  	v6 =	vadd.s32 v12, v19;
	[tilespmem:$0x1FBD0] =	vst v2  }
0x17f: {  	[tilespmem:s18+$0x580] =	vst v7  }
0x180: {  	v2 =	vld.idx.msk [tilespmem:v18+s23+$0x0], $0xffff  }
0x181: {  	v4 =	vadd.s32 v1, v19;
	_ =	sdelay $0x1  }
0x182: {  	v14 =	vld.idx.msk [tilespmem:v6+s23+$0x0], $0xffff  }
0x183: {  	v3 =	vadd.s32 v0, v5;
	v0 =	vld [tilespmem:$0x1FCE0];
	[tilespmem:s18+$0x890] =	vst v9  }
0x184: {  	[tilespmem:$0x1FBE0] =	vst v2  }
0x185: {  	v4 =	vld.idx.msk [tilespmem:v4+s23+$0x0], $0xffff;
	_ =	sdelay $0x4  }
0x186: {  	[tilespmem:$0x1FC00] =	vst v4  }
0x187: {  	[tilespmem:s18+$0x600] =	vst v24  }
0x188: {  	v17 =	vadd.s32 v25, v5;
	[tilespmem:s18+$0x910] =	vst v10  }
0x189: {  	v13 =	vadd.s32 v20, v19;
	v8 =	vld [tilespmem:$0x1FB60];
	_ =	sdelay $0x3  }
0x18a: {  	v9 =	vld.idx.msk [tilespmem:v17+s23+$0x0], $0xffff  }
0x18b: {  	v25 =	vld.idx.msk [tilespmem:v13+s23+$0x0], $0xffff;
	[tilespmem:s18+$0x680] =	vst v8  }
0x18c: {  	[tilespmem:s18+$0x990] =	vst v11;
	v18 =	vld.idx.msk [tilespmem:v3+s23+$0x0], $0xffff  }
0x18d: {  	v3 =	vld [tilespmem:$0x1FB70];
	_ =	sdelay $0x4  }
0x18e: {  	[tilespmem:s18+$0x700] =	vst v3  }
0x18f: {  	v16 =	vadd.s32 v0, v19;
	v3 =	vld [tilespmem:$0x1FB80];
	_ =	sdelay $0x4  }
0x190: {  	v4 =	vadd.s32 v63, v5;
	v63 =	vld.idx.msk [tilespmem:v16+s23+$0x0], $0xffff;
	[tilespmem:s18+$0xA10] =	vst v3  }
0x191: {  	v60 =	vadd.s32 v60, v5;
	v3 =	vadd.s32 v1, v5;
	v1 =	vld [tilespmem:$0x1FB90];
	_ =	sdelay $0x4  }
0x192: {  	v2 =	vadd.s32 $0x3B, v53;
	v11 =	vld.idx.msk [tilespmem:v60+s23+$0x0], $0xffff;
	[tilespmem:s18+$0x780] =	vst v1  }
0x193: {  	v7 =	vadd.s32 v2, v19;
	v1 =	vld [tilespmem:$0x1FBA0];
	_ =	sdelay $0x4  }
0x194: {  	v60 =	vld.idx.msk [tilespmem:v7+s23+$0x0], $0xffff;
	[tilespmem:s18+$0xA90] =	vst v1  }
0x195: {  	v1 =	vld [tilespmem:$0x1FBB0];
	_ =	sdelay $0x4  }
0x196: {  	v6 =	vadd.s32 $0x3C, v53;
	v10 =	vld.idx.msk [tilespmem:v4+s23+$0x0], $0xffff;
	[tilespmem:s18+$0x800] =	vst v1  }
0x197: {  	v8 =	vadd.s32 v6, v19;
	v1 =	vld [tilespmem:$0x1FBC0];
	_ =	sdelay $0x3  }
0x198: {  	v17 =	vadd.s32 $0x3D, v53  }
0x199: {  	v16 =	vadd.s32 v12, v5;
	v15 =	vadd.s32 v17, v19;
	v12 =	vld.idx.msk [tilespmem:v8+s23+$0x0], $0xffff;
	[tilespmem:s18+$0xB10] =	vst v1  }
0x19a: {  	v7 =	vld [tilespmem:$0x1FBD0];
	_ =	sdelay $0x3  }
0x19b: {  	v15 =	vld.idx.msk [tilespmem:v15+s23+$0x0], $0xffff;
	[tilespmem:s18+$0xB90] =	vst v14  }
0x19c: {  	v8 =	vadd.s32 v20, v5;
	v20 =	vld.idx.msk [tilespmem:v16+s23+$0x0], $0xffff;
	[tilespmem:s18+$0x880] =	vst v7  }
0x19d: {  	v7 =	vadd.s32 v0, v5;
	v0 =	vld [tilespmem:$0x1FBE0];
	_ =	sdelay $0x3  }
0x19e: {  	v24 =	vadd.s32 $0x3E, v53  }
0x19f: {  	v13 =	vadd.s32 v24, v19;
	v14 =	vld.idx.msk [tilespmem:v3+s23+$0x0], $0xffff;
	[tilespmem:s18+$0x900] =	vst v0  }
0x1a0: {  	v0 =	vld [tilespmem:$0x1FC00]  }
0x1a1: {  	v4 =	vadd.s32 $0x3F, v53  }
0x1a2: {  	v1 =	vadd.s32 v4, v19;
	_ =	sdelay $0x1  }
0x1a3: {  	v13 =	vld.idx.msk [tilespmem:v13+s23+$0x0], $0xffff;
	[tilespmem:$0x1FBF0] =	vst v2  }
0x1a4: {  	[tilespmem:s18+$0xC10] =	vst v0  }
0x1a5: {  	v0 =	vld.idx.msk [tilespmem:v8+s23+$0x0], $0xffff;
	[tilespmem:s18+$0x980] =	vst v9  }
0x1a6: {  	v3 =	vadd.s32 v2, v5;
	v16 =	vld.idx.msk [tilespmem:v1+s23+$0x0], $0xffff;
	[tilespmem:$0x1FC10] =	vst v6  }
0x1a7: {  	[tilespmem:s18+$0xD90] =	vst v60  }
0x1a8: {  	v1 =	vld.idx.msk [tilespmem:v7+s23+$0x0], $0xffff;
	[tilespmem:s18+$0xA00] =	vst v18  }
0x1a9: {  	v19 =	vadd.s32 v6, v5;
	[tilespmem:$0x1FC20] =	vst v17  }
0x1aa: {  	[tilespmem:s18+$0xE10] =	vst v12  }
0x1ab: {  	v2 =	vld.idx.msk [tilespmem:v3+s23+$0x0], $0xffff;
	[tilespmem:s18+$0xA80] =	vst v11  }
0x1ac: {  	v6 =	vadd.s32 v17, v5;
	[tilespmem:$0x1FC30] =	vst v24  }
0x1ad: {  	[tilespmem:s18+$0xE90] =	vst v15  }
0x1ae: {  	v3 =	vadd.s32 v24, v5;
	v7 =	vld.idx.msk [tilespmem:v19+s23+$0x0], $0xffff;
	[tilespmem:s18+$0xB00] =	vst v10  }
0x1af: {  	v8 =	vadd.s32 v4, v5;
	[tilespmem:$0x1FC40] =	vst v4  }
0x1b0: {  	[tilespmem:s18+$0xF10] =	vst v13  }
0x1b1: {  	v6 =	vld.idx.msk [tilespmem:v6+s23+$0x0], $0xffff;
	[tilespmem:s18+$0xB80] =	vst v20  }
0x1b2: {  	[tilespmem:s18+$0xF90] =	vst v16  }
0x1b3: {  	v4 =	vld.idx.msk [tilespmem:v3+s23+$0x0], $0xffff;
	[tilespmem:s18+$0xC00] =	vst v14  }
0x1b4: {  	s20 =	simm.s32 $0x0;
	s21 =	simm.s32 $0x113B0;
	[tilespmem:s18+$0xD10] =	vst v63;
	v5 =	vld.idx.msk [tilespmem:v8+s23+$0x0], $0xffff  }
.LBB2_6:
0x1b5: {  	v8 =	vld [tilespmem:s21+$0x280];
	[tilespmem:s18+$0xD00] =	vst v1  }
0x1b6: {  	v1 =	vld [tilespmem:s21+$0xFFFFFD00];
	[tilespmem:s18+$0xD80] =	vst v2  }
0x1b7: {  	v2 =	vld [tilespmem:s21+$0xFFFFFF80];
	[tilespmem:s18+$0xC80] =	vst v0  }
0x1b8: {  	v0 =	vld [tilespmem:s21+$0x100];
	[tilespmem:s18+$0xE00] =	vst v7  }
0x1b9: {  	v7 =	vld [tilespmem:s21+$0x0];
	[tilespmem:s18+$0xE80] =	vst v6  }
0x1ba: {  	v6 =	vld [tilespmem:s21+$0xFFFFFD80];
	[tilespmem:s18+$0xF00] =	vst v4  }
0x1bb: {  	v4 =	vld [tilespmem:s21+$0x80];
	[tilespmem:s18+$0xF80] =	vst v5  }
0x1bc: {  	v5 =	vld [tilespmem:s21+$0xFFFFFE00];
	[tilespmem:s18+$0xC90] =	vst v25  }
0x1bd: {  	v3 =	vld [tilespmem:s21+$0xFFFFFE80]  }
0x1be: {  	v9 =	vld [tilespmem:s21+$0x180]  }
0x1bf: {  	v10 =	vld [tilespmem:s21+$0x300]  }
0x1c0: {  	v11 =	vld [tilespmem:s21+$0xFFFFFF70];
	vm0 =	vgt.f32 v7, v2  }
0x1c1: {  	v12 =	vld [tilespmem:s21+$0xFFFFFD70];
	vm1 =	vgt.f32 v6, v1;
	v2 =	vsel vm0, v7, v2  }
0x1c2: {  	v7 =	vld [tilespmem:s21+$0xFFFFFF00];
	v1 =	vsel vm1, v6, v1;
	vm2 =	vgt.f32 v4, v2  }
0x1c3: {  	v6 =	vld [tilespmem:s21+$0x200];
	vm3 =	vgt.f32 v5, v1;
	v2 =	vsel vm2, v4, v2;
	v4 =	vsel vm1, $0xC, v23  }
0x1c4: {  	v13 =	vld [tilespmem:s21+$0x270];
	v1 =	vsel vm3, v5, v1;
	vm13 =	vgt.f32 v0, v2;
	v5 =	vsel vm0, $0x2, v23  }
0x1c5: {  	v15 =	vld [tilespmem:s21+$0x2F0];
	vm14 =	vgt.f32 v3, v1;
	v0 =	vsel vm13, v0, v2;
	v2 =	vsel vm3, $0x18, v4  }
0x1c6: {  	v4 =	vld [tilespmem:s21+$0xFFFFFFF0];
	v5 =	vsel vm2, $0x4, v5;
	vm15 =	vgt.f32 v9, v0;
	v2 =	vsel vm14, $0x24, v2  }
0x1c7: {  	v1 =	vsel vm14, v3, v1;
	v3 =	vsel vm13, $0x6, v5;
	v5 =	vld [tilespmem:s21+$0x70];
	v0 =	vsel vm15, v9, v0  }
0x1c8: {  	vm0 =	vgt.f32 v7, v1;
	v1 =	vld [tilespmem:s21+$0xFFFFFCF0];
	vm5 =	vgt.f32 v6, v0;
	v0 =	vsel vm15, $0x8, v3  }
0x1c9: {  	vm6 =	vgt.f32 v10, v8;
	v2 =	vsel vm0, $0x30, v2;
	v0 =	vsel vm5, $0xA, v0  }
0x1ca: {  	v3 =	vld [tilespmem:s21+$0xFFFFFDF0];
	v6 =	vsel vm6, $0x1, v23;
	v0 =	vadd.s32 v2, v0  }
0x1cb: {  	vm15 =	vgt.f32 v15, v13;
	v2 =	vld [tilespmem:s21+$0xF0];
	vm7 =	vgt.f32 v4, v11;
	v0 =	vor.u32 v6, v0  }
0x1cc: {  	v6 =	vld [tilespmem:s21+$0xFFFFFE70];
	v7 =	vsel vm7, v4, v11;
	v8 =	vsel vm7, $0x2, v23;
	v4 =	vshll.u32 v0, $0x6  }
0x1cd: {  	v0 =	vld [tilespmem:s21+$0x170];
	vm8 =	vgt.f32 v5, v7;
	vm9 =	vgt.f32 v12, v1;
	v60 =	vadd.s32 v53, v4  }
0x1ce: {  	v5 =	vsel vm8, v5, v7;
	v7 =	vadd.s32 v21, v4;
	v1 =	vsel vm9, v12, v1  }
0x1cf: {  	v10 =	vld [tilespmem:s21+$0xFFFFFEF0];
	v8 =	vsel vm8, $0x4, v8;
	v63 =	vadd.s32 v22, v4;
	v14 =	vadd.s32 v26, v4  }
0x1d0: {  	v11 =	vld [tilespmem:s21+$0x1F0];
	v16 =	vadd.s32 v29, v4;
	vm10 =	vgt.f32 v3, v1;
	vm11 =	vgt.f32 v2, v5  }
0x1d1: {  	v17 =	vadd.s32 v31, v4;
	v1 =	vsel vm10, v3, v1;
	v2 =	vsel vm11, v2, v5  }
0x1d2: {  	v3 =	vadd.s32 v27, v4;
	vm12 =	vgt.f32 v6, v1;
	vm4 =	vgt.f32 v0, v2;
	v5 =	vld.idx.msk [tilespmem:v60+s23+$0x0], $0xffff  }
0x1d3: {  	v1 =	vsel vm12, v6, v1;
	v6 =	vsel vm11, $0x6, v8;
	v60 =	vadd.s32 v28, v4;
	v7 =	vld.idx.msk [tilespmem:v7+s23+$0x0], $0xffff  }
0x1d4: {  	v0 =	vsel vm4, v0, v2;
	v2 =	vsel vm9, $0xC, v23;
	v8 =	vld.idx.msk [tilespmem:v63+s23+$0x0], $0xffff;
	v63 =	vadd.s32 v30, v4  }
0x1d5: {  	vm14 =	vgt.f32 v10, v1;
	v13 =	vld.idx.msk [tilespmem:v16+s23+$0x0], $0xffff;
	vm13 =	vgt.f32 v11, v0;
	v0 =	vsel vm10, $0x18, v2  }
0x1d6: {  	v1 =	vsel vm4, $0x8, v6;
	v6 =	vadd.s32 v32, v4;
	v2 =	vld.idx.msk [tilespmem:v14+s23+$0x0], $0xffff;
	v0 =	vsel vm12, $0x24, v0  }
0x1d7: {  	s18 =	sadd.s32 $0x20, s18;
	v3 =	vld.idx.msk [tilespmem:v3+s23+$0x0], $0xffff;
	v1 =	vsel vm13, $0xA, v1;
	v0 =	vsel vm14, $0x30, v0  }
0x1d8: {  	v18 =	vadd.s32 v33, v4;
	v0 =	vadd.s32 v0, v1;
	v9 =	vld.idx.msk [tilespmem:v60+s23+$0x0], $0xffff;
	[tilespmem:s18+$0xFFFFF010] =	vst v5;
	v5 =	vsel vm15, $0x1, v23  }
0x1d9: {  	v1 =	vld.idx.msk [tilespmem:v63+s23+$0x0], $0xffff;
	[tilespmem:s18+$0xFFFFF090] =	vst v7;
	v0 =	vor.u32 v5, v0  }
0x1da: {  	v11 =	vld.idx.msk [tilespmem:v17+s23+$0x0], $0xffff;
	[tilespmem:s18+$0xFFFFF110] =	vst v8;
	v5 =	vshll.u32 v0, $0x6  }
0x1db: {  	v19 =	vadd.s32 v34, v4;
	v0 =	vld.idx.msk [tilespmem:v6+s23+$0x0], $0xffff;
	[tilespmem:s18+$0xFFFFF190] =	vst v2;
	v6 =	vadd.s32 v53, v5  }
0x1dc: {  	[tilespmem:$0x1F980] =	vst v6  }
0x1dd: {  	v8 =	vadd.s32 v40, v5;
	v63 =	vld.idx.msk [tilespmem:v18+s23+$0x0], $0xffff;
	[tilespmem:s18+$0xFFFFF210] =	vst v3  }
0x1de: {  	v7 =	vadd.s32 v35, v4;
	v6 =	vadd.s32 v21, v5;
	[tilespmem:$0x1FA90] =	vst v8  }
0x1df: {  	[tilespmem:$0x1F990] =	vst v6  }
0x1e0: {  	v60 =	vadd.s32 v36, v4;
	v8 =	vadd.s32 v42, v5;
	v14 =	vld.idx.msk [tilespmem:v19+s23+$0x0], $0xffff;
	[tilespmem:s18+$0xFFFFF290] =	vst v9  }
0x1e1: {  	v6 =	vadd.s32 v22, v5;
	[tilespmem:$0x1FAA0] =	vst v8  }
0x1e2: {  	[tilespmem:$0x1F9A0] =	vst v6  }
0x1e3: {  	v2 =	vadd.s32 v37, v4;
	v17 =	vld.idx.msk [tilespmem:v7+s23+$0x0], $0xffff;
	[tilespmem:s18+$0xFFFFF310] =	vst v13;
	v6 =	vadd.s32 v26, v5  }
0x1e4: {  	[tilespmem:$0x1F9B0] =	vst v6  }
0x1e5: {  	v3 =	vadd.s32 v38, v4;
	v7 =	vadd.s32 v39, v5;
	v18 =	vld.idx.msk [tilespmem:v60+s23+$0x0], $0xffff;
	[tilespmem:s18+$0xFFFFF390] =	vst v1  }
0x1e6: {  	v6 =	vadd.s32 v27, v5;
	[tilespmem:$0x1FA80] =	vst v7  }
0x1e7: {  	v9 =	vadd.s32 v39, v4;
	[tilespmem:$0x1F9C0] =	vst v6  }
0x1e8: {  	v2 =	vld.idx.msk [tilespmem:v2+s23+$0x0], $0xffff;
	[tilespmem:s18+$0xFFFFF410] =	vst v11;
	v6 =	vadd.s32 v28, v5  }
0x1e9: {  	v10 =	vadd.s32 v40, v4;
	[tilespmem:$0x1F9D0] =	vst v6  }
0x1ea: {  	v3 =	vld.idx.msk [tilespmem:v3+s23+$0x0], $0xffff;
	[tilespmem:s18+$0xFFFFF490] =	vst v0;
	v6 =	vadd.s32 v29, v5  }
0x1eb: {  	v1 =	vadd.s32 v41, v4;
	[tilespmem:$0x1F9E0] =	vst v6  }
0x1ec: {  	v20 =	vld.idx.msk [tilespmem:v9+s23+$0x0], $0xffff;
	[tilespmem:s18+$0xFFFFF510] =	vst v63;
	v6 =	vadd.s32 v30, v5  }
0x1ed: {  	v19 =	vadd.s32 v42, v4;
	[tilespmem:$0x1F9F0] =	vst v6  }
0x1ee: {  	v22 =	vld.idx.msk [tilespmem:v10+s23+$0x0], $0xffff;
	[tilespmem:s18+$0xFFFFF590] =	vst v14;
	v6 =	vadd.s32 v31, v5  }
0x1ef: {  	v0 =	vadd.s32 v43, v4;
	[tilespmem:$0x1FA00] =	vst v6  }
0x1f0: {  	v1 =	vld.idx.msk [tilespmem:v1+s23+$0x0], $0xffff;
	[tilespmem:s18+$0xFFFFF610] =	vst v17;
	v6 =	vadd.s32 v32, v5  }
0x1f1: {  	v16 =	vld [tilespmem:$0x1FC50];
	v21 =	vadd.s32 v44, v4;
	[tilespmem:$0x1FA10] =	vst v6  }
0x1f2: {  	v25 =	vld.idx.msk [tilespmem:v19+s23+$0x0], $0xffff;
	[tilespmem:s18+$0xFFFFF690] =	vst v18;
	v6 =	vadd.s32 v33, v5  }
0x1f3: {  	v23 =	vadd.s32 v45, v4;
	v8 =	vld [tilespmem:$0x1FF90];
	[tilespmem:$0x1FA20] =	vst v6  }
0x1f4: {  	v0 =	vld.idx.msk [tilespmem:v0+s23+$0x0], $0xffff;
	[tilespmem:s18+$0xFFFFF710] =	vst v2;
	v6 =	vadd.s32 v34, v5  }
0x1f5: {  	v7 =	vld [tilespmem:$0x1FEE0];
	[tilespmem:$0x1FA30] =	vst v6  }
0x1f6: {  	v27 =	vld.idx.msk [tilespmem:v21+s23+$0x0], $0xffff;
	[tilespmem:s18+$0xFFFFF790] =	vst v3;
	v6 =	vadd.s32 v35, v5  }
0x1f7: {  	v24 =	vadd.s32 v46, v4;
	v12 =	vadd.s32 v61, v4;
	v60 =	vld [tilespmem:$0x1FC60];
	[tilespmem:$0x1FA40] =	vst v6  }
0x1f8: {  	v26 =	vadd.s32 v47, v4;
	v28 =	vld.idx.msk [tilespmem:v23+s23+$0x0], $0xffff;
	[tilespmem:s18+$0xFFFFF810] =	vst v20;
	v6 =	vadd.s32 v36, v5  }
0x1f9: {  	v63 =	vmov v61;
	v61 =	vld [tilespmem:$0x1FC70];
	v2 =	vadd.s32 v48, v4;
	[tilespmem:$0x1FA50] =	vst v6;
	v6 =	vadd.s32 v37, v5  }
0x1fa: {  	v14 =	vld [tilespmem:$0x1FF50];
	v3 =	vadd.s32 v49, v4;
	[tilespmem:$0x1FA60] =	vst v6;
	v6 =	vadd.s32 v38, v5  }
0x1fb: {  	[tilespmem:$0x1FA70] =	vst v6;
	v6 =	vld [tilespmem:$0x1FED0]  }
0x1fc: {  	v23 =	vadd.s32 v50, v4;
	v29 =	vld.idx.msk [tilespmem:v24+s23+$0x0], $0xffff;
	[tilespmem:s18+$0xFFFFF890] =	vst v22  }
0x1fd: {  	v26 =	vld.idx.msk [tilespmem:v26+s23+$0x0], $0xffff;
	[tilespmem:s18+$0xFFFFF910] =	vst v1  }
0x1fe: {  	v24 =	vadd.s32 v51, v4;
	v2 =	vld.idx.msk [tilespmem:v2+s23+$0x0], $0xffff;
	[tilespmem:s18+$0xFFFFF990] =	vst v25  }
0x1ff: {  	v1 =	vadd.s32 v52, v4;
	v3 =	vld.idx.msk [tilespmem:v3+s23+$0x0], $0xffff  }
0x200: {  	v37 =	vadd.s32 v7, v5;
	[tilespmem:s18+$0xFFFFFA10] =	vst v0;
	v0 =	vadd.s32 v7, v4;
	v7 =	vld [tilespmem:$0x1FF80];
	v30 =	vadd.s32 v6, v4  }
0x201: {  	v31 =	vld.idx.msk [tilespmem:v23+s23+$0x0], $0xffff  }
0x202: {  	v18 =	vadd.s32 v55, v4;
	[tilespmem:s18+$0xFFFFFA90] =	vst v27;
	v27 =	vadd.s32 v45, v5;
	v45 =	vadd.s32 v63, v5;
	v63 =	vld [tilespmem:$0x1FCA0]  }
0x203: {  	v23 =	vadd.s32 v41, v5;
	v41 =	vadd.s32 v56, v4;
	v19 =	vld.idx.msk [tilespmem:v24+s23+$0x0], $0xffff;
	[tilespmem:s18+$0xFFFFFB10] =	vst v28  }
0x204: {  	v42 =	vadd.s32 v57, v4;
	v1 =	vld.idx.msk [tilespmem:v1+s23+$0x0], $0xffff;
	[tilespmem:s18+$0xFFFFFB90] =	vst v29  }
0x205: {  	v9 =	vadd.s32 v58, v4;
	v53 =	vld.idx.msk [tilespmem:v30+s23+$0x0], $0xffff;
	[tilespmem:s18+$0xFFFFFC10] =	vst v26  }
0x206: {  	v0 =	vld.idx.msk [tilespmem:v0+s23+$0x0], $0xffff;
	[tilespmem:s18+$0xFFFFFC90] =	vst v2  }
0x207: {  	v2 =	vadd.s32 v59, v4;
	v10 =	vld.idx.msk [tilespmem:v18+s23+$0x0], $0xffff;
	[tilespmem:s18+$0xFFFFFD10] =	vst v3  }
0x208: {  	v3 =	vadd.s32 v54, v4;
	v11 =	vld.idx.msk [tilespmem:v41+s23+$0x0], $0xffff;
	[tilespmem:s18+$0xFFFFFD90] =	vst v31  }
0x209: {  	v31 =	vadd.s32 v14, v4;
	v40 =	vld.idx.msk [tilespmem:v42+s23+$0x0], $0xffff;
	[tilespmem:s18+$0xFFFFFE10] =	vst v19  }
0x20a: {  	v30 =	vadd.s32 v48, v5;
	v48 =	vld.idx.msk [tilespmem:v9+s23+$0x0], $0xffff  }
0x20b: {  	[tilespmem:s18+$0xFFFFFE90] =	vst v1;
	v9 =	vld [tilespmem:$0x1FFA0]  }
0x20c: {  	v2 =	vld.idx.msk [tilespmem:v2+s23+$0x0], $0xffff;
	[tilespmem:s18+$0xFFFFFF10] =	vst v53  }
0x20d: {  	v3 =	vld.idx.msk [tilespmem:v3+s23+$0x0], $0xffff;
	[tilespmem:s18+$0xFFFFFF90] =	vst v0  }
0x20e: {  	v1 =	vadd.s32 v62, v4;
	v31 =	vld.idx.msk [tilespmem:v31+s23+$0x0], $0xffff  }
0x20f: {  	[tilespmem:s18+$0x10] =	vst v10;
	v10 =	vld [tilespmem:$0x1FFB0]  }
0x210: {  	v32 =	vadd.s32 v49, v5;
	v49 =	vadd.s32 v16, v4;
	v35 =	vadd.s32 v52, v5;
	v52 =	vld.idx.msk [tilespmem:v12+s23+$0x0], $0xffff  }
0x211: {  	v0 =	vadd.s32 v60, v4;
	[tilespmem:s18+$0x90] =	vst v11;
	v11 =	vld [tilespmem:$0x1FFC0]  }
0x212: {  	v34 =	vadd.s32 v51, v5;
	v51 =	vadd.s32 v61, v4;
	v12 =	vld [tilespmem:$0x1FFD0]  }
0x213: {  	v13 =	vmov v57;
	v53 =	vadd.s32 v8, v4;
	v1 =	vld.idx.msk [tilespmem:v1+s23+$0x0], $0xffff  }
0x214: {  	v57 =	vmov v62;
	[tilespmem:s18+$0x110] =	vst v40;
	v62 =	vadd.s32 v9, v4;
	v40 =	vadd.s32 v13, v5;
	v13 =	vld [tilespmem:$0x1FFE0]  }
0x215: {  	v29 =	vadd.s32 v47, v5;
	v47 =	vld.idx.msk [tilespmem:v49+s23+$0x0], $0xffff;
	[tilespmem:s18+$0x190] =	vst v48  }
0x216: {  	v0 =	vld.idx.msk [tilespmem:v0+s23+$0x0], $0xffff;
	[tilespmem:s18+$0x210] =	vst v2  }
0x217: {  	v17 =	vld.idx.msk [tilespmem:v51+s23+$0x0], $0xffff;
	[tilespmem:s18+$0x290] =	vst v3  }
0x218: {  	v18 =	vld.idx.msk [tilespmem:v53+s23+$0x0], $0xffff;
	[tilespmem:s18+$0x310] =	vst v31  }
0x219: {  	v15 =	vadd.s32 v43, v5;
	v43 =	vadd.s32 v10, v4;
	v19 =	vld.idx.msk [tilespmem:v62+s23+$0x0], $0xffff  }
0x21a: {  	v2 =	vadd.s32 v11, v4;
	v62 =	vld [tilespmem:$0x1FFF0]  }
0x21b: {  	v36 =	vadd.s32 v6, v5;
	v6 =	vld [tilespmem:$0x1FC80]  }
0x21c: {  	v26 =	vadd.s32 v44, v5;
	v44 =	vadd.s32 v14, v5;
	v14 =	vld [tilespmem:$0x1FC90];
	v3 =	vadd.s32 v12, v4  }
0x21d: {  	v42 =	vadd.s32 v59, v5;
	v59 =	vld [tilespmem:$0x1FCB0];
	v31 =	vadd.s32 v13, v4;
	[tilespmem:s18+$0x390] =	vst v52  }
0x21e: {  	v52 =	vld.idx.msk [tilespmem:v43+s23+$0x0], $0xffff;
	[tilespmem:s18+$0x410] =	vst v1  }
0x21f: {  	v41 =	vadd.s32 v58, v5;
	v2 =	vld.idx.msk [tilespmem:v2+s23+$0x0], $0xffff;
	v58 =	vadd.s32 v62, v4  }
0x220: {  	[tilespmem:s18+$0x490] =	vst v47;
	v47 =	vadd.s32 v16, v5;
	v16 =	vld [tilespmem:$0x1FCC0]  }
0x221: {  	v1 =	vadd.s32 v7, v4;
	v3 =	vld.idx.msk [tilespmem:v3+s23+$0x0], $0xffff;
	[tilespmem:s18+$0x510] =	vst v0  }
0x222: {  	v31 =	vld.idx.msk [tilespmem:v31+s23+$0x0], $0xffff  }
0x223: {  	[tilespmem:s18+$0x590] =	vst v17;
	v17 =	vld [tilespmem:$0x1FCD0]  }
0x224: {  	v38 =	vadd.s32 v55, v5;
	v55 =	vld.idx.msk [tilespmem:v58+s23+$0x0], $0xffff  }
0x225: {  	v53 =	vadd.s32 v6, v4;
	[tilespmem:s18+$0x610] =	vst v18;
	v18 =	vld [tilespmem:$0x1FCE0]  }
0x226: {  	v0 =	vadd.s32 v14, v4;
	v1 =	vld.idx.msk [tilespmem:v1+s23+$0x0], $0xffff  }
0x227: {  	v43 =	vadd.s32 v54, v5;
	v54 =	vadd.s32 v63, v4;
	[tilespmem:s18+$0x690] =	vst v19;
	v19 =	vld [tilespmem:$0x1FBF0]  }
0x228: {  	v39 =	vadd.s32 v56, v5;
	v21 =	vld [tilespmem:$0x1FC20];
	v56 =	vadd.s32 v59, v4  }
0x229: {  	v20 =	vld [tilespmem:$0x1FC10];
	v28 =	vadd.s32 v46, v5;
	v46 =	vadd.s32 v57, v5;
	v57 =	vadd.s32 v16, v4  }
0x22a: {  	v53 =	vld.idx.msk [tilespmem:v53+s23+$0x0], $0xffff;
	[tilespmem:s18+$0x710] =	vst v52;
	v52 =	vadd.s32 v17, v4  }
0x22b: {  	v33 =	vadd.s32 v50, v5;
	v58 =	vld.idx.msk [tilespmem:v0+s23+$0x0], $0xffff;
	[tilespmem:s18+$0x790] =	vst v2;
	v0 =	vadd.s32 v18, v4  }
0x22c: {  	v50 =	vadd.s32 v8, v5;
	v8 =	vld.idx.msk [tilespmem:v54+s23+$0x0], $0xffff;
	[tilespmem:s18+$0x810] =	vst v3;
	v2 =	vadd.s32 v19, v4  }
0x22d: {  	v56 =	vld.idx.msk [tilespmem:v56+s23+$0x0], $0xffff;
	[tilespmem:s18+$0x890] =	vst v31  }
0x22e: {  	v3 =	vld.idx.msk [tilespmem:v57+s23+$0x0], $0xffff;
	[tilespmem:s18+$0x910] =	vst v55  }
0x22f: {  	v25 =	vld.idx.msk [tilespmem:v52+s23+$0x0], $0xffff;
	[tilespmem:s18+$0x990] =	vst v1  }
0x230: {  	v31 =	vld.idx.msk [tilespmem:v0+s23+$0x0], $0xffff;
	[tilespmem:s18+$0xA10] =	vst v53  }
0x231: {  	v53 =	vld.idx.msk [tilespmem:v2+s23+$0x0], $0xffff  }
0x232: {  	v2 =	vadd.s32 v7, v5;
	v7 =	vld [tilespmem:$0x1F990]  }
0x233: {  	v51 =	vadd.s32 v9, v5;
	v9 =	vadd.s32 v20, v4  }
0x234: {  	v54 =	vadd.s32 v10, v5;
	v10 =	vadd.s32 v21, v4;
	_ =	sdelay $0x2  }
0x235: {  	[tilespmem:s18+$0xA90] =	vst v58  }
0x236: {  	v0 =	vld.idx.msk [tilespmem:v9+s23+$0x0], $0xffff;
	[tilespmem:s18+$0xB10] =	vst v8  }
0x237: {  	v9 =	vld.idx.msk [tilespmem:v10+s23+$0x0], $0xffff  }
0x238: {  	[tilespmem:s18+$0xB90] =	vst v56;
	v56 =	vadd.s32 v16, v5;
	v16 =	vld.idx.msk [tilespmem:v7+s23+$0x0], $0xffff  }
0x239: {  	v7 =	vld [tilespmem:$0x1F9A0];
	_ =	sdelay $0x7  }
0x23a: {  	v48 =	vadd.s32 v60, v5;
	v60 =	vadd.s32 v59, v5;
	v59 =	vadd.s32 v17, v5;
	v17 =	vld.idx.msk [tilespmem:v7+s23+$0x0], $0xffff  }
0x23b: {  	v7 =	vld [tilespmem:$0x1F9C0];
	_ =	sdelay $0x5  }
0x23c: {  	v22 =	vld [tilespmem:$0x1FC30];
	_ =	sdelay $0x1  }
0x23d: {  	v55 =	vadd.s32 v18, v5;
	v18 =	vld.idx.msk [tilespmem:v7+s23+$0x0], $0xffff  }
0x23e: {  	v7 =	vld [tilespmem:$0x1F9D0];
	_ =	sdelay $0x1  }
0x23f: {  	v24 =	vld [tilespmem:$0x1FC40];
	v52 =	vadd.s32 v22, v4;
	_ =	sdelay $0x4  }
0x240: {  	v4 =	vadd.s32 v24, v4;
	v10 =	vld.idx.msk [tilespmem:v52+s23+$0x0], $0xffff  }
0x241: {  	v52 =	vadd.s32 v19, v5;
	v19 =	vld.idx.msk [tilespmem:v7+s23+$0x0], $0xffff  }
0x242: {  	v7 =	vld [tilespmem:$0x1F9E0];
	_ =	sdelay $0x1  }
0x243: {  	[tilespmem:s18+$0xC10] =	vst v3;
	v3 =	vld [tilespmem:$0x1F980]  }
0x244: {  	v58 =	vadd.s32 v63, v5;
	v63 =	vld.idx.msk [tilespmem:v4+s23+$0x0], $0xffff;
	_ =	sdelay $0x3  }
0x245: {  	[tilespmem:s18+$0xE10] =	vst v0;
	v0 =	vld [tilespmem:$0x1F9B0]  }
0x246: {  	[tilespmem:s18+$0xF90] =	vst v63;
	v63 =	vld.idx.msk [tilespmem:v7+s23+$0x0], $0xffff  }
0x247: {  	v7 =	vld [tilespmem:$0x1F9F0];
	_ =	sdelay $0x1  }
0x248: {  	v49 =	vadd.s32 v61, v5;
	v61 =	vadd.s32 v12, v5;
	v12 =	vld.idx.msk [tilespmem:v3+s23+$0x0], $0xffff;
	_ =	sdelay $0x4  }
0x249: {  	v0 =	vld.idx.msk [tilespmem:v0+s23+$0x0], $0xffff;
	[tilespmem:s18+$0xFFFFF000] =	vst v12  }
0x24a: {  	v12 =	vld.idx.msk [tilespmem:v7+s23+$0x0], $0xffff  }
0x24b: {  	v7 =	vld [tilespmem:$0x1FA00];
	_ =	sdelay $0x6  }
0x24c: {  	[tilespmem:s18+$0xFFFFF080] =	vst v16  }
0x24d: {  	v1 =	vadd.s32 v13, v5;
	v13 =	vld.idx.msk [tilespmem:v7+s23+$0x0], $0xffff  }
0x24e: {  	v7 =	vld [tilespmem:$0x1FA10];
	_ =	sdelay $0x6  }
0x24f: {  	[tilespmem:s18+$0xFFFFF100] =	vst v17  }
0x250: {  	v7 =	vld.idx.msk [tilespmem:v7+s23+$0x0], $0xffff  }
0x251: {  	[tilespmem:s18+$0xFFFFF180] =	vst v0;
	v0 =	vld [tilespmem:$0x1FA20];
	_ =	sdelay $0x1  }
0x252: {  	v16 =	vld [tilespmem:$0x1FA30];
	_ =	sdelay $0x4  }
0x253: {  	v17 =	vld [tilespmem:$0x1FA40]  }
0x254: {  	v0 =	vld.idx.msk [tilespmem:v0+s23+$0x0], $0xffff  }
0x255: {  	[tilespmem:s18+$0xFFFFF200] =	vst v18;
	v18 =	vld [tilespmem:$0x1FA50]  }
0x256: {  	[tilespmem:s18+$0xE90] =	vst v9;
	v9 =	vld.idx.msk [tilespmem:v16+s23+$0x0], $0xffff  }
0x257: {  	[tilespmem:s18+$0xFFFFF280] =	vst v19;
	v19 =	vld [tilespmem:$0x1FA60]  }
0x258: {  	[tilespmem:s18+$0xD90] =	vst v53;
	v53 =	vld [tilespmem:$0x1FA70];
	_ =	sdelay $0x3  }
0x259: {  	[tilespmem:s18+$0xF10] =	vst v10  }
0x25a: {  	v10 =	vld.idx.msk [tilespmem:v17+s23+$0x0], $0xffff;
	[tilespmem:s18+$0xFFFFF300] =	vst v63  }
0x25b: {  	v57 =	vadd.s32 v11, v5;
	v11 =	vld.idx.msk [tilespmem:v18+s23+$0x0], $0xffff;
	[tilespmem:s18+$0xFFFFF380] =	vst v12  }
0x25c: {  	v12 =	vld.idx.msk [tilespmem:v19+s23+$0x0], $0xffff;
	[tilespmem:s18+$0xFFFFF400] =	vst v13  }
0x25d: {  	v13 =	vld.idx.msk [tilespmem:v53+s23+$0x0], $0xffff  }
0x25e: {  	[tilespmem:s18+$0xFFFFF480] =	vst v7;
	v7 =	vld [tilespmem:$0x1FA80];
	_ =	sdelay $0x7  }
0x25f: {  	v7 =	vld.idx.msk [tilespmem:v7+s23+$0x0], $0xffff  }
0x260: {  	[tilespmem:s18+$0xFFFFF500] =	vst v0;
	v0 =	vld [tilespmem:$0x1FA90];
	_ =	sdelay $0x1  }
0x261: {  	v63 =	vld [tilespmem:$0x1FAA0];
	_ =	sdelay $0x1  }
0x262: {  	v8 =	vadd.s32 v22, v5;
	v22 =	vld [tilespmem:$0x1FD10]  }
0x263: {  	v4 =	vadd.s32 v21, v5;
	v21 =	vld [tilespmem:$0x1FD00]  }
0x264: {  	[tilespmem:s18+$0xD10] =	vst v31;
	v31 =	vld [tilespmem:$0x1FD70]  }
0x265: {  	v53 =	vld [tilespmem:$0x1FCF0]  }
0x266: {  	v0 =	vld.idx.msk [tilespmem:v0+s23+$0x0], $0xffff;
	[tilespmem:s18+$0xFFFFF580] =	vst v9  }
0x267: {  	v9 =	vld.idx.msk [tilespmem:v23+s23+$0x0], $0xffff;
	[tilespmem:s18+$0xFFFFF600] =	vst v10  }
0x268: {  	v10 =	vld.idx.msk [tilespmem:v63+s23+$0x0], $0xffff;
	[tilespmem:s18+$0xFFFFF680] =	vst v11  }
0x269: {  	v11 =	vld.idx.msk [tilespmem:v15+s23+$0x0], $0xffff;
	[tilespmem:s18+$0xFFFFF700] =	vst v12  }
0x26a: {  	v12 =	vld.idx.msk [tilespmem:v26+s23+$0x0], $0xffff  }
0x26b: {  	v26 =	vld [tilespmem:$0x1FD20];
	[tilespmem:s18+$0xFFFFF780] =	vst v13  }
0x26c: {  	v13 =	vld.idx.msk [tilespmem:v27+s23+$0x0], $0xffff  }
0x26d: {  	v27 =	vld [tilespmem:$0x1FD30];
	[tilespmem:s18+$0xFFFFF800] =	vst v7  }
0x26e: {  	v7 =	vld.idx.msk [tilespmem:v28+s23+$0x0], $0xffff  }
0x26f: {  	v28 =	vld [tilespmem:$0x1FD40];
	[tilespmem:s18+$0xFFFFF880] =	vst v0  }
0x270: {  	v0 =	vld.idx.msk [tilespmem:v29+s23+$0x0], $0xffff  }
0x271: {  	v29 =	vld [tilespmem:$0x1FD50];
	[tilespmem:s18+$0xFFFFF900] =	vst v9  }
0x272: {  	v9 =	vld.idx.msk [tilespmem:v30+s23+$0x0], $0xffff  }
0x273: {  	v30 =	vld [tilespmem:$0x1FD60];
	[tilespmem:s18+$0xFFFFF980] =	vst v10  }
0x274: {  	v10 =	vld.idx.msk [tilespmem:v32+s23+$0x0], $0xffff  }
0x275: {  	v32 =	vld [tilespmem:$0x1FD80];
	[tilespmem:s18+$0xFFFFFA00] =	vst v11  }
0x276: {  	v11 =	vld.idx.msk [tilespmem:v33+s23+$0x0], $0xffff  }
0x277: {  	v33 =	vld [tilespmem:$0x1FD90];
	[tilespmem:s18+$0xFFFFFA80] =	vst v12  }
0x278: {  	v12 =	vld.idx.msk [tilespmem:v34+s23+$0x0], $0xffff  }
0x279: {  	v34 =	vld [tilespmem:$0x1FDA0];
	[tilespmem:s18+$0xFFFFFB00] =	vst v13  }
0x27a: {  	v13 =	vld.idx.msk [tilespmem:v35+s23+$0x0], $0xffff  }
0x27b: {  	v35 =	vld [tilespmem:$0x1FDB0];
	[tilespmem:s18+$0xFFFFFB80] =	vst v7  }
0x27c: {  	v7 =	vld.idx.msk [tilespmem:v36+s23+$0x0], $0xffff  }
0x27d: {  	v36 =	vld [tilespmem:$0x1FDC0];
	[tilespmem:s18+$0xFFFFFC00] =	vst v0  }
0x27e: {  	v0 =	vld.idx.msk [tilespmem:v37+s23+$0x0], $0xffff  }
0x27f: {  	v37 =	vld [tilespmem:$0x1FDD0];
	[tilespmem:s18+$0xFFFFFC80] =	vst v9  }
0x280: {  	v9 =	vld.idx.msk [tilespmem:v38+s23+$0x0], $0xffff  }
0x281: {  	v38 =	vld [tilespmem:$0x1FDE0];
	[tilespmem:s18+$0xFFFFFD00] =	vst v10  }
0x282: {  	v10 =	vld.idx.msk [tilespmem:v39+s23+$0x0], $0xffff  }
0x283: {  	v39 =	vld [tilespmem:$0x1FDF0];
	[tilespmem:s18+$0xFFFFFD80] =	vst v11  }
0x284: {  	v11 =	vld.idx.msk [tilespmem:v40+s23+$0x0], $0xffff  }
0x285: {  	v40 =	vld [tilespmem:$0x1FE00];
	[tilespmem:s18+$0xFFFFFE00] =	vst v12  }
0x286: {  	v12 =	vld.idx.msk [tilespmem:v41+s23+$0x0], $0xffff  }
0x287: {  	v41 =	vld [tilespmem:$0x1FE10];
	[tilespmem:s18+$0xFFFFFE80] =	vst v13  }
0x288: {  	v13 =	vld.idx.msk [tilespmem:v42+s23+$0x0], $0xffff  }
0x289: {  	v42 =	vld [tilespmem:$0x1FE20];
	[tilespmem:s18+$0xFFFFFF00] =	vst v7  }
0x28a: {  	v7 =	vld.idx.msk [tilespmem:v43+s23+$0x0], $0xffff  }
0x28b: {  	v43 =	vld [tilespmem:$0x1FE30];
	[tilespmem:s18+$0xFFFFFF80] =	vst v0  }
0x28c: {  	v0 =	vld.idx.msk [tilespmem:v44+s23+$0x0], $0xffff  }
0x28d: {  	v44 =	vld [tilespmem:$0x1FE40];
	[tilespmem:s18+$0x0] =	vst v9  }
0x28e: {  	v9 =	vld.idx.msk [tilespmem:v45+s23+$0x0], $0xffff  }
0x28f: {  	v45 =	vld [tilespmem:$0x1FE50];
	[tilespmem:s18+$0x80] =	vst v10  }
0x290: {  	v10 =	vld.idx.msk [tilespmem:v46+s23+$0x0], $0xffff  }
0x291: {  	v46 =	vld [tilespmem:$0x1FE60];
	[tilespmem:s18+$0x100] =	vst v11  }
0x292: {  	v11 =	vld.idx.msk [tilespmem:v47+s23+$0x0], $0xffff  }
0x293: {  	v47 =	vld [tilespmem:$0x1FE70];
	[tilespmem:s18+$0x180] =	vst v12  }
0x294: {  	v12 =	vld.idx.msk [tilespmem:v48+s23+$0x0], $0xffff  }
0x295: {  	v48 =	vld [tilespmem:$0x1FE80];
	[tilespmem:s18+$0x200] =	vst v13  }
0x296: {  	v13 =	vld.idx.msk [tilespmem:v49+s23+$0x0], $0xffff  }
0x297: {  	v49 =	vld [tilespmem:$0x1FE90];
	[tilespmem:s18+$0x280] =	vst v7  }
0x298: {  	v7 =	vld.idx.msk [tilespmem:v50+s23+$0x0], $0xffff  }
0x299: {  	v50 =	vld [tilespmem:$0x1FEA0];
	[tilespmem:s18+$0x300] =	vst v0  }
0x29a: {  	v0 =	vld.idx.msk [tilespmem:v51+s23+$0x0], $0xffff  }
0x29b: {  	v51 =	vld [tilespmem:$0x1FEB0];
	[tilespmem:s18+$0x380] =	vst v9  }
0x29c: {  	v9 =	vld.idx.msk [tilespmem:v54+s23+$0x0], $0xffff  }
0x29d: {  	[tilespmem:s18+$0x400] =	vst v10;
	v54 =	vld [tilespmem:$0x1FF40]  }
0x29e: {  	v62 =	vadd.s32 v62, v5;
	v10 =	vld.idx.msk [tilespmem:v57+s23+$0x0], $0xffff  }
0x29f: {  	v57 =	vld [tilespmem:$0x1FF10];
	[tilespmem:s18+$0x480] =	vst v11  }
0x2a0: {  	v11 =	vld.idx.msk [tilespmem:v61+s23+$0x0], $0xffff  }
0x2a1: {  	v6 =	vadd.s32 v6, v5;
	[tilespmem:s18+$0x500] =	vst v12;
	v61 =	vld [tilespmem:$0x1FF60]  }
0x2a2: {  	v14 =	vadd.s32 v14, v5;
	v1 =	vld.idx.msk [tilespmem:v1+s23+$0x0], $0xffff;
	[tilespmem:s18+$0x580] =	vst v13  }
0x2a3: {  	v12 =	vld.idx.msk [tilespmem:v62+s23+$0x0], $0xffff  }
0x2a4: {  	[tilespmem:s18+$0x600] =	vst v7;
	v62 =	vld [tilespmem:$0x1FF70]  }
0x2a5: {  	v2 =	vld.idx.msk [tilespmem:v2+s23+$0x0], $0xffff;
	[tilespmem:s18+$0x680] =	vst v0  }
0x2a6: {  	v6 =	vld.idx.msk [tilespmem:v6+s23+$0x0], $0xffff;
	[tilespmem:s18+$0x700] =	vst v9  }
0x2a7: {  	v7 =	vld.idx.msk [tilespmem:v14+s23+$0x0], $0xffff;
	[tilespmem:s18+$0x780] =	vst v10  }
0x2a8: {  	v9 =	vld.idx.msk [tilespmem:v58+s23+$0x0], $0xffff  }
0x2a9: {  	v58 =	vld [tilespmem:$0x1FF20];
	[tilespmem:s18+$0x800] =	vst v11  }
0x2aa: {  	v10 =	vld.idx.msk [tilespmem:v60+s23+$0x0], $0xffff;
	[tilespmem:s18+$0x880] =	vst v1  }
0x2ab: {  	v11 =	vld.idx.msk [tilespmem:v56+s23+$0x0], $0xffff  }
0x2ac: {  	v56 =	vld [tilespmem:$0x1FF00];
	[tilespmem:s18+$0x900] =	vst v12  }
0x2ad: {  	v0 =	vld.idx.msk [tilespmem:v59+s23+$0x0], $0xffff  }
0x2ae: {  	v3 =	vadd.s32 v20, v5;
	v59 =	vld [tilespmem:$0x1FF30];
	[tilespmem:s18+$0x980] =	vst v2  }
0x2af: {  	v1 =	vld.idx.msk [tilespmem:v55+s23+$0x0], $0xffff  }
0x2b0: {  	s20 =	sadd.s32 $0x2, s20;
	v55 =	vld [tilespmem:$0x1FEF0];
	[tilespmem:s18+$0xA00] =	vst v6  }
0x2b1: {  	p1 =	slt.u32 s20, $0x6;
	v5 =	vadd.s32 v24, v5;
	v2 =	vld.idx.msk [tilespmem:v52+s23+$0x0], $0xffff  }
.Ltmp6:
0x2b2: {  	v52 =	vld [tilespmem:$0x1FEC0];
	[tilespmem:s18+$0xA80] =	vst v7;
	(pc) =	sbr.rel @p1 .LBB2_6-.Ltmp6, $4  }
0x2b3: {  	v7 =	vld.idx.msk [tilespmem:v3+s23+$0x0], $0xffff;
	[tilespmem:s18+$0xB00] =	vst v9  }
0x2b4: {  	v6 =	vld.idx.msk [tilespmem:v4+s23+$0x0], $0xffff;
	[tilespmem:s18+$0xB80] =	vst v10  }
0x2b5: {  	v4 =	vld.idx.msk [tilespmem:v8+s23+$0x0], $0xffff;
	[tilespmem:s18+$0xC00] =	vst v11  }
0x2b6: {  	s21 =	sadd.s32 $0x20, s21;
	v23 =	vimm.s32 $0x0;
	v5 =	vld.idx.msk [tilespmem:v5+s23+$0x0], $0xffff  }
0x2b7: {  	[tilespmem:s18+$0xD00] =	vst v1  }
0x2b8: {  	[tilespmem:s18+$0xD80] =	vst v2  }
0x2b9: {  	[tilespmem:s18+$0xC80] =	vst v0  }
0x2ba: {  	s20 =	smul.u32 $0x60, s15;
	[tilespmem:s18+$0xC90] =	vst v25  }
0x2bb: {  	[tilespmem:s18+$0xE00] =	vst v7  }
0x2bc: {  	[tilespmem:s18+$0xE80] =	vst v6;
	s20 =	sor.u32 s4, s20  }
0x2bd: {  	[tilespmem:s18+$0xF00] =	vst v4;
	s20 =	sshll.u32 s20, $0x7  }
0x2be: {  	[tilespmem:s18+$0xF80] =	vst v5;
	s22 =	sadd.s32 s1, s20;
	s18 =	sadd.s32 $0x3, s17  }
0x2bf: {  	[hbm4b:s22+s25] =	stream.strided.scatter [tilespmem:s28], [sflag:$0x4], $0x2000, s26, s25, $0x38;
	[tilespmem:$0x18880] =	vst v63  }
0x2c0: {  	p1 =	sge.u32 s18, s7  }
0x2c1: {  	s18 =	sshll.u32 @!p1 s18, $0xC  }
0x2c2: {  	s20 =	simm.s32 @!p1 $0x0;
	s21 =	simm.s32 @!p1 $0x11080;
	s18 =	sadd.s32 @!p1 s18, s6  }
0x2c3: {  	[tilespmem:s21], [sflag:$0x1] =	stream.linear.gather @!p1 [hbm4b:s18+s20], $0x400, $0x38;
	[tilespmem:$0x18880] =	vst v63  }
0x2c4: {  	s18 =	sadd.s32 @!p1 $0xC3500, s18;
	s21 =	simm.s32 @!p1 $0x11480  }
0x2c5: {  	v0 =	vld [tilespmem:$0x1FF80];
	[tilespmem:s21], [sflag:$0x1] =	stream.linear.gather @!p1 [hbm4b:s18+s20], $0x280, $0x38  }
.LBB2_8:
0x2c6: {  	s18 =	sadd.s32 $0x1, s17  }
0x2c7: {  	p1 =	sge.u32 @!p0 s17, s11;
	p2 =	sge.u32 s18, s7  }
.Ltmp7:
0x2c8: {  	p1 =	por p1, p0;
	(pc) =	sbr.rel @p2 .LBB2_12-.Ltmp7, $4  }
0x2c9: {  	s20 =	simm.s32 @!p1 $0x5  }
0x2ca: {  	_ =	swait.ge @!p1 [sflag:s20], $0x2000  }
0x2cb: {  	[sflag:s20] =	ssyncset.done @!p1 $0x0  }
0x2cc: {  	[sflag:s20] =	ssyncadd.s32 @!p1 $0xFFFFE000  }
0x2cd: {  	_ =	swait.ge [sflag:s29], $0x680  }
0x2ce: {  	[sflag:s29] =	ssyncset.done $0x0  }
0x2cf: {  	s20 =	simm.s32 $0x11B90;
	[sflag:s29] =	ssyncadd.s32 $0xFFFFF980  }
0x2d0: {  	v0 =	vld [tilespmem:s20+$0x280]  }
0x2d1: {  	v1 =	vld [tilespmem:s20+$0xFFFFFD00]  }
0x2d2: {  	v2 =	vld [tilespmem:s20+$0xFFFFFF80]  }
0x2d3: {  	v3 =	vld [tilespmem:s20+$0x0]  }
0x2d4: {  	v4 =	vld [tilespmem:s20+$0xFFFFFD80]  }
0x2d5: {  	v5 =	vld [tilespmem:s20+$0x80]  }
0x2d6: {  	v6 =	vld [tilespmem:s20+$0xFFFFFE00]  }
0x2d7: {  	v7 =	vld [tilespmem:s20+$0x100]  }
0x2d8: {  	v8 =	vld [tilespmem:s20+$0xFFFFFE80];
	vm0 =	vgt.f32 v3, v2  }
0x2d9: {  	v9 =	vld [tilespmem:s20+$0x180];
	vm1 =	vgt.f32 v4, v1;
	v2 =	vsel vm0, v3, v2  }
0x2da: {  	v3 =	vld [tilespmem:s20+$0xFFFFFF00];
	v1 =	vsel vm1, v4, v1;
	vm2 =	vgt.f32 v5, v2  }
0x2db: {  	v4 =	vld [tilespmem:s20+$0x200];
	vm3 =	vgt.f32 v6, v1;
	v2 =	vsel vm2, v5, v2;
	v5 =	vsel vm1, $0xC, v23  }
0x2dc: {  	v10 =	vld [tilespmem:s20+$0x300];
	v1 =	vsel vm3, v6, v1;
	v6 =	vsel vm0, $0x2, v23;
	vm13 =	vgt.f32 v7, v2  }
0x2dd: {  	v11 =	vld [tilespmem:s20+$0xFFFFFF70];
	vm14 =	vgt.f32 v8, v1;
	v5 =	vsel vm3, $0x18, v5;
	v2 =	vsel vm13, v7, v2  }
0x2de: {  	v6 =	vsel vm2, $0x4, v6;
	v7 =	vld [tilespmem:s20+$0xFFFFFFF0];
	v5 =	vsel vm14, $0x24, v5;
	vm15 =	vgt.f32 v9, v2  }
0x2df: {  	v1 =	vsel vm14, v8, v1;
	v6 =	vsel vm13, $0x6, v6;
	v2 =	vsel vm15, v9, v2  }
0x2e0: {  	v8 =	vld [tilespmem:s20+$0x70];
	vm0 =	vgt.f32 v3, v1;
	v1 =	vsel vm15, $0x8, v6;
	vm5 =	vgt.f32 v4, v2  }
0x2e1: {  	v12 =	vld [tilespmem:s20+$0xFFFFFD70];
	vm6 =	vgt.f32 v10, v0;
	v0 =	vsel vm0, $0x30, v5;
	v1 =	vsel vm5, $0xA, v1  }
0x2e2: {  	v2 =	vld [tilespmem:s20+$0xFFFFFCF0];
	v4 =	vsel vm6, $0x1, v23;
	v0 =	vadd.s32 v0, v1  }
0x2e3: {  	v1 =	vld [tilespmem:s20+$0xF0];
	vm7 =	vgt.f32 v7, v11;
	v0 =	vor.u32 v4, v0  }
0x2e4: {  	v3 =	vld [tilespmem:s20+$0xFFFFFDF0];
	v7 =	vsel vm7, v7, v11;
	v20 =	vshll.u32 v0, $0x6  }
0x2e5: {  	v15 =	vsel vm7, $0x2, v23;
	v0 =	vld [tilespmem:s20+$0x170];
	vm8 =	vgt.f32 v8, v7;
	v5 =	vadd.s32 v53, v20  }
0x2e6: {  	v4 =	vld [tilespmem:s20+$0xFFFFFE70];
	v63 =	vadd.s32 v21, v20;
	v13 =	vadd.s32 v22, v20;
	v14 =	vadd.s32 v26, v20  }
0x2e7: {  	v16 =	vld [tilespmem:s20+$0x2F0];
	v17 =	vadd.s32 v27, v20;
	vm9 =	vgt.f32 v12, v2;
	v7 =	vsel vm8, v8, v7  }
0x2e8: {  	v10 =	vld [tilespmem:s20+$0x1F0];
	v8 =	vadd.s32 v28, v20;
	v2 =	vsel vm9, v12, v2;
	vm10 =	vgt.f32 v1, v7  }
0x2e9: {  	v6 =	vld [tilespmem:s20+$0xFFFFFEF0];
	v19 =	vadd.s32 v29, v20;
	vm11 =	vgt.f32 v3, v2;
	v1 =	vsel vm10, v1, v7  }
0x2ea: {  	v11 =	vld [tilespmem:s20+$0x270];
	v15 =	vsel vm8, $0x4, v15;
	v2 =	vsel vm11, v3, v2;
	vm12 =	vgt.f32 v0, v1  }
0x2eb: {  	v3 =	vadd.s32 v30, v20;
	vm4 =	vgt.f32 v4, v2;
	v5 =	vld.idx.msk [tilespmem:v5+s23+$0x0], $0xffff;
	v0 =	vsel vm12, v0, v1  }
0x2ec: {  	v9 =	vld.idx.msk [tilespmem:v63+s23+$0x0], $0xffff;
	v1 =	vsel vm9, $0xC, v23;
	v2 =	vsel vm4, v4, v2;
	v4 =	vsel vm10, $0x6, v15  }
0x2ed: {  	v7 =	vld.idx.msk [tilespmem:v13+s23+$0x0], $0xffff;
	v63 =	vadd.s32 v31, v20;
	vm13 =	vgt.f32 v10, v0;
	v0 =	vsel vm11, $0x18, v1  }
0x2ee: {  	v13 =	vld.idx.msk [tilespmem:v14+s23+$0x0], $0xffff;
	vm14 =	vgt.f32 v6, v2;
	v2 =	vsel vm12, $0x8, v4;
	v0 =	vsel vm4, $0x24, v0  }
0x2ef: {  	vm15 =	vgt.f32 v16, v11;
	v60 =	vld.idx.msk [tilespmem:v17+s23+$0x0], $0xffff;
	v2 =	vsel vm13, $0xA, v2;
	v0 =	vsel vm14, $0x30, v0  }
0x2f0: {  	s20 =	simm.s32 $0x15880;
	v8 =	vld.idx.msk [tilespmem:v8+s23+$0x0], $0xffff;
	v4 =	vadd.s32 v32, v20;
	v6 =	vsel vm15, $0x1, v23;
	v0 =	vadd.s32 v0, v2  }
0x2f1: {  	v1 =	vld.idx.msk [tilespmem:v19+s23+$0x0], $0xffff;
	[tilespmem:s20+$0xFFFFF010] =	vst v5;
	v5 =	vadd.s32 v33, v20;
	v0 =	vor.u32 v6, v0  }
0x2f2: {  	v6 =	vadd.s32 v34, v20;
	v3 =	vld.idx.msk [tilespmem:v3+s23+$0x0], $0xffff;
	[tilespmem:s20+$0xFFFFF090] =	vst v9;
	v19 =	vshll.u32 v0, $0x6  }
0x2f3: {  	v2 =	vld.idx.msk [tilespmem:v63+s23+$0x0], $0xffff;
	[tilespmem:s20+$0xFFFFF110] =	vst v7;
	v7 =	vadd.s32 v21, v19  }
0x2f4: {  	v17 =	vadd.s32 v22, v19  }
0x2f5: {  	v0 =	vld.idx.msk [tilespmem:v4+s23+$0x0], $0xffff;
	v4 =	vadd.s32 v53, v19;
	[tilespmem:s20+$0xFFFFF190] =	vst v13  }
0x2f6: {  	v18 =	vadd.s32 v26, v19;
	v5 =	vld.idx.msk [tilespmem:v5+s23+$0x0], $0xffff;
	[tilespmem:s20+$0xFFFFF210] =	vst v60  }
0x2f7: {  	v63 =	vadd.s32 v27, v19;
	v6 =	vld.idx.msk [tilespmem:v6+s23+$0x0], $0xffff  }
0x2f8: {  	v12 =	vadd.s32 v28, v19;
	v7 =	vld.idx.msk [tilespmem:v7+s23+$0x0], $0xffff  }
0x2f9: {  	v13 =	vadd.s32 v29, v19;
	v9 =	vld.idx.msk [tilespmem:v17+s23+$0x0], $0xffff  }
0x2fa: {  	v60 =	vadd.s32 v35, v20;
	v4 =	vld.idx.msk [tilespmem:v4+s23+$0x0], $0xffff  }
0x2fb: {  	v15 =	vadd.s32 v30, v19;
	v10 =	vld.idx.msk [tilespmem:v18+s23+$0x0], $0xffff  }
0x2fc: {  	v16 =	vadd.s32 v36, v20;
	v11 =	vld.idx.msk [tilespmem:v63+s23+$0x0], $0xffff  }
0x2fd: {  	v63 =	vadd.s32 v31, v19;
	v12 =	vld.idx.msk [tilespmem:v12+s23+$0x0], $0xffff  }
0x2fe: {  	[tilespmem:s20+$0xFFFFF290] =	vst v8;
	v18 =	vadd.s32 v37, v20;
	v8 =	vld.idx.msk [tilespmem:v13+s23+$0x0], $0xffff  }
0x2ff: {  	v13 =	vld.idx.msk [tilespmem:v60+s23+$0x0], $0xffff;
	v60 =	vadd.s32 v32, v19;
	[tilespmem:s20+$0xFFFFF000] =	vst v4  }
0x300: {  	[tilespmem:s20+$0xFFFFF310] =	vst v1;
	v4 =	vadd.s32 v38, v20;
	v1 =	vld.idx.msk [tilespmem:v15+s23+$0x0], $0xffff  }
0x301: {  	v15 =	vld.idx.msk [tilespmem:v16+s23+$0x0], $0xffff;
	v16 =	vadd.s32 v33, v19;
	[tilespmem:s20+$0xFFFFF080] =	vst v7  }
0x302: {  	v7 =	vadd.s32 v39, v20;
	[tilespmem:s20+$0xFFFFF390] =	vst v3;
	v3 =	vld.idx.msk [tilespmem:v63+s23+$0x0], $0xffff  }
0x303: {  	v17 =	vld.idx.msk [tilespmem:v18+s23+$0x0], $0xffff;
	v18 =	vadd.s32 v34, v19;
	[tilespmem:s20+$0xFFFFF100] =	vst v9  }
0x304: {  	v63 =	vadd.s32 v40, v20;
	[tilespmem:s20+$0xFFFFF410] =	vst v2;
	v2 =	vld.idx.msk [tilespmem:v60+s23+$0x0], $0xffff  }
0x305: {  	v14 =	vadd.s32 v35, v19;
	[tilespmem:s20+$0xFFFFF180] =	vst v10;
	v4 =	vld.idx.msk [tilespmem:v4+s23+$0x0], $0xffff  }
0x306: {  	v60 =	vadd.s32 v41, v20;
	[tilespmem:s20+$0xFFFFF490] =	vst v0;
	v0 =	vld.idx.msk [tilespmem:v16+s23+$0x0], $0xffff  }
0x307: {  	v7 =	vld.idx.msk [tilespmem:v7+s23+$0x0], $0xffff;
	v16 =	vadd.s32 v36, v19;
	[tilespmem:s20+$0xFFFFF200] =	vst v11  }
0x308: {  	v11 =	vadd.s32 v42, v20;
	[tilespmem:s20+$0xFFFFF510] =	vst v5;
	v5 =	vld.idx.msk [tilespmem:v18+s23+$0x0], $0xffff  }
0x309: {  	v9 =	vld.idx.msk [tilespmem:v63+s23+$0x0], $0xffff;
	v18 =	vadd.s32 v37, v19;
	[tilespmem:s20+$0xFFFFF280] =	vst v12  }
0x30a: {  	v63 =	vadd.s32 v43, v20;
	[tilespmem:s20+$0xFFFFF590] =	vst v6;
	v6 =	vld.idx.msk [tilespmem:v14+s23+$0x0], $0xffff  }
0x30b: {  	v10 =	vld.idx.msk [tilespmem:v60+s23+$0x0], $0xffff;
	v60 =	vadd.s32 v38, v19;
	[tilespmem:s20+$0xFFFFF300] =	vst v8  }
0x30c: {  	v8 =	vadd.s32 v44, v20;
	[tilespmem:s20+$0xFFFFF610] =	vst v13;
	v13 =	vld.idx.msk [tilespmem:v16+s23+$0x0], $0xffff  }
0x30d: {  	v11 =	vld.idx.msk [tilespmem:v11+s23+$0x0], $0xffff;
	v16 =	vadd.s32 v39, v19;
	[tilespmem:s20+$0xFFFFF380] =	vst v1  }
0x30e: {  	v1 =	vadd.s32 v45, v20;
	[tilespmem:s20+$0xFFFFF690] =	vst v15;
	v15 =	vld.idx.msk [tilespmem:v18+s23+$0x0], $0xffff  }
0x30f: {  	v12 =	vld.idx.msk [tilespmem:v63+s23+$0x0], $0xffff;
	v63 =	vadd.s32 v40, v19;
	[tilespmem:s20+$0xFFFFF400] =	vst v3  }
0x310: {  	v3 =	vadd.s32 v46, v20;
	[tilespmem:s20+$0xFFFFF710] =	vst v17;
	v14 =	vld.idx.msk [tilespmem:v60+s23+$0x0], $0xffff  }
0x311: {  	v8 =	vld.idx.msk [tilespmem:v8+s23+$0x0], $0xffff;
	v60 =	vadd.s32 v41, v19;
	[tilespmem:s20+$0xFFFFF480] =	vst v2  }
0x312: {  	v2 =	vadd.s32 v47, v20;
	[tilespmem:s20+$0xFFFFF790] =	vst v4;
	v4 =	vld.idx.msk [tilespmem:v16+s23+$0x0], $0xffff  }
0x313: {  	v1 =	vld.idx.msk [tilespmem:v1+s23+$0x0], $0xffff;
	v16 =	vadd.s32 v42, v19;
	[tilespmem:s20+$0xFFFFF500] =	vst v0  }
0x314: {  	v0 =	vadd.s32 v48, v20;
	[tilespmem:s20+$0xFFFFF810] =	vst v7;
	v7 =	vld.idx.msk [tilespmem:v63+s23+$0x0], $0xffff  }
0x315: {  	v3 =	vld.idx.msk [tilespmem:v3+s23+$0x0], $0xffff;
	v63 =	vadd.s32 v43, v19;
	[tilespmem:s20+$0xFFFFF580] =	vst v5  }
0x316: {  	v5 =	vadd.s32 v49, v20;
	[tilespmem:s20+$0xFFFFF890] =	vst v9;
	v9 =	vld.idx.msk [tilespmem:v60+s23+$0x0], $0xffff  }
0x317: {  	v2 =	vld.idx.msk [tilespmem:v2+s23+$0x0], $0xffff;
	v60 =	vadd.s32 v44, v19;
	[tilespmem:s20+$0xFFFFF600] =	vst v6  }
0x318: {  	v6 =	vadd.s32 v50, v20;
	[tilespmem:s20+$0xFFFFF910] =	vst v10;
	v10 =	vld.idx.msk [tilespmem:v16+s23+$0x0], $0xffff  }
0x319: {  	v0 =	vld.idx.msk [tilespmem:v0+s23+$0x0], $0xffff;
	[tilespmem:s20+$0xFFFFF680] =	vst v13  }
0x31a: {  	v16 =	vadd.s32 v45, v19;
	[tilespmem:s20+$0xFFFFF990] =	vst v11;
	v11 =	vld.idx.msk [tilespmem:v63+s23+$0x0], $0xffff  }
0x31b: {  	v5 =	vld.idx.msk [tilespmem:v5+s23+$0x0], $0xffff;
	[tilespmem:s20+$0xFFFFF700] =	vst v15  }
0x31c: {  	[tilespmem:s20+$0xFFFFFA10] =	vst v12;
	v12 =	vld.idx.msk [tilespmem:v60+s23+$0x0], $0xffff  }
0x31d: {  	v6 =	vld.idx.msk [tilespmem:v6+s23+$0x0], $0xffff;
	[tilespmem:s20+$0xFFFFF780] =	vst v14  }
0x31e: {  	v60 =	vld [tilespmem:$0x1FED0];
	[tilespmem:s20+$0xFFFFFA90] =	vst v8  }
0x31f: {  	v13 =	vadd.s32 v51, v20;
	v8 =	vld.idx.msk [tilespmem:v16+s23+$0x0], $0xffff;
	[tilespmem:s20+$0xFFFFF800] =	vst v4  }
0x320: {  	v18 =	vadd.s32 v46, v19;
	v25 =	vld [tilespmem:$0x1FEE0]  }
0x321: {  	v15 =	vadd.s32 v52, v20  }
0x322: {  	v17 =	vadd.s32 v47, v19  }
0x323: {  	v14 =	vadd.s32 v60, v20  }
0x324: {  	v13 =	vld.idx.msk [tilespmem:v13+s23+$0x0], $0xffff;
	v16 =	vadd.s32 v48, v19  }
0x325: {  	[tilespmem:s20+$0xFFFFFB10] =	vst v1;
	v1 =	vld.idx.msk [tilespmem:v18+s23+$0x0], $0xffff;
	v4 =	vadd.s32 v25, v20  }
0x326: {  	v63 =	vadd.s32 v49, v19;
	[tilespmem:s20+$0xFFFFF880] =	vst v7;
	v15 =	vld.idx.msk [tilespmem:v15+s23+$0x0], $0xffff  }
0x327: {  	[tilespmem:s20+$0xFFFFFB90] =	vst v3;
	v3 =	vld.idx.msk [tilespmem:v17+s23+$0x0], $0xffff  }
0x328: {  	[tilespmem:s20+$0xFFFFF900] =	vst v9;
	v14 =	vld.idx.msk [tilespmem:v14+s23+$0x0], $0xffff  }
0x329: {  	[tilespmem:s20+$0xFFFFFC10] =	vst v2;
	v2 =	vld.idx.msk [tilespmem:v16+s23+$0x0], $0xffff  }
0x32a: {  	[tilespmem:s20+$0xFFFFF980] =	vst v10;
	v4 =	vld.idx.msk [tilespmem:v4+s23+$0x0], $0xffff  }
0x32b: {  	[tilespmem:s20+$0xFFFFFC90] =	vst v0;
	v0 =	vld.idx.msk [tilespmem:v63+s23+$0x0], $0xffff;
	_ =	sdelay $0x1  }
0x32c: {  	v7 =	vadd.s32 v55, v20  }
0x32d: {  	v17 =	vadd.s32 v50, v19  }
0x32e: {  	v9 =	vadd.s32 v56, v20  }
0x32f: {  	v16 =	vadd.s32 v51, v19;
	[tilespmem:$0x1F850] =	vst v0  }
0x330: {  	v10 =	vadd.s32 v57, v20;
	[tilespmem:s20+$0xFFFFFA00] =	vst v11  }
0x331: {  	v18 =	vadd.s32 v52, v19;
	v7 =	vld.idx.msk [tilespmem:v7+s23+$0x0], $0xffff;
	[tilespmem:s20+$0xFFFFFD10] =	vst v5  }
0x332: {  	v5 =	vld.idx.msk [tilespmem:v17+s23+$0x0], $0xffff;
	[tilespmem:s20+$0xFFFFFA80] =	vst v12  }
0x333: {  	v9 =	vld.idx.msk [tilespmem:v9+s23+$0x0], $0xffff;
	[tilespmem:s20+$0xFFFFFD90] =	vst v6  }
0x334: {  	v6 =	vld.idx.msk [tilespmem:v16+s23+$0x0], $0xffff;
	[tilespmem:s20+$0xFFFFFB00] =	vst v8  }
0x335: {  	v10 =	vld.idx.msk [tilespmem:v10+s23+$0x0], $0xffff;
	[tilespmem:s20+$0xFFFFFE10] =	vst v13  }
0x336: {  	v13 =	vld.idx.msk [tilespmem:v18+s23+$0x0], $0xffff;
	[tilespmem:s20+$0xFFFFFB80] =	vst v1  }
0x337: {  	v63 =	vadd.s32 v58, v20;
	v17 =	vadd.s32 v60, v19;
	v60 =	vld [tilespmem:$0x1FF50];
	_ =	sdelay $0x1  }
0x338: {  	v12 =	vadd.s32 v59, v20  }
0x339: {  	v16 =	vadd.s32 v25, v19  }
0x33a: {  	v8 =	vadd.s32 v54, v20  }
0x33b: {  	v11 =	vld.idx.msk [tilespmem:v63+s23+$0x0], $0xffff;
	v1 =	vadd.s32 v60, v20  }
0x33c: {  	[tilespmem:s20+$0xFFFFFE90] =	vst v15;
	v15 =	vld.idx.msk [tilespmem:v17+s23+$0x0], $0xffff  }
0x33d: {  	v12 =	vld.idx.msk [tilespmem:v12+s23+$0x0], $0xffff;
	[tilespmem:s20+$0xFFFFFC00] =	vst v3  }
0x33e: {  	[tilespmem:s20+$0xFFFFFF10] =	vst v14;
	v14 =	vld.idx.msk [tilespmem:v16+s23+$0x0], $0xffff  }
0x33f: {  	v8 =	vld.idx.msk [tilespmem:v8+s23+$0x0], $0xffff;
	[tilespmem:s20+$0xFFFFFF90] =	vst v4  }
0x340: {  	[tilespmem:s20+$0xFFFFFC80] =	vst v2;
	v24 =	vld.idx.msk [tilespmem:v1+s23+$0x0], $0xffff  }
0x341: {  	v18 =	vadd.s32 v55, v19;
	v1 =	vld [tilespmem:$0x1F850];
	_ =	sdelay $0x1  }
0x342: {  	v3 =	vadd.s32 v61, v20;
	_ =	sdelay $0x2  }
0x343: {  	v4 =	vld.idx.msk [tilespmem:v18+s23+$0x0], $0xffff;
	[tilespmem:s20+$0xFFFFFD00] =	vst v1  }
0x344: {  	v25 =	vld [tilespmem:$0x1FC50];
	[tilespmem:s20+$0x10] =	vst v7  }
0x345: {  	v17 =	vadd.s32 v56, v19;
	v3 =	vld.idx.msk [tilespmem:v3+s23+$0x0], $0xffff;
	_ =	sdelay $0x2  }
0x346: {  	v2 =	vadd.s32 v62, v20;
	_ =	sdelay $0x1  }
0x347: {  	v7 =	vld.idx.msk [tilespmem:v17+s23+$0x0], $0xffff;
	[tilespmem:$0x1F860] =	vst v3  }
0x348: {  	[tilespmem:s20+$0xFFFFFD80] =	vst v5  }
0x349: {  	v3 =	vld [tilespmem:$0x1FC60];
	[tilespmem:s20+$0x90] =	vst v9  }
0x34a: {  	v16 =	vadd.s32 v57, v19;
	v2 =	vld.idx.msk [tilespmem:v2+s23+$0x0], $0xffff;
	_ =	sdelay $0x2  }
0x34b: {  	v1 =	vadd.s32 v25, v20;
	_ =	sdelay $0x1  }
0x34c: {  	v9 =	vld.idx.msk [tilespmem:v16+s23+$0x0], $0xffff;
	[tilespmem:$0x1F870] =	vst v2  }
0x34d: {  	[tilespmem:s20+$0xFFFFFE00] =	vst v6  }
0x34e: {  	v2 =	vld [tilespmem:$0x1FC70];
	[tilespmem:s20+$0x110] =	vst v10  }
0x34f: {  	v63 =	vadd.s32 v58, v19;
	v1 =	vld.idx.msk [tilespmem:v1+s23+$0x0], $0xffff;
	_ =	sdelay $0x2  }
0x350: {  	v17 =	vadd.s32 v59, v19  }
0x351: {  	v5 =	vadd.s32 v3, v20  }
0x352: {  	v10 =	vld.idx.msk [tilespmem:v63+s23+$0x0], $0xffff;
	[tilespmem:$0x1F880] =	vst v1  }
0x353: {  	v6 =	vadd.s32 v2, v20;
	[tilespmem:s20+$0xFFFFFE80] =	vst v13  }
0x354: {  	v18 =	vld [tilespmem:$0x1FF90]  }
0x355: {  	[tilespmem:s20+$0x190] =	vst v11;
	v11 =	vld.idx.msk [tilespmem:v17+s23+$0x0], $0xffff  }
0x356: {  	[tilespmem:s20+$0xFFFFFF00] =	vst v15;
	v5 =	vld.idx.msk [tilespmem:v5+s23+$0x0], $0xffff  }
0x357: {  	v17 =	vld [tilespmem:$0x1FFA0];
	[tilespmem:s20+$0x210] =	vst v12  }
0x358: {  	v16 =	vadd.s32 v54, v19;
	v6 =	vld.idx.msk [tilespmem:v6+s23+$0x0], $0xffff;
	_ =	sdelay $0x2  }
0x359: {  	v13 =	vadd.s32 v18, v20;
	_ =	sdelay $0x1  }
0x35a: {  	v12 =	vld.idx.msk [tilespmem:v16+s23+$0x0], $0xffff;
	[tilespmem:$0x1F890] =	vst v6  }
0x35b: {  	[tilespmem:s20+$0xFFFFFF80] =	vst v14  }
0x35c: {  	v63 =	vld [tilespmem:$0x1FFB0];
	[tilespmem:s20+$0x290] =	vst v8  }
0x35d: {  	v60 =	vadd.s32 v60, v19;
	v0 =	vld.idx.msk [tilespmem:v13+s23+$0x0], $0xffff;
	_ =	sdelay $0x2  }
0x35e: {  	v1 =	vadd.s32 v61, v19;
	_ =	sdelay $0x1  }
0x35f: {  	v8 =	vld.idx.msk [tilespmem:v60+s23+$0x0], $0xffff;
	[tilespmem:$0x1F8A0] =	vst v0  }
0x360: {  	[tilespmem:s20+$0x0] =	vst v4  }
0x361: {  	v60 =	vld [tilespmem:$0x1FFC0];
	[tilespmem:s20+$0x310] =	vst v24  }
0x362: {  	v16 =	vadd.s32 v62, v19;
	v6 =	vld.idx.msk [tilespmem:v1+s23+$0x0], $0xffff;
	[tilespmem:s20+$0x80] =	vst v7  }
0x363: {  	v15 =	vadd.s32 v17, v20;
	v0 =	vld [tilespmem:$0x1F860];
	_ =	sdelay $0x2  }
0x364: {  	v1 =	vld [tilespmem:$0x1FFD0]  }
0x365: {  	v13 =	vld.idx.msk [tilespmem:v16+s23+$0x0], $0xffff;
	[tilespmem:s20+$0x100] =	vst v9  }
0x366: {  	v14 =	vadd.s32 v63, v20;
	v15 =	vld.idx.msk [tilespmem:v15+s23+$0x0], $0xffff;
	[tilespmem:s20+$0x390] =	vst v0  }
0x367: {  	v16 =	vadd.s32 v2, v19;
	v2 =	vld [tilespmem:$0x1F870]  }
0x368: {  	v4 =	vadd.s32 v60, v20;
	_ =	sdelay $0x2  }
0x369: {  	v14 =	vld.idx.msk [tilespmem:v14+s23+$0x0], $0xffff  }
0x36a: {  	v24 =	vadd.s32 v3, v19;
	v3 =	vld [tilespmem:$0x1FFE0];
	[tilespmem:s20+$0x410] =	vst v2  }
0x36b: {  	v25 =	vadd.s32 v25, v19;
	v4 =	vld.idx.msk [tilespmem:v4+s23+$0x0], $0xffff;
	_ =	sdelay $0x4  }
0x36c: {  	v2 =	vld.idx.msk [tilespmem:v25+s23+$0x0], $0xffff;
	[tilespmem:$0x1F8B0] =	vst v4  }
0x36d: {  	[tilespmem:s20+$0x180] =	vst v10  }
0x36e: {  	v4 =	vld [tilespmem:$0x1F880]  }
0x36f: {  	v7 =	vadd.s32 v1, v20;
	_ =	sdelay $0x2  }
0x370: {  	v0 =	vadd.s32 v3, v20;
	v9 =	vld [tilespmem:$0x1FFF0]  }
0x371: {  	[tilespmem:s20+$0x490] =	vst v4;
	v4 =	vld.idx.msk [tilespmem:v24+s23+$0x0], $0xffff  }
0x372: {  	[tilespmem:s20+$0x200] =	vst v11;
	v7 =	vld.idx.msk [tilespmem:v7+s23+$0x0], $0xffff  }
0x373: {  	v24 =	vld [tilespmem:$0x1FF80]  }
0x374: {  	[tilespmem:s20+$0x510] =	vst v5;
	v5 =	vld.idx.msk [tilespmem:v16+s23+$0x0], $0xffff  }
0x375: {  	[tilespmem:s20+$0x280] =	vst v12;
	v25 =	vld.idx.msk [tilespmem:v0+s23+$0x0], $0xffff  }
0x376: {  	v18 =	vadd.s32 v18, v19;
	v0 =	vld [tilespmem:$0x1F890];
	_ =	sdelay $0x3  }
0x377: {  	v16 =	vadd.s32 v63, v19;
	v63 =	vld [tilespmem:$0x1FC80]  }
0x378: {  	[tilespmem:s20+$0x590] =	vst v0;
	v0 =	vld.idx.msk [tilespmem:v18+s23+$0x0], $0xffff;
	_ =	sdelay $0x4  }
0x379: {  	v10 =	vadd.s32 v9, v20;
	[tilespmem:$0x1F8C0] =	vst v0  }
0x37a: {  	[tilespmem:s20+$0x300] =	vst v8  }
0x37b: {  	v17 =	vadd.s32 v17, v19;
	v0 =	vld [tilespmem:$0x1F8A0];
	_ =	sdelay $0x2  }
0x37c: {  	v10 =	vld.idx.msk [tilespmem:v10+s23+$0x0], $0xffff  }
0x37d: {  	v18 =	vadd.s32 v60, v19;
	v60 =	vld [tilespmem:$0x1FC90]  }
0x37e: {  	[tilespmem:s20+$0x610] =	vst v0;
	v0 =	vld.idx.msk [tilespmem:v17+s23+$0x0], $0xffff  }
0x37f: {  	v11 =	vadd.s32 v24, v20;
	_ =	sdelay $0x1  }
0x380: {  	v12 =	vadd.s32 v63, v20;
	_ =	sdelay $0x1  }
0x381: {  	[tilespmem:$0x1F8D0] =	vst v0  }
0x382: {  	v11 =	vld.idx.msk [tilespmem:v11+s23+$0x0], $0xffff;
	[tilespmem:s20+$0x380] =	vst v6  }
0x383: {  	v6 =	vld [tilespmem:$0x1FCA0];
	[tilespmem:s20+$0x690] =	vst v15  }
0x384: {  	v0 =	vld.idx.msk [tilespmem:v12+s23+$0x0], $0xffff;
	_ =	sdelay $0x4  }
0x385: {  	v15 =	vld.idx.msk [tilespmem:v16+s23+$0x0], $0xffff;
	[tilespmem:$0x1F8E0] =	vst v0  }
0x386: {  	[tilespmem:s20+$0x400] =	vst v13  }
0x387: {  	v12 =	vld [tilespmem:$0x1FCB0];
	[tilespmem:s20+$0x710] =	vst v14  }
0x388: {  	v8 =	vadd.s32 v60, v20;
	v13 =	vld.idx.msk [tilespmem:v18+s23+$0x0], $0xffff;
	[tilespmem:s20+$0x480] =	vst v2  }
0x389: {  	v0 =	vld [tilespmem:$0x1F8B0]  }
0x38a: {  	v17 =	vadd.s32 v1, v19;
	v1 =	vadd.s32 v6, v20;
	_ =	sdelay $0x2  }
0x38b: {  	v8 =	vld.idx.msk [tilespmem:v8+s23+$0x0], $0xffff  }
0x38c: {  	v18 =	vadd.s32 v9, v19;
	v9 =	vld [tilespmem:$0x1FCC0];
	[tilespmem:s20+$0x790] =	vst v0  }
0x38d: {  	v0 =	vld.idx.msk [tilespmem:v1+s23+$0x0], $0xffff;
	_ =	sdelay $0x2  }
0x38e: {  	v16 =	vadd.s32 v3, v19;
	v3 =	vadd.s32 v12, v20;
	_ =	sdelay $0x1  }
0x38f: {  	v14 =	vld.idx.msk [tilespmem:v17+s23+$0x0], $0xffff;
	[tilespmem:$0x1F8F0] =	vst v0  }
0x390: {  	[tilespmem:s20+$0x500] =	vst v4  }
0x391: {  	v0 =	vld [tilespmem:$0x1FCD0];
	[tilespmem:s20+$0x810] =	vst v7  }
0x392: {  	v1 =	vld.idx.msk [tilespmem:v3+s23+$0x0], $0xffff;
	_ =	sdelay $0x4  }
0x393: {  	v7 =	vld.idx.msk [tilespmem:v16+s23+$0x0], $0xffff;
	[tilespmem:$0x1F900] =	vst v1  }
0x394: {  	[tilespmem:s20+$0x580] =	vst v5  }
0x395: {  	v1 =	vld.idx.msk [tilespmem:v18+s23+$0x0], $0xffff  }
0x396: {  	v2 =	vadd.s32 v9, v20;
	_ =	sdelay $0x2  }
0x397: {  	v16 =	vadd.s32 v63, v19;
	v63 =	vld [tilespmem:$0x1FCE0];
	[tilespmem:s20+$0x890] =	vst v25  }
0x398: {  	[tilespmem:$0x1F910] =	vst v1  }
0x399: {  	v2 =	vld.idx.msk [tilespmem:v2+s23+$0x0], $0xffff;
	_ =	sdelay $0x4  }
0x39a: {  	[tilespmem:$0x1F930] =	vst v2;
	v2 =	vld [tilespmem:$0x1F8C0];
	_ =	sdelay $0x3  }
0x39b: {  	[tilespmem:s20+$0x910] =	vst v10  }
0x39c: {  	v4 =	vadd.s32 v0, v20;
	[tilespmem:s20+$0x600] =	vst v2  }
0x39d: {  	v17 =	vadd.s32 v24, v19;
	v3 =	vld [tilespmem:$0x1F8D0];
	_ =	sdelay $0x3  }
0x39e: {  	v25 =	vld.idx.msk [tilespmem:v4+s23+$0x0], $0xffff;
	[tilespmem:s20+$0x990] =	vst v11  }
0x39f: {  	v18 =	vld.idx.msk [tilespmem:v17+s23+$0x0], $0xffff;
	[tilespmem:s20+$0x680] =	vst v3  }
0x3a0: {  	v5 =	vadd.s32 v63, v20;
	v10 =	vld.idx.msk [tilespmem:v16+s23+$0x0], $0xffff;
	[tilespmem:s20+$0x700] =	vst v15  }
0x3a1: {  	v60 =	vadd.s32 v60, v19;
	v1 =	vadd.s32 $0x3B, v53;
	v4 =	vadd.s32 v6, v19;
	v6 =	vld [tilespmem:$0x1F8E0]  }
0x3a2: {  	v2 =	vadd.s32 v1, v20  }
0x3a3: {  	v17 =	vadd.s32 $0x3C, v53  }
0x3a4: {  	v3 =	vadd.s32 v17, v20  }
0x3a5: {  	v5 =	vld.idx.msk [tilespmem:v5+s23+$0x0], $0xffff  }
0x3a6: {  	v11 =	vld.idx.msk [tilespmem:v60+s23+$0x0], $0xffff;
	[tilespmem:s20+$0xA10] =	vst v6  }
0x3a7: {  	[tilespmem:s20+$0x780] =	vst v13;
	v6 =	vld.idx.msk [tilespmem:v2+s23+$0x0], $0xffff  }
0x3a8: {  	[tilespmem:s20+$0xA90] =	vst v8;
	v8 =	vld.idx.msk [tilespmem:v4+s23+$0x0], $0xffff  }
0x3a9: {  	v16 =	vadd.s32 v12, v19;
	[tilespmem:s20+$0x800] =	vst v14;
	v12 =	vld.idx.msk [tilespmem:v3+s23+$0x0], $0xffff  }
0x3aa: {  	v3 =	vld [tilespmem:$0x1F8F0];
	_ =	sdelay $0x1  }
0x3ab: {  	v24 =	vadd.s32 $0x3D, v53;
	v60 =	vadd.s32 $0x3E, v53  }
0x3ac: {  	v15 =	vadd.s32 v24, v20;
	v13 =	vadd.s32 v60, v20;
	v4 =	vadd.s32 $0x3F, v53  }
0x3ad: {  	v2 =	vadd.s32 v9, v19;
	v9 =	vadd.s32 v4, v20;
	v20 =	vld.idx.msk [tilespmem:v16+s23+$0x0], $0xffff;
	[tilespmem:s20+$0x880] =	vst v7  }
0x3ae: {  	[tilespmem:s20+$0xB10] =	vst v3  }
0x3af: {  	v3 =	vld [tilespmem:$0x1F900];
	_ =	sdelay $0x3  }
0x3b0: {  	v14 =	vld.idx.msk [tilespmem:v2+s23+$0x0], $0xffff  }
0x3b1: {  	v15 =	vld.idx.msk [tilespmem:v15+s23+$0x0], $0xffff;
	[tilespmem:s20+$0xB90] =	vst v3  }
0x3b2: {  	v2 =	vld [tilespmem:$0x1F910];
	_ =	sdelay $0x4  }
0x3b3: {  	v0 =	vadd.s32 v0, v19;
	v13 =	vld.idx.msk [tilespmem:v13+s23+$0x0], $0xffff;
	[tilespmem:s20+$0x900] =	vst v2  }
0x3b4: {  	v3 =	vadd.s32 v1, v19;
	[tilespmem:$0x1F920] =	vst v1;
	v1 =	vld [tilespmem:$0x1F930];
	_ =	sdelay $0x2  }
0x3b5: {  	v7 =	vadd.s32 v63, v19  }
0x3b6: {  	v0 =	vld.idx.msk [tilespmem:v0+s23+$0x0], $0xffff;
	[tilespmem:s20+$0x980] =	vst v18  }
0x3b7: {  	[tilespmem:s20+$0xC10] =	vst v1  }
0x3b8: {  	v16 =	vld.idx.msk [tilespmem:v9+s23+$0x0], $0xffff;
	[tilespmem:$0x1F940] =	vst v17  }
0x3b9: {  	[tilespmem:s20+$0xD90] =	vst v6  }
0x3ba: {  	v1 =	vld.idx.msk [tilespmem:v7+s23+$0x0], $0xffff;
	[tilespmem:s20+$0xA00] =	vst v10  }
0x3bb: {  	v63 =	vadd.s32 v17, v19;
	[tilespmem:$0x1F950] =	vst v24  }
0x3bc: {  	[tilespmem:s20+$0xE10] =	vst v12  }
0x3bd: {  	v2 =	vld.idx.msk [tilespmem:v3+s23+$0x0], $0xffff;
	[tilespmem:s20+$0xA80] =	vst v11  }
0x3be: {  	v6 =	vadd.s32 v24, v19;
	[tilespmem:$0x1F960] =	vst v60  }
0x3bf: {  	[tilespmem:s20+$0xE90] =	vst v15  }
0x3c0: {  	v3 =	vadd.s32 v60, v19;
	v7 =	vld.idx.msk [tilespmem:v63+s23+$0x0], $0xffff;
	[tilespmem:s20+$0xB00] =	vst v8  }
0x3c1: {  	v8 =	vadd.s32 v4, v19;
	[tilespmem:$0x1F970] =	vst v4  }
0x3c2: {  	[tilespmem:s20+$0xF10] =	vst v13  }
0x3c3: {  	v6 =	vld.idx.msk [tilespmem:v6+s23+$0x0], $0xffff;
	[tilespmem:s20+$0xB80] =	vst v20  }
0x3c4: {  	[tilespmem:s20+$0xF90] =	vst v16  }
0x3c5: {  	v4 =	vld.idx.msk [tilespmem:v3+s23+$0x0], $0xffff;
	[tilespmem:s20+$0xC00] =	vst v14  }
0x3c6: {  	s21 =	simm.s32 $0x0;
	s22 =	simm.s32 $0x11BB0;
	[tilespmem:s20+$0xD10] =	vst v5;
	v5 =	vld.idx.msk [tilespmem:v8+s23+$0x0], $0xffff  }
.LBB2_10:
0x3c7: {  	v8 =	vld [tilespmem:s22+$0x280];
	[tilespmem:s20+$0xD00] =	vst v1  }
0x3c8: {  	v1 =	vld [tilespmem:s22+$0xFFFFFD00];
	[tilespmem:s20+$0xD80] =	vst v2  }
0x3c9: {  	v2 =	vld [tilespmem:s22+$0xFFFFFF80];
	[tilespmem:s20+$0xC80] =	vst v0  }
0x3ca: {  	v0 =	vld [tilespmem:s22+$0x100];
	[tilespmem:s20+$0xE00] =	vst v7  }
0x3cb: {  	v7 =	vld [tilespmem:s22+$0x0];
	[tilespmem:s20+$0xE80] =	vst v6  }
0x3cc: {  	v6 =	vld [tilespmem:s22+$0xFFFFFD80];
	[tilespmem:s20+$0xF00] =	vst v4  }
0x3cd: {  	v4 =	vld [tilespmem:s22+$0x80];
	[tilespmem:s20+$0xF80] =	vst v5  }
0x3ce: {  	v5 =	vld [tilespmem:s22+$0xFFFFFE00];
	[tilespmem:s20+$0xC90] =	vst v25  }
0x3cf: {  	v3 =	vld [tilespmem:s22+$0xFFFFFE80]  }
0x3d0: {  	v9 =	vld [tilespmem:s22+$0x180]  }
0x3d1: {  	v10 =	vld [tilespmem:s22+$0x300]  }
0x3d2: {  	v11 =	vld [tilespmem:s22+$0xFFFFFF70];
	vm0 =	vgt.f32 v7, v2  }
0x3d3: {  	v12 =	vld [tilespmem:s22+$0xFFFFFD70];
	vm1 =	vgt.f32 v6, v1;
	v2 =	vsel vm0, v7, v2  }
0x3d4: {  	v7 =	vld [tilespmem:s22+$0xFFFFFF00];
	v1 =	vsel vm1, v6, v1;
	vm2 =	vgt.f32 v4, v2  }
0x3d5: {  	v6 =	vld [tilespmem:s22+$0x200];
	vm3 =	vgt.f32 v5, v1;
	v2 =	vsel vm2, v4, v2;
	v4 =	vsel vm1, $0xC, v23  }
0x3d6: {  	v13 =	vld [tilespmem:s22+$0x270];
	v1 =	vsel vm3, v5, v1;
	vm13 =	vgt.f32 v0, v2;
	v5 =	vsel vm0, $0x2, v23  }
0x3d7: {  	v15 =	vld [tilespmem:s22+$0x2F0];
	vm14 =	vgt.f32 v3, v1;
	v0 =	vsel vm13, v0, v2;
	v2 =	vsel vm3, $0x18, v4  }
0x3d8: {  	v4 =	vld [tilespmem:s22+$0xFFFFFFF0];
	v5 =	vsel vm2, $0x4, v5;
	vm15 =	vgt.f32 v9, v0;
	v2 =	vsel vm14, $0x24, v2  }
0x3d9: {  	v1 =	vsel vm14, v3, v1;
	v3 =	vsel vm13, $0x6, v5;
	v5 =	vld [tilespmem:s22+$0x70];
	v0 =	vsel vm15, v9, v0  }
0x3da: {  	vm0 =	vgt.f32 v7, v1;
	v1 =	vld [tilespmem:s22+$0xFFFFFCF0];
	vm5 =	vgt.f32 v6, v0;
	v0 =	vsel vm15, $0x8, v3  }
0x3db: {  	vm6 =	vgt.f32 v10, v8;
	v2 =	vsel vm0, $0x30, v2;
	v0 =	vsel vm5, $0xA, v0  }
0x3dc: {  	v3 =	vld [tilespmem:s22+$0xFFFFFDF0];
	v6 =	vsel vm6, $0x1, v23;
	v0 =	vadd.s32 v2, v0  }
0x3dd: {  	vm15 =	vgt.f32 v15, v13;
	v2 =	vld [tilespmem:s22+$0xF0];
	vm7 =	vgt.f32 v4, v11;
	v0 =	vor.u32 v6, v0  }
0x3de: {  	v6 =	vld [tilespmem:s22+$0xFFFFFE70];
	v7 =	vsel vm7, v4, v11;
	v8 =	vsel vm7, $0x2, v23;
	v4 =	vshll.u32 v0, $0x6  }
0x3df: {  	v0 =	vld [tilespmem:s22+$0x170];
	vm8 =	vgt.f32 v5, v7;
	vm9 =	vgt.f32 v12, v1;
	v60 =	vadd.s32 v53, v4  }
0x3e0: {  	v5 =	vsel vm8, v5, v7;
	v7 =	vadd.s32 v21, v4;
	v1 =	vsel vm9, v12, v1  }
0x3e1: {  	v10 =	vld [tilespmem:s22+$0xFFFFFEF0];
	v8 =	vsel vm8, $0x4, v8;
	v63 =	vadd.s32 v22, v4;
	v14 =	vadd.s32 v26, v4  }
0x3e2: {  	v11 =	vld [tilespmem:s22+$0x1F0];
	v16 =	vadd.s32 v29, v4;
	vm10 =	vgt.f32 v3, v1;
	vm11 =	vgt.f32 v2, v5  }
0x3e3: {  	v17 =	vadd.s32 v31, v4;
	v1 =	vsel vm10, v3, v1;
	v2 =	vsel vm11, v2, v5  }
0x3e4: {  	v3 =	vadd.s32 v27, v4;
	vm12 =	vgt.f32 v6, v1;
	vm4 =	vgt.f32 v0, v2;
	v5 =	vld.idx.msk [tilespmem:v60+s23+$0x0], $0xffff  }
0x3e5: {  	v1 =	vsel vm12, v6, v1;
	v6 =	vsel vm11, $0x6, v8;
	v60 =	vadd.s32 v28, v4;
	v7 =	vld.idx.msk [tilespmem:v7+s23+$0x0], $0xffff  }
0x3e6: {  	v0 =	vsel vm4, v0, v2;
	v2 =	vsel vm9, $0xC, v23;
	v8 =	vld.idx.msk [tilespmem:v63+s23+$0x0], $0xffff;
	v63 =	vadd.s32 v30, v4  }
0x3e7: {  	vm14 =	vgt.f32 v10, v1;
	v13 =	vld.idx.msk [tilespmem:v16+s23+$0x0], $0xffff;
	vm13 =	vgt.f32 v11, v0;
	v0 =	vsel vm10, $0x18, v2  }
0x3e8: {  	v1 =	vsel vm4, $0x8, v6;
	v6 =	vadd.s32 v32, v4;
	v2 =	vld.idx.msk [tilespmem:v14+s23+$0x0], $0xffff;
	v0 =	vsel vm12, $0x24, v0  }
0x3e9: {  	s20 =	sadd.s32 $0x20, s20;
	v3 =	vld.idx.msk [tilespmem:v3+s23+$0x0], $0xffff;
	v1 =	vsel vm13, $0xA, v1;
	v0 =	vsel vm14, $0x30, v0  }
0x3ea: {  	v18 =	vadd.s32 v33, v4;
	v0 =	vadd.s32 v0, v1;
	v9 =	vld.idx.msk [tilespmem:v60+s23+$0x0], $0xffff;
	[tilespmem:s20+$0xFFFFF010] =	vst v5;
	v5 =	vsel vm15, $0x1, v23  }
0x3eb: {  	v1 =	vld.idx.msk [tilespmem:v63+s23+$0x0], $0xffff;
	[tilespmem:s20+$0xFFFFF090] =	vst v7;
	v0 =	vor.u32 v5, v0  }
0x3ec: {  	v11 =	vld.idx.msk [tilespmem:v17+s23+$0x0], $0xffff;
	[tilespmem:s20+$0xFFFFF110] =	vst v8;
	v5 =	vshll.u32 v0, $0x6  }
0x3ed: {  	v19 =	vadd.s32 v34, v4;
	v0 =	vld.idx.msk [tilespmem:v6+s23+$0x0], $0xffff;
	[tilespmem:s20+$0xFFFFF190] =	vst v2;
	v6 =	vadd.s32 v53, v5  }
0x3ee: {  	[tilespmem:$0x1F720] =	vst v6  }
0x3ef: {  	v8 =	vadd.s32 v40, v5;
	v63 =	vld.idx.msk [tilespmem:v18+s23+$0x0], $0xffff;
	[tilespmem:s20+$0xFFFFF210] =	vst v3  }
0x3f0: {  	v7 =	vadd.s32 v35, v4;
	v6 =	vadd.s32 v21, v5;
	[tilespmem:$0x1F830] =	vst v8  }
0x3f1: {  	[tilespmem:$0x1F730] =	vst v6  }
0x3f2: {  	v60 =	vadd.s32 v36, v4;
	v8 =	vadd.s32 v42, v5;
	v14 =	vld.idx.msk [tilespmem:v19+s23+$0x0], $0xffff;
	[tilespmem:s20+$0xFFFFF290] =	vst v9  }
0x3f3: {  	v6 =	vadd.s32 v22, v5;
	[tilespmem:$0x1F840] =	vst v8  }
0x3f4: {  	[tilespmem:$0x1F740] =	vst v6  }
0x3f5: {  	v2 =	vadd.s32 v37, v4;
	v17 =	vld.idx.msk [tilespmem:v7+s23+$0x0], $0xffff;
	[tilespmem:s20+$0xFFFFF310] =	vst v13;
	v6 =	vadd.s32 v26, v5  }
0x3f6: {  	[tilespmem:$0x1F750] =	vst v6  }
0x3f7: {  	v3 =	vadd.s32 v38, v4;
	v7 =	vadd.s32 v39, v5;
	v18 =	vld.idx.msk [tilespmem:v60+s23+$0x0], $0xffff;
	[tilespmem:s20+$0xFFFFF390] =	vst v1  }
0x3f8: {  	v6 =	vadd.s32 v27, v5;
	[tilespmem:$0x1F820] =	vst v7  }
0x3f9: {  	v9 =	vadd.s32 v39, v4;
	[tilespmem:$0x1F760] =	vst v6  }
0x3fa: {  	v2 =	vld.idx.msk [tilespmem:v2+s23+$0x0], $0xffff;
	[tilespmem:s20+$0xFFFFF410] =	vst v11;
	v6 =	vadd.s32 v28, v5  }
0x3fb: {  	v10 =	vadd.s32 v40, v4;
	[tilespmem:$0x1F770] =	vst v6  }
0x3fc: {  	v3 =	vld.idx.msk [tilespmem:v3+s23+$0x0], $0xffff;
	[tilespmem:s20+$0xFFFFF490] =	vst v0;
	v6 =	vadd.s32 v29, v5  }
0x3fd: {  	v1 =	vadd.s32 v41, v4;
	[tilespmem:$0x1F780] =	vst v6  }
0x3fe: {  	v20 =	vld.idx.msk [tilespmem:v9+s23+$0x0], $0xffff;
	[tilespmem:s20+$0xFFFFF510] =	vst v63;
	v6 =	vadd.s32 v30, v5  }
0x3ff: {  	v19 =	vadd.s32 v42, v4;
	[tilespmem:$0x1F790] =	vst v6  }
0x400: {  	v22 =	vld.idx.msk [tilespmem:v10+s23+$0x0], $0xffff;
	[tilespmem:s20+$0xFFFFF590] =	vst v14;
	v6 =	vadd.s32 v31, v5  }
0x401: {  	v0 =	vadd.s32 v43, v4;
	[tilespmem:$0x1F7A0] =	vst v6  }
0x402: {  	v1 =	vld.idx.msk [tilespmem:v1+s23+$0x0], $0xffff;
	[tilespmem:s20+$0xFFFFF610] =	vst v17;
	v6 =	vadd.s32 v32, v5  }
0x403: {  	v21 =	vadd.s32 v44, v4;
	[tilespmem:$0x1F7B0] =	vst v6  }
0x404: {  	v25 =	vld.idx.msk [tilespmem:v19+s23+$0x0], $0xffff;
	[tilespmem:s20+$0xFFFFF690] =	vst v18;
	v6 =	vadd.s32 v33, v5  }
0x405: {  	[tilespmem:$0x1F7C0] =	vst v6  }
0x406: {  	v0 =	vld.idx.msk [tilespmem:v0+s23+$0x0], $0xffff;
	[tilespmem:s20+$0xFFFFF710] =	vst v2;
	v6 =	vadd.s32 v34, v5  }
0x407: {  	v8 =	vld [tilespmem:$0x1FF90];
	[tilespmem:$0x1F7D0] =	vst v6  }
0x408: {  	v23 =	vadd.s32 v45, v4;
	v27 =	vld.idx.msk [tilespmem:v21+s23+$0x0], $0xffff;
	[tilespmem:s20+$0xFFFFF790] =	vst v3;
	v6 =	vadd.s32 v35, v5  }
0x409: {  	v24 =	vadd.s32 v46, v4;
	v7 =	vld [tilespmem:$0x1FEE0];
	[tilespmem:$0x1F7E0] =	vst v6;
	v6 =	vadd.s32 v36, v5  }
0x40a: {  	v26 =	vadd.s32 v47, v4;
	v14 =	vld [tilespmem:$0x1FF50];
	[tilespmem:$0x1F7F0] =	vst v6;
	v6 =	vadd.s32 v37, v5  }
0x40b: {  	v17 =	vld [tilespmem:$0x1FC50];
	v2 =	vadd.s32 v48, v4;
	[tilespmem:$0x1F800] =	vst v6;
	v6 =	vadd.s32 v38, v5  }
0x40c: {  	v3 =	vadd.s32 v49, v4;
	[tilespmem:$0x1F810] =	vst v6;
	v6 =	vld [tilespmem:$0x1FED0]  }
0x40d: {  	v28 =	vld.idx.msk [tilespmem:v23+s23+$0x0], $0xffff;
	[tilespmem:s20+$0xFFFFF810] =	vst v20  }
0x40e: {  	v23 =	vadd.s32 v50, v4;
	v29 =	vld.idx.msk [tilespmem:v24+s23+$0x0], $0xffff;
	[tilespmem:s20+$0xFFFFF890] =	vst v22  }
0x40f: {  	v24 =	vadd.s32 v51, v4;
	v26 =	vld.idx.msk [tilespmem:v26+s23+$0x0], $0xffff;
	[tilespmem:s20+$0xFFFFF910] =	vst v1  }
0x410: {  	v1 =	vadd.s32 v52, v4;
	v2 =	vld.idx.msk [tilespmem:v2+s23+$0x0], $0xffff;
	[tilespmem:s20+$0xFFFFF990] =	vst v25  }
0x411: {  	v3 =	vld.idx.msk [tilespmem:v3+s23+$0x0], $0xffff;
	v30 =	vadd.s32 v6, v4  }
0x412: {  	v37 =	vadd.s32 v7, v5;
	[tilespmem:s20+$0xFFFFFA10] =	vst v0;
	v0 =	vadd.s32 v7, v4;
	v7 =	vld [tilespmem:$0x1FF80]  }
0x413: {  	v18 =	vadd.s32 v55, v4;
	v31 =	vld.idx.msk [tilespmem:v23+s23+$0x0], $0xffff;
	[tilespmem:s20+$0xFFFFFA90] =	vst v27  }
0x414: {  	v53 =	vadd.s32 v56, v4;
	v19 =	vld.idx.msk [tilespmem:v24+s23+$0x0], $0xffff;
	[tilespmem:s20+$0xFFFFFB10] =	vst v28  }
0x415: {  	v60 =	vadd.s32 v57, v4;
	v1 =	vld.idx.msk [tilespmem:v1+s23+$0x0], $0xffff;
	[tilespmem:s20+$0xFFFFFB90] =	vst v29  }
0x416: {  	v63 =	vld.idx.msk [tilespmem:v30+s23+$0x0], $0xffff;
	[tilespmem:s20+$0xFFFFFC10] =	vst v26  }
0x417: {  	v9 =	vadd.s32 v58, v4;
	v0 =	vld.idx.msk [tilespmem:v0+s23+$0x0], $0xffff;
	[tilespmem:s20+$0xFFFFFC90] =	vst v2  }
0x418: {  	v10 =	vld.idx.msk [tilespmem:v18+s23+$0x0], $0xffff;
	[tilespmem:s20+$0xFFFFFD10] =	vst v3  }
0x419: {  	v2 =	vadd.s32 v59, v4;
	v11 =	vld.idx.msk [tilespmem:v53+s23+$0x0], $0xffff;
	[tilespmem:s20+$0xFFFFFD90] =	vst v31  }
0x41a: {  	v40 =	vld.idx.msk [tilespmem:v60+s23+$0x0], $0xffff  }
0x41b: {  	v3 =	vadd.s32 v54, v4;
	[tilespmem:s20+$0xFFFFFE10] =	vst v19;
	v60 =	vld [tilespmem:$0x1FC70]  }
0x41c: {  	v30 =	vadd.s32 v48, v5;
	v31 =	vadd.s32 v14, v4;
	v48 =	vld.idx.msk [tilespmem:v9+s23+$0x0], $0xffff  }
0x41d: {  	[tilespmem:s20+$0xFFFFFE90] =	vst v1;
	v9 =	vld [tilespmem:$0x1FFA0]  }
0x41e: {  	v12 =	vadd.s32 v61, v4;
	v2 =	vld.idx.msk [tilespmem:v2+s23+$0x0], $0xffff  }
0x41f: {  	[tilespmem:s20+$0xFFFFFF10] =	vst v63;
	v63 =	vld [tilespmem:$0x1FC60]  }
0x420: {  	v3 =	vld.idx.msk [tilespmem:v3+s23+$0x0], $0xffff;
	[tilespmem:s20+$0xFFFFFF90] =	vst v0  }
0x421: {  	v1 =	vadd.s32 v62, v4;
	v31 =	vld.idx.msk [tilespmem:v31+s23+$0x0], $0xffff  }
0x422: {  	[tilespmem:s20+$0x10] =	vst v10;
	v10 =	vld [tilespmem:$0x1FFB0]  }
0x423: {  	v32 =	vadd.s32 v49, v5;
	v49 =	vadd.s32 v17, v4;
	v53 =	vld.idx.msk [tilespmem:v12+s23+$0x0], $0xffff  }
0x424: {  	[tilespmem:s20+$0x90] =	vst v11;
	v11 =	vld [tilespmem:$0x1FFC0];
	v0 =	vadd.s32 v63, v4  }
0x425: {  	v34 =	vadd.s32 v51, v5;
	v51 =	vadd.s32 v60, v4;
	v12 =	vld [tilespmem:$0x1FFD0]  }
0x426: {  	v13 =	vmov v57;
	v57 =	vmov v62;
	v62 =	vadd.s32 v8, v4;
	v1 =	vld.idx.msk [tilespmem:v1+s23+$0x0], $0xffff  }
0x427: {  	[tilespmem:s20+$0x110] =	vst v40;
	v40 =	vadd.s32 v13, v5;
	v13 =	vld [tilespmem:$0x1FFE0]  }
0x428: {  	v18 =	vld.idx.msk [tilespmem:v49+s23+$0x0], $0xffff;
	[tilespmem:s20+$0x190] =	vst v48  }
0x429: {  	v0 =	vld.idx.msk [tilespmem:v0+s23+$0x0], $0xffff;
	[tilespmem:s20+$0x210] =	vst v2  }
0x42a: {  	v39 =	vadd.s32 v56, v5;
	v56 =	vld.idx.msk [tilespmem:v51+s23+$0x0], $0xffff;
	[tilespmem:s20+$0x290] =	vst v3  }
0x42b: {  	v16 =	vadd.s32 v9, v4;
	v49 =	vld.idx.msk [tilespmem:v62+s23+$0x0], $0xffff  }
0x42c: {  	v62 =	vld [tilespmem:$0x1FFF0]  }
0x42d: {  	v29 =	vadd.s32 v47, v5;
	v47 =	vadd.s32 v17, v5;
	v17 =	vld [tilespmem:$0x1FCC0];
	v19 =	vadd.s32 v10, v4  }
0x42e: {  	v36 =	vadd.s32 v6, v5;
	v6 =	vld [tilespmem:$0x1FC80];
	v2 =	vadd.s32 v11, v4  }
0x42f: {  	v26 =	vadd.s32 v44, v5;
	v44 =	vadd.s32 v14, v5;
	v14 =	vld [tilespmem:$0x1FC90];
	v3 =	vadd.s32 v12, v4;
	[tilespmem:s20+$0x310] =	vst v31  }
0x430: {  	v33 =	vadd.s32 v50, v5;
	v31 =	vadd.s32 v13, v4;
	v50 =	vld.idx.msk [tilespmem:v16+s23+$0x0], $0xffff  }
0x431: {  	v23 =	vadd.s32 v41, v5;
	v41 =	vadd.s32 v58, v5;
	[tilespmem:s20+$0x390] =	vst v53;
	v16 =	vld [tilespmem:$0x1FCA0];
	v58 =	vadd.s32 v62, v4  }
0x432: {  	v35 =	vadd.s32 v52, v5;
	v52 =	vld.idx.msk [tilespmem:v19+s23+$0x0], $0xffff;
	[tilespmem:s20+$0x410] =	vst v1  }
0x433: {  	v2 =	vld.idx.msk [tilespmem:v2+s23+$0x0], $0xffff;
	[tilespmem:s20+$0x490] =	vst v18  }
0x434: {  	v3 =	vld.idx.msk [tilespmem:v3+s23+$0x0], $0xffff;
	[tilespmem:s20+$0x510] =	vst v0  }
0x435: {  	v1 =	vadd.s32 v7, v4;
	v31 =	vld.idx.msk [tilespmem:v31+s23+$0x0], $0xffff;
	[tilespmem:s20+$0x590] =	vst v56  }
0x436: {  	v38 =	vadd.s32 v55, v5;
	v55 =	vld.idx.msk [tilespmem:v58+s23+$0x0], $0xffff  }
0x437: {  	v58 =	vld [tilespmem:$0x1FCB0]  }
0x438: {  	v19 =	vld [tilespmem:$0x1FCE0]  }
0x439: {  	v53 =	vadd.s32 v6, v4;
	v18 =	vld [tilespmem:$0x1FCD0];
	[tilespmem:s20+$0x610] =	vst v49  }
0x43a: {  	v15 =	vadd.s32 v43, v5;
	v0 =	vadd.s32 v14, v4;
	v1 =	vld.idx.msk [tilespmem:v1+s23+$0x0], $0xffff  }
0x43b: {  	v43 =	vadd.s32 v54, v5;
	v54 =	vadd.s32 v16, v4;
	[tilespmem:s20+$0x690] =	vst v50;
	v50 =	vadd.s32 v8, v5;
	v8 =	vld [tilespmem:$0x1F920]  }
0x43c: {  	v56 =	vadd.s32 v58, v4  }
0x43d: {  	v28 =	vadd.s32 v46, v5;
	v46 =	vadd.s32 v57, v5;
	v57 =	vadd.s32 v17, v4  }
0x43e: {  	v53 =	vld.idx.msk [tilespmem:v53+s23+$0x0], $0xffff;
	[tilespmem:s20+$0x710] =	vst v52;
	v52 =	vadd.s32 v18, v4  }
0x43f: {  	v48 =	vadd.s32 v63, v5;
	v63 =	vld.idx.msk [tilespmem:v0+s23+$0x0], $0xffff;
	[tilespmem:s20+$0x790] =	vst v2;
	v0 =	vadd.s32 v19, v4  }
0x440: {  	v42 =	vadd.s32 v59, v5;
	v59 =	vld.idx.msk [tilespmem:v54+s23+$0x0], $0xffff;
	[tilespmem:s20+$0x810] =	vst v3;
	v2 =	vadd.s32 v8, v4  }
0x441: {  	v56 =	vld.idx.msk [tilespmem:v56+s23+$0x0], $0xffff;
	[tilespmem:s20+$0x890] =	vst v31  }
0x442: {  	v3 =	vld.idx.msk [tilespmem:v57+s23+$0x0], $0xffff;
	[tilespmem:s20+$0x910] =	vst v55  }
0x443: {  	v25 =	vld.idx.msk [tilespmem:v52+s23+$0x0], $0xffff;
	[tilespmem:s20+$0x990] =	vst v1  }
0x444: {  	v31 =	vld.idx.msk [tilespmem:v0+s23+$0x0], $0xffff;
	[tilespmem:s20+$0xA10] =	vst v53  }
0x445: {  	v53 =	vld.idx.msk [tilespmem:v2+s23+$0x0], $0xffff  }
0x446: {  	v2 =	vadd.s32 v7, v5;
	v7 =	vld [tilespmem:$0x1F730];
	_ =	sdelay $0x4  }
0x447: {  	v20 =	vld [tilespmem:$0x1F940]  }
0x448: {  	v21 =	vld [tilespmem:$0x1F950];
	_ =	sdelay $0x1  }
0x449: {  	[tilespmem:s20+$0xA90] =	vst v63;
	v63 =	vadd.s32 v14, v5;
	v14 =	vadd.s32 v16, v5;
	v16 =	vld.idx.msk [tilespmem:v7+s23+$0x0], $0xffff  }
0x44a: {  	v7 =	vld [tilespmem:$0x1F740]  }
0x44b: {  	v51 =	vadd.s32 v9, v5;
	v9 =	vadd.s32 v20, v4  }
0x44c: {  	v54 =	vadd.s32 v10, v5;
	v10 =	vadd.s32 v21, v4;
	_ =	sdelay $0x3  }
0x44d: {  	v0 =	vld.idx.msk [tilespmem:v9+s23+$0x0], $0xffff;
	[tilespmem:s20+$0xB10] =	vst v59  }
0x44e: {  	v9 =	vld.idx.msk [tilespmem:v10+s23+$0x0], $0xffff  }
0x44f: {  	[tilespmem:s20+$0xB90] =	vst v56;
	v56 =	vadd.s32 v17, v5;
	v17 =	vld.idx.msk [tilespmem:v7+s23+$0x0], $0xffff  }
0x450: {  	v7 =	vld [tilespmem:$0x1F760];
	_ =	sdelay $0x6  }
0x451: {  	v22 =	vld [tilespmem:$0x1F960]  }
0x452: {  	v59 =	vadd.s32 v18, v5;
	v18 =	vld.idx.msk [tilespmem:v7+s23+$0x0], $0xffff  }
0x453: {  	v7 =	vld [tilespmem:$0x1F770];
	_ =	sdelay $0x1  }
0x454: {  	v24 =	vld [tilespmem:$0x1F970];
	_ =	sdelay $0x2  }
0x455: {  	v52 =	vadd.s32 v22, v4;
	_ =	sdelay $0x1  }
0x456: {  	v4 =	vadd.s32 v24, v4  }
0x457: {  	v55 =	vadd.s32 v19, v5;
	v19 =	vld.idx.msk [tilespmem:v7+s23+$0x0], $0xffff  }
0x458: {  	v7 =	vld [tilespmem:$0x1F780]  }
0x459: {  	v10 =	vld.idx.msk [tilespmem:v52+s23+$0x0], $0xffff  }
0x45a: {  	[tilespmem:s20+$0xC10] =	vst v3;
	v3 =	vld [tilespmem:$0x1F720]  }
0x45b: {  	v49 =	vadd.s32 v60, v5;
	v60 =	vadd.s32 v58, v5;
	v58 =	vld.idx.msk [tilespmem:v4+s23+$0x0], $0xffff;
	_ =	sdelay $0x3  }
0x45c: {  	[tilespmem:s20+$0xE10] =	vst v0;
	v0 =	vld [tilespmem:$0x1F750]  }
0x45d: {  	[tilespmem:s20+$0xF90] =	vst v58;
	v58 =	vld.idx.msk [tilespmem:v7+s23+$0x0], $0xffff  }
0x45e: {  	v7 =	vld [tilespmem:$0x1F790];
	_ =	sdelay $0x1  }
0x45f: {  	v27 =	vadd.s32 v45, v5;
	v45 =	vadd.s32 v61, v5;
	v61 =	vadd.s32 v12, v5;
	v12 =	vld.idx.msk [tilespmem:v3+s23+$0x0], $0xffff;
	_ =	sdelay $0x4  }
0x460: {  	v0 =	vld.idx.msk [tilespmem:v0+s23+$0x0], $0xffff;
	[tilespmem:s20+$0xFFFFF000] =	vst v12  }
0x461: {  	v12 =	vld.idx.msk [tilespmem:v7+s23+$0x0], $0xffff  }
0x462: {  	v7 =	vld [tilespmem:$0x1F7A0];
	_ =	sdelay $0x6  }
0x463: {  	[tilespmem:s20+$0xFFFFF080] =	vst v16  }
0x464: {  	v1 =	vadd.s32 v13, v5;
	v13 =	vld.idx.msk [tilespmem:v7+s23+$0x0], $0xffff  }
0x465: {  	v7 =	vld [tilespmem:$0x1F7B0];
	_ =	sdelay $0x6  }
0x466: {  	[tilespmem:s20+$0xFFFFF100] =	vst v17  }
0x467: {  	v7 =	vld.idx.msk [tilespmem:v7+s23+$0x0], $0xffff  }
0x468: {  	[tilespmem:s20+$0xFFFFF180] =	vst v0;
	v0 =	vld [tilespmem:$0x1F7C0];
	_ =	sdelay $0x1  }
0x469: {  	v16 =	vld [tilespmem:$0x1F7D0];
	_ =	sdelay $0x4  }
0x46a: {  	v17 =	vld [tilespmem:$0x1F7E0]  }
0x46b: {  	v0 =	vld.idx.msk [tilespmem:v0+s23+$0x0], $0xffff  }
0x46c: {  	[tilespmem:s20+$0xFFFFF200] =	vst v18;
	v18 =	vld [tilespmem:$0x1F7F0]  }
0x46d: {  	[tilespmem:s20+$0xE90] =	vst v9;
	v9 =	vld.idx.msk [tilespmem:v16+s23+$0x0], $0xffff  }
0x46e: {  	[tilespmem:s20+$0xFFFFF280] =	vst v19;
	v19 =	vld [tilespmem:$0x1F800]  }
0x46f: {  	[tilespmem:s20+$0xD90] =	vst v53;
	v53 =	vld [tilespmem:$0x1F810];
	_ =	sdelay $0x3  }
0x470: {  	[tilespmem:s20+$0xF10] =	vst v10  }
0x471: {  	v10 =	vld.idx.msk [tilespmem:v17+s23+$0x0], $0xffff;
	[tilespmem:s20+$0xFFFFF300] =	vst v58  }
0x472: {  	v57 =	vadd.s32 v11, v5;
	v11 =	vld.idx.msk [tilespmem:v18+s23+$0x0], $0xffff;
	[tilespmem:s20+$0xFFFFF380] =	vst v12  }
0x473: {  	v12 =	vld.idx.msk [tilespmem:v19+s23+$0x0], $0xffff;
	[tilespmem:s20+$0xFFFFF400] =	vst v13  }
0x474: {  	v13 =	vld.idx.msk [tilespmem:v53+s23+$0x0], $0xffff  }
0x475: {  	[tilespmem:s20+$0xFFFFF480] =	vst v7;
	v7 =	vld [tilespmem:$0x1F820];
	_ =	sdelay $0x7  }
0x476: {  	v7 =	vld.idx.msk [tilespmem:v7+s23+$0x0], $0xffff  }
0x477: {  	[tilespmem:s20+$0xFFFFF500] =	vst v0;
	v0 =	vld [tilespmem:$0x1F830];
	_ =	sdelay $0x1  }
0x478: {  	v58 =	vld [tilespmem:$0x1F840];
	_ =	sdelay $0x1  }
0x479: {  	v52 =	vadd.s32 v8, v5;
	v8 =	vadd.s32 v22, v5;
	v22 =	vld [tilespmem:$0x1FD10]  }
0x47a: {  	v4 =	vadd.s32 v21, v5;
	v21 =	vld [tilespmem:$0x1FD00]  }
0x47b: {  	[tilespmem:s20+$0xD10] =	vst v31;
	v31 =	vld [tilespmem:$0x1FD70]  }
0x47c: {  	v53 =	vld [tilespmem:$0x1FCF0]  }
0x47d: {  	v0 =	vld.idx.msk [tilespmem:v0+s23+$0x0], $0xffff;
	[tilespmem:s20+$0xFFFFF580] =	vst v9  }
0x47e: {  	v9 =	vld.idx.msk [tilespmem:v23+s23+$0x0], $0xffff;
	[tilespmem:s20+$0xFFFFF600] =	vst v10  }
0x47f: {  	v10 =	vld.idx.msk [tilespmem:v58+s23+$0x0], $0xffff  }
0x480: {  	[tilespmem:s20+$0xFFFFF680] =	vst v11;
	v58 =	vld [tilespmem:$0x1FF20]  }
0x481: {  	v11 =	vld.idx.msk [tilespmem:v15+s23+$0x0], $0xffff;
	[tilespmem:s20+$0xFFFFF700] =	vst v12  }
0x482: {  	v12 =	vld.idx.msk [tilespmem:v26+s23+$0x0], $0xffff  }
0x483: {  	v26 =	vld [tilespmem:$0x1FD20];
	[tilespmem:s20+$0xFFFFF780] =	vst v13  }
0x484: {  	v13 =	vld.idx.msk [tilespmem:v27+s23+$0x0], $0xffff  }
0x485: {  	v27 =	vld [tilespmem:$0x1FD30];
	[tilespmem:s20+$0xFFFFF800] =	vst v7  }
0x486: {  	v7 =	vld.idx.msk [tilespmem:v28+s23+$0x0], $0xffff  }
0x487: {  	v28 =	vld [tilespmem:$0x1FD40];
	[tilespmem:s20+$0xFFFFF880] =	vst v0  }
0x488: {  	v0 =	vld.idx.msk [tilespmem:v29+s23+$0x0], $0xffff  }
0x489: {  	v29 =	vld [tilespmem:$0x1FD50];
	[tilespmem:s20+$0xFFFFF900] =	vst v9  }
0x48a: {  	v9 =	vld.idx.msk [tilespmem:v30+s23+$0x0], $0xffff  }
0x48b: {  	v30 =	vld [tilespmem:$0x1FD60];
	[tilespmem:s20+$0xFFFFF980] =	vst v10  }
0x48c: {  	v10 =	vld.idx.msk [tilespmem:v32+s23+$0x0], $0xffff  }
0x48d: {  	v32 =	vld [tilespmem:$0x1FD80];
	[tilespmem:s20+$0xFFFFFA00] =	vst v11  }
0x48e: {  	v11 =	vld.idx.msk [tilespmem:v33+s23+$0x0], $0xffff  }
0x48f: {  	v33 =	vld [tilespmem:$0x1FD90];
	[tilespmem:s20+$0xFFFFFA80] =	vst v12  }
0x490: {  	v12 =	vld.idx.msk [tilespmem:v34+s23+$0x0], $0xffff  }
0x491: {  	v34 =	vld [tilespmem:$0x1FDA0];
	[tilespmem:s20+$0xFFFFFB00] =	vst v13  }
0x492: {  	v13 =	vld.idx.msk [tilespmem:v35+s23+$0x0], $0xffff  }
0x493: {  	v35 =	vld [tilespmem:$0x1FDB0];
	[tilespmem:s20+$0xFFFFFB80] =	vst v7  }
0x494: {  	v7 =	vld.idx.msk [tilespmem:v36+s23+$0x0], $0xffff  }
0x495: {  	v36 =	vld [tilespmem:$0x1FDC0];
	[tilespmem:s20+$0xFFFFFC00] =	vst v0  }
0x496: {  	v0 =	vld.idx.msk [tilespmem:v37+s23+$0x0], $0xffff  }
0x497: {  	v37 =	vld [tilespmem:$0x1FDD0];
	[tilespmem:s20+$0xFFFFFC80] =	vst v9  }
0x498: {  	v9 =	vld.idx.msk [tilespmem:v38+s23+$0x0], $0xffff  }
0x499: {  	v38 =	vld [tilespmem:$0x1FDE0];
	[tilespmem:s20+$0xFFFFFD00] =	vst v10  }
0x49a: {  	v10 =	vld.idx.msk [tilespmem:v39+s23+$0x0], $0xffff  }
0x49b: {  	v39 =	vld [tilespmem:$0x1FDF0];
	[tilespmem:s20+$0xFFFFFD80] =	vst v11  }
0x49c: {  	v11 =	vld.idx.msk [tilespmem:v40+s23+$0x0], $0xffff  }
0x49d: {  	v40 =	vld [tilespmem:$0x1FE00];
	[tilespmem:s20+$0xFFFFFE00] =	vst v12  }
0x49e: {  	v12 =	vld.idx.msk [tilespmem:v41+s23+$0x0], $0xffff  }
0x49f: {  	v41 =	vld [tilespmem:$0x1FE10];
	[tilespmem:s20+$0xFFFFFE80] =	vst v13  }
0x4a0: {  	v13 =	vld.idx.msk [tilespmem:v42+s23+$0x0], $0xffff  }
0x4a1: {  	v42 =	vld [tilespmem:$0x1FE20];
	[tilespmem:s20+$0xFFFFFF00] =	vst v7  }
0x4a2: {  	v7 =	vld.idx.msk [tilespmem:v43+s23+$0x0], $0xffff  }
0x4a3: {  	v43 =	vld [tilespmem:$0x1FE30];
	[tilespmem:s20+$0xFFFFFF80] =	vst v0  }
0x4a4: {  	v0 =	vld.idx.msk [tilespmem:v44+s23+$0x0], $0xffff  }
0x4a5: {  	v44 =	vld [tilespmem:$0x1FE40];
	[tilespmem:s20+$0x0] =	vst v9  }
0x4a6: {  	v9 =	vld.idx.msk [tilespmem:v45+s23+$0x0], $0xffff  }
0x4a7: {  	v45 =	vld [tilespmem:$0x1FE50];
	[tilespmem:s20+$0x80] =	vst v10  }
0x4a8: {  	v10 =	vld.idx.msk [tilespmem:v46+s23+$0x0], $0xffff  }
0x4a9: {  	v46 =	vld [tilespmem:$0x1FE60];
	[tilespmem:s20+$0x100] =	vst v11  }
0x4aa: {  	v11 =	vld.idx.msk [tilespmem:v47+s23+$0x0], $0xffff  }
0x4ab: {  	v47 =	vld [tilespmem:$0x1FE70];
	[tilespmem:s20+$0x180] =	vst v12  }
0x4ac: {  	v12 =	vld.idx.msk [tilespmem:v48+s23+$0x0], $0xffff  }
0x4ad: {  	v48 =	vld [tilespmem:$0x1FE80];
	[tilespmem:s20+$0x200] =	vst v13  }
0x4ae: {  	v13 =	vld.idx.msk [tilespmem:v49+s23+$0x0], $0xffff  }
0x4af: {  	v49 =	vld [tilespmem:$0x1FE90];
	[tilespmem:s20+$0x280] =	vst v7  }
0x4b0: {  	v7 =	vld.idx.msk [tilespmem:v50+s23+$0x0], $0xffff  }
0x4b1: {  	v50 =	vld [tilespmem:$0x1FEA0];
	[tilespmem:s20+$0x300] =	vst v0  }
0x4b2: {  	v0 =	vld.idx.msk [tilespmem:v51+s23+$0x0], $0xffff  }
0x4b3: {  	v51 =	vld [tilespmem:$0x1FEB0];
	[tilespmem:s20+$0x380] =	vst v9  }
0x4b4: {  	v9 =	vld.idx.msk [tilespmem:v54+s23+$0x0], $0xffff  }
0x4b5: {  	[tilespmem:s20+$0x400] =	vst v10;
	v54 =	vld [tilespmem:$0x1FF40]  }
0x4b6: {  	v62 =	vadd.s32 v62, v5;
	v10 =	vld.idx.msk [tilespmem:v57+s23+$0x0], $0xffff  }
0x4b7: {  	v57 =	vld [tilespmem:$0x1FF10];
	[tilespmem:s20+$0x480] =	vst v11  }
0x4b8: {  	v11 =	vld.idx.msk [tilespmem:v61+s23+$0x0], $0xffff  }
0x4b9: {  	v6 =	vadd.s32 v6, v5;
	[tilespmem:s20+$0x500] =	vst v12;
	v61 =	vld [tilespmem:$0x1FF60]  }
0x4ba: {  	v1 =	vld.idx.msk [tilespmem:v1+s23+$0x0], $0xffff;
	[tilespmem:s20+$0x580] =	vst v13  }
0x4bb: {  	v12 =	vld.idx.msk [tilespmem:v62+s23+$0x0], $0xffff  }
0x4bc: {  	[tilespmem:s20+$0x600] =	vst v7;
	v62 =	vld [tilespmem:$0x1FF70]  }
0x4bd: {  	v2 =	vld.idx.msk [tilespmem:v2+s23+$0x0], $0xffff;
	[tilespmem:s20+$0x680] =	vst v0  }
0x4be: {  	v6 =	vld.idx.msk [tilespmem:v6+s23+$0x0], $0xffff;
	[tilespmem:s20+$0x700] =	vst v9  }
0x4bf: {  	v7 =	vld.idx.msk [tilespmem:v63+s23+$0x0], $0xffff;
	[tilespmem:s20+$0x780] =	vst v10  }
0x4c0: {  	v9 =	vld.idx.msk [tilespmem:v14+s23+$0x0], $0xffff;
	[tilespmem:s20+$0x800] =	vst v11  }
0x4c1: {  	v10 =	vld.idx.msk [tilespmem:v60+s23+$0x0], $0xffff;
	[tilespmem:s20+$0x880] =	vst v1  }
0x4c2: {  	v11 =	vld.idx.msk [tilespmem:v56+s23+$0x0], $0xffff  }
0x4c3: {  	v56 =	vld [tilespmem:$0x1FF00];
	[tilespmem:s20+$0x900] =	vst v12  }
0x4c4: {  	v0 =	vld.idx.msk [tilespmem:v59+s23+$0x0], $0xffff  }
0x4c5: {  	v3 =	vadd.s32 v20, v5;
	v59 =	vld [tilespmem:$0x1FF30];
	[tilespmem:s20+$0x980] =	vst v2  }
0x4c6: {  	v1 =	vld.idx.msk [tilespmem:v55+s23+$0x0], $0xffff  }
0x4c7: {  	s21 =	sadd.s32 $0x2, s21;
	v55 =	vld [tilespmem:$0x1FEF0];
	[tilespmem:s20+$0xA00] =	vst v6  }
0x4c8: {  	p1 =	slt.u32 s21, $0x6;
	v5 =	vadd.s32 v24, v5;
	v2 =	vld.idx.msk [tilespmem:v52+s23+$0x0], $0xffff  }
.Ltmp8:
0x4c9: {  	v52 =	vld [tilespmem:$0x1FEC0];
	[tilespmem:s20+$0xA80] =	vst v7;
	(pc) =	sbr.rel @p1 .LBB2_10-.Ltmp8, $4  }
0x4ca: {  	v7 =	vld.idx.msk [tilespmem:v3+s23+$0x0], $0xffff;
	[tilespmem:s20+$0xB00] =	vst v9  }
0x4cb: {  	v6 =	vld.idx.msk [tilespmem:v4+s23+$0x0], $0xffff;
	[tilespmem:s20+$0xB80] =	vst v10  }
0x4cc: {  	v4 =	vld.idx.msk [tilespmem:v8+s23+$0x0], $0xffff;
	[tilespmem:s20+$0xC00] =	vst v11  }
0x4cd: {  	s22 =	sadd.s32 $0x20, s22;
	v23 =	vimm.s32 $0x0;
	v5 =	vld.idx.msk [tilespmem:v5+s23+$0x0], $0xffff  }
0x4ce: {  	[tilespmem:s20+$0xD00] =	vst v1  }
0x4cf: {  	[tilespmem:s20+$0xD80] =	vst v2  }
0x4d0: {  	[tilespmem:s20+$0xC80] =	vst v0  }
0x4d1: {  	[tilespmem:s20+$0xC90] =	vst v25  }
0x4d2: {  	[tilespmem:s20+$0xE00] =	vst v7  }
0x4d3: {  	[tilespmem:s20+$0xE80] =	vst v6  }
0x4d4: {  	s18 =	sshll.u32 s18, $0xC;
	[tilespmem:s20+$0xF00] =	vst v4  }
0x4d5: {  	s18 =	sadd.s32 s18, s12;
	[tilespmem:s20+$0xF80] =	vst v5  }
0x4d6: {  	[hbm4b:s18+s25] =	stream.strided.scatter [tilespmem:s30], [sflag:$0x5], $0x2000, s26, s25, $0x38;
	[tilespmem:$0x18880] =	vst v63  }
0x4d7: {  	s18 =	sadd.s32 $0x4, s17  }
0x4d8: {  	p1 =	sge.u32 s18, s7  }
0x4d9: {  	s18 =	sshll.u32 @!p1 s18, $0xC  }
0x4da: {  	s20 =	simm.s32 @!p1 $0x0;
	s21 =	simm.s32 @!p1 $0x11880;
	s18 =	sadd.s32 @!p1 s18, s6  }
0x4db: {  	[tilespmem:s21], [sflag:$0x2] =	stream.linear.gather @!p1 [hbm4b:s18+s20], $0x400, $0x38;
	[tilespmem:$0x18880] =	vst v63  }
0x4dc: {  	s18 =	sadd.s32 @!p1 $0xC3500, s18;
	s21 =	simm.s32 @!p1 $0x11C80  }
0x4dd: {  	v0 =	vld [tilespmem:$0x1FF80];
	[tilespmem:s21], [sflag:$0x2] =	stream.linear.gather @!p1 [hbm4b:s18+s20], $0x280, $0x38  }
.LBB2_12:
0x4de: {  	p1 =	sgt.u32 @!p0 s17, s7;
	s18 =	sadd.s32 $0x2, s17  }
0x4df: {  	p0 =	por p1, p0;
	p1 =	sge.u32 s18, s7  }
.Ltmp9:
0x4e0: {  	_ = 	snop;
	(pc) =	sbr.rel @p1 .LBB2_16-.Ltmp9, $4  }
0x4e1: {  	s20 =	simm.s32 @!p0 $0x6  }
0x4e2: {  	_ =	swait.ge @!p0 [sflag:s20], $0x2000  }
0x4e3: {  	[sflag:s20] =	ssyncset.done @!p0 $0x0  }
0x4e4: {  	[sflag:s20] =	ssyncadd.s32 @!p0 $0xFFFFE000  }
0x4e5: {  	_ =	swait.ge [sflag:s31], $0x680  }
0x4e6: {  	[sflag:s31] =	ssyncset.done $0x0  }
0x4e7: {  	s20 =	simm.s32 $0x12390;
	[sflag:s31] =	ssyncadd.s32 $0xFFFFF980  }
0x4e8: {  	v0 =	vld [tilespmem:s20+$0x280]  }
0x4e9: {  	v1 =	vld [tilespmem:s20+$0xFFFFFD00]  }
0x4ea: {  	v2 =	vld [tilespmem:s20+$0xFFFFFF80]  }
0x4eb: {  	v3 =	vld [tilespmem:s20+$0x0]  }
0x4ec: {  	v4 =	vld [tilespmem:s20+$0xFFFFFD80]  }
0x4ed: {  	v5 =	vld [tilespmem:s20+$0x80]  }
0x4ee: {  	v6 =	vld [tilespmem:s20+$0xFFFFFE00]  }
0x4ef: {  	v7 =	vld [tilespmem:s20+$0x100]  }
0x4f0: {  	v8 =	vld [tilespmem:s20+$0xFFFFFE80];
	vm0 =	vgt.f32 v3, v2  }
0x4f1: {  	v9 =	vld [tilespmem:s20+$0x180];
	vm1 =	vgt.f32 v4, v1;
	v2 =	vsel vm0, v3, v2  }
0x4f2: {  	v3 =	vld [tilespmem:s20+$0xFFFFFF00];
	v1 =	vsel vm1, v4, v1;
	vm2 =	vgt.f32 v5, v2  }
0x4f3: {  	v4 =	vld [tilespmem:s20+$0x200];
	vm3 =	vgt.f32 v6, v1;
	v2 =	vsel vm2, v5, v2;
	v5 =	vsel vm1, $0xC, v23  }
0x4f4: {  	v10 =	vld [tilespmem:s20+$0x300];
	v1 =	vsel vm3, v6, v1;
	v6 =	vsel vm0, $0x2, v23;
	vm13 =	vgt.f32 v7, v2  }
0x4f5: {  	v11 =	vld [tilespmem:s20+$0xFFFFFF70];
	vm14 =	vgt.f32 v8, v1;
	v5 =	vsel vm3, $0x18, v5;
	v2 =	vsel vm13, v7, v2  }
0x4f6: {  	v6 =	vsel vm2, $0x4, v6;
	v7 =	vld [tilespmem:s20+$0xFFFFFFF0];
	v5 =	vsel vm14, $0x24, v5;
	vm15 =	vgt.f32 v9, v2  }
0x4f7: {  	v1 =	vsel vm14, v8, v1;
	v6 =	vsel vm13, $0x6, v6;
	v2 =	vsel vm15, v9, v2  }
0x4f8: {  	v8 =	vld [tilespmem:s20+$0x70];
	vm0 =	vgt.f32 v3, v1;
	v1 =	vsel vm15, $0x8, v6;
	vm5 =	vgt.f32 v4, v2  }
0x4f9: {  	v12 =	vld [tilespmem:s20+$0xFFFFFD70];
	vm6 =	vgt.f32 v10, v0;
	v0 =	vsel vm0, $0x30, v5;
	v1 =	vsel vm5, $0xA, v1  }
0x4fa: {  	v2 =	vld [tilespmem:s20+$0xFFFFFCF0];
	v4 =	vsel vm6, $0x1, v23;
	v0 =	vadd.s32 v0, v1  }
0x4fb: {  	v1 =	vld [tilespmem:s20+$0xF0];
	vm7 =	vgt.f32 v7, v11;
	v0 =	vor.u32 v4, v0  }
0x4fc: {  	v3 =	vld [tilespmem:s20+$0xFFFFFDF0];
	v7 =	vsel vm7, v7, v11;
	v20 =	vshll.u32 v0, $0x6  }
0x4fd: {  	v15 =	vsel vm7, $0x2, v23;
	v0 =	vld [tilespmem:s20+$0x170];
	vm8 =	vgt.f32 v8, v7;
	v5 =	vadd.s32 v53, v20  }
0x4fe: {  	v4 =	vld [tilespmem:s20+$0xFFFFFE70];
	v63 =	vadd.s32 v21, v20;
	v13 =	vadd.s32 v22, v20;
	v14 =	vadd.s32 v26, v20  }
0x4ff: {  	v16 =	vld [tilespmem:s20+$0x2F0];
	v17 =	vadd.s32 v27, v20;
	vm9 =	vgt.f32 v12, v2;
	v7 =	vsel vm8, v8, v7  }
0x500: {  	v10 =	vld [tilespmem:s20+$0x1F0];
	v8 =	vadd.s32 v28, v20;
	v2 =	vsel vm9, v12, v2;
	vm10 =	vgt.f32 v1, v7  }
0x501: {  	v6 =	vld [tilespmem:s20+$0xFFFFFEF0];
	v19 =	vadd.s32 v29, v20;
	vm11 =	vgt.f32 v3, v2;
	v1 =	vsel vm10, v1, v7  }
0x502: {  	v11 =	vld [tilespmem:s20+$0x270];
	v15 =	vsel vm8, $0x4, v15;
	v2 =	vsel vm11, v3, v2;
	vm12 =	vgt.f32 v0, v1  }
0x503: {  	v3 =	vadd.s32 v30, v20;
	vm4 =	vgt.f32 v4, v2;
	v5 =	vld.idx.msk [tilespmem:v5+s23+$0x0], $0xffff;
	v0 =	vsel vm12, v0, v1  }
0x504: {  	v9 =	vld.idx.msk [tilespmem:v63+s23+$0x0], $0xffff;
	v1 =	vsel vm9, $0xC, v23;
	v2 =	vsel vm4, v4, v2;
	v4 =	vsel vm10, $0x6, v15  }
0x505: {  	v7 =	vld.idx.msk [tilespmem:v13+s23+$0x0], $0xffff;
	v63 =	vadd.s32 v31, v20;
	vm13 =	vgt.f32 v10, v0;
	v0 =	vsel vm11, $0x18, v1  }
0x506: {  	v13 =	vld.idx.msk [tilespmem:v14+s23+$0x0], $0xffff;
	vm14 =	vgt.f32 v6, v2;
	v2 =	vsel vm12, $0x8, v4;
	v0 =	vsel vm4, $0x24, v0  }
0x507: {  	vm15 =	vgt.f32 v16, v11;
	v60 =	vld.idx.msk [tilespmem:v17+s23+$0x0], $0xffff;
	v2 =	vsel vm13, $0xA, v2;
	v0 =	vsel vm14, $0x30, v0  }
0x508: {  	s20 =	simm.s32 $0x17880;
	v8 =	vld.idx.msk [tilespmem:v8+s23+$0x0], $0xffff;
	v4 =	vadd.s32 v32, v20;
	v6 =	vsel vm15, $0x1, v23;
	v0 =	vadd.s32 v0, v2  }
0x509: {  	v1 =	vld.idx.msk [tilespmem:v19+s23+$0x0], $0xffff;
	[tilespmem:s20+$0xFFFFF010] =	vst v5;
	v5 =	vadd.s32 v33, v20;
	v0 =	vor.u32 v6, v0  }
0x50a: {  	v6 =	vadd.s32 v34, v20;
	v3 =	vld.idx.msk [tilespmem:v3+s23+$0x0], $0xffff;
	[tilespmem:s20+$0xFFFFF090] =	vst v9;
	v19 =	vshll.u32 v0, $0x6  }
0x50b: {  	v2 =	vld.idx.msk [tilespmem:v63+s23+$0x0], $0xffff;
	[tilespmem:s20+$0xFFFFF110] =	vst v7;
	v7 =	vadd.s32 v21, v19  }
0x50c: {  	v17 =	vadd.s32 v22, v19  }
0x50d: {  	v0 =	vld.idx.msk [tilespmem:v4+s23+$0x0], $0xffff;
	v4 =	vadd.s32 v53, v19;
	[tilespmem:s20+$0xFFFFF190] =	vst v13  }
0x50e: {  	v18 =	vadd.s32 v26, v19;
	v5 =	vld.idx.msk [tilespmem:v5+s23+$0x0], $0xffff;
	[tilespmem:s20+$0xFFFFF210] =	vst v60  }
0x50f: {  	v63 =	vadd.s32 v27, v19;
	v6 =	vld.idx.msk [tilespmem:v6+s23+$0x0], $0xffff  }
0x510: {  	v12 =	vadd.s32 v28, v19;
	v7 =	vld.idx.msk [tilespmem:v7+s23+$0x0], $0xffff  }
0x511: {  	v13 =	vadd.s32 v29, v19;
	v9 =	vld.idx.msk [tilespmem:v17+s23+$0x0], $0xffff  }
0x512: {  	v60 =	vadd.s32 v35, v20;
	v4 =	vld.idx.msk [tilespmem:v4+s23+$0x0], $0xffff  }
0x513: {  	v15 =	vadd.s32 v30, v19;
	v10 =	vld.idx.msk [tilespmem:v18+s23+$0x0], $0xffff  }
0x514: {  	v16 =	vadd.s32 v36, v20;
	v11 =	vld.idx.msk [tilespmem:v63+s23+$0x0], $0xffff  }
0x515: {  	v63 =	vadd.s32 v31, v19;
	v12 =	vld.idx.msk [tilespmem:v12+s23+$0x0], $0xffff  }
0x516: {  	[tilespmem:s20+$0xFFFFF290] =	vst v8;
	v18 =	vadd.s32 v37, v20;
	v8 =	vld.idx.msk [tilespmem:v13+s23+$0x0], $0xffff  }
0x517: {  	v13 =	vld.idx.msk [tilespmem:v60+s23+$0x0], $0xffff;
	v60 =	vadd.s32 v32, v19;
	[tilespmem:s20+$0xFFFFF000] =	vst v4  }
0x518: {  	[tilespmem:s20+$0xFFFFF310] =	vst v1;
	v4 =	vadd.s32 v38, v20;
	v1 =	vld.idx.msk [tilespmem:v15+s23+$0x0], $0xffff  }
0x519: {  	v15 =	vld.idx.msk [tilespmem:v16+s23+$0x0], $0xffff;
	v16 =	vadd.s32 v33, v19;
	[tilespmem:s20+$0xFFFFF080] =	vst v7  }
0x51a: {  	v7 =	vadd.s32 v39, v20;
	[tilespmem:s20+$0xFFFFF390] =	vst v3;
	v3 =	vld.idx.msk [tilespmem:v63+s23+$0x0], $0xffff  }
0x51b: {  	v17 =	vld.idx.msk [tilespmem:v18+s23+$0x0], $0xffff;
	v18 =	vadd.s32 v34, v19;
	[tilespmem:s20+$0xFFFFF100] =	vst v9  }
0x51c: {  	v63 =	vadd.s32 v40, v20;
	[tilespmem:s20+$0xFFFFF410] =	vst v2;
	v2 =	vld.idx.msk [tilespmem:v60+s23+$0x0], $0xffff  }
0x51d: {  	v14 =	vadd.s32 v35, v19;
	[tilespmem:s20+$0xFFFFF180] =	vst v10;
	v4 =	vld.idx.msk [tilespmem:v4+s23+$0x0], $0xffff  }
0x51e: {  	v60 =	vadd.s32 v41, v20;
	[tilespmem:s20+$0xFFFFF490] =	vst v0;
	v0 =	vld.idx.msk [tilespmem:v16+s23+$0x0], $0xffff  }
0x51f: {  	v7 =	vld.idx.msk [tilespmem:v7+s23+$0x0], $0xffff;
	v16 =	vadd.s32 v36, v19;
	[tilespmem:s20+$0xFFFFF200] =	vst v11  }
0x520: {  	v11 =	vadd.s32 v42, v20;
	[tilespmem:s20+$0xFFFFF510] =	vst v5;
	v5 =	vld.idx.msk [tilespmem:v18+s23+$0x0], $0xffff  }
0x521: {  	v9 =	vld.idx.msk [tilespmem:v63+s23+$0x0], $0xffff;
	v18 =	vadd.s32 v37, v19;
	[tilespmem:s20+$0xFFFFF280] =	vst v12  }
0x522: {  	v63 =	vadd.s32 v43, v20;
	[tilespmem:s20+$0xFFFFF590] =	vst v6;
	v6 =	vld.idx.msk [tilespmem:v14+s23+$0x0], $0xffff  }
0x523: {  	v10 =	vld.idx.msk [tilespmem:v60+s23+$0x0], $0xffff;
	v60 =	vadd.s32 v38, v19;
	[tilespmem:s20+$0xFFFFF300] =	vst v8  }
0x524: {  	v8 =	vadd.s32 v44, v20;
	[tilespmem:s20+$0xFFFFF610] =	vst v13;
	v13 =	vld.idx.msk [tilespmem:v16+s23+$0x0], $0xffff  }
0x525: {  	v11 =	vld.idx.msk [tilespmem:v11+s23+$0x0], $0xffff;
	v16 =	vadd.s32 v39, v19;
	[tilespmem:s20+$0xFFFFF380] =	vst v1  }
0x526: {  	v1 =	vadd.s32 v45, v20;
	[tilespmem:s20+$0xFFFFF690] =	vst v15;
	v15 =	vld.idx.msk [tilespmem:v18+s23+$0x0], $0xffff  }
0x527: {  	v12 =	vld.idx.msk [tilespmem:v63+s23+$0x0], $0xffff;
	v63 =	vadd.s32 v40, v19;
	[tilespmem:s20+$0xFFFFF400] =	vst v3  }
0x528: {  	v3 =	vadd.s32 v46, v20;
	[tilespmem:s20+$0xFFFFF710] =	vst v17;
	v14 =	vld.idx.msk [tilespmem:v60+s23+$0x0], $0xffff  }
0x529: {  	v8 =	vld.idx.msk [tilespmem:v8+s23+$0x0], $0xffff;
	v60 =	vadd.s32 v41, v19;
	[tilespmem:s20+$0xFFFFF480] =	vst v2  }
0x52a: {  	v2 =	vadd.s32 v47, v20;
	[tilespmem:s20+$0xFFFFF790] =	vst v4;
	v4 =	vld.idx.msk [tilespmem:v16+s23+$0x0], $0xffff  }
0x52b: {  	v1 =	vld.idx.msk [tilespmem:v1+s23+$0x0], $0xffff;
	v16 =	vadd.s32 v42, v19;
	[tilespmem:s20+$0xFFFFF500] =	vst v0  }
0x52c: {  	v0 =	vadd.s32 v48, v20;
	[tilespmem:s20+$0xFFFFF810] =	vst v7;
	v7 =	vld.idx.msk [tilespmem:v63+s23+$0x0], $0xffff  }
0x52d: {  	v3 =	vld.idx.msk [tilespmem:v3+s23+$0x0], $0xffff;
	v63 =	vadd.s32 v43, v19;
	[tilespmem:s20+$0xFFFFF580] =	vst v5  }
0x52e: {  	v5 =	vadd.s32 v49, v20;
	[tilespmem:s20+$0xFFFFF890] =	vst v9;
	v9 =	vld.idx.msk [tilespmem:v60+s23+$0x0], $0xffff  }
0x52f: {  	v2 =	vld.idx.msk [tilespmem:v2+s23+$0x0], $0xffff;
	v60 =	vadd.s32 v44, v19;
	[tilespmem:s20+$0xFFFFF600] =	vst v6  }
0x530: {  	v6 =	vadd.s32 v50, v20;
	[tilespmem:s20+$0xFFFFF910] =	vst v10;
	v10 =	vld.idx.msk [tilespmem:v16+s23+$0x0], $0xffff  }
0x531: {  	v0 =	vld.idx.msk [tilespmem:v0+s23+$0x0], $0xffff;
	[tilespmem:s20+$0xFFFFF680] =	vst v13  }
0x532: {  	v16 =	vadd.s32 v45, v19;
	[tilespmem:s20+$0xFFFFF990] =	vst v11;
	v11 =	vld.idx.msk [tilespmem:v63+s23+$0x0], $0xffff  }
0x533: {  	v5 =	vld.idx.msk [tilespmem:v5+s23+$0x0], $0xffff;
	[tilespmem:s20+$0xFFFFF700] =	vst v15  }
0x534: {  	[tilespmem:s20+$0xFFFFFA10] =	vst v12;
	v12 =	vld.idx.msk [tilespmem:v60+s23+$0x0], $0xffff  }
0x535: {  	v6 =	vld.idx.msk [tilespmem:v6+s23+$0x0], $0xffff;
	[tilespmem:s20+$0xFFFFF780] =	vst v14  }
0x536: {  	v60 =	vld [tilespmem:$0x1FED0];
	[tilespmem:s20+$0xFFFFFA90] =	vst v8  }
0x537: {  	v13 =	vadd.s32 v51, v20;
	v8 =	vld.idx.msk [tilespmem:v16+s23+$0x0], $0xffff;
	[tilespmem:s20+$0xFFFFF800] =	vst v4  }
0x538: {  	v18 =	vadd.s32 v46, v19;
	v25 =	vld [tilespmem:$0x1FEE0]  }
0x539: {  	v15 =	vadd.s32 v52, v20  }
0x53a: {  	v17 =	vadd.s32 v47, v19  }
0x53b: {  	v14 =	vadd.s32 v60, v20  }
0x53c: {  	v13 =	vld.idx.msk [tilespmem:v13+s23+$0x0], $0xffff;
	v16 =	vadd.s32 v48, v19  }
0x53d: {  	[tilespmem:s20+$0xFFFFFB10] =	vst v1;
	v1 =	vld.idx.msk [tilespmem:v18+s23+$0x0], $0xffff;
	v4 =	vadd.s32 v25, v20  }
0x53e: {  	v63 =	vadd.s32 v49, v19;
	[tilespmem:s20+$0xFFFFF880] =	vst v7;
	v15 =	vld.idx.msk [tilespmem:v15+s23+$0x0], $0xffff  }
0x53f: {  	[tilespmem:s20+$0xFFFFFB90] =	vst v3;
	v3 =	vld.idx.msk [tilespmem:v17+s23+$0x0], $0xffff  }
0x540: {  	[tilespmem:s20+$0xFFFFF900] =	vst v9;
	v14 =	vld.idx.msk [tilespmem:v14+s23+$0x0], $0xffff  }
0x541: {  	[tilespmem:s20+$0xFFFFFC10] =	vst v2;
	v2 =	vld.idx.msk [tilespmem:v16+s23+$0x0], $0xffff  }
0x542: {  	[tilespmem:s20+$0xFFFFF980] =	vst v10;
	v4 =	vld.idx.msk [tilespmem:v4+s23+$0x0], $0xffff  }
0x543: {  	[tilespmem:s20+$0xFFFFFC90] =	vst v0;
	v0 =	vld.idx.msk [tilespmem:v63+s23+$0x0], $0xffff  }
0x544: {  	v7 =	vadd.s32 v55, v20  }
0x545: {  	v17 =	vadd.s32 v50, v19  }
0x546: {  	v9 =	vadd.s32 v56, v20  }
0x547: {  	v16 =	vadd.s32 v51, v19  }
0x548: {  	v10 =	vadd.s32 v57, v20;
	[tilespmem:$0x1F590] =	vst v0  }
0x549: {  	v18 =	vadd.s32 v52, v19;
	v7 =	vld.idx.msk [tilespmem:v7+s23+$0x0], $0xffff;
	[tilespmem:s20+$0xFFFFFA00] =	vst v11  }
0x54a: {  	v63 =	vadd.s32 v58, v20;
	[tilespmem:s20+$0xFFFFFD10] =	vst v5;
	v5 =	vld.idx.msk [tilespmem:v17+s23+$0x0], $0xffff  }
0x54b: {  	v9 =	vld.idx.msk [tilespmem:v9+s23+$0x0], $0xffff;
	[tilespmem:s20+$0xFFFFFA80] =	vst v12  }
0x54c: {  	v17 =	vadd.s32 v60, v19;
	[tilespmem:s20+$0xFFFFFD90] =	vst v6;
	v6 =	vld.idx.msk [tilespmem:v16+s23+$0x0], $0xffff  }
0x54d: {  	v12 =	vadd.s32 v59, v20;
	v10 =	vld.idx.msk [tilespmem:v10+s23+$0x0], $0xffff;
	[tilespmem:s20+$0xFFFFFB00] =	vst v8  }
0x54e: {  	v16 =	vadd.s32 v25, v19;
	[tilespmem:s20+$0xFFFFFE10] =	vst v13;
	v13 =	vld.idx.msk [tilespmem:v18+s23+$0x0], $0xffff  }
0x54f: {  	v8 =	vadd.s32 v54, v20;
	v11 =	vld.idx.msk [tilespmem:v63+s23+$0x0], $0xffff;
	[tilespmem:s20+$0xFFFFFB80] =	vst v1  }
0x550: {  	v18 =	vadd.s32 v55, v19;
	v60 =	vld [tilespmem:$0x1FF50]  }
0x551: {  	[tilespmem:s20+$0xFFFFFE90] =	vst v15;
	v15 =	vld.idx.msk [tilespmem:v17+s23+$0x0], $0xffff  }
0x552: {  	v12 =	vld.idx.msk [tilespmem:v12+s23+$0x0], $0xffff;
	[tilespmem:s20+$0xFFFFFC00] =	vst v3  }
0x553: {  	[tilespmem:s20+$0xFFFFFF10] =	vst v14;
	v14 =	vld.idx.msk [tilespmem:v16+s23+$0x0], $0xffff  }
0x554: {  	v8 =	vld.idx.msk [tilespmem:v8+s23+$0x0], $0xffff;
	[tilespmem:s20+$0xFFFFFC80] =	vst v2  }
0x555: {  	[tilespmem:s20+$0xFFFFFF90] =	vst v4;
	v4 =	vld.idx.msk [tilespmem:v18+s23+$0x0], $0xffff  }
0x556: {  	v1 =	vadd.s32 v60, v20;
	_ =	sdelay $0x3  }
0x557: {  	[tilespmem:$0x1F5A0] =	vst v4  }
0x558: {  	v1 =	vld.idx.msk [tilespmem:v1+s23+$0x0], $0xffff;
	_ =	sdelay $0x4  }
0x559: {  	[tilespmem:$0x1F5B0] =	vst v1;
	v1 =	vld [tilespmem:$0x1F590];
	_ =	sdelay $0x1  }
0x55a: {  	v3 =	vadd.s32 v61, v20;
	_ =	sdelay $0x2  }
0x55b: {  	[tilespmem:s20+$0xFFFFFD00] =	vst v1  }
0x55c: {  	v25 =	vld [tilespmem:$0x1FC50];
	[tilespmem:s20+$0x10] =	vst v7  }
0x55d: {  	v17 =	vadd.s32 v56, v19;
	v3 =	vld.idx.msk [tilespmem:v3+s23+$0x0], $0xffff;
	_ =	sdelay $0x2  }
0x55e: {  	v2 =	vadd.s32 v62, v20;
	_ =	sdelay $0x1  }
0x55f: {  	v7 =	vld.idx.msk [tilespmem:v17+s23+$0x0], $0xffff;
	[tilespmem:$0x1F5C0] =	vst v3  }
0x560: {  	[tilespmem:s20+$0xFFFFFD80] =	vst v5  }
0x561: {  	v3 =	vld [tilespmem:$0x1FC60];
	[tilespmem:s20+$0x90] =	vst v9  }
0x562: {  	v63 =	vadd.s32 v57, v19;
	v2 =	vld.idx.msk [tilespmem:v2+s23+$0x0], $0xffff;
	_ =	sdelay $0x2  }
0x563: {  	v1 =	vadd.s32 v25, v20;
	_ =	sdelay $0x1  }
0x564: {  	v9 =	vld.idx.msk [tilespmem:v63+s23+$0x0], $0xffff;
	[tilespmem:$0x1F5D0] =	vst v2  }
0x565: {  	[tilespmem:s20+$0xFFFFFE00] =	vst v6  }
0x566: {  	v24 =	vld [tilespmem:$0x1FC70];
	[tilespmem:s20+$0x110] =	vst v10  }
0x567: {  	v18 =	vadd.s32 v58, v19;
	v1 =	vld.idx.msk [tilespmem:v1+s23+$0x0], $0xffff;
	_ =	sdelay $0x2  }
0x568: {  	v17 =	vadd.s32 v59, v19  }
0x569: {  	v5 =	vadd.s32 v3, v20  }
0x56a: {  	v10 =	vld.idx.msk [tilespmem:v18+s23+$0x0], $0xffff;
	[tilespmem:$0x1F5E0] =	vst v1  }
0x56b: {  	v6 =	vadd.s32 v24, v20;
	[tilespmem:s20+$0xFFFFFE80] =	vst v13  }
0x56c: {  	v4 =	vld [tilespmem:$0x1FF90]  }
0x56d: {  	[tilespmem:s20+$0x190] =	vst v11;
	v11 =	vld.idx.msk [tilespmem:v17+s23+$0x0], $0xffff  }
0x56e: {  	[tilespmem:s20+$0xFFFFFF00] =	vst v15;
	v5 =	vld.idx.msk [tilespmem:v5+s23+$0x0], $0xffff  }
0x56f: {  	v17 =	vld [tilespmem:$0x1FFA0];
	[tilespmem:s20+$0x210] =	vst v12  }
0x570: {  	v63 =	vadd.s32 v54, v19;
	v1 =	vld.idx.msk [tilespmem:v6+s23+$0x0], $0xffff;
	_ =	sdelay $0x2  }
0x571: {  	v13 =	vadd.s32 v4, v20;
	_ =	sdelay $0x1  }
0x572: {  	v12 =	vld.idx.msk [tilespmem:v63+s23+$0x0], $0xffff;
	[tilespmem:$0x1F5F0] =	vst v1  }
0x573: {  	[tilespmem:s20+$0xFFFFFF80] =	vst v14  }
0x574: {  	v18 =	vadd.s32 v60, v19;
	v60 =	vld [tilespmem:$0x1FFB0];
	[tilespmem:s20+$0x290] =	vst v8  }
0x575: {  	v0 =	vld.idx.msk [tilespmem:v13+s23+$0x0], $0xffff;
	_ =	sdelay $0x3  }
0x576: {  	v8 =	vld.idx.msk [tilespmem:v18+s23+$0x0], $0xffff  }
0x577: {  	[tilespmem:$0x1F600] =	vst v0;
	v0 =	vld [tilespmem:$0x1F5A0];
	_ =	sdelay $0x4  }
0x578: {  	[tilespmem:s20+$0x0] =	vst v0  }
0x579: {  	v0 =	vld [tilespmem:$0x1F5B0]  }
0x57a: {  	v15 =	vadd.s32 v17, v20;
	_ =	sdelay $0x3  }
0x57b: {  	v63 =	vld [tilespmem:$0x1FFC0];
	[tilespmem:s20+$0x310] =	vst v0  }
0x57c: {  	v2 =	vadd.s32 v61, v19;
	v0 =	vld.idx.msk [tilespmem:v15+s23+$0x0], $0xffff;
	_ =	sdelay $0x4  }
0x57d: {  	v6 =	vld.idx.msk [tilespmem:v2+s23+$0x0], $0xffff;
	[tilespmem:$0x1F610] =	vst v0  }
0x57e: {  	v16 =	vadd.s32 v62, v19;
	[tilespmem:s20+$0x80] =	vst v7  }
0x57f: {  	v2 =	vld [tilespmem:$0x1F5C0];
	_ =	sdelay $0x2  }
0x580: {  	v0 =	vld [tilespmem:$0x1FFD0]  }
0x581: {  	v15 =	vld.idx.msk [tilespmem:v16+s23+$0x0], $0xffff;
	[tilespmem:s20+$0x100] =	vst v9  }
0x582: {  	v14 =	vadd.s32 v60, v20;
	[tilespmem:s20+$0x390] =	vst v2  }
0x583: {  	v2 =	vld [tilespmem:$0x1F5D0]  }
0x584: {  	v1 =	vadd.s32 v63, v20;
	_ =	sdelay $0x2  }
0x585: {  	v14 =	vld.idx.msk [tilespmem:v14+s23+$0x0], $0xffff  }
0x586: {  	v7 =	vld [tilespmem:$0x1FFE0];
	[tilespmem:s20+$0x410] =	vst v2  }
0x587: {  	v18 =	vadd.s32 v25, v19;
	v1 =	vld.idx.msk [tilespmem:v1+s23+$0x0], $0xffff;
	_ =	sdelay $0x4  }
0x588: {  	v13 =	vld.idx.msk [tilespmem:v18+s23+$0x0], $0xffff;
	[tilespmem:$0x1F620] =	vst v1  }
0x589: {  	[tilespmem:s20+$0x180] =	vst v10  }
0x58a: {  	v3 =	vadd.s32 v3, v19;
	v1 =	vld [tilespmem:$0x1F5E0]  }
0x58b: {  	v25 =	vadd.s32 v0, v20;
	_ =	sdelay $0x1  }
0x58c: {  	v16 =	vadd.s32 v24, v19  }
0x58d: {  	v2 =	vld [tilespmem:$0x1FFF0]  }
0x58e: {  	v18 =	vadd.s32 v4, v19;
	v4 =	vld.idx.msk [tilespmem:v3+s23+$0x0], $0xffff;
	[tilespmem:s20+$0x490] =	vst v1  }
0x58f: {  	[tilespmem:s20+$0x200] =	vst v11;
	v25 =	vld.idx.msk [tilespmem:v25+s23+$0x0], $0xffff  }
0x590: {  	v9 =	vadd.s32 v7, v20;
	v24 =	vld [tilespmem:$0x1FF80];
	[tilespmem:s20+$0x510] =	vst v5  }
0x591: {  	v5 =	vld.idx.msk [tilespmem:v16+s23+$0x0], $0xffff;
	[tilespmem:s20+$0x280] =	vst v12  }
0x592: {  	v1 =	vld [tilespmem:$0x1F5F0];
	_ =	sdelay $0x2  }
0x593: {  	v9 =	vld.idx.msk [tilespmem:v9+s23+$0x0], $0xffff  }
0x594: {  	v16 =	vadd.s32 v60, v19;
	v60 =	vld [tilespmem:$0x1FC80]  }
0x595: {  	[tilespmem:s20+$0x590] =	vst v1;
	v1 =	vld.idx.msk [tilespmem:v18+s23+$0x0], $0xffff;
	_ =	sdelay $0x4  }
0x596: {  	v10 =	vadd.s32 v2, v20;
	[tilespmem:$0x1F630] =	vst v1  }
0x597: {  	[tilespmem:s20+$0x300] =	vst v8  }
0x598: {  	v17 =	vadd.s32 v17, v19;
	v1 =	vld [tilespmem:$0x1F600];
	_ =	sdelay $0x2  }
0x599: {  	v10 =	vld.idx.msk [tilespmem:v10+s23+$0x0], $0xffff  }
0x59a: {  	v18 =	vadd.s32 v63, v19;
	v63 =	vld [tilespmem:$0x1FC90]  }
0x59b: {  	[tilespmem:s20+$0x610] =	vst v1;
	v1 =	vld.idx.msk [tilespmem:v17+s23+$0x0], $0xffff;
	_ =	sdelay $0x4  }
0x59c: {  	v11 =	vadd.s32 v24, v20;
	[tilespmem:$0x1F640] =	vst v1  }
0x59d: {  	[tilespmem:s20+$0x380] =	vst v6  }
0x59e: {  	v3 =	vld [tilespmem:$0x1F610];
	_ =	sdelay $0x2  }
0x59f: {  	v11 =	vld.idx.msk [tilespmem:v11+s23+$0x0], $0xffff  }
0x5a0: {  	v17 =	vadd.s32 v0, v19;
	v0 =	vld [tilespmem:$0x1FCA0]  }
0x5a1: {  	[tilespmem:s20+$0x690] =	vst v3;
	v3 =	vld.idx.msk [tilespmem:v16+s23+$0x0], $0xffff  }
0x5a2: {  	v12 =	vadd.s32 v60, v20;
	_ =	sdelay $0x3  }
0x5a3: {  	[tilespmem:$0x1F650] =	vst v3  }
0x5a4: {  	v3 =	vld.idx.msk [tilespmem:v12+s23+$0x0], $0xffff;
	_ =	sdelay $0x4  }
0x5a5: {  	[tilespmem:$0x1F660] =	vst v3  }
0x5a6: {  	[tilespmem:s20+$0x400] =	vst v15  }
0x5a7: {  	v6 =	vld.idx.msk [tilespmem:v18+s23+$0x0], $0xffff  }
0x5a8: {  	v8 =	vadd.s32 v63, v20;
	_ =	sdelay $0x2  }
0x5a9: {  	v16 =	vadd.s32 v7, v19;
	v7 =	vld [tilespmem:$0x1FCB0];
	[tilespmem:s20+$0x710] =	vst v14  }
0x5aa: {  	[tilespmem:$0x1F670] =	vst v6  }
0x5ab: {  	v6 =	vld.idx.msk [tilespmem:v8+s23+$0x0], $0xffff;
	_ =	sdelay $0x4  }
0x5ac: {  	[tilespmem:$0x1F680] =	vst v6  }
0x5ad: {  	[tilespmem:s20+$0x480] =	vst v13  }
0x5ae: {  	v6 =	vld [tilespmem:$0x1F620]  }
0x5af: {  	v1 =	vadd.s32 v0, v20;
	_ =	sdelay $0x3  }
0x5b0: {  	v12 =	vld [tilespmem:$0x1FCC0];
	[tilespmem:s20+$0x790] =	vst v6  }
0x5b1: {  	v1 =	vld.idx.msk [tilespmem:v1+s23+$0x0], $0xffff;
	_ =	sdelay $0x4  }
0x5b2: {  	v14 =	vld.idx.msk [tilespmem:v17+s23+$0x0], $0xffff;
	[tilespmem:$0x1F690] =	vst v1  }
0x5b3: {  	[tilespmem:s20+$0x500] =	vst v4  }
0x5b4: {  	v4 =	vld.idx.msk [tilespmem:v16+s23+$0x0], $0xffff  }
0x5b5: {  	v3 =	vadd.s32 v7, v20;
	_ =	sdelay $0x2  }
0x5b6: {  	v1 =	vld [tilespmem:$0x1FCD0];
	[tilespmem:s20+$0x810] =	vst v25  }
0x5b7: {  	[tilespmem:$0x1F6A0] =	vst v4  }
0x5b8: {  	v3 =	vld.idx.msk [tilespmem:v3+s23+$0x0], $0xffff;
	_ =	sdelay $0x2  }
0x5b9: {  	v18 =	vadd.s32 v2, v19;
	v2 =	vadd.s32 v12, v20;
	_ =	sdelay $0x1  }
0x5ba: {  	[tilespmem:$0x1F6B0] =	vst v3  }
0x5bb: {  	[tilespmem:s20+$0x580] =	vst v5  }
0x5bc: {  	v3 =	vadd.s32 v60, v19;
	v60 =	vld [tilespmem:$0x1FCE0];
	[tilespmem:s20+$0x890] =	vst v9  }
0x5bd: {  	v16 =	vld.idx.msk [tilespmem:v2+s23+$0x0], $0xffff  }
0x5be: {  	v2 =	vld [tilespmem:$0x1F630];
	_ =	sdelay $0x3  }
0x5bf: {  	v13 =	vadd.s32 v24, v19;
	v24 =	vadd.s32 v1, v20;
	[tilespmem:s20+$0x910] =	vst v10  }
0x5c0: {  	v18 =	vld.idx.msk [tilespmem:v18+s23+$0x0], $0xffff;
	[tilespmem:s20+$0x600] =	vst v2  }
0x5c1: {  	v5 =	vadd.s32 v60, v20;
	v2 =	vld [tilespmem:$0x1F640];
	_ =	sdelay $0x2  }
0x5c2: {  	v25 =	vld.idx.msk [tilespmem:v24+s23+$0x0], $0xffff  }
0x5c3: {  	v9 =	vld.idx.msk [tilespmem:v13+s23+$0x0], $0xffff;
	[tilespmem:s20+$0x990] =	vst v11  }
0x5c4: {  	[tilespmem:s20+$0x680] =	vst v2;
	v2 =	vld.idx.msk [tilespmem:v5+s23+$0x0], $0xffff  }
0x5c5: {  	v10 =	vld.idx.msk [tilespmem:v3+s23+$0x0], $0xffff  }
0x5c6: {  	v3 =	vld [tilespmem:$0x1F650];
	_ =	sdelay $0x3  }
0x5c7: {  	[tilespmem:$0x1F710] =	vst v2  }
0x5c8: {  	[tilespmem:s20+$0x700] =	vst v3  }
0x5c9: {  	v3 =	vld [tilespmem:$0x1F660];
	_ =	sdelay $0x4  }
0x5ca: {  	[tilespmem:s20+$0xA10] =	vst v3  }
0x5cb: {  	v63 =	vadd.s32 v63, v19;
	v3 =	vld [tilespmem:$0x1F670];
	_ =	sdelay $0x4  }
0x5cc: {  	v0 =	vadd.s32 v0, v19;
	v4 =	vadd.s32 $0x3B, v53;
	v11 =	vld.idx.msk [tilespmem:v63+s23+$0x0], $0xffff;
	[tilespmem:s20+$0x780] =	vst v3  }
0x5cd: {  	v6 =	vadd.s32 v4, v20;
	v3 =	vld [tilespmem:$0x1F680];
	_ =	sdelay $0x3  }
0x5ce: {  	v17 =	vadd.s32 $0x3C, v53;
	v5 =	vld.idx.msk [tilespmem:v0+s23+$0x0], $0xffff;
	[tilespmem:s20+$0x800] =	vst v14  }
0x5cf: {  	v8 =	vadd.s32 v17, v20;
	v6 =	vld.idx.msk [tilespmem:v6+s23+$0x0], $0xffff;
	[tilespmem:s20+$0xA90] =	vst v3  }
0x5d0: {  	v2 =	vadd.s32 v7, v19;
	v0 =	vadd.s32 v1, v19;
	v1 =	vld [tilespmem:$0x1F690];
	_ =	sdelay $0x1  }
0x5d1: {  	v24 =	vadd.s32 $0x3D, v53  }
0x5d2: {  	v15 =	vadd.s32 v24, v20  }
0x5d3: {  	v7 =	vadd.s32 $0x3E, v53;
	v63 =	vadd.s32 v12, v19;
	v3 =	vadd.s32 $0x3F, v53;
	v12 =	vld.idx.msk [tilespmem:v8+s23+$0x0], $0xffff  }
0x5d4: {  	v13 =	vadd.s32 v7, v20;
	[tilespmem:s20+$0xB10] =	vst v1;
	v1 =	vadd.s32 v3, v20;
	v20 =	vld.idx.msk [tilespmem:v2+s23+$0x0], $0xffff  }
0x5d5: {  	v2 =	vld [tilespmem:$0x1F6A0];
	_ =	sdelay $0x4  }
0x5d6: {  	[tilespmem:s20+$0x880] =	vst v2  }
0x5d7: {  	v2 =	vld [tilespmem:$0x1F6B0];
	_ =	sdelay $0x3  }
0x5d8: {  	v14 =	vld.idx.msk [tilespmem:v63+s23+$0x0], $0xffff;
	[tilespmem:s20+$0x900] =	vst v18  }
0x5d9: {  	v15 =	vld.idx.msk [tilespmem:v15+s23+$0x0], $0xffff;
	[tilespmem:s20+$0xB90] =	vst v2  }
0x5da: {  	v60 =	vadd.s32 v60, v19;
	v13 =	vld.idx.msk [tilespmem:v13+s23+$0x0], $0xffff;
	[tilespmem:$0x1F6C0] =	vst v4  }
0x5db: {  	[tilespmem:s20+$0xC10] =	vst v16  }
0x5dc: {  	v0 =	vld.idx.msk [tilespmem:v0+s23+$0x0], $0xffff;
	[tilespmem:s20+$0x980] =	vst v9  }
0x5dd: {  	v2 =	vadd.s32 v4, v19;
	v16 =	vld.idx.msk [tilespmem:v1+s23+$0x0], $0xffff;
	[tilespmem:$0x1F6D0] =	vst v17  }
0x5de: {  	[tilespmem:s20+$0xD90] =	vst v6  }
0x5df: {  	v1 =	vld.idx.msk [tilespmem:v60+s23+$0x0], $0xffff;
	[tilespmem:s20+$0xA00] =	vst v10  }
0x5e0: {  	v63 =	vadd.s32 v17, v19;
	[tilespmem:$0x1F6E0] =	vst v24  }
0x5e1: {  	[tilespmem:s20+$0xE10] =	vst v12  }
0x5e2: {  	v2 =	vld.idx.msk [tilespmem:v2+s23+$0x0], $0xffff;
	[tilespmem:s20+$0xA80] =	vst v11  }
0x5e3: {  	v6 =	vadd.s32 v24, v19;
	[tilespmem:$0x1F6F0] =	vst v7  }
0x5e4: {  	[tilespmem:s20+$0xE90] =	vst v15  }
0x5e5: {  	v4 =	vadd.s32 v7, v19;
	v7 =	vld.idx.msk [tilespmem:v63+s23+$0x0], $0xffff;
	[tilespmem:s20+$0xB00] =	vst v5  }
0x5e6: {  	[tilespmem:$0x1F700] =	vst v3  }
0x5e7: {  	[tilespmem:s20+$0xF10] =	vst v13  }
0x5e8: {  	v6 =	vld.idx.msk [tilespmem:v6+s23+$0x0], $0xffff;
	[tilespmem:s20+$0xB80] =	vst v20  }
0x5e9: {  	[tilespmem:s20+$0xF90] =	vst v16  }
0x5ea: {  	v4 =	vld.idx.msk [tilespmem:v4+s23+$0x0], $0xffff;
	[tilespmem:s20+$0xC00] =	vst v14  }
0x5eb: {  	v8 =	vadd.s32 v3, v19;
	v3 =	vld [tilespmem:$0x1F710];
	_ =	sdelay $0x4  }
0x5ec: {  	s21 =	simm.s32 $0x0;
	s22 =	simm.s32 $0x123B0;
	v5 =	vld.idx.msk [tilespmem:v8+s23+$0x0], $0xffff;
	[tilespmem:s20+$0xD10] =	vst v3  }
.LBB2_14:
0x5ed: {  	v8 =	vld [tilespmem:s22+$0x280];
	[tilespmem:s20+$0xD00] =	vst v1  }
0x5ee: {  	v1 =	vld [tilespmem:s22+$0xFFFFFD00];
	[tilespmem:s20+$0xD80] =	vst v2  }
0x5ef: {  	v2 =	vld [tilespmem:s22+$0xFFFFFF80];
	[tilespmem:s20+$0xC80] =	vst v0  }
0x5f0: {  	v0 =	vld [tilespmem:s22+$0x100];
	[tilespmem:s20+$0xE00] =	vst v7  }
0x5f1: {  	v7 =	vld [tilespmem:s22+$0x0];
	[tilespmem:s20+$0xE80] =	vst v6  }
0x5f2: {  	v6 =	vld [tilespmem:s22+$0xFFFFFD80];
	[tilespmem:s20+$0xF00] =	vst v4  }
0x5f3: {  	v4 =	vld [tilespmem:s22+$0x80];
	[tilespmem:s20+$0xF80] =	vst v5  }
0x5f4: {  	v5 =	vld [tilespmem:s22+$0xFFFFFE00];
	[tilespmem:s20+$0xC90] =	vst v25  }
0x5f5: {  	v3 =	vld [tilespmem:s22+$0xFFFFFE80]  }
0x5f6: {  	v9 =	vld [tilespmem:s22+$0x180]  }
0x5f7: {  	v10 =	vld [tilespmem:s22+$0x300]  }
0x5f8: {  	v11 =	vld [tilespmem:s22+$0xFFFFFF70];
	vm0 =	vgt.f32 v7, v2  }
0x5f9: {  	v12 =	vld [tilespmem:s22+$0xFFFFFD70];
	vm1 =	vgt.f32 v6, v1;
	v2 =	vsel vm0, v7, v2  }
0x5fa: {  	v7 =	vld [tilespmem:s22+$0xFFFFFF00];
	v1 =	vsel vm1, v6, v1;
	vm2 =	vgt.f32 v4, v2  }
0x5fb: {  	v6 =	vld [tilespmem:s22+$0x200];
	vm3 =	vgt.f32 v5, v1;
	v2 =	vsel vm2, v4, v2;
	v4 =	vsel vm1, $0xC, v23  }
0x5fc: {  	v13 =	vld [tilespmem:s22+$0x270];
	v1 =	vsel vm3, v5, v1;
	vm13 =	vgt.f32 v0, v2;
	v5 =	vsel vm0, $0x2, v23  }
0x5fd: {  	v15 =	vld [tilespmem:s22+$0x2F0];
	vm14 =	vgt.f32 v3, v1;
	v0 =	vsel vm13, v0, v2;
	v2 =	vsel vm3, $0x18, v4  }
0x5fe: {  	v4 =	vld [tilespmem:s22+$0xFFFFFFF0];
	v5 =	vsel vm2, $0x4, v5;
	vm15 =	vgt.f32 v9, v0;
	v2 =	vsel vm14, $0x24, v2  }
0x5ff: {  	v1 =	vsel vm14, v3, v1;
	v3 =	vsel vm13, $0x6, v5;
	v5 =	vld [tilespmem:s22+$0x70];
	v0 =	vsel vm15, v9, v0  }
0x600: {  	vm0 =	vgt.f32 v7, v1;
	v1 =	vld [tilespmem:s22+$0xFFFFFCF0];
	vm5 =	vgt.f32 v6, v0;
	v0 =	vsel vm15, $0x8, v3  }
0x601: {  	vm6 =	vgt.f32 v10, v8;
	v2 =	vsel vm0, $0x30, v2;
	v0 =	vsel vm5, $0xA, v0  }
0x602: {  	v3 =	vld [tilespmem:s22+$0xFFFFFDF0];
	v6 =	vsel vm6, $0x1, v23;
	v0 =	vadd.s32 v2, v0  }
0x603: {  	vm15 =	vgt.f32 v15, v13;
	v2 =	vld [tilespmem:s22+$0xF0];
	vm7 =	vgt.f32 v4, v11;
	v0 =	vor.u32 v6, v0  }
0x604: {  	v6 =	vld [tilespmem:s22+$0xFFFFFE70];
	v7 =	vsel vm7, v4, v11;
	v8 =	vsel vm7, $0x2, v23;
	v4 =	vshll.u32 v0, $0x6  }
0x605: {  	v0 =	vld [tilespmem:s22+$0x170];
	vm8 =	vgt.f32 v5, v7;
	vm9 =	vgt.f32 v12, v1;
	v60 =	vadd.s32 v53, v4  }
0x606: {  	v5 =	vsel vm8, v5, v7;
	v7 =	vadd.s32 v21, v4;
	v1 =	vsel vm9, v12, v1  }
0x607: {  	v10 =	vld [tilespmem:s22+$0xFFFFFEF0];
	v8 =	vsel vm8, $0x4, v8;
	v63 =	vadd.s32 v22, v4;
	v14 =	vadd.s32 v26, v4  }
0x608: {  	v11 =	vld [tilespmem:s22+$0x1F0];
	v16 =	vadd.s32 v29, v4;
	vm10 =	vgt.f32 v3, v1;
	vm11 =	vgt.f32 v2, v5  }
0x609: {  	v17 =	vadd.s32 v31, v4;
	v1 =	vsel vm10, v3, v1;
	v2 =	vsel vm11, v2, v5  }
0x60a: {  	v3 =	vadd.s32 v27, v4;
	vm12 =	vgt.f32 v6, v1;
	vm4 =	vgt.f32 v0, v2;
	v5 =	vld.idx.msk [tilespmem:v60+s23+$0x0], $0xffff  }
0x60b: {  	v1 =	vsel vm12, v6, v1;
	v6 =	vsel vm11, $0x6, v8;
	v60 =	vadd.s32 v28, v4;
	v7 =	vld.idx.msk [tilespmem:v7+s23+$0x0], $0xffff  }
0x60c: {  	v0 =	vsel vm4, v0, v2;
	v2 =	vsel vm9, $0xC, v23;
	v8 =	vld.idx.msk [tilespmem:v63+s23+$0x0], $0xffff;
	v63 =	vadd.s32 v30, v4  }
0x60d: {  	vm14 =	vgt.f32 v10, v1;
	v13 =	vld.idx.msk [tilespmem:v16+s23+$0x0], $0xffff;
	vm13 =	vgt.f32 v11, v0;
	v0 =	vsel vm10, $0x18, v2  }
0x60e: {  	v1 =	vsel vm4, $0x8, v6;
	v6 =	vadd.s32 v32, v4;
	v2 =	vld.idx.msk [tilespmem:v14+s23+$0x0], $0xffff;
	v0 =	vsel vm12, $0x24, v0  }
0x60f: {  	s20 =	sadd.s32 $0x20, s20;
	v3 =	vld.idx.msk [tilespmem:v3+s23+$0x0], $0xffff;
	v1 =	vsel vm13, $0xA, v1;
	v0 =	vsel vm14, $0x30, v0  }
0x610: {  	v18 =	vadd.s32 v33, v4;
	v0 =	vadd.s32 v0, v1;
	v9 =	vld.idx.msk [tilespmem:v60+s23+$0x0], $0xffff;
	[tilespmem:s20+$0xFFFFF010] =	vst v5;
	v5 =	vsel vm15, $0x1, v23  }
0x611: {  	v1 =	vld.idx.msk [tilespmem:v63+s23+$0x0], $0xffff;
	[tilespmem:s20+$0xFFFFF090] =	vst v7;
	v0 =	vor.u32 v5, v0  }
0x612: {  	v11 =	vld.idx.msk [tilespmem:v17+s23+$0x0], $0xffff;
	[tilespmem:s20+$0xFFFFF110] =	vst v8;
	v5 =	vshll.u32 v0, $0x6  }
0x613: {  	v19 =	vadd.s32 v34, v4;
	v0 =	vld.idx.msk [tilespmem:v6+s23+$0x0], $0xffff;
	[tilespmem:s20+$0xFFFFF190] =	vst v2;
	v6 =	vadd.s32 v53, v5  }
0x614: {  	[tilespmem:$0x1F460] =	vst v6  }
0x615: {  	v8 =	vadd.s32 v40, v5;
	v63 =	vld.idx.msk [tilespmem:v18+s23+$0x0], $0xffff;
	[tilespmem:s20+$0xFFFFF210] =	vst v3  }
0x616: {  	v7 =	vadd.s32 v35, v4;
	v6 =	vadd.s32 v21, v5;
	[tilespmem:$0x1F570] =	vst v8  }
0x617: {  	[tilespmem:$0x1F470] =	vst v6  }
0x618: {  	v60 =	vadd.s32 v36, v4;
	v8 =	vadd.s32 v42, v5;
	v14 =	vld.idx.msk [tilespmem:v19+s23+$0x0], $0xffff;
	[tilespmem:s20+$0xFFFFF290] =	vst v9  }
0x619: {  	v6 =	vadd.s32 v22, v5;
	[tilespmem:$0x1F580] =	vst v8  }
0x61a: {  	[tilespmem:$0x1F480] =	vst v6  }
0x61b: {  	v2 =	vadd.s32 v37, v4;
	v17 =	vld.idx.msk [tilespmem:v7+s23+$0x0], $0xffff;
	[tilespmem:s20+$0xFFFFF310] =	vst v13;
	v6 =	vadd.s32 v26, v5  }
0x61c: {  	[tilespmem:$0x1F490] =	vst v6  }
0x61d: {  	v3 =	vadd.s32 v38, v4;
	v7 =	vadd.s32 v39, v5;
	v18 =	vld.idx.msk [tilespmem:v60+s23+$0x0], $0xffff;
	[tilespmem:s20+$0xFFFFF390] =	vst v1  }
0x61e: {  	v6 =	vadd.s32 v27, v5;
	[tilespmem:$0x1F560] =	vst v7  }
0x61f: {  	v9 =	vadd.s32 v39, v4;
	[tilespmem:$0x1F4A0] =	vst v6  }
0x620: {  	v2 =	vld.idx.msk [tilespmem:v2+s23+$0x0], $0xffff;
	[tilespmem:s20+$0xFFFFF410] =	vst v11;
	v6 =	vadd.s32 v28, v5  }
0x621: {  	v10 =	vadd.s32 v40, v4;
	[tilespmem:$0x1F4B0] =	vst v6  }
0x622: {  	v3 =	vld.idx.msk [tilespmem:v3+s23+$0x0], $0xffff;
	[tilespmem:s20+$0xFFFFF490] =	vst v0;
	v6 =	vadd.s32 v29, v5  }
0x623: {  	v1 =	vadd.s32 v41, v4;
	[tilespmem:$0x1F4C0] =	vst v6  }
0x624: {  	v20 =	vld.idx.msk [tilespmem:v9+s23+$0x0], $0xffff;
	[tilespmem:s20+$0xFFFFF510] =	vst v63;
	v6 =	vadd.s32 v30, v5  }
0x625: {  	v19 =	vadd.s32 v42, v4;
	[tilespmem:$0x1F4D0] =	vst v6  }
0x626: {  	v22 =	vld.idx.msk [tilespmem:v10+s23+$0x0], $0xffff;
	[tilespmem:s20+$0xFFFFF590] =	vst v14;
	v6 =	vadd.s32 v31, v5  }
0x627: {  	v0 =	vadd.s32 v43, v4;
	[tilespmem:$0x1F4E0] =	vst v6  }
0x628: {  	v1 =	vld.idx.msk [tilespmem:v1+s23+$0x0], $0xffff;
	[tilespmem:s20+$0xFFFFF610] =	vst v17;
	v6 =	vadd.s32 v32, v5  }
0x629: {  	v21 =	vadd.s32 v44, v4;
	[tilespmem:$0x1F4F0] =	vst v6  }
0x62a: {  	v25 =	vld.idx.msk [tilespmem:v19+s23+$0x0], $0xffff;
	[tilespmem:s20+$0xFFFFF690] =	vst v18;
	v6 =	vadd.s32 v33, v5  }
0x62b: {  	[tilespmem:$0x1F500] =	vst v6  }
0x62c: {  	v0 =	vld.idx.msk [tilespmem:v0+s23+$0x0], $0xffff;
	[tilespmem:s20+$0xFFFFF710] =	vst v2;
	v6 =	vadd.s32 v34, v5  }
0x62d: {  	v8 =	vld [tilespmem:$0x1FF90];
	[tilespmem:$0x1F510] =	vst v6  }
0x62e: {  	v23 =	vadd.s32 v45, v4;
	v27 =	vld.idx.msk [tilespmem:v21+s23+$0x0], $0xffff;
	[tilespmem:s20+$0xFFFFF790] =	vst v3;
	v6 =	vadd.s32 v35, v5  }
0x62f: {  	v24 =	vadd.s32 v46, v4;
	v7 =	vld [tilespmem:$0x1FEE0];
	[tilespmem:$0x1F520] =	vst v6;
	v6 =	vadd.s32 v36, v5  }
0x630: {  	v26 =	vadd.s32 v47, v4;
	v14 =	vld [tilespmem:$0x1FF50];
	[tilespmem:$0x1F530] =	vst v6;
	v6 =	vadd.s32 v37, v5  }
0x631: {  	v17 =	vld [tilespmem:$0x1FC50];
	v2 =	vadd.s32 v48, v4;
	[tilespmem:$0x1F540] =	vst v6;
	v6 =	vadd.s32 v38, v5  }
0x632: {  	v3 =	vadd.s32 v49, v4;
	[tilespmem:$0x1F550] =	vst v6;
	v6 =	vld [tilespmem:$0x1FED0]  }
0x633: {  	v28 =	vld.idx.msk [tilespmem:v23+s23+$0x0], $0xffff;
	[tilespmem:s20+$0xFFFFF810] =	vst v20  }
0x634: {  	v23 =	vadd.s32 v50, v4;
	v29 =	vld.idx.msk [tilespmem:v24+s23+$0x0], $0xffff;
	[tilespmem:s20+$0xFFFFF890] =	vst v22  }
0x635: {  	v24 =	vadd.s32 v51, v4;
	v26 =	vld.idx.msk [tilespmem:v26+s23+$0x0], $0xffff;
	[tilespmem:s20+$0xFFFFF910] =	vst v1  }
0x636: {  	v1 =	vadd.s32 v52, v4;
	v2 =	vld.idx.msk [tilespmem:v2+s23+$0x0], $0xffff;
	[tilespmem:s20+$0xFFFFF990] =	vst v25  }
0x637: {  	v3 =	vld.idx.msk [tilespmem:v3+s23+$0x0], $0xffff;
	v30 =	vadd.s32 v6, v4  }
0x638: {  	v37 =	vadd.s32 v7, v5;
	[tilespmem:s20+$0xFFFFFA10] =	vst v0;
	v0 =	vadd.s32 v7, v4;
	v7 =	vld [tilespmem:$0x1FF80]  }
0x639: {  	v18 =	vadd.s32 v55, v4;
	v31 =	vld.idx.msk [tilespmem:v23+s23+$0x0], $0xffff;
	[tilespmem:s20+$0xFFFFFA90] =	vst v27  }
0x63a: {  	v53 =	vadd.s32 v56, v4;
	v19 =	vld.idx.msk [tilespmem:v24+s23+$0x0], $0xffff;
	[tilespmem:s20+$0xFFFFFB10] =	vst v28  }
0x63b: {  	v60 =	vadd.s32 v57, v4;
	v1 =	vld.idx.msk [tilespmem:v1+s23+$0x0], $0xffff;
	[tilespmem:s20+$0xFFFFFB90] =	vst v29  }
0x63c: {  	v63 =	vld.idx.msk [tilespmem:v30+s23+$0x0], $0xffff;
	[tilespmem:s20+$0xFFFFFC10] =	vst v26  }
0x63d: {  	v9 =	vadd.s32 v58, v4;
	v0 =	vld.idx.msk [tilespmem:v0+s23+$0x0], $0xffff;
	[tilespmem:s20+$0xFFFFFC90] =	vst v2  }
0x63e: {  	v10 =	vld.idx.msk [tilespmem:v18+s23+$0x0], $0xffff;
	[tilespmem:s20+$0xFFFFFD10] =	vst v3  }
0x63f: {  	v2 =	vadd.s32 v59, v4;
	v11 =	vld.idx.msk [tilespmem:v53+s23+$0x0], $0xffff;
	[tilespmem:s20+$0xFFFFFD90] =	vst v31  }
0x640: {  	v40 =	vld.idx.msk [tilespmem:v60+s23+$0x0], $0xffff  }
0x641: {  	v3 =	vadd.s32 v54, v4;
	[tilespmem:s20+$0xFFFFFE10] =	vst v19;
	v60 =	vld [tilespmem:$0x1FC70]  }
0x642: {  	v30 =	vadd.s32 v48, v5;
	v31 =	vadd.s32 v14, v4;
	v48 =	vld.idx.msk [tilespmem:v9+s23+$0x0], $0xffff  }
0x643: {  	[tilespmem:s20+$0xFFFFFE90] =	vst v1;
	v9 =	vld [tilespmem:$0x1FFA0]  }
0x644: {  	v12 =	vadd.s32 v61, v4;
	v2 =	vld.idx.msk [tilespmem:v2+s23+$0x0], $0xffff  }
0x645: {  	[tilespmem:s20+$0xFFFFFF10] =	vst v63;
	v63 =	vld [tilespmem:$0x1FC60]  }
0x646: {  	v3 =	vld.idx.msk [tilespmem:v3+s23+$0x0], $0xffff;
	[tilespmem:s20+$0xFFFFFF90] =	vst v0  }
0x647: {  	v1 =	vadd.s32 v62, v4;
	v31 =	vld.idx.msk [tilespmem:v31+s23+$0x0], $0xffff  }
0x648: {  	[tilespmem:s20+$0x10] =	vst v10;
	v10 =	vld [tilespmem:$0x1FFB0]  }
0x649: {  	v32 =	vadd.s32 v49, v5;
	v49 =	vadd.s32 v17, v4;
	v53 =	vld.idx.msk [tilespmem:v12+s23+$0x0], $0xffff  }
0x64a: {  	[tilespmem:s20+$0x90] =	vst v11;
	v11 =	vld [tilespmem:$0x1FFC0];
	v0 =	vadd.s32 v63, v4  }
0x64b: {  	v34 =	vadd.s32 v51, v5;
	v51 =	vadd.s32 v60, v4;
	v12 =	vld [tilespmem:$0x1FFD0]  }
0x64c: {  	v13 =	vmov v57;
	v57 =	vmov v62;
	v62 =	vadd.s32 v8, v4;
	v1 =	vld.idx.msk [tilespmem:v1+s23+$0x0], $0xffff  }
0x64d: {  	[tilespmem:s20+$0x110] =	vst v40;
	v40 =	vadd.s32 v13, v5;
	v13 =	vld [tilespmem:$0x1FFE0]  }
0x64e: {  	v18 =	vld.idx.msk [tilespmem:v49+s23+$0x0], $0xffff;
	[tilespmem:s20+$0x190] =	vst v48  }
0x64f: {  	v0 =	vld.idx.msk [tilespmem:v0+s23+$0x0], $0xffff;
	[tilespmem:s20+$0x210] =	vst v2  }
0x650: {  	v39 =	vadd.s32 v56, v5;
	v56 =	vld.idx.msk [tilespmem:v51+s23+$0x0], $0xffff;
	[tilespmem:s20+$0x290] =	vst v3  }
0x651: {  	v16 =	vadd.s32 v9, v4;
	v49 =	vld.idx.msk [tilespmem:v62+s23+$0x0], $0xffff  }
0x652: {  	v62 =	vld [tilespmem:$0x1FFF0]  }
0x653: {  	v29 =	vadd.s32 v47, v5;
	v47 =	vadd.s32 v17, v5;
	v17 =	vld [tilespmem:$0x1FCC0];
	v19 =	vadd.s32 v10, v4  }
0x654: {  	v36 =	vadd.s32 v6, v5;
	v6 =	vld [tilespmem:$0x1FC80];
	v2 =	vadd.s32 v11, v4  }
0x655: {  	v26 =	vadd.s32 v44, v5;
	v44 =	vadd.s32 v14, v5;
	v14 =	vld [tilespmem:$0x1FC90];
	v3 =	vadd.s32 v12, v4;
	[tilespmem:s20+$0x310] =	vst v31  }
0x656: {  	v33 =	vadd.s32 v50, v5;
	v31 =	vadd.s32 v13, v4;
	v50 =	vld.idx.msk [tilespmem:v16+s23+$0x0], $0xffff  }
0x657: {  	v23 =	vadd.s32 v41, v5;
	v41 =	vadd.s32 v58, v5;
	[tilespmem:s20+$0x390] =	vst v53;
	v16 =	vld [tilespmem:$0x1FCA0];
	v58 =	vadd.s32 v62, v4  }
0x658: {  	v35 =	vadd.s32 v52, v5;
	v52 =	vld.idx.msk [tilespmem:v19+s23+$0x0], $0xffff;
	[tilespmem:s20+$0x410] =	vst v1  }
0x659: {  	v2 =	vld.idx.msk [tilespmem:v2+s23+$0x0], $0xffff;
	[tilespmem:s20+$0x490] =	vst v18  }
0x65a: {  	v3 =	vld.idx.msk [tilespmem:v3+s23+$0x0], $0xffff;
	[tilespmem:s20+$0x510] =	vst v0  }
0x65b: {  	v1 =	vadd.s32 v7, v4;
	v31 =	vld.idx.msk [tilespmem:v31+s23+$0x0], $0xffff;
	[tilespmem:s20+$0x590] =	vst v56  }
0x65c: {  	v38 =	vadd.s32 v55, v5;
	v55 =	vld.idx.msk [tilespmem:v58+s23+$0x0], $0xffff  }
0x65d: {  	v58 =	vld [tilespmem:$0x1FCB0]  }
0x65e: {  	v19 =	vld [tilespmem:$0x1FCE0]  }
0x65f: {  	v53 =	vadd.s32 v6, v4;
	v18 =	vld [tilespmem:$0x1FCD0];
	[tilespmem:s20+$0x610] =	vst v49  }
0x660: {  	v15 =	vadd.s32 v43, v5;
	v0 =	vadd.s32 v14, v4;
	v1 =	vld.idx.msk [tilespmem:v1+s23+$0x0], $0xffff  }
0x661: {  	v43 =	vadd.s32 v54, v5;
	v54 =	vadd.s32 v16, v4;
	[tilespmem:s20+$0x690] =	vst v50;
	v50 =	vadd.s32 v8, v5;
	v8 =	vld [tilespmem:$0x1F6C0]  }
0x662: {  	v56 =	vadd.s32 v58, v4  }
0x663: {  	v28 =	vadd.s32 v46, v5;
	v46 =	vadd.s32 v57, v5;
	v57 =	vadd.s32 v17, v4  }
0x664: {  	v53 =	vld.idx.msk [tilespmem:v53+s23+$0x0], $0xffff;
	[tilespmem:s20+$0x710] =	vst v52;
	v52 =	vadd.s32 v18, v4  }
0x665: {  	v48 =	vadd.s32 v63, v5;
	v63 =	vld.idx.msk [tilespmem:v0+s23+$0x0], $0xffff;
	[tilespmem:s20+$0x790] =	vst v2;
	v0 =	vadd.s32 v19, v4  }
0x666: {  	v42 =	vadd.s32 v59, v5;
	v59 =	vld.idx.msk [tilespmem:v54+s23+$0x0], $0xffff;
	[tilespmem:s20+$0x810] =	vst v3;
	v2 =	vadd.s32 v8, v4  }
0x667: {  	v56 =	vld.idx.msk [tilespmem:v56+s23+$0x0], $0xffff;
	[tilespmem:s20+$0x890] =	vst v31  }
0x668: {  	v3 =	vld.idx.msk [tilespmem:v57+s23+$0x0], $0xffff;
	[tilespmem:s20+$0x910] =	vst v55  }
0x669: {  	v25 =	vld.idx.msk [tilespmem:v52+s23+$0x0], $0xffff;
	[tilespmem:s20+$0x990] =	vst v1  }
0x66a: {  	v31 =	vld.idx.msk [tilespmem:v0+s23+$0x0], $0xffff;
	[tilespmem:s20+$0xA10] =	vst v53  }
0x66b: {  	v53 =	vld.idx.msk [tilespmem:v2+s23+$0x0], $0xffff  }
0x66c: {  	v2 =	vadd.s32 v7, v5;
	v7 =	vld [tilespmem:$0x1F470];
	_ =	sdelay $0x4  }
0x66d: {  	v20 =	vld [tilespmem:$0x1F6D0]  }
0x66e: {  	v21 =	vld [tilespmem:$0x1F6E0];
	_ =	sdelay $0x1  }
0x66f: {  	[tilespmem:s20+$0xA90] =	vst v63;
	v63 =	vadd.s32 v14, v5;
	v14 =	vadd.s32 v16, v5;
	v16 =	vld.idx.msk [tilespmem:v7+s23+$0x0], $0xffff  }
0x670: {  	v7 =	vld [tilespmem:$0x1F480]  }
0x671: {  	v51 =	vadd.s32 v9, v5;
	v9 =	vadd.s32 v20, v4  }
0x672: {  	v54 =	vadd.s32 v10, v5;
	v10 =	vadd.s32 v21, v4;
	_ =	sdelay $0x3  }
0x673: {  	v0 =	vld.idx.msk [tilespmem:v9+s23+$0x0], $0xffff;
	[tilespmem:s20+$0xB10] =	vst v59  }
0x674: {  	v9 =	vld.idx.msk [tilespmem:v10+s23+$0x0], $0xffff  }
0x675: {  	[tilespmem:s20+$0xB90] =	vst v56;
	v56 =	vadd.s32 v17, v5;
	v17 =	vld.idx.msk [tilespmem:v7+s23+$0x0], $0xffff  }
0x676: {  	v7 =	vld [tilespmem:$0x1F4A0];
	_ =	sdelay $0x6  }
0x677: {  	v22 =	vld [tilespmem:$0x1F6F0]  }
0x678: {  	v59 =	vadd.s32 v18, v5;
	v18 =	vld.idx.msk [tilespmem:v7+s23+$0x0], $0xffff  }
0x679: {  	v7 =	vld [tilespmem:$0x1F4B0];
	_ =	sdelay $0x1  }
0x67a: {  	v24 =	vld [tilespmem:$0x1F700];
	_ =	sdelay $0x2  }
0x67b: {  	v52 =	vadd.s32 v22, v4;
	_ =	sdelay $0x1  }
0x67c: {  	v4 =	vadd.s32 v24, v4  }
0x67d: {  	v55 =	vadd.s32 v19, v5;
	v19 =	vld.idx.msk [tilespmem:v7+s23+$0x0], $0xffff  }
0x67e: {  	v7 =	vld [tilespmem:$0x1F4C0]  }
0x67f: {  	v10 =	vld.idx.msk [tilespmem:v52+s23+$0x0], $0xffff  }
0x680: {  	[tilespmem:s20+$0xC10] =	vst v3;
	v3 =	vld [tilespmem:$0x1F460]  }
0x681: {  	v49 =	vadd.s32 v60, v5;
	v60 =	vadd.s32 v58, v5;
	v58 =	vld.idx.msk [tilespmem:v4+s23+$0x0], $0xffff;
	_ =	sdelay $0x3  }
0x682: {  	[tilespmem:s20+$0xE10] =	vst v0;
	v0 =	vld [tilespmem:$0x1F490]  }
0x683: {  	[tilespmem:s20+$0xF90] =	vst v58;
	v58 =	vld.idx.msk [tilespmem:v7+s23+$0x0], $0xffff  }
0x684: {  	v7 =	vld [tilespmem:$0x1F4D0];
	_ =	sdelay $0x1  }
0x685: {  	v27 =	vadd.s32 v45, v5;
	v45 =	vadd.s32 v61, v5;
	v61 =	vadd.s32 v12, v5;
	v12 =	vld.idx.msk [tilespmem:v3+s23+$0x0], $0xffff;
	_ =	sdelay $0x4  }
0x686: {  	v0 =	vld.idx.msk [tilespmem:v0+s23+$0x0], $0xffff;
	[tilespmem:s20+$0xFFFFF000] =	vst v12  }
0x687: {  	v12 =	vld.idx.msk [tilespmem:v7+s23+$0x0], $0xffff  }
0x688: {  	v7 =	vld [tilespmem:$0x1F4E0];
	_ =	sdelay $0x6  }
0x689: {  	[tilespmem:s20+$0xFFFFF080] =	vst v16  }
0x68a: {  	v1 =	vadd.s32 v13, v5;
	v13 =	vld.idx.msk [tilespmem:v7+s23+$0x0], $0xffff  }
0x68b: {  	v7 =	vld [tilespmem:$0x1F4F0];
	_ =	sdelay $0x6  }
0x68c: {  	[tilespmem:s20+$0xFFFFF100] =	vst v17  }
0x68d: {  	v7 =	vld.idx.msk [tilespmem:v7+s23+$0x0], $0xffff  }
0x68e: {  	[tilespmem:s20+$0xFFFFF180] =	vst v0;
	v0 =	vld [tilespmem:$0x1F500];
	_ =	sdelay $0x1  }
0x68f: {  	v16 =	vld [tilespmem:$0x1F510];
	_ =	sdelay $0x4  }
0x690: {  	v17 =	vld [tilespmem:$0x1F520]  }
0x691: {  	v0 =	vld.idx.msk [tilespmem:v0+s23+$0x0], $0xffff  }
0x692: {  	[tilespmem:s20+$0xFFFFF200] =	vst v18;
	v18 =	vld [tilespmem:$0x1F530]  }
0x693: {  	[tilespmem:s20+$0xE90] =	vst v9;
	v9 =	vld.idx.msk [tilespmem:v16+s23+$0x0], $0xffff  }
0x694: {  	[tilespmem:s20+$0xFFFFF280] =	vst v19;
	v19 =	vld [tilespmem:$0x1F540]  }
0x695: {  	[tilespmem:s20+$0xD90] =	vst v53;
	v53 =	vld [tilespmem:$0x1F550];
	_ =	sdelay $0x3  }
0x696: {  	[tilespmem:s20+$0xF10] =	vst v10  }
0x697: {  	v10 =	vld.idx.msk [tilespmem:v17+s23+$0x0], $0xffff;
	[tilespmem:s20+$0xFFFFF300] =	vst v58  }
0x698: {  	v57 =	vadd.s32 v11, v5;
	v11 =	vld.idx.msk [tilespmem:v18+s23+$0x0], $0xffff;
	[tilespmem:s20+$0xFFFFF380] =	vst v12  }
0x699: {  	v12 =	vld.idx.msk [tilespmem:v19+s23+$0x0], $0xffff;
	[tilespmem:s20+$0xFFFFF400] =	vst v13  }
0x69a: {  	v13 =	vld.idx.msk [tilespmem:v53+s23+$0x0], $0xffff  }
0x69b: {  	[tilespmem:s20+$0xFFFFF480] =	vst v7;
	v7 =	vld [tilespmem:$0x1F560];
	_ =	sdelay $0x7  }
0x69c: {  	v7 =	vld.idx.msk [tilespmem:v7+s23+$0x0], $0xffff  }
0x69d: {  	[tilespmem:s20+$0xFFFFF500] =	vst v0;
	v0 =	vld [tilespmem:$0x1F570];
	_ =	sdelay $0x1  }
0x69e: {  	v58 =	vld [tilespmem:$0x1F580];
	_ =	sdelay $0x1  }
0x69f: {  	v52 =	vadd.s32 v8, v5;
	v8 =	vadd.s32 v22, v5;
	v22 =	vld [tilespmem:$0x1FD10]  }
0x6a0: {  	v4 =	vadd.s32 v21, v5;
	v21 =	vld [tilespmem:$0x1FD00]  }
0x6a1: {  	[tilespmem:s20+$0xD10] =	vst v31;
	v31 =	vld [tilespmem:$0x1FD70]  }
0x6a2: {  	v53 =	vld [tilespmem:$0x1FCF0]  }
0x6a3: {  	v0 =	vld.idx.msk [tilespmem:v0+s23+$0x0], $0xffff;
	[tilespmem:s20+$0xFFFFF580] =	vst v9  }
0x6a4: {  	v9 =	vld.idx.msk [tilespmem:v23+s23+$0x0], $0xffff;
	[tilespmem:s20+$0xFFFFF600] =	vst v10  }
0x6a5: {  	v10 =	vld.idx.msk [tilespmem:v58+s23+$0x0], $0xffff  }
0x6a6: {  	[tilespmem:s20+$0xFFFFF680] =	vst v11;
	v58 =	vld [tilespmem:$0x1FF20]  }
0x6a7: {  	v11 =	vld.idx.msk [tilespmem:v15+s23+$0x0], $0xffff;
	[tilespmem:s20+$0xFFFFF700] =	vst v12  }
0x6a8: {  	v12 =	vld.idx.msk [tilespmem:v26+s23+$0x0], $0xffff  }
0x6a9: {  	v26 =	vld [tilespmem:$0x1FD20];
	[tilespmem:s20+$0xFFFFF780] =	vst v13  }
0x6aa: {  	v13 =	vld.idx.msk [tilespmem:v27+s23+$0x0], $0xffff  }
0x6ab: {  	v27 =	vld [tilespmem:$0x1FD30];
	[tilespmem:s20+$0xFFFFF800] =	vst v7  }
0x6ac: {  	v7 =	vld.idx.msk [tilespmem:v28+s23+$0x0], $0xffff  }
0x6ad: {  	v28 =	vld [tilespmem:$0x1FD40];
	[tilespmem:s20+$0xFFFFF880] =	vst v0  }
0x6ae: {  	v0 =	vld.idx.msk [tilespmem:v29+s23+$0x0], $0xffff  }
0x6af: {  	v29 =	vld [tilespmem:$0x1FD50];
	[tilespmem:s20+$0xFFFFF900] =	vst v9  }
0x6b0: {  	v9 =	vld.idx.msk [tilespmem:v30+s23+$0x0], $0xffff  }
0x6b1: {  	v30 =	vld [tilespmem:$0x1FD60];
	[tilespmem:s20+$0xFFFFF980] =	vst v10  }
0x6b2: {  	v10 =	vld.idx.msk [tilespmem:v32+s23+$0x0], $0xffff  }
0x6b3: {  	v32 =	vld [tilespmem:$0x1FD80];
	[tilespmem:s20+$0xFFFFFA00] =	vst v11  }
0x6b4: {  	v11 =	vld.idx.msk [tilespmem:v33+s23+$0x0], $0xffff  }
0x6b5: {  	v33 =	vld [tilespmem:$0x1FD90];
	[tilespmem:s20+$0xFFFFFA80] =	vst v12  }
0x6b6: {  	v12 =	vld.idx.msk [tilespmem:v34+s23+$0x0], $0xffff  }
0x6b7: {  	v34 =	vld [tilespmem:$0x1FDA0];
	[tilespmem:s20+$0xFFFFFB00] =	vst v13  }
0x6b8: {  	v13 =	vld.idx.msk [tilespmem:v35+s23+$0x0], $0xffff  }
0x6b9: {  	v35 =	vld [tilespmem:$0x1FDB0];
	[tilespmem:s20+$0xFFFFFB80] =	vst v7  }
0x6ba: {  	v7 =	vld.idx.msk [tilespmem:v36+s23+$0x0], $0xffff  }
0x6bb: {  	v36 =	vld [tilespmem:$0x1FDC0];
	[tilespmem:s20+$0xFFFFFC00] =	vst v0  }
0x6bc: {  	v0 =	vld.idx.msk [tilespmem:v37+s23+$0x0], $0xffff  }
0x6bd: {  	v37 =	vld [tilespmem:$0x1FDD0];
	[tilespmem:s20+$0xFFFFFC80] =	vst v9  }
0x6be: {  	v9 =	vld.idx.msk [tilespmem:v38+s23+$0x0], $0xffff  }
0x6bf: {  	v38 =	vld [tilespmem:$0x1FDE0];
	[tilespmem:s20+$0xFFFFFD00] =	vst v10  }
0x6c0: {  	v10 =	vld.idx.msk [tilespmem:v39+s23+$0x0], $0xffff  }
0x6c1: {  	v39 =	vld [tilespmem:$0x1FDF0];
	[tilespmem:s20+$0xFFFFFD80] =	vst v11  }
0x6c2: {  	v11 =	vld.idx.msk [tilespmem:v40+s23+$0x0], $0xffff  }
0x6c3: {  	v40 =	vld [tilespmem:$0x1FE00];
	[tilespmem:s20+$0xFFFFFE00] =	vst v12  }
0x6c4: {  	v12 =	vld.idx.msk [tilespmem:v41+s23+$0x0], $0xffff  }
0x6c5: {  	v41 =	vld [tilespmem:$0x1FE10];
	[tilespmem:s20+$0xFFFFFE80] =	vst v13  }
0x6c6: {  	v13 =	vld.idx.msk [tilespmem:v42+s23+$0x0], $0xffff  }
0x6c7: {  	v42 =	vld [tilespmem:$0x1FE20];
	[tilespmem:s20+$0xFFFFFF00] =	vst v7  }
0x6c8: {  	v7 =	vld.idx.msk [tilespmem:v43+s23+$0x0], $0xffff  }
0x6c9: {  	v43 =	vld [tilespmem:$0x1FE30];
	[tilespmem:s20+$0xFFFFFF80] =	vst v0  }
0x6ca: {  	v0 =	vld.idx.msk [tilespmem:v44+s23+$0x0], $0xffff  }
0x6cb: {  	v44 =	vld [tilespmem:$0x1FE40];
	[tilespmem:s20+$0x0] =	vst v9  }
0x6cc: {  	v9 =	vld.idx.msk [tilespmem:v45+s23+$0x0], $0xffff  }
0x6cd: {  	v45 =	vld [tilespmem:$0x1FE50];
	[tilespmem:s20+$0x80] =	vst v10  }
0x6ce: {  	v10 =	vld.idx.msk [tilespmem:v46+s23+$0x0], $0xffff  }
0x6cf: {  	v46 =	vld [tilespmem:$0x1FE60];
	[tilespmem:s20+$0x100] =	vst v11  }
0x6d0: {  	v11 =	vld.idx.msk [tilespmem:v47+s23+$0x0], $0xffff  }
0x6d1: {  	v47 =	vld [tilespmem:$0x1FE70];
	[tilespmem:s20+$0x180] =	vst v12  }
0x6d2: {  	v12 =	vld.idx.msk [tilespmem:v48+s23+$0x0], $0xffff  }
0x6d3: {  	v48 =	vld [tilespmem:$0x1FE80];
	[tilespmem:s20+$0x200] =	vst v13  }
0x6d4: {  	v13 =	vld.idx.msk [tilespmem:v49+s23+$0x0], $0xffff  }
0x6d5: {  	v49 =	vld [tilespmem:$0x1FE90];
	[tilespmem:s20+$0x280] =	vst v7  }
0x6d6: {  	v7 =	vld.idx.msk [tilespmem:v50+s23+$0x0], $0xffff  }
0x6d7: {  	v50 =	vld [tilespmem:$0x1FEA0];
	[tilespmem:s20+$0x300] =	vst v0  }
0x6d8: {  	v0 =	vld.idx.msk [tilespmem:v51+s23+$0x0], $0xffff  }
0x6d9: {  	v51 =	vld [tilespmem:$0x1FEB0];
	[tilespmem:s20+$0x380] =	vst v9  }
0x6da: {  	v9 =	vld.idx.msk [tilespmem:v54+s23+$0x0], $0xffff  }
0x6db: {  	[tilespmem:s20+$0x400] =	vst v10;
	v54 =	vld [tilespmem:$0x1FF40]  }
0x6dc: {  	v62 =	vadd.s32 v62, v5;
	v10 =	vld.idx.msk [tilespmem:v57+s23+$0x0], $0xffff  }
0x6dd: {  	v57 =	vld [tilespmem:$0x1FF10];
	[tilespmem:s20+$0x480] =	vst v11  }
0x6de: {  	v11 =	vld.idx.msk [tilespmem:v61+s23+$0x0], $0xffff  }
0x6df: {  	v6 =	vadd.s32 v6, v5;
	[tilespmem:s20+$0x500] =	vst v12;
	v61 =	vld [tilespmem:$0x1FF60]  }
0x6e0: {  	v1 =	vld.idx.msk [tilespmem:v1+s23+$0x0], $0xffff;
	[tilespmem:s20+$0x580] =	vst v13  }
0x6e1: {  	v12 =	vld.idx.msk [tilespmem:v62+s23+$0x0], $0xffff  }
0x6e2: {  	[tilespmem:s20+$0x600] =	vst v7;
	v62 =	vld [tilespmem:$0x1FF70]  }
0x6e3: {  	v2 =	vld.idx.msk [tilespmem:v2+s23+$0x0], $0xffff;
	[tilespmem:s20+$0x680] =	vst v0  }
0x6e4: {  	v6 =	vld.idx.msk [tilespmem:v6+s23+$0x0], $0xffff;
	[tilespmem:s20+$0x700] =	vst v9  }
0x6e5: {  	v7 =	vld.idx.msk [tilespmem:v63+s23+$0x0], $0xffff;
	[tilespmem:s20+$0x780] =	vst v10  }
0x6e6: {  	v9 =	vld.idx.msk [tilespmem:v14+s23+$0x0], $0xffff;
	[tilespmem:s20+$0x800] =	vst v11  }
0x6e7: {  	v10 =	vld.idx.msk [tilespmem:v60+s23+$0x0], $0xffff;
	[tilespmem:s20+$0x880] =	vst v1  }
0x6e8: {  	v11 =	vld.idx.msk [tilespmem:v56+s23+$0x0], $0xffff  }
0x6e9: {  	v56 =	vld [tilespmem:$0x1FF00];
	[tilespmem:s20+$0x900] =	vst v12  }
0x6ea: {  	v0 =	vld.idx.msk [tilespmem:v59+s23+$0x0], $0xffff  }
0x6eb: {  	v3 =	vadd.s32 v20, v5;
	v59 =	vld [tilespmem:$0x1FF30];
	[tilespmem:s20+$0x980] =	vst v2  }
0x6ec: {  	v1 =	vld.idx.msk [tilespmem:v55+s23+$0x0], $0xffff  }
0x6ed: {  	s21 =	sadd.s32 $0x2, s21;
	v55 =	vld [tilespmem:$0x1FEF0];
	[tilespmem:s20+$0xA00] =	vst v6  }
0x6ee: {  	p0 =	slt.u32 s21, $0x6;
	v5 =	vadd.s32 v24, v5;
	v2 =	vld.idx.msk [tilespmem:v52+s23+$0x0], $0xffff  }
.Ltmp10:
0x6ef: {  	v52 =	vld [tilespmem:$0x1FEC0];
	[tilespmem:s20+$0xA80] =	vst v7;
	(pc) =	sbr.rel @p0 .LBB2_14-.Ltmp10, $4  }
0x6f0: {  	v7 =	vld.idx.msk [tilespmem:v3+s23+$0x0], $0xffff;
	[tilespmem:s20+$0xB00] =	vst v9  }
0x6f1: {  	v6 =	vld.idx.msk [tilespmem:v4+s23+$0x0], $0xffff;
	[tilespmem:s20+$0xB80] =	vst v10  }
0x6f2: {  	v4 =	vld.idx.msk [tilespmem:v8+s23+$0x0], $0xffff;
	[tilespmem:s20+$0xC00] =	vst v11  }
0x6f3: {  	s22 =	sadd.s32 $0x20, s22;
	v23 =	vimm.s32 $0x0;
	v5 =	vld.idx.msk [tilespmem:v5+s23+$0x0], $0xffff  }
0x6f4: {  	[tilespmem:s20+$0xD00] =	vst v1  }
0x6f5: {  	[tilespmem:s20+$0xD80] =	vst v2  }
0x6f6: {  	[tilespmem:s20+$0xC80] =	vst v0  }
0x6f7: {  	[tilespmem:s20+$0xC90] =	vst v25  }
0x6f8: {  	[tilespmem:s20+$0xE00] =	vst v7  }
0x6f9: {  	[tilespmem:s20+$0xE80] =	vst v6  }
0x6fa: {  	s18 =	sshll.u32 s18, $0xC;
	s17 =	sadd.s32 $0x5, s17;
	[tilespmem:s20+$0xF00] =	vst v4  }
0x6fb: {  	s18 =	sadd.s32 s18, s12;
	p0 =	sge.u32 s17, s7;
	[tilespmem:s20+$0xF80] =	vst v5  }
0x6fc: {  	[hbm4b:s18+s25] =	stream.strided.scatter [tilespmem:s0], [sflag:$0x6], $0x2000, s26, s25, $0x38;
	[tilespmem:$0x18880] =	vst v63  }
.Ltmp11:
0x6fd: {  	s17 =	sshll.u32 @!p0 s17, $0xC;
	(pc) =	sbr.rel .LBB2_16-.Ltmp11, $4  }
0x6fe: {  	s17 =	sadd.s32 @!p0 s17, s6;
	s20 =	simm.s32 @!p0 $0x12080;
	s18 =	simm.s32 @!p0 $0x0  }
0x6ff: {  	[tilespmem:s20], [sflag:$0x3] =	stream.linear.gather @!p0 [hbm4b:s17+s18], $0x400, $0x38;
	[tilespmem:$0x18880] =	vst v63  }
0x700: {  	s17 =	sadd.s32 @!p0 $0xC3500, s17;
	s20 =	simm.s32 @!p0 $0x12480  }
0x701: {  	v0 =	vld [tilespmem:$0x1FF80];
	[tilespmem:s20], [sflag:$0x3] =	stream.linear.gather @!p0 [hbm4b:s17+s18], $0x280, $0x38  }
.LBB2_18:
0x702: {  	_ =	sfence.sel $0x180000  }
0x703: {  	[bflag:$0x0] =	sbarrier.arrive $0xFFFF  }
0x704: {  	_ =	strace $0x90000047  }
0x705: {  	s0 =	stileid.u32;
	[bflag:$0x2] =	sbarrier.arrive $0xFFFF  }
0x706: {  	p0 =	sne.s32 s0, $0x0;
	s0 =	rddreg [dreg:$0x3]  }
0x707: {  	s0 =	sadd.s32 @!p0 $0x100000, s0  }
0x708: {  	[sflag:s0] =	ssyncadd.tile.s32 @!p0 $0x1;
	_ =	shalt  }
.Lfunc_end2:
_tile_overlayer_lowered:
.L_overlay_start_2:
0x709: {  	(tag) =	ssettag $0x2  }
0x70a: {  	s0 =	rddreg [dreg:$0x0];
	s2 =	stileid.u32  }
0x70b: {  	s1 =	rddreg [dreg:$0x1];
	p0 =	sne.s32 s2, $0x0  }
0x70c: {  	s3 =	rddreg [dreg:$0x2];
	[bflag:$0x3] =	sbarrier.arrive $0xFFFF;
	s2 =	simm.s32 @!p0 $0x1C07  }
0x70d: {  	[timem:s3], [sflag:s2] =	dma.local @!p0 [hbm:s0], s1  }
0x70e: {  	s0 =	simm.s32 @!p0 $0x7  }
0x70f: {  	_ =	swait.ge @!p0 [sflag:s0], s1  }
0x710: {  	s1 =	ssub.s32 @!p0 $0x0, s1;
	[sflag:s0] =	ssyncset.done @!p0 $0x0  }
0x711: {  	[sflag:s0] =	ssyncadd.s32 @!p0 s1  }
0x712: {  	[bflag:$0x3] =	sbarrier.arrive $0xFFFF  }
0x713: {  	_ =	shalt  }

</sc_bundles>
